<compile_context>
chip_gen: v7x
topology: tpu7x:2x2x1
jax: 0.10.2.dev20260603
libtpu: 0.0.44.dev20260713+nightly
codegen_flags: <defaults>
</compile_context>

<pallas_src>
import jax
import jax.numpy as jnp
from jax import lax
from jax.experimental import pallas as pl
from jax.experimental.pallas import tpu as pltpu
from jax.experimental.pallas import tpu_sc as plsc

N = 10000
E = 320000
D_IN = 128
D_HID = 256
D_OUT = 128
NC = 2
NS = 16
CH = 128
NCHUNK = E // CH
N_PAD = N + 8
N_PAD1 = 10112
ROWS_BIG = 640
ROWS_LAST = N - 15 * ROWS_BIG


def _part_rows(sid, fn):
    @pl.when(sid < 15)
    def _():
        fn(sid * ROWS_BIG, ROWS_BIG)

    @pl.when(sid == 15)
    def _():
        fn(15 * ROWS_BIG, ROWS_LAST)

_MESH = plsc.VectorSubcoreMesh(core_axis_name="c", subcore_axis_name="s")
_PREC = lax.Precision.DEFAULT


BB = 26


def _deg_body(row_hbm, col_hbm, c2_out, dega_out, degb_out,
              row_v, col_v, c2_blk, ones_v, zeros_v, acc_sh, sem):
    del sem
    cid = lax.axis_index("c")
    sid = lax.axis_index("s")
    w = cid * NS + sid

    for j in range(8):
        ones_v[pl.ds(16 * j, 16)] = jnp.full((16,), 1.0, jnp.float32)

    def _zfill(j, carry):
        zeros_v[pl.ds(16 * j, 16)] = jnp.zeros((16,), jnp.float32)
        return carry
    lax.fori_loop(0, 64, _zfill, 0)

    def _izero(k, carry):
        pltpu.sync_copy(zeros_v.at[pl.ds(0, 128)],
                        acc_sh.at[pl.ds(k * 128, 128)])
        return carry

    @pl.when(w < 15)
    def _():
        lax.fori_loop(w * 5, w * 5 + 5, _izero, 0)

    @pl.when(w == 15)
    def _():
        lax.fori_loop(75, 79, _izero, 0)

    plsc.subcore_barrier()

    def _chunk(i, off):
        for j in range(CH // 16):
            r = row_v[pl.ds(off + 16 * j, 16)]
            c = col_v[pl.ds(off + 16 * j, 16)]
            c2_blk[i, 0, pl.ds(16 * j, 16)] = jnp.where(r == c, N, c)
        pltpu.sync_copy(ones_v, acc_sh.at[c2_blk.at[i, 0]], add=True)

    def _block(b, carry):
        k0 = w * 78 + b * BB
        pltpu.sync_copy(row_hbm.at[pl.ds(k0 * CH, BB * CH)], row_v)
        pltpu.sync_copy(col_hbm.at[pl.ds(k0 * CH, BB * CH)], col_v)

        def _inner(i, c2):
            _chunk(i, i * CH)
            return c2
        lax.fori_loop(0, BB, _inner, 0)
        pltpu.sync_copy(c2_blk, c2_out.at[pl.ds(k0, BB)])
        return carry
    lax.fori_loop(0, 78 // BB, _block, 0)

    @pl.when(w < NCHUNK - 32 * 78)
    def _():
        k = 32 * 78 + w
        pltpu.sync_copy(row_hbm.at[pl.ds(k * CH, CH)], row_v.at[pl.ds(0, CH)])
        pltpu.sync_copy(col_hbm.at[pl.ds(k * CH, CH)], col_v.at[pl.ds(0, CH)])
        _chunk(0, 0)
        pltpu.sync_copy(c2_blk.at[pl.ds(0, 1)], c2_out.at[pl.ds(k, 1)])

    plsc.subcore_barrier()

    @pl.when(jnp.logical_and(cid == 0, sid == 0))
    def _():
        pltpu.sync_copy(acc_sh, dega_out)

    @pl.when(jnp.logical_and(cid == 1, sid == 0))
    def _():
        pltpu.sync_copy(acc_sh, degb_out)


_deg_call = pl.kernel(
    _deg_body,
    out_type=[
        jax.ShapeDtypeStruct((NCHUNK, 1, CH), jnp.int32),
        jax.ShapeDtypeStruct((N_PAD1,), jnp.float32),
        jax.ShapeDtypeStruct((N_PAD1,), jnp.float32),
    ],
    mesh=_MESH,
    scratch_types=[
        pltpu.VMEM((BB * CH,), jnp.int32),
        pltpu.VMEM((BB * CH,), jnp.int32),
        pltpu.VMEM((BB, 1, CH), jnp.int32),
        pltpu.VMEM((CH,), jnp.float32),
        pltpu.VMEM((1024,), jnp.float32),
        pltpu.VMEM_SHARED((N_PAD1,), jnp.float32),
        pltpu.SemaphoreType.DMA,
    ],
)


IB = 26


def _scatter_edges(h_hbm, row_hbm, c2_hbm, acc_sh,
                   rowA, rowB, c2A, c2B, rc0, rows0, rows1,
                   sem0, sem1, semb, chunk_lo, nblocks,
                   extra_pred, extra_chunk, init_fn):
    def _gather(rowb, i, rows, sem):
        return pltpu.async_copy(h_hbm.at[rowb.at[pl.ds(i * CH, CH)]],
                                rows, sem)

    def _load_blk(b, rowb, c2b):
        k0 = chunk_lo + b * IB
        d1 = pltpu.async_copy(row_hbm.at[pl.ds(k0 * CH, IB * CH)], rowb, semb)
        d2 = pltpu.async_copy(c2_hbm.at[pl.ds(k0, IB)], c2b, semb)
        return (d1, d2)

    def _pairs(rowb, c2b):
        d0 = _gather(rowb, 0, rows0, sem0)

        def _pair(p, c2):
            d1 = _gather(rowb, 2 * p + 1, rows1, sem1)
            d0.wait()
            pltpu.sync_copy(rows0, acc_sh.at[c2b.at[2 * p, 0]], add=True)

            @pl.when(p < IB // 2 - 1)
            def _():
                _gather(rowb, 2 * p + 2, rows0, sem0)
            d1.wait()
            pltpu.sync_copy(rows1, acc_sh.at[c2b.at[2 * p + 1, 0]], add=True)
            return c2
        lax.fori_loop(0, IB // 2, _pair, 0)

    bufs = ((rowA, c2A), (rowB, c2B))
    pending = {0: _load_blk(0, rowA, c2A)}
    init_fn()
    for b in range(nblocks):
        for d in pending.pop(b):
            d.wait()
        if b + 1 < nblocks:
            pending[b + 1] = _load_blk(b + 1, *bufs[(b + 1) % 2])
        _pairs(*bufs[b % 2])

    @pl.when(extra_pred)
    def _():
        pltpu.sync_copy(row_hbm.at[pl.ds(extra_chunk * CH, CH)], rc0.at[0])
        pltpu.sync_copy(c2_hbm.at[extra_chunk, 0], rc0.at[1])
        pltpu.async_copy(h_hbm.at[rc0.at[0]], rows0, sem0).wait()
        pltpu.sync_copy(rows0, acc_sh.at[rc0.at[1]], add=True)


def _prop1_body(ha_hbm, hb_hbm, row_hbm, c2_hbm, acca_out, accb_out,
                rowA, rowB, c2A, c2B, rc0, rows0, rows1, acc_sh,
                sem0, sem1, semb):
    cid = lax.axis_index("c")
    sid = lax.axis_index("s")
    lo = sid * 156
    extra_pred = sid < NCHUNK - 16 * 156
    extra_chunk = 16 * 156 + sid

    def _core(h_hbm, acc_out):
        def _init():
            _part_rows(sid, lambda r0, nr: pltpu.sync_copy(
                h_hbm.at[pl.ds(pl.multiple_of(r0, 8), nr)],
                acc_sh.at[pl.ds(pl.multiple_of(r0, 8), nr)]))
            plsc.subcore_barrier()
        _scatter_edges(h_hbm, row_hbm, c2_hbm, acc_sh,
                       rowA, rowB, c2A, c2B, rc0, rows0, rows1,
                       sem0, sem1, semb, lo, 6, extra_pred, extra_chunk,
                       _init)
        plsc.subcore_barrier()
        _part_rows(sid, lambda r0, nr: pltpu.sync_copy(
            acc_sh.at[pl.ds(pl.multiple_of(r0, 8), nr)],
            acc_out.at[pl.ds(pl.multiple_of(r0, 8), nr)]))

    @pl.when(cid == 0)
    def _():
        _core(ha_hbm, acca_out)

    @pl.when(cid == 1)
    def _():
        _core(hb_hbm, accb_out)


_prop1_call = pl.kernel(
    _prop1_body,
    out_type=[
        jax.ShapeDtypeStruct((N, 128), jnp.float32),
        jax.ShapeDtypeStruct((N, 128), jnp.float32),
    ],
    mesh=_MESH,
    scratch_types=[
        pltpu.VMEM((IB * CH,), jnp.int32),
        pltpu.VMEM((IB * CH,), jnp.int32),
        pltpu.VMEM((IB, 1, CH), jnp.int32),
        pltpu.VMEM((IB, 1, CH), jnp.int32),
        pltpu.VMEM((2, CH), jnp.int32),
        pltpu.VMEM((CH, 128), jnp.float32),
        pltpu.VMEM((CH, 128), jnp.float32),
        pltpu.VMEM_SHARED((N_PAD, 128), jnp.float32),
        pltpu.SemaphoreType.DMA,
        pltpu.SemaphoreType.DMA,
        pltpu.SemaphoreType.DMA,
    ],
)


def _prop2_body(h_hbm, row_hbm, c2_hbm, acc0_out, acc1_out,
                rowA, rowB, c2A, c2B, rc0, rows0, rows1, acc_sh,
                sem0, sem1, semb):
    cid = lax.axis_index("c")
    sid = lax.axis_index("s")
    def _init():
        _part_rows(sid, lambda r0, nr: pltpu.sync_copy(
            h_hbm.at[pl.ds(pl.multiple_of(r0, 8), nr)],
            acc_sh.at[pl.ds(pl.multiple_of(r0, 8), nr)]))
        plsc.subcore_barrier()
    lo = cid * 1250 + sid * 78
    extra_pred = sid < 2
    extra_chunk = cid * 1250 + 16 * 78 + sid
    _scatter_edges(h_hbm, row_hbm, c2_hbm, acc_sh,
                   rowA, rowB, c2A, c2B, rc0, rows0, rows1,
                   sem0, sem1, semb, lo, 3, extra_pred, extra_chunk, _init)
    plsc.subcore_barrier()

    @pl.when(cid == 0)
    def _():
        _part_rows(sid, lambda r0, nr: pltpu.sync_copy(
            acc_sh.at[pl.ds(pl.multiple_of(r0, 8), nr)],
            acc0_out.at[pl.ds(pl.multiple_of(r0, 8), nr)]))

    @pl.when(cid == 1)
    def _():
        _part_rows(sid, lambda r0, nr: pltpu.sync_copy(
            acc_sh.at[pl.ds(pl.multiple_of(r0, 8), nr)],
            acc1_out.at[pl.ds(pl.multiple_of(r0, 8), nr)]))


_prop2_call = pl.kernel(
    _prop2_body,
    out_type=[
        jax.ShapeDtypeStruct((N, 128), jnp.float32),
        jax.ShapeDtypeStruct((N, 128), jnp.float32),
    ],
    mesh=_MESH,
    scratch_types=[
        pltpu.VMEM((IB * CH,), jnp.int32),
        pltpu.VMEM((IB * CH,), jnp.int32),
        pltpu.VMEM((IB, 1, CH), jnp.int32),
        pltpu.VMEM((IB, 1, CH), jnp.int32),
        pltpu.VMEM((2, CH), jnp.int32),
        pltpu.VMEM((CH, 128), jnp.float32),
        pltpu.VMEM((CH, 128), jnp.float32),
        pltpu.VMEM_SHARED((N_PAD, 128), jnp.float32),
        pltpu.SemaphoreType.DMA,
        pltpu.SemaphoreType.DMA,
        pltpu.SemaphoreType.DMA,
    ],
)


BLK = 2000


def _tcA1_body(x_ref, w1_ref, b1_ref, h_ref):
    h = lax.dot_general(x_ref[...], w1_ref[...], (((1,), (1,)), ((), ())),
                        precision=_PREC, preferred_element_type=jnp.float32)
    h_ref[...] = h + b1_ref[...]


def _tcA1(x, W1, b1r):
    return pl.pallas_call(
        _tcA1_body,
        grid=(N // BLK,),
        in_specs=[
            pl.BlockSpec((BLK, D_IN), lambda i: (i, 0)),
            pl.BlockSpec((D_HID, D_IN), lambda i: (0, 0)),
            pl.BlockSpec((1, D_HID), lambda i: (0, 0)),
        ],
        out_specs=pl.BlockSpec((BLK, D_HID), lambda i: (i, 0)),
        out_shape=jax.ShapeDtypeStruct((N, D_HID), jnp.float32),
    )(x, W1, b1r)


def _tcA2_body(h_ref, dega_ref, degb_ref, ha_ref, hb_ref, dis_ref):
    deg = dega_ref[...] + degb_ref[...] + 1.0
    dis = lax.rsqrt(deg)
    hs = h_ref[...] * dis
    ha_ref[...] = hs[:, :128]
    hb_ref[...] = hs[:, 128:]
    dis_ref[...] = dis


def _tcA2(h1, dega2, degb2):
    return pl.pallas_call(
        _tcA2_body,
        grid=(N // BLK,),
        in_specs=[
            pl.BlockSpec((BLK, D_HID), lambda i: (i, 0)),
            pl.BlockSpec((BLK, 1), lambda i: (i, 0)),
            pl.BlockSpec((BLK, 1), lambda i: (i, 0)),
        ],
        out_specs=[
            pl.BlockSpec((BLK, 128), lambda i: (i, 0)),
            pl.BlockSpec((BLK, 128), lambda i: (i, 0)),
            pl.BlockSpec((BLK, 1), lambda i: (i, 0)),
        ],
        out_shape=[
            jax.ShapeDtypeStruct((N, 128), jnp.float32),
            jax.ShapeDtypeStruct((N, 128), jnp.float32),
            jax.ShapeDtypeStruct((N, 1), jnp.float32),
        ],
    )(h1, dega2, degb2)


def _tcB_body(pa_ref, pb_ref, dis_ref, w2a_ref, w2b_ref, b2_ref, out_ref):
    d = dis_ref[...]
    ra = jnp.maximum(pa_ref[...] * d, 0.0)
    rb = jnp.maximum(pb_ref[...] * d, 0.0)
    h2 = (lax.dot_general(ra, w2a_ref[...], (((1,), (1,)), ((), ())),
                          precision=_PREC, preferred_element_type=jnp.float32)
          + lax.dot_general(rb, w2b_ref[...], (((1,), (1,)), ((), ())),
                            precision=_PREC, preferred_element_type=jnp.float32)
          + b2_ref[...])
    out_ref[...] = h2 * d


def _tcB(acca, accb, dis, W2a, W2b, b2r):
    return pl.pallas_call(
        _tcB_body,
        grid=(N // BLK,),
        in_specs=[
            pl.BlockSpec((BLK, 128), lambda i: (i, 0)),
            pl.BlockSpec((BLK, 128), lambda i: (i, 0)),
            pl.BlockSpec((BLK, 1), lambda i: (i, 0)),
            pl.BlockSpec((D_OUT, 128), lambda i: (0, 0)),
            pl.BlockSpec((D_OUT, 128), lambda i: (0, 0)),
            pl.BlockSpec((1, D_OUT), lambda i: (0, 0)),
        ],
        out_specs=pl.BlockSpec((BLK, D_OUT), lambda i: (i, 0)),
        out_shape=jax.ShapeDtypeStruct((N, D_OUT), jnp.float32),
    )(acca, accb, dis, W2a, W2b, b2r)


def _tcC_body(a0_ref, a1_ref, h2s_ref, dis_ref, out_ref):
    p = (a0_ref[...] + a1_ref[...] - h2s_ref[...]) * dis_ref[...]
    m = jnp.max(p, axis=1, keepdims=True)
    e = jnp.exp(p - m)
    s = jnp.sum(e, axis=1, keepdims=True)
    out_ref[...] = p - m - jnp.log(s)


def _tcC(a0, a1, h2s, dis):
    return pl.pallas_call(
        _tcC_body,
        grid=(N // BLK,),
        in_specs=[
            pl.BlockSpec((BLK, D_OUT), lambda i: (i, 0)),
            pl.BlockSpec((BLK, D_OUT), lambda i: (i, 0)),
            pl.BlockSpec((BLK, D_OUT), lambda i: (i, 0)),
            pl.BlockSpec((BLK, 1), lambda i: (i, 0)),
        ],
        out_specs=pl.BlockSpec((BLK, D_OUT), lambda i: (i, 0)),
        out_shape=jax.ShapeDtypeStruct((N, D_OUT), jnp.float32),
    )(a0, a1, h2s, dis)


def kernel(x, edge_index, W1, b1, W2, b2):
    row = edge_index[0]
    col = edge_index[1]
    c2d, dega, degb = _deg_call(row, col)
    h1 = _tcA1(x, W1, b1.reshape(1, D_HID))
    ha, hb, dis = _tcA2(h1, dega[:N].reshape(N, 1), degb[:N].reshape(N, 1))
    acca, accb = _prop1_call(ha, hb, row, c2d)
    h2s = _tcB(acca, accb, dis, W2[:, :128], W2[:, 128:], b2.reshape(1, D_OUT))
    a0, a1 = _prop2_call(h2s, row, c2d)
    return _tcC(a0, a1, h2s, dis)

# --- scband reference (transcript-rebuilt; emitter-appended) ---
"""Pipeline reference for scband-gcn-66245575574015 (READ-ONLY COPY).

The authoritative reference and input builder live on the scoring server;
editing this copy changes nothing except your own understanding.
"""

import jax, jax.numpy as jnp
import numpy as np

N = 10000
E = 320000
D_IN = 128
D_HID = 256
D_OUT = 128


def setup_inputs(seed: int = 0) -> dict:
    key = jax.random.key(seed)
    k1, k2, k3, k4, k5, k6 = jax.random.split(key, 6)
    x = jax.random.normal(k1, (N, D_IN), dtype=jnp.float32)
    edge_index = jax.random.randint(k2, (2, E), 0, N, dtype=jnp.int32)
    lim1 = 1.0 / np.sqrt(D_IN)
    lim2 = 1.0 / np.sqrt(D_HID)
    W1 = jax.random.uniform(k3, (D_HID, D_IN), minval=-lim1, maxval=lim1, dtype=jnp.float32)
    b1 = jax.random.uniform(k4, (D_HID,), minval=-lim1, maxval=lim1, dtype=jnp.float32)
    W2 = jax.random.uniform(k5, (D_OUT, D_HID), minval=-lim2, maxval=lim2, dtype=jnp.float32)
    b2 = jax.random.uniform(k6, (D_OUT,), minval=-lim2, maxval=lim2, dtype=jnp.float32)
    return {"x": x, "edge_index": edge_index, "W1": W1, "b1": b1, "W2": W2, "b2": b2}


def _add_remaining_self_loops(edge_index, num_nodes):
    # remove existing self loops, then add one self loop per node
    mask = edge_index[0] != edge_index[1]
    loops = jnp.arange(num_nodes, dtype=edge_index.dtype)
    loop_ei = jnp.stack([loops, loops], axis=0)
    ei = jnp.concatenate([edge_index, loop_ei], axis=1)
    valid = jnp.concatenate(
        [mask, jnp.ones((num_nodes,), dtype=jnp.bool_)], axis=0
    )
    return ei, valid


def _propagate(x, edge_index):
    ei, valid = _add_remaining_self_loops(edge_index, x.shape[0])
    row, col = ei[0], ei[1]
    w = valid.astype(x.dtype)
    deg = jax.ops.segment_sum(w, col, num_segments=x.shape[0])
    deg_inv_sqrt = deg ** -0.5
    edge_weight = deg_inv_sqrt[col] * deg_inv_sqrt[row] * w
    out = edge_weight[:, None] * x[row]
    return jax.ops.segment_sum(out, col, num_segments=x.shape[0])


def reference(x, edge_index, W1, b1, W2, b2):
    h = x @ W1.T + b1
    h = _propagate(h, edge_index)
    h = jax.nn.relu(h)
    h = h @ W2.T + b2
    h = _propagate(h, edge_index)
    return jax.nn.log_softmax(h, axis=1)

if __name__ == "__main__":
    import jax
    _d = setup_inputs()
    print(jax.jit(kernel)(*tuple(_d.values())))

</pallas_src>

<mosaic_0001>
#map = affine_map<(d0, d1) -> (0)>
#map1 = affine_map<(d0, d1) -> (0, 0, 0)>
module attributes {stable_mosaic.version = 14 : i64} {
  func.func @_deg_body(%arg0: i32, %arg1: i32, %arg2: memref<320000xi32, #tpu.memory_space<hbm>>, %arg3: memref<320000xi32, #tpu.memory_space<hbm>>, %arg4: memref<2500x1x128xi32, #tpu.memory_space<hbm>>, %arg5: memref<10112xf32, #tpu.memory_space<hbm>>, %arg6: memref<10112xf32, #tpu.memory_space<hbm>>, %arg7: memref<3328xi32, #tpu.memory_space<vmem>>, %arg8: memref<3328xi32, #tpu.memory_space<vmem>>, %arg9: memref<26x1x128xi32, #tpu.memory_space<vmem>>, %arg10: memref<128xf32, #tpu.memory_space<vmem>>, %arg11: memref<1024xf32, #tpu.memory_space<vmem>>, %arg12: memref<10112xf32, #tpu.memory_space<vmem_shared>>, %arg13: memref<!tpu.dma_semaphore, #tpu.memory_space<semaphore_mem>>) attributes {dimension_semantics = [#tpu.dimension_semantics<core_parallel>, #tpu.dimension_semantics<subcore_parallel>], iteration_bounds = array<i64: 2, 16>, scalar_prefetch = 0 : i64, scratch_operands = 7 : i64, tpu.core_type = #tpu.core_type<sc_vector_subcore>, window_params = [{transform_indices = #map}, {transform_indices = #map}, {transform_indices = #map1}, {transform_indices = #map}, {transform_indices = #map}]} {
    %mul3A = arith.constant 16 : i32
    %mul3A_0 = arith.muli %arg0, %mul3A : i32
    %add3A = arith.addi %mul3A_0, %arg1 : i32
    %broadcast_in_dim3A = arith.constant 1.000000e+00 : f32
    %broadcast_in_dim3A_1 = vector.broadcast %broadcast_in_dim3A : f32 to vector<16xf32>
    %swap3A = arith.constant 0 : index
    %swap3A_2 = tpu.vector_load %arg10[%swap3A] {strides = array<i32>} : memref<128xf32, #tpu.memory_space<vmem>>, vector<16xf32>,
    %swap3A_3 = vector.shape_cast %swap3A_2 : vector<16xf32> to vector<16xf32>
    %swap3A_4 = vector.shape_cast %broadcast_in_dim3A_1 : vector<16xf32> to vector<16xf32>
    tpu.vector_store %arg10[%swap3A], %swap3A_4 {strides = array<i32>} : memref<128xf32, #tpu.memory_space<vmem>>, vector<16xf32>,
    %broadcast_in_dim3A_5 = arith.constant 1.000000e+00 : f32
    %broadcast_in_dim3A_6 = vector.broadcast %broadcast_in_dim3A_5 : f32 to vector<16xf32>
    %swap3A_7 = arith.constant 16 : index
    %swap3A_8 = tpu.vector_load %arg10[%swap3A_7] {strides = array<i32>} : memref<128xf32, #tpu.memory_space<vmem>>, vector<16xf32>,
    %swap3A_9 = vector.shape_cast %swap3A_8 : vector<16xf32> to vector<16xf32>
    %swap3A_10 = vector.shape_cast %broadcast_in_dim3A_6 : vector<16xf32> to vector<16xf32>
    tpu.vector_store %arg10[%swap3A_7], %swap3A_10 {strides = array<i32>} : memref<128xf32, #tpu.memory_space<vmem>>, vector<16xf32>,
    %broadcast_in_dim3A_11 = arith.constant 1.000000e+00 : f32
    %broadcast_in_dim3A_12 = vector.broadcast %broadcast_in_dim3A_11 : f32 to vector<16xf32>
    %swap3A_13 = arith.constant 32 : index
    %swap3A_14 = tpu.vector_load %arg10[%swap3A_13] {strides = array<i32>} : memref<128xf32, #tpu.memory_space<vmem>>, vector<16xf32>,
    %swap3A_15 = vector.shape_cast %swap3A_14 : vector<16xf32> to vector<16xf32>
    %swap3A_16 = vector.shape_cast %broadcast_in_dim3A_12 : vector<16xf32> to vector<16xf32>
    tpu.vector_store %arg10[%swap3A_13], %swap3A_16 {strides = array<i32>} : memref<128xf32, #tpu.memory_space<vmem>>, vector<16xf32>,
    %broadcast_in_dim3A_17 = arith.constant 1.000000e+00 : f32
    %broadcast_in_dim3A_18 = vector.broadcast %broadcast_in_dim3A_17 : f32 to vector<16xf32>
    %swap3A_19 = arith.constant 48 : index
    %swap3A_20 = tpu.vector_load %arg10[%swap3A_19] {strides = array<i32>} : memref<128xf32, #tpu.memory_space<vmem>>, vector<16xf32>,
    %swap3A_21 = vector.shape_cast %swap3A_20 : vector<16xf32> to vector<16xf32>
    %swap3A_22 = vector.shape_cast %broadcast_in_dim3A_18 : vector<16xf32> to vector<16xf32>
    tpu.vector_store %arg10[%swap3A_19], %swap3A_22 {strides = array<i32>} : memref<128xf32, #tpu.memory_space<vmem>>, vector<16xf32>,
    %broadcast_in_dim3A_23 = arith.constant 1.000000e+00 : f32
    %broadcast_in_dim3A_24 = vector.broadcast %broadcast_in_dim3A_23 : f32 to vector<16xf32>
    %swap3A_25 = arith.constant 64 : index
    %swap3A_26 = tpu.vector_load %arg10[%swap3A_25] {strides = array<i32>} : memref<128xf32, #tpu.memory_space<vmem>>, vector<16xf32>,
    %swap3A_27 = vector.shape_cast %swap3A_26 : vector<16xf32> to vector<16xf32>
    %swap3A_28 = vector.shape_cast %broadcast_in_dim3A_24 : vector<16xf32> to vector<16xf32>
    tpu.vector_store %arg10[%swap3A_25], %swap3A_28 {strides = array<i32>} : memref<128xf32, #tpu.memory_space<vmem>>, vector<16xf32>,
    %broadcast_in_dim3A_29 = arith.constant 1.000000e+00 : f32
    %broadcast_in_dim3A_30 = vector.broadcast %broadcast_in_dim3A_29 : f32 to vector<16xf32>
    %swap3A_31 = arith.constant 80 : index
    %swap3A_32 = tpu.vector_load %arg10[%swap3A_31] {strides = array<i32>} : memref<128xf32, #tpu.memory_space<vmem>>, vector<16xf32>,
    %swap3A_33 = vector.shape_cast %swap3A_32 : vector<16xf32> to vector<16xf32>
    %swap3A_34 = vector.shape_cast %broadcast_in_dim3A_30 : vector<16xf32> to vector<16xf32>
    tpu.vector_store %arg10[%swap3A_31], %swap3A_34 {strides = array<i32>} : memref<128xf32, #tpu.memory_space<vmem>>, vector<16xf32>,
    %broadcast_in_dim3A_35 = arith.constant 1.000000e+00 : f32
    %broadcast_in_dim3A_36 = vector.broadcast %broadcast_in_dim3A_35 : f32 to vector<16xf32>
    %swap3A_37 = arith.constant 96 : index
    %swap3A_38 = tpu.vector_load %arg10[%swap3A_37] {strides = array<i32>} : memref<128xf32, #tpu.memory_space<vmem>>, vector<16xf32>,
    %swap3A_39 = vector.shape_cast %swap3A_38 : vector<16xf32> to vector<16xf32>
    %swap3A_40 = vector.shape_cast %broadcast_in_dim3A_36 : vector<16xf32> to vector<16xf32>
    tpu.vector_store %arg10[%swap3A_37], %swap3A_40 {strides = array<i32>} : memref<128xf32, #tpu.memory_space<vmem>>, vector<16xf32>,
    %broadcast_in_dim3A_41 = arith.constant 1.000000e+00 : f32
    %broadcast_in_dim3A_42 = vector.broadcast %broadcast_in_dim3A_41 : f32 to vector<16xf32>
    %swap3A_43 = arith.constant 112 : index
    %swap3A_44 = tpu.vector_load %arg10[%swap3A_43] {strides = array<i32>} : memref<128xf32, #tpu.memory_space<vmem>>, vector<16xf32>,
    %swap3A_45 = vector.shape_cast %swap3A_44 : vector<16xf32> to vector<16xf32>
    %swap3A_46 = vector.shape_cast %broadcast_in_dim3A_42 : vector<16xf32> to vector<16xf32>
    tpu.vector_store %arg10[%swap3A_43], %swap3A_46 {strides = array<i32>} : memref<128xf32, #tpu.memory_space<vmem>>, vector<16xf32>,
    %scan3A = arith.constant 0 : i32
    %scan3A_47 = arith.constant 0 : i32
    %scan3A_48 = arith.constant 64 : i32
    %scan3A_49 = arith.addi %scan3A_47, %scan3A_48 : i32
    %scan3A_50 = arith.constant 1 : i32
    scf.for %scan3A_85 = %scan3A_47 to %scan3A_49 step %scan3A_50  : i32 {
      %broadcast_in_dim3A_86 = arith.constant 0.000000e+00 : f32
      %broadcast_in_dim3A_87 = vector.broadcast %broadcast_in_dim3A_86 : f32 to vector<16xf32>
      %mul3A_88 = arith.constant 16 : i32
      %mul3A_89 = arith.muli %mul3A_88, %scan3A_85 : i32
      %swap3A_90 = arith.index_cast %mul3A_89 : i32 to index
      %swap3A_91 = tpu.vector_load %arg11[%swap3A_90] {strides = array<i32>} : memref<1024xf32, #tpu.memory_space<vmem>>, vector<16xf32>,
      %swap3A_92 = vector.shape_cast %swap3A_91 : vector<16xf32> to vector<16xf32>
      %swap3A_93 = vector.shape_cast %broadcast_in_dim3A_87 : vector<16xf32> to vector<16xf32>
      tpu.vector_store %arg11[%swap3A_90], %swap3A_93 {strides = array<i32>} : memref<1024xf32, #tpu.memory_space<vmem>>, vector<16xf32>,
    }
    %scan3A_51 = arith.constant 64 : i32
    %lt3A = arith.constant 15 : i32
    %lt3A_52 = arith.cmpi slt, %add3A, %lt3A : i32
    %convert_element_type3A = arith.extui %lt3A_52 : i1 to i32
    %cond3A = arith.constant 0 : i32
    %cond3A_53 = arith.cmpi ne, %convert_element_type3A, %cond3A : i32
    scf.if %cond3A_53 {
      %mul3A_85 = arith.constant 5 : i32
      %mul3A_86 = arith.muli %add3A, %mul3A_85 : i32
      %mul3A_87 = arith.constant 5 : i32
      %mul3A_88 = arith.muli %add3A, %mul3A_87 : i32
      %add3A_89 = arith.constant 5 : i32
      %add3A_90 = arith.addi %mul3A_88, %add3A_89 : i32
      %while3A = arith.constant 0 : i32
      %while3A_91 = arith.subi %add3A_90, %mul3A_86 : i32
      %while3A_92 = arith.addi %mul3A_86, %while3A_91 : i32
      %while3A_93 = arith.constant 1 : i32
      %while3A_94 = arith.divsi %while3A_91, %while3A_93 : i32
      %while3A_95 = arith.muli %while3A_94, %while3A_93 : i32
      %while3A_96 = arith.addi %mul3A_86, %while3A_95 : i32
      %while3A_97 = arith.constant 1 : i32
      scf.for %while3A_99 = %mul3A_86 to %while3A_96 step %while3A_97  : i32 {
        %mul3A_100 = arith.constant 128 : i32
        %mul3A_101 = arith.muli %while3A_99, %mul3A_100 : i32
        "tpu.region"() ({
          %run_scoped3A = tpu.sem_alloc : memref<!tpu.dma_semaphore, #tpu.memory_space<semaphore_mem>>
          %dma_start3A = arith.constant 0 : i32
          %dma_start3A_102 = tpu.memref_slice %arg11[%dma_start3A] : memref<1024xf32, #tpu.memory_space<vmem>> -> memref<128xf32, #tpu.memory_space<vmem>>
          %dma_start3A_103 = tpu.memref_slice %arg12[%mul3A_101] : memref<10112xf32, #tpu.memory_space<vmem_shared>> -> memref<128xf32, #tpu.memory_space<vmem_shared>>
          %dma_start3A_104 = tpu.memref_slice %arg12[%mul3A_101] : memref<10112xf32, #tpu.memory_space<vmem_shared>> -> memref<128xf32, #tpu.memory_space<vmem_shared>>
          %dma_start3A_105 = arith.constant 0 : i32
          %dma_start3A_106 = tpu.memref_slice %arg11[%dma_start3A_105] : memref<1024xf32, #tpu.memory_space<vmem>> -> memref<128xf32, #tpu.memory_space<vmem>>
          tpu.enqueue_dma source(%dma_start3A_106 : memref<128xf32, #tpu.memory_space<vmem>>) target(%dma_start3A_104 : memref<128xf32, #tpu.memory_space<vmem_shared>>) target_semaphore(%run_scoped3A : memref<!tpu.dma_semaphore, #tpu.memory_space<semaphore_mem>>)
          %dma_wait3A = arith.constant 0 : i32
          %dma_wait3A_107 = tpu.memref_slice %arg11[%dma_wait3A] : memref<1024xf32, #tpu.memory_space<vmem>> -> memref<128xf32, #tpu.memory_space<vmem>>
          %dma_wait3A_108 = tpu.memref_slice %arg12[%mul3A_101] : memref<10112xf32, #tpu.memory_space<vmem_shared>> -> memref<128xf32, #tpu.memory_space<vmem_shared>>
          %dma_wait3A_109 = tpu.memref_slice %arg12[%mul3A_101] : memref<10112xf32, #tpu.memory_space<vmem_shared>> -> memref<128xf32, #tpu.memory_space<vmem_shared>>
          %dma_wait3A_110 = arith.constant 0 : i32
          %dma_wait3A_111 = tpu.memref_slice %arg11[%dma_wait3A_110] : memref<1024xf32, #tpu.memory_space<vmem>> -> memref<128xf32, #tpu.memory_space<vmem>>
          tpu.wait_dma2 semaphore(%run_scoped3A : memref<!tpu.dma_semaphore, #tpu.memory_space<semaphore_mem>>) src(%dma_wait3A_111 : memref<128xf32, #tpu.memory_space<vmem>>) dst(%dma_wait3A_109 : memref<128xf32, #tpu.memory_space<vmem_shared>>)
          tpu.yield
        }) : () -> ()
      }
      %while3A_98 = arith.constant 1 : i32
      scf.for %while3A_99 = %while3A_96 to %while3A_92 step %while3A_98  : i32 {
        %mul3A_100 = arith.constant 128 : i32
        %mul3A_101 = arith.muli %while3A_99, %mul3A_100 : i32
        "tpu.region"() ({
          %run_scoped3A = tpu.sem_alloc : memref<!tpu.dma_semaphore, #tpu.memory_space<semaphore_mem>>
          %dma_start3A = arith.constant 0 : i32
          %dma_start3A_102 = tpu.memref_slice %arg11[%dma_start3A] : memref<1024xf32, #tpu.memory_space<vmem>> -> memref<128xf32, #tpu.memory_space<vmem>>
          %dma_start3A_103 = tpu.memref_slice %arg12[%mul3A_101] : memref<10112xf32, #tpu.memory_space<vmem_shared>> -> memref<128xf32, #tpu.memory_space<vmem_shared>>
          %dma_start3A_104 = tpu.memref_slice %arg12[%mul3A_101] : memref<10112xf32, #tpu.memory_space<vmem_shared>> -> memref<128xf32, #tpu.memory_space<vmem_shared>>
          %dma_start3A_105 = arith.constant 0 : i32
          %dma_start3A_106 = tpu.memref_slice %arg11[%dma_start3A_105] : memref<1024xf32, #tpu.memory_space<vmem>> -> memref<128xf32, #tpu.memory_space<vmem>>
          tpu.enqueue_dma source(%dma_start3A_106 : memref<128xf32, #tpu.memory_space<vmem>>) target(%dma_start3A_104 : memref<128xf32, #tpu.memory_space<vmem_shared>>) target_semaphore(%run_scoped3A : memref<!tpu.dma_semaphore, #tpu.memory_space<semaphore_mem>>)
          %dma_wait3A = arith.constant 0 : i32
          %dma_wait3A_107 = tpu.memref_slice %arg11[%dma_wait3A] : memref<1024xf32, #tpu.memory_space<vmem>> -> memref<128xf32, #tpu.memory_space<vmem>>
          %dma_wait3A_108 = tpu.memref_slice %arg12[%mul3A_101] : memref<10112xf32, #tpu.memory_space<vmem_shared>> -> memref<128xf32, #tpu.memory_space<vmem_shared>>
          %dma_wait3A_109 = tpu.memref_slice %arg12[%mul3A_101] : memref<10112xf32, #tpu.memory_space<vmem_shared>> -> memref<128xf32, #tpu.memory_space<vmem_shared>>
          %dma_wait3A_110 = arith.constant 0 : i32
          %dma_wait3A_111 = tpu.memref_slice %arg11[%dma_wait3A_110] : memref<1024xf32, #tpu.memory_space<vmem>> -> memref<128xf32, #tpu.memory_space<vmem>>
          tpu.wait_dma2 semaphore(%run_scoped3A : memref<!tpu.dma_semaphore, #tpu.memory_space<semaphore_mem>>) src(%dma_wait3A_111 : memref<128xf32, #tpu.memory_space<vmem>>) dst(%dma_wait3A_109 : memref<128xf32, #tpu.memory_space<vmem_shared>>)
          tpu.yield
        }) : () -> ()
      }
    } else {
    }
    %eq3A = arith.constant 15 : i32
    %eq3A_54 = arith.cmpi eq, %add3A, %eq3A : i32
    %convert_element_type3A_55 = arith.extui %eq3A_54 : i1 to i32
    %cond3A_56 = arith.constant 0 : i32
    %cond3A_57 = arith.cmpi ne, %convert_element_type3A_55, %cond3A_56 : i32
    scf.if %cond3A_57 {
      %scan3A_85 = arith.constant 0 : i32
      %scan3A_86 = arith.constant 75 : i32
      %scan3A_87 = arith.constant 4 : i32
      %scan3A_88 = arith.addi %scan3A_86, %scan3A_87 : i32
      %scan3A_89 = arith.constant 1 : i32
      scf.for %scan3A_91 = %scan3A_86 to %scan3A_88 step %scan3A_89  : i32 {
        %mul3A_92 = arith.constant 128 : i32
        %mul3A_93 = arith.muli %scan3A_91, %mul3A_92 : i32
        "tpu.region"() ({
          %run_scoped3A = tpu.sem_alloc : memref<!tpu.dma_semaphore, #tpu.memory_space<semaphore_mem>>
          %dma_start3A = arith.constant 0 : i32
          %dma_start3A_94 = tpu.memref_slice %arg11[%dma_start3A] : memref<1024xf32, #tpu.memory_space<vmem>> -> memref<128xf32, #tpu.memory_space<vmem>>
          %dma_start3A_95 = tpu.memref_slice %arg12[%mul3A_93] : memref<10112xf32, #tpu.memory_space<vmem_shared>> -> memref<128xf32, #tpu.memory_space<vmem_shared>>
          %dma_start3A_96 = tpu.memref_slice %arg12[%mul3A_93] : memref<10112xf32, #tpu.memory_space<vmem_shared>> -> memref<128xf32, #tpu.memory_space<vmem_shared>>
          %dma_start3A_97 = arith.constant 0 : i32
          %dma_start3A_98 = tpu.memref_slice %arg11[%dma_start3A_97] : memref<1024xf32, #tpu.memory_space<vmem>> -> memref<128xf32, #tpu.memory_space<vmem>>
          tpu.enqueue_dma source(%dma_start3A_98 : memref<128xf32, #tpu.memory_space<vmem>>) target(%dma_start3A_96 : memref<128xf32, #tpu.memory_space<vmem_shared>>) target_semaphore(%run_scoped3A : memref<!tpu.dma_semaphore, #tpu.memory_space<semaphore_mem>>)
          %dma_wait3A = arith.constant 0 : i32
          %dma_wait3A_99 = tpu.memref_slice %arg11[%dma_wait3A] : memref<1024xf32, #tpu.memory_space<vmem>> -> memref<128xf32, #tpu.memory_space<vmem>>
          %dma_wait3A_100 = tpu.memref_slice %arg12[%mul3A_93] : memref<10112xf32, #tpu.memory_space<vmem_shared>> -> memref<128xf32, #tpu.memory_space<vmem_shared>>
          %dma_wait3A_101 = tpu.memref_slice %arg12[%mul3A_93] : memref<10112xf32, #tpu.memory_space<vmem_shared>> -> memref<128xf32, #tpu.memory_space<vmem_shared>>
          %dma_wait3A_102 = arith.constant 0 : i32
          %dma_wait3A_103 = tpu.memref_slice %arg11[%dma_wait3A_102] : memref<1024xf32, #tpu.memory_space<vmem>> -> memref<128xf32, #tpu.memory_space<vmem>>
          tpu.wait_dma2 semaphore(%run_scoped3A : memref<!tpu.dma_semaphore, #tpu.memory_space<semaphore_mem>>) src(%dma_wait3A_103 : memref<128xf32, #tpu.memory_space<vmem>>) dst(%dma_wait3A_101 : memref<128xf32, #tpu.memory_space<vmem_shared>>)
          tpu.yield
        }) : () -> ()
      }
      %scan3A_90 = arith.constant 4 : i32
    } else {
    }
    %barrier3A = arith.constant 0 : index
    tpu.barrier barrier_id(%barrier3A)
    %scan3A_58 = arith.constant 0 : i32
    %scan3A_59 = arith.constant 0 : i32
    %scan3A_60 = arith.constant 3 : i32
    %scan3A_61 = arith.addi %scan3A_59, %scan3A_60 : i32
    %scan3A_62 = arith.constant 1 : i32
    scf.for %scan3A_85 = %scan3A_59 to %scan3A_61 step %scan3A_62  : i32 {
      %mul3A_86 = arith.constant 78 : i32
      %mul3A_87 = arith.muli %add3A, %mul3A_86 : i32
      %mul3A_88 = arith.constant 26 : i32
      %mul3A_89 = arith.muli %scan3A_85, %mul3A_88 : i32
      %add3A_90 = arith.addi %mul3A_87, %mul3A_89 : i32
      %mul3A_91 = arith.constant 128 : i32
      %mul3A_92 = arith.muli %add3A_90, %mul3A_91 : i32
      "tpu.region"() ({
        %run_scoped3A = tpu.sem_alloc : memref<!tpu.dma_semaphore, #tpu.memory_space<semaphore_mem>>
        %dma_start3A = tpu.memref_slice %arg2[%mul3A_92] : memref<320000xi32, #tpu.memory_space<hbm>> -> memref<3328xi32, #tpu.memory_space<hbm>>
        %dma_start3A_101 = tpu.memref_slice %arg2[%mul3A_92] : memref<320000xi32, #tpu.memory_space<hbm>> -> memref<3328xi32, #tpu.memory_space<hbm>>
        tpu.enqueue_dma source(%dma_start3A_101 : memref<3328xi32, #tpu.memory_space<hbm>>) target(%arg7 : memref<3328xi32, #tpu.memory_space<vmem>>) target_semaphore(%run_scoped3A : memref<!tpu.dma_semaphore, #tpu.memory_space<semaphore_mem>>)
        %dma_wait3A = tpu.memref_slice %arg2[%mul3A_92] : memref<320000xi32, #tpu.memory_space<hbm>> -> memref<3328xi32, #tpu.memory_space<hbm>>
        %dma_wait3A_102 = tpu.memref_slice %arg2[%mul3A_92] : memref<320000xi32, #tpu.memory_space<hbm>> -> memref<3328xi32, #tpu.memory_space<hbm>>
        tpu.wait_dma2 semaphore(%run_scoped3A : memref<!tpu.dma_semaphore, #tpu.memory_space<semaphore_mem>>) src(%dma_wait3A_102 : memref<3328xi32, #tpu.memory_space<hbm>>) dst(%arg7 : memref<3328xi32, #tpu.memory_space<vmem>>)
        tpu.yield
      }) : () -> ()
      %mul3A_93 = arith.constant 128 : i32
      %mul3A_94 = arith.muli %add3A_90, %mul3A_93 : i32
      "tpu.region"() ({
        %run_scoped3A = tpu.sem_alloc : memref<!tpu.dma_semaphore, #tpu.memory_space<semaphore_mem>>
        %dma_start3A = tpu.memref_slice %arg3[%mul3A_94] : memref<320000xi32, #tpu.memory_space<hbm>> -> memref<3328xi32, #tpu.memory_space<hbm>>
        %dma_start3A_101 = tpu.memref_slice %arg3[%mul3A_94] : memref<320000xi32, #tpu.memory_space<hbm>> -> memref<3328xi32, #tpu.memory_space<hbm>>
        tpu.enqueue_dma source(%dma_start3A_101 : memref<3328xi32, #tpu.memory_space<hbm>>) target(%arg8 : memref<3328xi32, #tpu.memory_space<vmem>>) target_semaphore(%run_scoped3A : memref<!tpu.dma_semaphore, #tpu.memory_space<semaphore_mem>>)
        %dma_wait3A = tpu.memref_slice %arg3[%mul3A_94] : memref<320000xi32, #tpu.memory_space<hbm>> -> memref<3328xi32, #tpu.memory_space<hbm>>
        %dma_wait3A_102 = tpu.memref_slice %arg3[%mul3A_94] : memref<320000xi32, #tpu.memory_space<hbm>> -> memref<3328xi32, #tpu.memory_space<hbm>>
        tpu.wait_dma2 semaphore(%run_scoped3A : memref<!tpu.dma_semaphore, #tpu.memory_space<semaphore_mem>>) src(%dma_wait3A_102 : memref<3328xi32, #tpu.memory_space<hbm>>) dst(%arg8 : memref<3328xi32, #tpu.memory_space<vmem>>)
        tpu.yield
      }) : () -> ()
      %scan3A_95 = arith.constant 0 : i32
      %scan3A_96 = arith.constant 0 : i32
      %scan3A_97 = arith.constant 26 : i32
      %scan3A_98 = arith.addi %scan3A_96, %scan3A_97 : i32
      %scan3A_99 = arith.constant 1 : i32
      scf.for %scan3A_101 = %scan3A_96 to %scan3A_98 step %scan3A_99  : i32 {
        %mul3A_102 = arith.constant 128 : i32
        %mul3A_103 = arith.muli %scan3A_101, %mul3A_102 : i32
        %add3A_104 = arith.constant 0 : i32
        %add3A_105 = arith.addi %mul3A_103, %add3A_104 : i32
        %get3A = arith.index_cast %add3A_105 : i32 to index
        %get3A_106 = tpu.vector_load %arg7[%get3A] {strides = array<i32>} : memref<3328xi32, #tpu.memory_space<vmem>>, vector<16xi32>,
        %get3A_107 = vector.shape_cast %get3A_106 : vector<16xi32> to vector<16xi32>
        %add3A_108 = arith.constant 0 : i32
        %add3A_109 = arith.addi %mul3A_103, %add3A_108 : i32
        %get3A_110 = arith.index_cast %add3A_109 : i32 to index
        %get3A_111 = tpu.vector_load %arg8[%get3A_110] {strides = array<i32>} : memref<3328xi32, #tpu.memory_space<vmem>>, vector<16xi32>,
        %get3A_112 = vector.shape_cast %get3A_111 : vector<16xi32> to vector<16xi32>
        %eq3A_113 = arith.cmpi eq, %get3A_107, %get3A_112 : vector<16xi32>
        %jit3A = arith.constant 10000 : i32
        %broadcast_in_dim3A_114 = vector.broadcast %jit3A : i32 to vector<16xi32>
        %select_n3A = arith.select %eq3A_113, %broadcast_in_dim3A_114, %get3A_112 : vector<16xi1>, vector<16xi32>
        %swap3A_115 = arith.constant 0 : i32
        %swap3A_116 = arith.index_cast %scan3A_101 : i32 to index
        %swap3A_117 = arith.index_cast %swap3A_115 : i32 to index
        %swap3A_118 = arith.constant 0 : index
        %swap3A_119 = tpu.vector_load %arg9[%swap3A_116, %swap3A_117, %swap3A_118] {strides = array<i32>} : memref<26x1x128xi32, #tpu.memory_space<vmem>>, vector<1x1x16xi32>,
        %swap3A_120 = vector.shape_cast %swap3A_119 : vector<1x1x16xi32> to vector<16xi32>
        %swap3A_121 = vector.shape_cast %select_n3A : vector<16xi32> to vector<1x1x16xi32>
        tpu.vector_store %arg9[%swap3A_116, %swap3A_117, %swap3A_118], %swap3A_121 {strides = array<i32>} : memref<26x1x128xi32, #tpu.memory_space<vmem>>, vector<1x1x16xi32>,
        %add3A_122 = arith.constant 16 : i32
        %add3A_123 = arith.addi %mul3A_103, %add3A_122 : i32
        %get3A_124 = arith.index_cast %add3A_123 : i32 to index
        %get3A_125 = tpu.vector_load %arg7[%get3A_124] {strides = array<i32>} : memref<3328xi32, #tpu.memory_space<vmem>>, vector<16xi32>,
        %get3A_126 = vector.shape_cast %get3A_125 : vector<16xi32> to vector<16xi32>
        %add3A_127 = arith.constant 16 : i32
        %add3A_128 = arith.addi %mul3A_103, %add3A_127 : i32
        %get3A_129 = arith.index_cast %add3A_128 : i32 to index
        %get3A_130 = tpu.vector_load %arg8[%get3A_129] {strides = array<i32>} : memref<3328xi32, #tpu.memory_space<vmem>>, vector<16xi32>,
        %get3A_131 = vector.shape_cast %get3A_130 : vector<16xi32> to vector<16xi32>
        %eq3A_132 = arith.cmpi eq, %get3A_126, %get3A_131 : vector<16xi32>
        %jit3A_133 = arith.constant 10000 : i32
        %broadcast_in_dim3A_134 = vector.broadcast %jit3A_133 : i32 to vector<16xi32>
        %select_n3A_135 = arith.select %eq3A_132, %broadcast_in_dim3A_134, %get3A_131 : vector<16xi1>, vector<16xi32>
        %swap3A_136 = arith.constant 0 : i32
        %swap3A_137 = arith.index_cast %scan3A_101 : i32 to index
        %swap3A_138 = arith.index_cast %swap3A_136 : i32 to index
        %swap3A_139 = arith.constant 16 : index
        %swap3A_140 = tpu.vector_load %arg9[%swap3A_137, %swap3A_138, %swap3A_139] {strides = array<i32>} : memref<26x1x128xi32, #tpu.memory_space<vmem>>, vector<1x1x16xi32>,
        %swap3A_141 = vector.shape_cast %swap3A_140 : vector<1x1x16xi32> to vector<16xi32>
        %swap3A_142 = vector.shape_cast %select_n3A_135 : vector<16xi32> to vector<1x1x16xi32>
        tpu.vector_store %arg9[%swap3A_137, %swap3A_138, %swap3A_139], %swap3A_142 {strides = array<i32>} : memref<26x1x128xi32, #tpu.memory_space<vmem>>, vector<1x1x16xi32>,
        %add3A_143 = arith.constant 32 : i32
        %add3A_144 = arith.addi %mul3A_103, %add3A_143 : i32
        %get3A_145 = arith.index_cast %add3A_144 : i32 to index
        %get3A_146 = tpu.vector_load %arg7[%get3A_145] {strides = array<i32>} : memref<3328xi32, #tpu.memory_space<vmem>>, vector<16xi32>,
        %get3A_147 = vector.shape_cast %get3A_146 : vector<16xi32> to vector<16xi32>
        %add3A_148 = arith.constant 32 : i32
        %add3A_149 = arith.addi %mul3A_103, %add3A_148 : i32
        %get3A_150 = arith.index_cast %add3A_149 : i32 to index
        %get3A_151 = tpu.vector_load %arg8[%get3A_150] {strides = array<i32>} : memref<3328xi32, #tpu.memory_space<vmem>>, vector<16xi32>,
        %get3A_152 = vector.shape_cast %get3A_151 : vector<16xi32> to vector<16xi32>
        %eq3A_153 = arith.cmpi eq, %get3A_147, %get3A_152 : vector<16xi32>
        %jit3A_154 = arith.constant 10000 : i32
        %broadcast_in_dim3A_155 = vector.broadcast %jit3A_154 : i32 to vector<16xi32>
        %select_n3A_156 = arith.select %eq3A_153, %broadcast_in_dim3A_155, %get3A_152 : vector<16xi1>, vector<16xi32>
        %swap3A_157 = arith.constant 0 : i32
        %swap3A_158 = arith.index_cast %scan3A_101 : i32 to index
        %swap3A_159 = arith.index_cast %swap3A_157 : i32 to index
        %swap3A_160 = arith.constant 32 : index
        %swap3A_161 = tpu.vector_load %arg9[%swap3A_158, %swap3A_159, %swap3A_160] {strides = array<i32>} : memref<26x1x128xi32, #tpu.memory_space<vmem>>, vector<1x1x16xi32>,
        %swap3A_162 = vector.shape_cast %swap3A_161 : vector<1x1x16xi32> to vector<16xi32>
        %swap3A_163 = vector.shape_cast %select_n3A_156 : vector<16xi32> to vector<1x1x16xi32>
        tpu.vector_store %arg9[%swap3A_158, %swap3A_159, %swap3A_160], %swap3A_163 {strides = array<i32>} : memref<26x1x128xi32, #tpu.memory_space<vmem>>, vector<1x1x16xi32>,
        %add3A_164 = arith.constant 48 : i32
        %add3A_165 = arith.addi %mul3A_103, %add3A_164 : i32
        %get3A_166 = arith.index_cast %add3A_165 : i32 to index
        %get3A_167 = tpu.vector_load %arg7[%get3A_166] {strides = array<i32>} : memref<3328xi32, #tpu.memory_space<vmem>>, vector<16xi32>,
        %get3A_168 = vector.shape_cast %get3A_167 : vector<16xi32> to vector<16xi32>
        %add3A_169 = arith.constant 48 : i32
        %add3A_170 = arith.addi %mul3A_103, %add3A_169 : i32
        %get3A_171 = arith.index_cast %add3A_170 : i32 to index
        %get3A_172 = tpu.vector_load %arg8[%get3A_171] {strides = array<i32>} : memref<3328xi32, #tpu.memory_space<vmem>>, vector<16xi32>,
        %get3A_173 = vector.shape_cast %get3A_172 : vector<16xi32> to vector<16xi32>
        %eq3A_174 = arith.cmpi eq, %get3A_168, %get3A_173 : vector<16xi32>
        %jit3A_175 = arith.constant 10000 : i32
        %broadcast_in_dim3A_176 = vector.broadcast %jit3A_175 : i32 to vector<16xi32>
        %select_n3A_177 = arith.select %eq3A_174, %broadcast_in_dim3A_176, %get3A_173 : vector<16xi1>, vector<16xi32>
        %swap3A_178 = arith.constant 0 : i32
        %swap3A_179 = arith.index_cast %scan3A_101 : i32 to index
        %swap3A_180 = arith.index_cast %swap3A_178 : i32 to index
        %swap3A_181 = arith.constant 48 : index
        %swap3A_182 = tpu.vector_load %arg9[%swap3A_179, %swap3A_180, %swap3A_181] {strides = array<i32>} : memref<26x1x128xi32, #tpu.memory_space<vmem>>, vector<1x1x16xi32>,
        %swap3A_183 = vector.shape_cast %swap3A_182 : vector<1x1x16xi32> to vector<16xi32>
        %swap3A_184 = vector.shape_cast %select_n3A_177 : vector<16xi32> to vector<1x1x16xi32>
        tpu.vector_store %arg9[%swap3A_179, %swap3A_180, %swap3A_181], %swap3A_184 {strides = array<i32>} : memref<26x1x128xi32, #tpu.memory_space<vmem>>, vector<1x1x16xi32>,
        %add3A_185 = arith.constant 64 : i32
        %add3A_186 = arith.addi %mul3A_103, %add3A_185 : i32
        %get3A_187 = arith.index_cast %add3A_186 : i32 to index
        %get3A_188 = tpu.vector_load %arg7[%get3A_187] {strides = array<i32>} : memref<3328xi32, #tpu.memory_space<vmem>>, vector<16xi32>,
        %get3A_189 = vector.shape_cast %get3A_188 : vector<16xi32> to vector<16xi32>
        %add3A_190 = arith.constant 64 : i32
        %add3A_191 = arith.addi %mul3A_103, %add3A_190 : i32
        %get3A_192 = arith.index_cast %add3A_191 : i32 to index
        %get3A_193 = tpu.vector_load %arg8[%get3A_192] {strides = array<i32>} : memref<3328xi32, #tpu.memory_space<vmem>>, vector<16xi32>,
        %get3A_194 = vector.shape_cast %get3A_193 : vector<16xi32> to vector<16xi32>
        %eq3A_195 = arith.cmpi eq, %get3A_189, %get3A_194 : vector<16xi32>
        %jit3A_196 = arith.constant 10000 : i32
        %broadcast_in_dim3A_197 = vector.broadcast %jit3A_196 : i32 to vector<16xi32>
        %select_n3A_198 = arith.select %eq3A_195, %broadcast_in_dim3A_197, %get3A_194 : vector<16xi1>, vector<16xi32>
        %swap3A_199 = arith.constant 0 : i32
        %swap3A_200 = arith.index_cast %scan3A_101 : i32 to index
        %swap3A_201 = arith.index_cast %swap3A_199 : i32 to index
        %swap3A_202 = arith.constant 64 : index
        %swap3A_203 = tpu.vector_load %arg9[%swap3A_200, %swap3A_201, %swap3A_202] {strides = array<i32>} : memref<26x1x128xi32, #tpu.memory_space<vmem>>, vector<1x1x16xi32>,
        %swap3A_204 = vector.shape_cast %swap3A_203 : vector<1x1x16xi32> to vector<16xi32>
        %swap3A_205 = vector.shape_cast %select_n3A_198 : vector<16xi32> to vector<1x1x16xi32>
        tpu.vector_store %arg9[%swap3A_200, %swap3A_201, %swap3A_202], %swap3A_205 {strides = array<i32>} : memref<26x1x128xi32, #tpu.memory_space<vmem>>, vector<1x1x16xi32>,
        %add3A_206 = arith.constant 80 : i32
        %add3A_207 = arith.addi %mul3A_103, %add3A_206 : i32
        %get3A_208 = arith.index_cast %add3A_207 : i32 to index
        %get3A_209 = tpu.vector_load %arg7[%get3A_208] {strides = array<i32>} : memref<3328xi32, #tpu.memory_space<vmem>>, vector<16xi32>,
        %get3A_210 = vector.shape_cast %get3A_209 : vector<16xi32> to vector<16xi32>
        %add3A_211 = arith.constant 80 : i32
        %add3A_212 = arith.addi %mul3A_103, %add3A_211 : i32
        %get3A_213 = arith.index_cast %add3A_212 : i32 to index
        %get3A_214 = tpu.vector_load %arg8[%get3A_213] {strides = array<i32>} : memref<3328xi32, #tpu.memory_space<vmem>>, vector<16xi32>,
        %get3A_215 = vector.shape_cast %get3A_214 : vector<16xi32> to vector<16xi32>
        %eq3A_216 = arith.cmpi eq, %get3A_210, %get3A_215 : vector<16xi32>
        %jit3A_217 = arith.constant 10000 : i32
        %broadcast_in_dim3A_218 = vector.broadcast %jit3A_217 : i32 to vector<16xi32>
        %select_n3A_219 = arith.select %eq3A_216, %broadcast_in_dim3A_218, %get3A_215 : vector<16xi1>, vector<16xi32>
        %swap3A_220 = arith.constant 0 : i32
        %swap3A_221 = arith.index_cast %scan3A_101 : i32 to index
        %swap3A_222 = arith.index_cast %swap3A_220 : i32 to index
        %swap3A_223 = arith.constant 80 : index
        %swap3A_224 = tpu.vector_load %arg9[%swap3A_221, %swap3A_222, %swap3A_223] {strides = array<i32>} : memref<26x1x128xi32, #tpu.memory_space<vmem>>, vector<1x1x16xi32>,
        %swap3A_225 = vector.shape_cast %swap3A_224 : vector<1x1x16xi32> to vector<16xi32>
        %swap3A_226 = vector.shape_cast %select_n3A_219 : vector<16xi32> to vector<1x1x16xi32>
        tpu.vector_store %arg9[%swap3A_221, %swap3A_222, %swap3A_223], %swap3A_226 {strides = array<i32>} : memref<26x1x128xi32, #tpu.memory_space<vmem>>, vector<1x1x16xi32>,
        %add3A_227 = arith.constant 96 : i32
        %add3A_228 = arith.addi %mul3A_103, %add3A_227 : i32
        %get3A_229 = arith.index_cast %add3A_228 : i32 to index
        %get3A_230 = tpu.vector_load %arg7[%get3A_229] {strides = array<i32>} : memref<3328xi32, #tpu.memory_space<vmem>>, vector<16xi32>,
        %get3A_231 = vector.shape_cast %get3A_230 : vector<16xi32> to vector<16xi32>
        %add3A_232 = arith.constant 96 : i32
        %add3A_233 = arith.addi %mul3A_103, %add3A_232 : i32
        %get3A_234 = arith.index_cast %add3A_233 : i32 to index
        %get3A_235 = tpu.vector_load %arg8[%get3A_234] {strides = array<i32>} : memref<3328xi32, #tpu.memory_space<vmem>>, vector<16xi32>,
        %get3A_236 = vector.shape_cast %get3A_235 : vector<16xi32> to vector<16xi32>
        %eq3A_237 = arith.cmpi eq, %get3A_231, %get3A_236 : vector<16xi32>
        %jit3A_238 = arith.constant 10000 : i32
        %broadcast_in_dim3A_239 = vector.broadcast %jit3A_238 : i32 to vector<16xi32>
        %select_n3A_240 = arith.select %eq3A_237, %broadcast_in_dim3A_239, %get3A_236 : vector<16xi1>, vector<16xi32>
        %swap3A_241 = arith.constant 0 : i32
        %swap3A_242 = arith.index_cast %scan3A_101 : i32 to index
        %swap3A_243 = arith.index_cast %swap3A_241 : i32 to index
        %swap3A_244 = arith.constant 96 : index
        %swap3A_245 = tpu.vector_load %arg9[%swap3A_242, %swap3A_243, %swap3A_244] {strides = array<i32>} : memref<26x1x128xi32, #tpu.memory_space<vmem>>, vector<1x1x16xi32>,
        %swap3A_246 = vector.shape_cast %swap3A_245 : vector<1x1x16xi32> to vector<16xi32>
        %swap3A_247 = vector.shape_cast %select_n3A_240 : vector<16xi32> to vector<1x1x16xi32>
        tpu.vector_store %arg9[%swap3A_242, %swap3A_243, %swap3A_244], %swap3A_247 {strides = array<i32>} : memref<26x1x128xi32, #tpu.memory_space<vmem>>, vector<1x1x16xi32>,
        %add3A_248 = arith.constant 112 : i32
        %add3A_249 = arith.addi %mul3A_103, %add3A_248 : i32
        %get3A_250 = arith.index_cast %add3A_249 : i32 to index
        %get3A_251 = tpu.vector_load %arg7[%get3A_250] {strides = array<i32>} : memref<3328xi32, #tpu.memory_space<vmem>>, vector<16xi32>,
        %get3A_252 = vector.shape_cast %get3A_251 : vector<16xi32> to vector<16xi32>
        %add3A_253 = arith.constant 112 : i32
        %add3A_254 = arith.addi %mul3A_103, %add3A_253 : i32
        %get3A_255 = arith.index_cast %add3A_254 : i32 to index
        %get3A_256 = tpu.vector_load %arg8[%get3A_255] {strides = array<i32>} : memref<3328xi32, #tpu.memory_space<vmem>>, vector<16xi32>,
        %get3A_257 = vector.shape_cast %get3A_256 : vector<16xi32> to vector<16xi32>
        %eq3A_258 = arith.cmpi eq, %get3A_252, %get3A_257 : vector<16xi32>
        %jit3A_259 = arith.constant 10000 : i32
        %broadcast_in_dim3A_260 = vector.broadcast %jit3A_259 : i32 to vector<16xi32>
        %select_n3A_261 = arith.select %eq3A_258, %broadcast_in_dim3A_260, %get3A_257 : vector<16xi1>, vector<16xi32>
        %swap3A_262 = arith.constant 0 : i32
        %swap3A_263 = arith.index_cast %scan3A_101 : i32 to index
        %swap3A_264 = arith.index_cast %swap3A_262 : i32 to index
        %swap3A_265 = arith.constant 112 : index
        %swap3A_266 = tpu.vector_load %arg9[%swap3A_263, %swap3A_264, %swap3A_265] {strides = array<i32>} : memref<26x1x128xi32, #tpu.memory_space<vmem>>, vector<1x1x16xi32>,
        %swap3A_267 = vector.shape_cast %swap3A_266 : vector<1x1x16xi32> to vector<16xi32>
        %swap3A_268 = vector.shape_cast %select_n3A_261 : vector<16xi32> to vector<1x1x16xi32>
        tpu.vector_store %arg9[%swap3A_263, %swap3A_264, %swap3A_265], %swap3A_268 {strides = array<i32>} : memref<26x1x128xi32, #tpu.memory_space<vmem>>, vector<1x1x16xi32>,
        %run_scoped3A = arith.constant 0 : i32
        "tpu.region"() ({
          %run_scoped3A_269 = tpu.sem_alloc : memref<!tpu.dma_semaphore, #tpu.memory_space<semaphore_mem>>
          %dma_start3A = arith.constant 0 : i32
          %dma_start3A_270 = tpu.memref_slice %arg9[%scan3A_101, %run_scoped3A, %dma_start3A] : memref<26x1x128xi32, #tpu.memory_space<vmem>> -> memref<1x1x128xi32, #tpu.memory_space<vmem>>
          %dma_start3A_271 = tpu.memref_squeeze %dma_start3A_270 : memref<1x1x128xi32, #tpu.memory_space<vmem>> -> memref<128xi32, #tpu.memory_space<vmem>>
          %dma_start3A_272 = arith.constant 0 : i32
          %dma_start3A_273 = tpu.memref_slice %arg12[%dma_start3A_272] : memref<10112xf32, #tpu.memory_space<vmem_shared>> -> memref<10112xf32, #tpu.memory_space<vmem_shared>>
          tpu.enqueue_indirect_dma source(%arg10 : memref<128xf32, #tpu.memory_space<vmem>>) target(%dma_start3A_273 : memref<10112xf32, #tpu.memory_space<vmem_shared>>) offsets(%dma_start3A_271 : memref<128xi32, #tpu.memory_space<vmem>>) semaphore(%run_scoped3A_269 : memref<!tpu.dma_semaphore, #tpu.memory_space<semaphore_mem>>) {add = true}
          %dma_wait3A = arith.constant 0 : i32
          %dma_wait3A_274 = tpu.memref_slice %arg9[%scan3A_101, %run_scoped3A, %dma_wait3A] : memref<26x1x128xi32, #tpu.memory_space<vmem>> -> memref<1x1x128xi32, #tpu.memory_space<vmem>>
          %dma_wait3A_275 = tpu.memref_squeeze %dma_wait3A_274 : memref<1x1x128xi32, #tpu.memory_space<vmem>> -> memref<128xi32, #tpu.memory_space<vmem>>
          %dma_wait3A_276 = arith.constant 0 : i32
          %dma_wait3A_277 = tpu.memref_slice %arg12[%dma_wait3A_276] : memref<10112xf32, #tpu.memory_space<vmem_shared>> -> memref<10112xf32, #tpu.memory_space<vmem_shared>>
          tpu.wait_indirect_dma semaphore(%run_scoped3A_269 : memref<!tpu.dma_semaphore, #tpu.memory_space<semaphore_mem>>) src(%arg10 : memref<128xf32, #tpu.memory_space<vmem>>) dst(%dma_wait3A_277 : memref<10112xf32, #tpu.memory_space<vmem_shared>>)
          tpu.yield
        }) : () -> ()
      }
      %scan3A_100 = arith.constant 26 : i32
      "tpu.region"() ({
        %run_scoped3A = tpu.sem_alloc : memref<!tpu.dma_semaphore, #tpu.memory_space<semaphore_mem>>
        %dma_start3A = arith.constant 0 : i32
        %dma_start3A_101 = arith.constant 0 : i32
        %dma_start3A_102 = tpu.memref_slice %arg4[%add3A_90, %dma_start3A, %dma_start3A_101] : memref<2500x1x128xi32, #tpu.memory_space<hbm>> -> memref<26x1x128xi32, #tpu.memory_space<hbm>>
        %dma_start3A_103 = arith.constant 0 : i32
        %dma_start3A_104 = arith.constant 0 : i32
        %dma_start3A_105 = tpu.memref_slice %arg4[%add3A_90, %dma_start3A_103, %dma_start3A_104] : memref<2500x1x128xi32, #tpu.memory_space<hbm>> -> memref<26x1x128xi32, #tpu.memory_space<hbm>>
        tpu.enqueue_dma source(%arg9 : memref<26x1x128xi32, #tpu.memory_space<vmem>>) target(%dma_start3A_105 : memref<26x1x128xi32, #tpu.memory_space<hbm>>) target_semaphore(%run_scoped3A : memref<!tpu.dma_semaphore, #tpu.memory_space<semaphore_mem>>)
        %dma_wait3A = arith.constant 0 : i32
        %dma_wait3A_106 = arith.constant 0 : i32
        %dma_wait3A_107 = tpu.memref_slice %arg4[%add3A_90, %dma_wait3A, %dma_wait3A_106] : memref<2500x1x128xi32, #tpu.memory_space<hbm>> -> memref<26x1x128xi32, #tpu.memory_space<hbm>>
        %dma_wait3A_108 = arith.constant 0 : i32
        %dma_wait3A_109 = arith.constant 0 : i32
        %dma_wait3A_110 = tpu.memref_slice %arg4[%add3A_90, %dma_wait3A_108, %dma_wait3A_109] : memref<2500x1x128xi32, #tpu.memory_space<hbm>> -> memref<26x1x128xi32, #tpu.memory_space<hbm>>
        tpu.wait_dma2 semaphore(%run_scoped3A : memref<!tpu.dma_semaphore, #tpu.memory_space<semaphore_mem>>) src(%arg9 : memref<26x1x128xi32, #tpu.memory_space<vmem>>) dst(%dma_wait3A_110 : memref<26x1x128xi32, #tpu.memory_space<hbm>>)
        tpu.yield
      }) : () -> ()
    }
    %scan3A_63 = arith.constant 3 : i32
    %lt3A_64 = arith.constant 4 : i32
    %lt3A_65 = arith.cmpi slt, %add3A, %lt3A_64 : i32
    %convert_element_type3A_66 = arith.extui %lt3A_65 : i1 to i32
    %cond3A_67 = arith.constant 0 : i32
    %cond3A_68 = arith.cmpi ne, %convert_element_type3A_66, %cond3A_67 : i32
    scf.if %cond3A_68 {
      %add3A_85 = arith.constant 2496 : i32
      %add3A_86 = arith.addi %add3A_85, %add3A : i32
      %mul3A_87 = arith.constant 128 : i32
      %mul3A_88 = arith.muli %add3A_86, %mul3A_87 : i32
      "tpu.region"() ({
        %run_scoped3A_233 = tpu.sem_alloc : memref<!tpu.dma_semaphore, #tpu.memory_space<semaphore_mem>>
        %dma_start3A = arith.constant 0 : i32
        %dma_start3A_234 = tpu.memref_slice %arg7[%dma_start3A] : memref<3328xi32, #tpu.memory_space<vmem>> -> memref<128xi32, #tpu.memory_space<vmem>>
        %dma_start3A_235 = tpu.memref_slice %arg2[%mul3A_88] : memref<320000xi32, #tpu.memory_space<hbm>> -> memref<128xi32, #tpu.memory_space<hbm>>
        %dma_start3A_236 = arith.constant 0 : i32
        %dma_start3A_237 = tpu.memref_slice %arg7[%dma_start3A_236] : memref<3328xi32, #tpu.memory_space<vmem>> -> memref<128xi32, #tpu.memory_space<vmem>>
        %dma_start3A_238 = tpu.memref_slice %arg2[%mul3A_88] : memref<320000xi32, #tpu.memory_space<hbm>> -> memref<128xi32, #tpu.memory_space<hbm>>
        tpu.enqueue_dma source(%dma_start3A_238 : memref<128xi32, #tpu.memory_space<hbm>>) target(%dma_start3A_237 : memref<128xi32, #tpu.memory_space<vmem>>) target_semaphore(%run_scoped3A_233 : memref<!tpu.dma_semaphore, #tpu.memory_space<semaphore_mem>>)
        %dma_wait3A = arith.constant 0 : i32
        %dma_wait3A_239 = tpu.memref_slice %arg7[%dma_wait3A] : memref<3328xi32, #tpu.memory_space<vmem>> -> memref<128xi32, #tpu.memory_space<vmem>>
        %dma_wait3A_240 = tpu.memref_slice %arg2[%mul3A_88] : memref<320000xi32, #tpu.memory_space<hbm>> -> memref<128xi32, #tpu.memory_space<hbm>>
        %dma_wait3A_241 = arith.constant 0 : i32
        %dma_wait3A_242 = tpu.memref_slice %arg7[%dma_wait3A_241] : memref<3328xi32, #tpu.memory_space<vmem>> -> memref<128xi32, #tpu.memory_space<vmem>>
        %dma_wait3A_243 = tpu.memref_slice %arg2[%mul3A_88] : memref<320000xi32, #tpu.memory_space<hbm>> -> memref<128xi32, #tpu.memory_space<hbm>>
        tpu.wait_dma2 semaphore(%run_scoped3A_233 : memref<!tpu.dma_semaphore, #tpu.memory_space<semaphore_mem>>) src(%dma_wait3A_243 : memref<128xi32, #tpu.memory_space<hbm>>) dst(%dma_wait3A_242 : memref<128xi32, #tpu.memory_space<vmem>>)
        tpu.yield
      }) : () -> ()
      %mul3A_89 = arith.constant 128 : i32
      %mul3A_90 = arith.muli %add3A_86, %mul3A_89 : i32
      "tpu.region"() ({
        %run_scoped3A_233 = tpu.sem_alloc : memref<!tpu.dma_semaphore, #tpu.memory_space<semaphore_mem>>
        %dma_start3A = arith.constant 0 : i32
        %dma_start3A_234 = tpu.memref_slice %arg8[%dma_start3A] : memref<3328xi32, #tpu.memory_space<vmem>> -> memref<128xi32, #tpu.memory_space<vmem>>
        %dma_start3A_235 = tpu.memref_slice %arg3[%mul3A_90] : memref<320000xi32, #tpu.memory_space<hbm>> -> memref<128xi32, #tpu.memory_space<hbm>>
        %dma_start3A_236 = arith.constant 0 : i32
        %dma_start3A_237 = tpu.memref_slice %arg8[%dma_start3A_236] : memref<3328xi32, #tpu.memory_space<vmem>> -> memref<128xi32, #tpu.memory_space<vmem>>
        %dma_start3A_238 = tpu.memref_slice %arg3[%mul3A_90] : memref<320000xi32, #tpu.memory_space<hbm>> -> memref<128xi32, #tpu.memory_space<hbm>>
        tpu.enqueue_dma source(%dma_start3A_238 : memref<128xi32, #tpu.memory_space<hbm>>) target(%dma_start3A_237 : memref<128xi32, #tpu.memory_space<vmem>>) target_semaphore(%run_scoped3A_233 : memref<!tpu.dma_semaphore, #tpu.memory_space<semaphore_mem>>)
        %dma_wait3A = arith.constant 0 : i32
        %dma_wait3A_239 = tpu.memref_slice %arg8[%dma_wait3A] : memref<3328xi32, #tpu.memory_space<vmem>> -> memref<128xi32, #tpu.memory_space<vmem>>
        %dma_wait3A_240 = tpu.memref_slice %arg3[%mul3A_90] : memref<320000xi32, #tpu.memory_space<hbm>> -> memref<128xi32, #tpu.memory_space<hbm>>
        %dma_wait3A_241 = arith.constant 0 : i32
        %dma_wait3A_242 = tpu.memref_slice %arg8[%dma_wait3A_241] : memref<3328xi32, #tpu.memory_space<vmem>> -> memref<128xi32, #tpu.memory_space<vmem>>
        %dma_wait3A_243 = tpu.memref_slice %arg3[%mul3A_90] : memref<320000xi32, #tpu.memory_space<hbm>> -> memref<128xi32, #tpu.memory_space<hbm>>
        tpu.wait_dma2 semaphore(%run_scoped3A_233 : memref<!tpu.dma_semaphore, #tpu.memory_space<semaphore_mem>>) src(%dma_wait3A_243 : memref<128xi32, #tpu.memory_space<hbm>>) dst(%dma_wait3A_242 : memref<128xi32, #tpu.memory_space<vmem>>)
        tpu.yield
      }) : () -> ()
      %get3A = arith.constant 0 : index
      %get3A_91 = tpu.vector_load %arg7[%get3A] {strides = array<i32>} : memref<3328xi32, #tpu.memory_space<vmem>>, vector<16xi32>,
      %get3A_92 = vector.shape_cast %get3A_91 : vector<16xi32> to vector<16xi32>
      %get3A_93 = arith.constant 0 : index
      %get3A_94 = tpu.vector_load %arg8[%get3A_93] {strides = array<i32>} : memref<3328xi32, #tpu.memory_space<vmem>>, vector<16xi32>,
      %get3A_95 = vector.shape_cast %get3A_94 : vector<16xi32> to vector<16xi32>
      %eq3A_96 = arith.cmpi eq, %get3A_92, %get3A_95 : vector<16xi32>
      %jit3A = arith.constant 10000 : i32
      %broadcast_in_dim3A_97 = vector.broadcast %jit3A : i32 to vector<16xi32>
      %select_n3A = arith.select %eq3A_96, %broadcast_in_dim3A_97, %get3A_95 : vector<16xi1>, vector<16xi32>
      %swap3A_98 = arith.constant 0 : i32
      %swap3A_99 = arith.constant 0 : i32
      %swap3A_100 = arith.index_cast %swap3A_98 : i32 to index
      %swap3A_101 = arith.index_cast %swap3A_99 : i32 to index
      %swap3A_102 = arith.constant 0 : index
      %swap3A_103 = tpu.vector_load %arg9[%swap3A_100, %swap3A_101, %swap3A_102] {strides = array<i32>} : memref<26x1x128xi32, #tpu.memory_space<vmem>>, vector<1x1x16xi32>,
      %swap3A_104 = vector.shape_cast %swap3A_103 : vector<1x1x16xi32> to vector<16xi32>
      %swap3A_105 = vector.shape_cast %select_n3A : vector<16xi32> to vector<1x1x16xi32>
      tpu.vector_store %arg9[%swap3A_100, %swap3A_101, %swap3A_102], %swap3A_105 {strides = array<i32>} : memref<26x1x128xi32, #tpu.memory_space<vmem>>, vector<1x1x16xi32>,
      %get3A_106 = arith.constant 16 : index
      %get3A_107 = tpu.vector_load %arg7[%get3A_106] {strides = array<i32>} : memref<3328xi32, #tpu.memory_space<vmem>>, vector<16xi32>,
      %get3A_108 = vector.shape_cast %get3A_107 : vector<16xi32> to vector<16xi32>
      %get3A_109 = arith.constant 16 : index
      %get3A_110 = tpu.vector_load %arg8[%get3A_109] {strides = array<i32>} : memref<3328xi32, #tpu.memory_space<vmem>>, vector<16xi32>,
      %get3A_111 = vector.shape_cast %get3A_110 : vector<16xi32> to vector<16xi32>
      %eq3A_112 = arith.cmpi eq, %get3A_108, %get3A_111 : vector<16xi32>
      %jit3A_113 = arith.constant 10000 : i32
      %broadcast_in_dim3A_114 = vector.broadcast %jit3A_113 : i32 to vector<16xi32>
      %select_n3A_115 = arith.select %eq3A_112, %broadcast_in_dim3A_114, %get3A_111 : vector<16xi1>, vector<16xi32>
      %swap3A_116 = arith.constant 0 : i32
      %swap3A_117 = arith.constant 0 : i32
      %swap3A_118 = arith.index_cast %swap3A_116 : i32 to index
      %swap3A_119 = arith.index_cast %swap3A_117 : i32 to index
      %swap3A_120 = arith.constant 16 : index
      %swap3A_121 = tpu.vector_load %arg9[%swap3A_118, %swap3A_119, %swap3A_120] {strides = array<i32>} : memref<26x1x128xi32, #tpu.memory_space<vmem>>, vector<1x1x16xi32>,
      %swap3A_122 = vector.shape_cast %swap3A_121 : vector<1x1x16xi32> to vector<16xi32>
      %swap3A_123 = vector.shape_cast %select_n3A_115 : vector<16xi32> to vector<1x1x16xi32>
      tpu.vector_store %arg9[%swap3A_118, %swap3A_119, %swap3A_120], %swap3A_123 {strides = array<i32>} : memref<26x1x128xi32, #tpu.memory_space<vmem>>, vector<1x1x16xi32>,
      %get3A_124 = arith.constant 32 : index
      %get3A_125 = tpu.vector_load %arg7[%get3A_124] {strides = array<i32>} : memref<3328xi32, #tpu.memory_space<vmem>>, vector<16xi32>,
      %get3A_126 = vector.shape_cast %get3A_125 : vector<16xi32> to vector<16xi32>
      %get3A_127 = arith.constant 32 : index
      %get3A_128 = tpu.vector_load %arg8[%get3A_127] {strides = array<i32>} : memref<3328xi32, #tpu.memory_space<vmem>>, vector<16xi32>,
      %get3A_129 = vector.shape_cast %get3A_128 : vector<16xi32> to vector<16xi32>
      %eq3A_130 = arith.cmpi eq, %get3A_126, %get3A_129 : vector<16xi32>
      %jit3A_131 = arith.constant 10000 : i32
      %broadcast_in_dim3A_132 = vector.broadcast %jit3A_131 : i32 to vector<16xi32>
      %select_n3A_133 = arith.select %eq3A_130, %broadcast_in_dim3A_132, %get3A_129 : vector<16xi1>, vector<16xi32>
      %swap3A_134 = arith.constant 0 : i32
      %swap3A_135 = arith.constant 0 : i32
      %swap3A_136 = arith.index_cast %swap3A_134 : i32 to index
      %swap3A_137 = arith.index_cast %swap3A_135 : i32 to index
      %swap3A_138 = arith.constant 32 : index
      %swap3A_139 = tpu.vector_load %arg9[%swap3A_136, %swap3A_137, %swap3A_138] {strides = array<i32>} : memref<26x1x128xi32, #tpu.memory_space<vmem>>, vector<1x1x16xi32>,
      %swap3A_140 = vector.shape_cast %swap3A_139 : vector<1x1x16xi32> to vector<16xi32>
      %swap3A_141 = vector.shape_cast %select_n3A_133 : vector<16xi32> to vector<1x1x16xi32>
      tpu.vector_store %arg9[%swap3A_136, %swap3A_137, %swap3A_138], %swap3A_141 {strides = array<i32>} : memref<26x1x128xi32, #tpu.memory_space<vmem>>, vector<1x1x16xi32>,
      %get3A_142 = arith.constant 48 : index
      %get3A_143 = tpu.vector_load %arg7[%get3A_142] {strides = array<i32>} : memref<3328xi32, #tpu.memory_space<vmem>>, vector<16xi32>,
      %get3A_144 = vector.shape_cast %get3A_143 : vector<16xi32> to vector<16xi32>
      %get3A_145 = arith.constant 48 : index
      %get3A_146 = tpu.vector_load %arg8[%get3A_145] {strides = array<i32>} : memref<3328xi32, #tpu.memory_space<vmem>>, vector<16xi32>,
      %get3A_147 = vector.shape_cast %get3A_146 : vector<16xi32> to vector<16xi32>
      %eq3A_148 = arith.cmpi eq, %get3A_144, %get3A_147 : vector<16xi32>
      %jit3A_149 = arith.constant 10000 : i32
      %broadcast_in_dim3A_150 = vector.broadcast %jit3A_149 : i32 to vector<16xi32>
      %select_n3A_151 = arith.select %eq3A_148, %broadcast_in_dim3A_150, %get3A_147 : vector<16xi1>, vector<16xi32>
      %swap3A_152 = arith.constant 0 : i32
      %swap3A_153 = arith.constant 0 : i32
      %swap3A_154 = arith.index_cast %swap3A_152 : i32 to index
      %swap3A_155 = arith.index_cast %swap3A_153 : i32 to index
      %swap3A_156 = arith.constant 48 : index
      %swap3A_157 = tpu.vector_load %arg9[%swap3A_154, %swap3A_155, %swap3A_156] {strides = array<i32>} : memref<26x1x128xi32, #tpu.memory_space<vmem>>, vector<1x1x16xi32>,
      %swap3A_158 = vector.shape_cast %swap3A_157 : vector<1x1x16xi32> to vector<16xi32>
      %swap3A_159 = vector.shape_cast %select_n3A_151 : vector<16xi32> to vector<1x1x16xi32>
      tpu.vector_store %arg9[%swap3A_154, %swap3A_155, %swap3A_156], %swap3A_159 {strides = array<i32>} : memref<26x1x128xi32, #tpu.memory_space<vmem>>, vector<1x1x16xi32>,
      %get3A_160 = arith.constant 64 : index
      %get3A_161 = tpu.vector_load %arg7[%get3A_160] {strides = array<i32>} : memref<3328xi32, #tpu.memory_space<vmem>>, vector<16xi32>,
      %get3A_162 = vector.shape_cast %get3A_161 : vector<16xi32> to vector<16xi32>
      %get3A_163 = arith.constant 64 : index
      %get3A_164 = tpu.vector_load %arg8[%get3A_163] {strides = array<i32>} : memref<3328xi32, #tpu.memory_space<vmem>>, vector<16xi32>,
      %get3A_165 = vector.shape_cast %get3A_164 : vector<16xi32> to vector<16xi32>
      %eq3A_166 = arith.cmpi eq, %get3A_162, %get3A_165 : vector<16xi32>
      %jit3A_167 = arith.constant 10000 : i32
      %broadcast_in_dim3A_168 = vector.broadcast %jit3A_167 : i32 to vector<16xi32>
      %select_n3A_169 = arith.select %eq3A_166, %broadcast_in_dim3A_168, %get3A_165 : vector<16xi1>, vector<16xi32>
      %swap3A_170 = arith.constant 0 : i32
      %swap3A_171 = arith.constant 0 : i32
      %swap3A_172 = arith.index_cast %swap3A_170 : i32 to index
      %swap3A_173 = arith.index_cast %swap3A_171 : i32 to index
      %swap3A_174 = arith.constant 64 : index
      %swap3A_175 = tpu.vector_load %arg9[%swap3A_172, %swap3A_173, %swap3A_174] {strides = array<i32>} : memref<26x1x128xi32, #tpu.memory_space<vmem>>, vector<1x1x16xi32>,
      %swap3A_176 = vector.shape_cast %swap3A_175 : vector<1x1x16xi32> to vector<16xi32>
      %swap3A_177 = vector.shape_cast %select_n3A_169 : vector<16xi32> to vector<1x1x16xi32>
      tpu.vector_store %arg9[%swap3A_172, %swap3A_173, %swap3A_174], %swap3A_177 {strides = array<i32>} : memref<26x1x128xi32, #tpu.memory_space<vmem>>, vector<1x1x16xi32>,
      %get3A_178 = arith.constant 80 : index
      %get3A_179 = tpu.vector_load %arg7[%get3A_178] {strides = array<i32>} : memref<3328xi32, #tpu.memory_space<vmem>>, vector<16xi32>,
      %get3A_180 = vector.shape_cast %get3A_179 : vector<16xi32> to vector<16xi32>
      %get3A_181 = arith.constant 80 : index
      %get3A_182 = tpu.vector_load %arg8[%get3A_181] {strides = array<i32>} : memref<3328xi32, #tpu.memory_space<vmem>>, vector<16xi32>,
      %get3A_183 = vector.shape_cast %get3A_182 : vector<16xi32> to vector<16xi32>
      %eq3A_184 = arith.cmpi eq, %get3A_180, %get3A_183 : vector<16xi32>
      %jit3A_185 = arith.constant 10000 : i32
      %broadcast_in_dim3A_186 = vector.broadcast %jit3A_185 : i32 to vector<16xi32>
      %select_n3A_187 = arith.select %eq3A_184, %broadcast_in_dim3A_186, %get3A_183 : vector<16xi1>, vector<16xi32>
      %swap3A_188 = arith.constant 0 : i32
      %swap3A_189 = arith.constant 0 : i32
      %swap3A_190 = arith.index_cast %swap3A_188 : i32 to index
      %swap3A_191 = arith.index_cast %swap3A_189 : i32 to index
      %swap3A_192 = arith.constant 80 : index
      %swap3A_193 = tpu.vector_load %arg9[%swap3A_190, %swap3A_191, %swap3A_192] {strides = array<i32>} : memref<26x1x128xi32, #tpu.memory_space<vmem>>, vector<1x1x16xi32>,
      %swap3A_194 = vector.shape_cast %swap3A_193 : vector<1x1x16xi32> to vector<16xi32>
      %swap3A_195 = vector.shape_cast %select_n3A_187 : vector<16xi32> to vector<1x1x16xi32>
      tpu.vector_store %arg9[%swap3A_190, %swap3A_191, %swap3A_192], %swap3A_195 {strides = array<i32>} : memref<26x1x128xi32, #tpu.memory_space<vmem>>, vector<1x1x16xi32>,
      %get3A_196 = arith.constant 96 : index
      %get3A_197 = tpu.vector_load %arg7[%get3A_196] {strides = array<i32>} : memref<3328xi32, #tpu.memory_space<vmem>>, vector<16xi32>,
      %get3A_198 = vector.shape_cast %get3A_197 : vector<16xi32> to vector<16xi32>
      %get3A_199 = arith.constant 96 : index
      %get3A_200 = tpu.vector_load %arg8[%get3A_199] {strides = array<i32>} : memref<3328xi32, #tpu.memory_space<vmem>>, vector<16xi32>,
      %get3A_201 = vector.shape_cast %get3A_200 : vector<16xi32> to vector<16xi32>
      %eq3A_202 = arith.cmpi eq, %get3A_198, %get3A_201 : vector<16xi32>
      %jit3A_203 = arith.constant 10000 : i32
      %broadcast_in_dim3A_204 = vector.broadcast %jit3A_203 : i32 to vector<16xi32>
      %select_n3A_205 = arith.select %eq3A_202, %broadcast_in_dim3A_204, %get3A_201 : vector<16xi1>, vector<16xi32>
      %swap3A_206 = arith.constant 0 : i32
      %swap3A_207 = arith.constant 0 : i32
      %swap3A_208 = arith.index_cast %swap3A_206 : i32 to index
      %swap3A_209 = arith.index_cast %swap3A_207 : i32 to index
      %swap3A_210 = arith.constant 96 : index
      %swap3A_211 = tpu.vector_load %arg9[%swap3A_208, %swap3A_209, %swap3A_210] {strides = array<i32>} : memref<26x1x128xi32, #tpu.memory_space<vmem>>, vector<1x1x16xi32>,
      %swap3A_212 = vector.shape_cast %swap3A_211 : vector<1x1x16xi32> to vector<16xi32>
      %swap3A_213 = vector.shape_cast %select_n3A_205 : vector<16xi32> to vector<1x1x16xi32>
      tpu.vector_store %arg9[%swap3A_208, %swap3A_209, %swap3A_210], %swap3A_213 {strides = array<i32>} : memref<26x1x128xi32, #tpu.memory_space<vmem>>, vector<1x1x16xi32>,
      %get3A_214 = arith.constant 112 : index
      %get3A_215 = tpu.vector_load %arg7[%get3A_214] {strides = array<i32>} : memref<3328xi32, #tpu.memory_space<vmem>>, vector<16xi32>,
      %get3A_216 = vector.shape_cast %get3A_215 : vector<16xi32> to vector<16xi32>
      %get3A_217 = arith.constant 112 : index
      %get3A_218 = tpu.vector_load %arg8[%get3A_217] {strides = array<i32>} : memref<3328xi32, #tpu.memory_space<vmem>>, vector<16xi32>,
      %get3A_219 = vector.shape_cast %get3A_218 : vector<16xi32> to vector<16xi32>
      %eq3A_220 = arith.cmpi eq, %get3A_216, %get3A_219 : vector<16xi32>
      %jit3A_221 = arith.constant 10000 : i32
      %broadcast_in_dim3A_222 = vector.broadcast %jit3A_221 : i32 to vector<16xi32>
      %select_n3A_223 = arith.select %eq3A_220, %broadcast_in_dim3A_222, %get3A_219 : vector<16xi1>, vector<16xi32>
      %swap3A_224 = arith.constant 0 : i32
      %swap3A_225 = arith.constant 0 : i32
      %swap3A_226 = arith.index_cast %swap3A_224 : i32 to index
      %swap3A_227 = arith.index_cast %swap3A_225 : i32 to index
      %swap3A_228 = arith.constant 112 : index
      %swap3A_229 = tpu.vector_load %arg9[%swap3A_226, %swap3A_227, %swap3A_228] {strides = array<i32>} : memref<26x1x128xi32, #tpu.memory_space<vmem>>, vector<1x1x16xi32>,
      %swap3A_230 = vector.shape_cast %swap3A_229 : vector<1x1x16xi32> to vector<16xi32>
      %swap3A_231 = vector.shape_cast %select_n3A_223 : vector<16xi32> to vector<1x1x16xi32>
      tpu.vector_store %arg9[%swap3A_226, %swap3A_227, %swap3A_228], %swap3A_231 {strides = array<i32>} : memref<26x1x128xi32, #tpu.memory_space<vmem>>, vector<1x1x16xi32>,
      %run_scoped3A = arith.constant 0 : i32
      %run_scoped3A_232 = arith.constant 0 : i32
      "tpu.region"() ({
        %run_scoped3A_233 = tpu.sem_alloc : memref<!tpu.dma_semaphore, #tpu.memory_space<semaphore_mem>>
        %dma_start3A = arith.constant 0 : i32
        %dma_start3A_234 = tpu.memref_slice %arg9[%run_scoped3A, %run_scoped3A_232, %dma_start3A] : memref<26x1x128xi32, #tpu.memory_space<vmem>> -> memref<1x1x128xi32, #tpu.memory_space<vmem>>
        %dma_start3A_235 = tpu.memref_squeeze %dma_start3A_234 : memref<1x1x128xi32, #tpu.memory_space<vmem>> -> memref<128xi32, #tpu.memory_space<vmem>>
        %dma_start3A_236 = arith.constant 0 : i32
        %dma_start3A_237 = tpu.memref_slice %arg12[%dma_start3A_236] : memref<10112xf32, #tpu.memory_space<vmem_shared>> -> memref<10112xf32, #tpu.memory_space<vmem_shared>>
        tpu.enqueue_indirect_dma source(%arg10 : memref<128xf32, #tpu.memory_space<vmem>>) target(%dma_start3A_237 : memref<10112xf32, #tpu.memory_space<vmem_shared>>) offsets(%dma_start3A_235 : memref<128xi32, #tpu.memory_space<vmem>>) semaphore(%run_scoped3A_233 : memref<!tpu.dma_semaphore, #tpu.memory_space<semaphore_mem>>) {add = true}
        %dma_wait3A = arith.constant 0 : i32
        %dma_wait3A_238 = tpu.memref_slice %arg9[%run_scoped3A, %run_scoped3A_232, %dma_wait3A] : memref<26x1x128xi32, #tpu.memory_space<vmem>> -> memref<1x1x128xi32, #tpu.memory_space<vmem>>
        %dma_wait3A_239 = tpu.memref_squeeze %dma_wait3A_238 : memref<1x1x128xi32, #tpu.memory_space<vmem>> -> memref<128xi32, #tpu.memory_space<vmem>>
        %dma_wait3A_240 = arith.constant 0 : i32
        %dma_wait3A_241 = tpu.memref_slice %arg12[%dma_wait3A_240] : memref<10112xf32, #tpu.memory_space<vmem_shared>> -> memref<10112xf32, #tpu.memory_space<vmem_shared>>
        tpu.wait_indirect_dma semaphore(%run_scoped3A_233 : memref<!tpu.dma_semaphore, #tpu.memory_space<semaphore_mem>>) src(%arg10 : memref<128xf32, #tpu.memory_space<vmem>>) dst(%dma_wait3A_241 : memref<10112xf32, #tpu.memory_space<vmem_shared>>)
        tpu.yield
      }) : () -> ()
      "tpu.region"() ({
        %run_scoped3A_233 = tpu.sem_alloc : memref<!tpu.dma_semaphore, #tpu.memory_space<semaphore_mem>>
        %dma_start3A = arith.constant 0 : i32
        %dma_start3A_234 = arith.constant 0 : i32
        %dma_start3A_235 = arith.constant 0 : i32
        %dma_start3A_236 = tpu.memref_slice %arg9[%dma_start3A, %dma_start3A_234, %dma_start3A_235] : memref<26x1x128xi32, #tpu.memory_space<vmem>> -> memref<1x1x128xi32, #tpu.memory_space<vmem>>
        %dma_start3A_237 = arith.constant 0 : i32
        %dma_start3A_238 = arith.constant 0 : i32
        %dma_start3A_239 = tpu.memref_slice %arg4[%add3A_86, %dma_start3A_237, %dma_start3A_238] : memref<2500x1x128xi32, #tpu.memory_space<hbm>> -> memref<1x1x128xi32, #tpu.memory_space<hbm>>
        %dma_start3A_240 = arith.constant 0 : i32
        %dma_start3A_241 = arith.constant 0 : i32
        %dma_start3A_242 = tpu.memref_slice %arg4[%add3A_86, %dma_start3A_240, %dma_start3A_241] : memref<2500x1x128xi32, #tpu.memory_space<hbm>> -> memref<1x1x128xi32, #tpu.memory_space<hbm>>
        %dma_start3A_243 = arith.constant 0 : i32
        %dma_start3A_244 = arith.constant 0 : i32
        %dma_start3A_245 = arith.constant 0 : i32
        %dma_start3A_246 = tpu.memref_slice %arg9[%dma_start3A_243, %dma_start3A_244, %dma_start3A_245] : memref<26x1x128xi32, #tpu.memory_space<vmem>> -> memref<1x1x128xi32, #tpu.memory_space<vmem>>
        tpu.enqueue_dma source(%dma_start3A_246 : memref<1x1x128xi32, #tpu.memory_space<vmem>>) target(%dma_start3A_242 : memref<1x1x128xi32, #tpu.memory_space<hbm>>) target_semaphore(%run_scoped3A_233 : memref<!tpu.dma_semaphore, #tpu.memory_space<semaphore_mem>>)
        %dma_wait3A = arith.constant 0 : i32
        %dma_wait3A_247 = arith.constant 0 : i32
        %dma_wait3A_248 = arith.constant 0 : i32
        %dma_wait3A_249 = tpu.memref_slice %arg9[%dma_wait3A, %dma_wait3A_247, %dma_wait3A_248] : memref<26x1x128xi32, #tpu.memory_space<vmem>> -> memref<1x1x128xi32, #tpu.memory_space<vmem>>
        %dma_wait3A_250 = arith.constant 0 : i32
        %dma_wait3A_251 = arith.constant 0 : i32
        %dma_wait3A_252 = tpu.memref_slice %arg4[%add3A_86, %dma_wait3A_250, %dma_wait3A_251] : memref<2500x1x128xi32, #tpu.memory_space<hbm>> -> memref<1x1x128xi32, #tpu.memory_space<hbm>>
        %dma_wait3A_253 = arith.constant 0 : i32
        %dma_wait3A_254 = arith.constant 0 : i32
        %dma_wait3A_255 = tpu.memref_slice %arg4[%add3A_86, %dma_wait3A_253, %dma_wait3A_254] : memref<2500x1x128xi32, #tpu.memory_space<hbm>> -> memref<1x1x128xi32, #tpu.memory_space<hbm>>
        %dma_wait3A_256 = arith.constant 0 : i32
        %dma_wait3A_257 = arith.constant 0 : i32
        %dma_wait3A_258 = arith.constant 0 : i32
        %dma_wait3A_259 = tpu.memref_slice %arg9[%dma_wait3A_256, %dma_wait3A_257, %dma_wait3A_258] : memref<26x1x128xi32, #tpu.memory_space<vmem>> -> memref<1x1x128xi32, #tpu.memory_space<vmem>>
        tpu.wait_dma2 semaphore(%run_scoped3A_233 : memref<!tpu.dma_semaphore, #tpu.memory_space<semaphore_mem>>) src(%dma_wait3A_259 : memref<1x1x128xi32, #tpu.memory_space<vmem>>) dst(%dma_wait3A_255 : memref<1x1x128xi32, #tpu.memory_space<hbm>>)
        tpu.yield
      }) : () -> ()
    } else {
    }
    %barrier3A_69 = arith.constant 0 : index
    tpu.barrier barrier_id(%barrier3A_69)
    %eq3A_70 = arith.constant 0 : i32
    %eq3A_71 = arith.cmpi eq, %arg0, %eq3A_70 : i32
    %eq3A_72 = arith.constant 0 : i32
    %eq3A_73 = arith.cmpi eq, %arg1, %eq3A_72 : i32
    %and3A = arith.andi %eq3A_71, %eq3A_73 : i1
    %convert_element_type3A_74 = arith.extui %and3A : i1 to i32
    %cond3A_75 = arith.constant 0 : i32
    %cond3A_76 = arith.cmpi ne, %convert_element_type3A_74, %cond3A_75 : i32
    scf.if %cond3A_76 {
      "tpu.region"() ({
        %run_scoped3A = tpu.sem_alloc : memref<!tpu.dma_semaphore, #tpu.memory_space<semaphore_mem>>
        tpu.enqueue_dma source(%arg12 : memref<10112xf32, #tpu.memory_space<vmem_shared>>) target(%arg5 : memref<10112xf32, #tpu.memory_space<hbm>>) target_semaphore(%run_scoped3A : memref<!tpu.dma_semaphore, #tpu.memory_space<semaphore_mem>>)
        tpu.wait_dma2 semaphore(%run_scoped3A : memref<!tpu.dma_semaphore, #tpu.memory_space<semaphore_mem>>) src(%arg12 : memref<10112xf32, #tpu.memory_space<vmem_shared>>) dst(%arg5 : memref<10112xf32, #tpu.memory_space<hbm>>)
        tpu.yield
      }) : () -> ()
    } else {
    }
    %eq3A_77 = arith.constant 1 : i32
    %eq3A_78 = arith.cmpi eq, %arg0, %eq3A_77 : i32
    %eq3A_79 = arith.constant 0 : i32
    %eq3A_80 = arith.cmpi eq, %arg1, %eq3A_79 : i32
    %and3A_81 = arith.andi %eq3A_78, %eq3A_80 : i1
    %convert_element_type3A_82 = arith.extui %and3A_81 : i1 to i32
    %cond3A_83 = arith.constant 0 : i32
    %cond3A_84 = arith.cmpi ne, %convert_element_type3A_82, %cond3A_83 : i32
    scf.if %cond3A_84 {
      "tpu.region"() ({
        %run_scoped3A = tpu.sem_alloc : memref<!tpu.dma_semaphore, #tpu.memory_space<semaphore_mem>>
        tpu.enqueue_dma source(%arg12 : memref<10112xf32, #tpu.memory_space<vmem_shared>>) target(%arg6 : memref<10112xf32, #tpu.memory_space<hbm>>) target_semaphore(%run_scoped3A : memref<!tpu.dma_semaphore, #tpu.memory_space<semaphore_mem>>)
        tpu.wait_dma2 semaphore(%run_scoped3A : memref<!tpu.dma_semaphore, #tpu.memory_space<semaphore_mem>>) src(%arg12 : memref<10112xf32, #tpu.memory_space<vmem_shared>>) dst(%arg6 : memref<10112xf32, #tpu.memory_space<hbm>>)
        tpu.yield
      }) : () -> ()
    } else {
    }
    return
  }
}

#map = affine_map<(d0, d1) -> (0, 0)>
#map1 = affine_map<(d0, d1) -> (0)>
#map2 = affine_map<(d0, d1) -> (0, 0, 0)>
module attributes {stable_mosaic.version = 14 : i64} {
  func.func @_prop1_body(%arg0: i32, %arg1: i32, %arg2: memref<10000x128xf32, #tpu.memory_space<hbm>>, %arg3: memref<10000x128xf32, #tpu.memory_space<hbm>>, %arg4: memref<320000xi32, #tpu.memory_space<hbm>>, %arg5: memref<2500x1x128xi32, #tpu.memory_space<hbm>>, %arg6: memref<10000x128xf32, #tpu.memory_space<hbm>>, %arg7: memref<10000x128xf32, #tpu.memory_space<hbm>>, %arg8: memref<3328xi32, #tpu.memory_space<vmem>>, %arg9: memref<3328xi32, #tpu.memory_space<vmem>>, %arg10: memref<26x1x128xi32, #tpu.memory_space<vmem>>, %arg11: memref<26x1x128xi32, #tpu.memory_space<vmem>>, %arg12: memref<2x128xi32, #tpu.memory_space<vmem>>, %arg13: memref<128x128xf32, #tpu.memory_space<vmem>>, %arg14: memref<128x128xf32, #tpu.memory_space<vmem>>, %arg15: memref<10008x128xf32, #tpu.memory_space<vmem_shared>>, %arg16: memref<!tpu.dma_semaphore, #tpu.memory_space<semaphore_mem>>, %arg17: memref<!tpu.dma_semaphore, #tpu.memory_space<semaphore_mem>>, %arg18: memref<!tpu.dma_semaphore, #tpu.memory_space<semaphore_mem>>) attributes {dimension_semantics = [#tpu.dimension_semantics<core_parallel>, #tpu.dimension_semantics<subcore_parallel>], iteration_bounds = array<i64: 2, 16>, scalar_prefetch = 0 : i64, scratch_operands = 11 : i64, tpu.core_type = #tpu.core_type<sc_vector_subcore>, window_params = [{transform_indices = #map}, {transform_indices = #map}, {transform_indices = #map1}, {transform_indices = #map2}, {transform_indices = #map}, {transform_indices = #map}]} {
    %mul3A = arith.constant 156 : i32
    %mul3A_0 = arith.muli %arg1, %mul3A : i32
    %lt3A = arith.constant 4 : i32
    %lt3A_1 = arith.cmpi slt, %arg1, %lt3A : i32
    %add3A = arith.constant 2496 : i32
    %add3A_2 = arith.addi %add3A, %arg1 : i32
    %eq3A = arith.constant 0 : i32
    %eq3A_3 = arith.cmpi eq, %arg0, %eq3A : i32
    %convert_element_type3A = arith.extui %eq3A_3 : i1 to i32
    %cond3A = arith.constant 0 : i32
    %cond3A_4 = arith.cmpi ne, %convert_element_type3A, %cond3A : i32
    scf.if %cond3A_4 {
      %add3A_10 = arith.constant 0 : i32
      %add3A_11 = arith.addi %mul3A_0, %add3A_10 : i32
      %mul3A_12 = arith.constant 128 : i32
      %mul3A_13 = arith.muli %add3A_11, %mul3A_12 : i32
      %dma_start3A = tpu.memref_slice %arg4[%mul3A_13] : memref<320000xi32, #tpu.memory_space<hbm>> -> memref<3328xi32, #tpu.memory_space<hbm>>
      %dma_start3A_14 = tpu.memref_slice %arg4[%mul3A_13] : memref<320000xi32, #tpu.memory_space<hbm>> -> memref<3328xi32, #tpu.memory_space<hbm>>
      tpu.enqueue_dma source(%dma_start3A_14 : memref<3328xi32, #tpu.memory_space<hbm>>) target(%arg8 : memref<3328xi32, #tpu.memory_space<vmem>>) target_semaphore(%arg18 : memref<!tpu.dma_semaphore, #tpu.memory_space<semaphore_mem>>)
      %dma_start3A_15 = arith.constant 0 : i32
      %dma_start3A_16 = arith.constant 0 : i32
      %dma_start3A_17 = tpu.memref_slice %arg5[%add3A_11, %dma_start3A_15, %dma_start3A_16] : memref<2500x1x128xi32, #tpu.memory_space<hbm>> -> memref<26x1x128xi32, #tpu.memory_space<hbm>>
      %dma_start3A_18 = arith.constant 0 : i32
      %dma_start3A_19 = arith.constant 0 : i32
      %dma_start3A_20 = tpu.memref_slice %arg5[%add3A_11, %dma_start3A_18, %dma_start3A_19] : memref<2500x1x128xi32, #tpu.memory_space<hbm>> -> memref<26x1x128xi32, #tpu.memory_space<hbm>>
      tpu.enqueue_dma source(%dma_start3A_20 : memref<26x1x128xi32, #tpu.memory_space<hbm>>) target(%arg10 : memref<26x1x128xi32, #tpu.memory_space<vmem>>) target_semaphore(%arg18 : memref<!tpu.dma_semaphore, #tpu.memory_space<semaphore_mem>>)
      %lt3A_21 = arith.constant 15 : i32
      %lt3A_22 = arith.cmpi slt, %arg1, %lt3A_21 : i32
      %convert_element_type3A_23 = arith.extui %lt3A_22 : i1 to i32
      %cond3A_24 = arith.constant 0 : i32
      %cond3A_25 = arith.cmpi ne, %convert_element_type3A_23, %cond3A_24 : i32
      scf.if %cond3A_25 {
        %mul3A_217 = arith.constant 640 : i32
        %mul3A_218 = arith.muli %arg1, %mul3A_217 : i32
        %multiple_of3A = tpu.assume_multiple %mul3A_218, 8 : i32
        %multiple_of3A_219 = tpu.assume_multiple %mul3A_218, 8 : i32
        "tpu.region"() ({
          %run_scoped3A = tpu.sem_alloc : memref<!tpu.dma_semaphore, #tpu.memory_space<semaphore_mem>>
          %dma_start3A_220 = arith.constant 0 : i32
          %dma_start3A_221 = tpu.memref_slice %arg15[%multiple_of3A_219, %dma_start3A_220] : memref<10008x128xf32, #tpu.memory_space<vmem_shared>> -> memref<640x128xf32, #tpu.memory_space<vmem_shared>>
          %dma_start3A_222 = arith.constant 0 : i32
          %dma_start3A_223 = tpu.memref_slice %arg2[%multiple_of3A, %dma_start3A_222] : memref<10000x128xf32, #tpu.memory_space<hbm>> -> memref<640x128xf32, #tpu.memory_space<hbm>>
          tpu.enqueue_dma source(%dma_start3A_223 : memref<640x128xf32, #tpu.memory_space<hbm>>) target(%dma_start3A_221 : memref<640x128xf32, #tpu.memory_space<vmem_shared>>) target_semaphore(%run_scoped3A : memref<!tpu.dma_semaphore, #tpu.memory_space<semaphore_mem>>)
          %dma_wait3A_224 = arith.constant 0 : i32
          %dma_wait3A_225 = tpu.memref_slice %arg15[%multiple_of3A_219, %dma_wait3A_224] : memref<10008x128xf32, #tpu.memory_space<vmem_shared>> -> memref<640x128xf32, #tpu.memory_space<vmem_shared>>
          %dma_wait3A_226 = arith.constant 0 : i32
          %dma_wait3A_227 = tpu.memref_slice %arg2[%multiple_of3A, %dma_wait3A_226] : memref<10000x128xf32, #tpu.memory_space<hbm>> -> memref<640x128xf32, #tpu.memory_space<hbm>>
          tpu.wait_dma2 semaphore(%run_scoped3A : memref<!tpu.dma_semaphore, #tpu.memory_space<semaphore_mem>>) src(%dma_wait3A_227 : memref<640x128xf32, #tpu.memory_space<hbm>>) dst(%dma_wait3A_225 : memref<640x128xf32, #tpu.memory_space<vmem_shared>>)
          tpu.yield
        }) : () -> ()
      } else {
      }
      %eq3A_26 = arith.constant 15 : i32
      %eq3A_27 = arith.cmpi eq, %arg1, %eq3A_26 : i32
      %convert_element_type3A_28 = arith.extui %eq3A_27 : i1 to i32
      %cond3A_29 = arith.constant 0 : i32
      %cond3A_30 = arith.cmpi ne, %convert_element_type3A_28, %cond3A_29 : i32
      scf.if %cond3A_30 {
        %multiple_of3A = arith.constant 9600 : i32
        %multiple_of3A_217 = tpu.assume_multiple %multiple_of3A, 8 : i32
        %multiple_of3A_218 = arith.constant 9600 : i32
        %multiple_of3A_219 = tpu.assume_multiple %multiple_of3A_218, 8 : i32
        "tpu.region"() ({
          %run_scoped3A = tpu.sem_alloc : memref<!tpu.dma_semaphore, #tpu.memory_space<semaphore_mem>>
          %dma_start3A_220 = arith.constant 0 : i32
          %dma_start3A_221 = tpu.memref_slice %arg15[%multiple_of3A_219, %dma_start3A_220] : memref<10008x128xf32, #tpu.memory_space<vmem_shared>> -> memref<400x128xf32, #tpu.memory_space<vmem_shared>>
          %dma_start3A_222 = arith.constant 0 : i32
          %dma_start3A_223 = tpu.memref_slice %arg2[%multiple_of3A_217, %dma_start3A_222] : memref<10000x128xf32, #tpu.memory_space<hbm>> -> memref<400x128xf32, #tpu.memory_space<hbm>>
          tpu.enqueue_dma source(%dma_start3A_223 : memref<400x128xf32, #tpu.memory_space<hbm>>) target(%dma_start3A_221 : memref<400x128xf32, #tpu.memory_space<vmem_shared>>) target_semaphore(%run_scoped3A : memref<!tpu.dma_semaphore, #tpu.memory_space<semaphore_mem>>)
          %dma_wait3A_224 = arith.constant 0 : i32
          %dma_wait3A_225 = tpu.memref_slice %arg15[%multiple_of3A_219, %dma_wait3A_224] : memref<10008x128xf32, #tpu.memory_space<vmem_shared>> -> memref<400x128xf32, #tpu.memory_space<vmem_shared>>
          %dma_wait3A_226 = arith.constant 0 : i32
          %dma_wait3A_227 = tpu.memref_slice %arg2[%multiple_of3A_217, %dma_wait3A_226] : memref<10000x128xf32, #tpu.memory_space<hbm>> -> memref<400x128xf32, #tpu.memory_space<hbm>>
          tpu.wait_dma2 semaphore(%run_scoped3A : memref<!tpu.dma_semaphore, #tpu.memory_space<semaphore_mem>>) src(%dma_wait3A_227 : memref<400x128xf32, #tpu.memory_space<hbm>>) dst(%dma_wait3A_225 : memref<400x128xf32, #tpu.memory_space<vmem_shared>>)
          tpu.yield
        }) : () -> ()
      } else {
      }
      %barrier3A = arith.constant 0 : index
      tpu.barrier barrier_id(%barrier3A)
      %dma_wait3A = tpu.memref_slice %arg4[%mul3A_13] : memref<320000xi32, #tpu.memory_space<hbm>> -> memref<3328xi32, #tpu.memory_space<hbm>>
      %dma_wait3A_31 = tpu.memref_slice %arg4[%mul3A_13] : memref<320000xi32, #tpu.memory_space<hbm>> -> memref<3328xi32, #tpu.memory_space<hbm>>
      tpu.wait_dma2 semaphore(%arg18 : memref<!tpu.dma_semaphore, #tpu.memory_space<semaphore_mem>>) src(%dma_wait3A_31 : memref<3328xi32, #tpu.memory_space<hbm>>) dst(%arg8 : memref<3328xi32, #tpu.memory_space<vmem>>)
      %dma_wait3A_32 = arith.constant 0 : i32
      %dma_wait3A_33 = arith.constant 0 : i32
      %dma_wait3A_34 = tpu.memref_slice %arg5[%add3A_11, %dma_wait3A_32, %dma_wait3A_33] : memref<2500x1x128xi32, #tpu.memory_space<hbm>> -> memref<26x1x128xi32, #tpu.memory_space<hbm>>
      %dma_wait3A_35 = arith.constant 0 : i32
      %dma_wait3A_36 = arith.constant 0 : i32
      %dma_wait3A_37 = tpu.memref_slice %arg5[%add3A_11, %dma_wait3A_35, %dma_wait3A_36] : memref<2500x1x128xi32, #tpu.memory_space<hbm>> -> memref<26x1x128xi32, #tpu.memory_space<hbm>>
      tpu.wait_dma2 semaphore(%arg18 : memref<!tpu.dma_semaphore, #tpu.memory_space<semaphore_mem>>) src(%dma_wait3A_37 : memref<26x1x128xi32, #tpu.memory_space<hbm>>) dst(%arg10 : memref<26x1x128xi32, #tpu.memory_space<vmem>>)
      %add3A_38 = arith.constant 26 : i32
      %add3A_39 = arith.addi %mul3A_0, %add3A_38 : i32
      %mul3A_40 = arith.constant 128 : i32
      %mul3A_41 = arith.muli %add3A_39, %mul3A_40 : i32
      %dma_start3A_42 = tpu.memref_slice %arg4[%mul3A_41] : memref<320000xi32, #tpu.memory_space<hbm>> -> memref<3328xi32, #tpu.memory_space<hbm>>
      %dma_start3A_43 = tpu.memref_slice %arg4[%mul3A_41] : memref<320000xi32, #tpu.memory_space<hbm>> -> memref<3328xi32, #tpu.memory_space<hbm>>
      tpu.enqueue_dma source(%dma_start3A_43 : memref<3328xi32, #tpu.memory_space<hbm>>) target(%arg9 : memref<3328xi32, #tpu.memory_space<vmem>>) target_semaphore(%arg18 : memref<!tpu.dma_semaphore, #tpu.memory_space<semaphore_mem>>)
      %dma_start3A_44 = arith.constant 0 : i32
      %dma_start3A_45 = arith.constant 0 : i32
      %dma_start3A_46 = tpu.memref_slice %arg5[%add3A_39, %dma_start3A_44, %dma_start3A_45] : memref<2500x1x128xi32, #tpu.memory_space<hbm>> -> memref<26x1x128xi32, #tpu.memory_space<hbm>>
      %dma_start3A_47 = arith.constant 0 : i32
      %dma_start3A_48 = arith.constant 0 : i32
      %dma_start3A_49 = tpu.memref_slice %arg5[%add3A_39, %dma_start3A_47, %dma_start3A_48] : memref<2500x1x128xi32, #tpu.memory_space<hbm>> -> memref<26x1x128xi32, #tpu.memory_space<hbm>>
      tpu.enqueue_dma source(%dma_start3A_49 : memref<26x1x128xi32, #tpu.memory_space<hbm>>) target(%arg11 : memref<26x1x128xi32, #tpu.memory_space<vmem>>) target_semaphore(%arg18 : memref<!tpu.dma_semaphore, #tpu.memory_space<semaphore_mem>>)
      %dma_start3A_50 = arith.constant 0 : i32
      %dma_start3A_51 = tpu.memref_slice %arg8[%dma_start3A_50] : memref<3328xi32, #tpu.memory_space<vmem>> -> memref<128xi32, #tpu.memory_space<vmem>>
      %dma_start3A_52 = arith.constant 0 : i32
      %dma_start3A_53 = arith.constant 0 : i32
      %dma_start3A_54 = tpu.memref_slice %arg2[%dma_start3A_52, %dma_start3A_53] : memref<10000x128xf32, #tpu.memory_space<hbm>> -> memref<10000x128xf32, #tpu.memory_space<hbm>>
      tpu.enqueue_indirect_dma source(%dma_start3A_54 : memref<10000x128xf32, #tpu.memory_space<hbm>>) target(%arg13 : memref<128x128xf32, #tpu.memory_space<vmem>>) offsets(%dma_start3A_51 : memref<128xi32, #tpu.memory_space<vmem>>) semaphore(%arg16 : memref<!tpu.dma_semaphore, #tpu.memory_space<semaphore_mem>>)
      %scan3A = arith.constant 0 : i32
      %scan3A_55 = arith.constant 0 : i32
      %scan3A_56 = arith.constant 13 : i32
      %scan3A_57 = arith.addi %scan3A_55, %scan3A_56 : i32
      %scan3A_58 = arith.constant 1 : i32
      scf.for %scan3A_217 = %scan3A_55 to %scan3A_57 step %scan3A_58  : i32 {
        %mul3A_218 = arith.constant 2 : i32
        %mul3A_219 = arith.muli %mul3A_218, %scan3A_217 : i32
        %add3A_220 = arith.constant 1 : i32
        %add3A_221 = arith.addi %mul3A_219, %add3A_220 : i32
        %mul3A_222 = arith.constant 128 : i32
        %mul3A_223 = arith.muli %add3A_221, %mul3A_222 : i32
        %dma_start3A_224 = tpu.memref_slice %arg8[%mul3A_223] : memref<3328xi32, #tpu.memory_space<vmem>> -> memref<128xi32, #tpu.memory_space<vmem>>
        %dma_start3A_225 = arith.constant 0 : i32
        %dma_start3A_226 = arith.constant 0 : i32
        %dma_start3A_227 = tpu.memref_slice %arg2[%dma_start3A_225, %dma_start3A_226] : memref<10000x128xf32, #tpu.memory_space<hbm>> -> memref<10000x128xf32, #tpu.memory_space<hbm>>
        tpu.enqueue_indirect_dma source(%dma_start3A_227 : memref<10000x128xf32, #tpu.memory_space<hbm>>) target(%arg14 : memref<128x128xf32, #tpu.memory_space<vmem>>) offsets(%dma_start3A_224 : memref<128xi32, #tpu.memory_space<vmem>>) semaphore(%arg17 : memref<!tpu.dma_semaphore, #tpu.memory_space<semaphore_mem>>)
        %dma_wait3A_228 = arith.constant 0 : i32
        %dma_wait3A_229 = tpu.memref_slice %arg8[%dma_wait3A_228] : memref<3328xi32, #tpu.memory_space<vmem>> -> memref<128xi32, #tpu.memory_space<vmem>>
        %dma_wait3A_230 = arith.constant 0 : i32
        %dma_wait3A_231 = arith.constant 0 : i32
        %dma_wait3A_232 = tpu.memref_slice %arg2[%dma_wait3A_230, %dma_wait3A_231] : memref<10000x128xf32, #tpu.memory_space<hbm>> -> memref<10000x128xf32, #tpu.memory_space<hbm>>
        tpu.wait_indirect_dma semaphore(%arg16 : memref<!tpu.dma_semaphore, #tpu.memory_space<semaphore_mem>>) src(%dma_wait3A_232 : memref<10000x128xf32, #tpu.memory_space<hbm>>) dst(%arg13 : memref<128x128xf32, #tpu.memory_space<vmem>>)
        %mul3A_233 = arith.constant 2 : i32
        %mul3A_234 = arith.muli %mul3A_233, %scan3A_217 : i32
        %run_scoped3A = arith.constant 0 : i32
        "tpu.region"() ({
          %run_scoped3A_249 = tpu.sem_alloc : memref<!tpu.dma_semaphore, #tpu.memory_space<semaphore_mem>>
          %dma_start3A_250 = arith.constant 0 : i32
          %dma_start3A_251 = tpu.memref_slice %arg10[%mul3A_234, %run_scoped3A, %dma_start3A_250] : memref<26x1x128xi32, #tpu.memory_space<vmem>> -> memref<1x1x128xi32, #tpu.memory_space<vmem>>
          %dma_start3A_252 = tpu.memref_squeeze %dma_start3A_251 : memref<1x1x128xi32, #tpu.memory_space<vmem>> -> memref<128xi32, #tpu.memory_space<vmem>>
          %dma_start3A_253 = arith.constant 0 : i32
          %dma_start3A_254 = arith.constant 0 : i32
          %dma_start3A_255 = tpu.memref_slice %arg15[%dma_start3A_253, %dma_start3A_254] : memref<10008x128xf32, #tpu.memory_space<vmem_shared>> -> memref<10008x128xf32, #tpu.memory_space<vmem_shared>>
          tpu.enqueue_indirect_dma source(%arg13 : memref<128x128xf32, #tpu.memory_space<vmem>>) target(%dma_start3A_255 : memref<10008x128xf32, #tpu.memory_space<vmem_shared>>) offsets(%dma_start3A_252 : memref<128xi32, #tpu.memory_space<vmem>>) semaphore(%run_scoped3A_249 : memref<!tpu.dma_semaphore, #tpu.memory_space<semaphore_mem>>) {add = true}
          %dma_wait3A_256 = arith.constant 0 : i32
          %dma_wait3A_257 = tpu.memref_slice %arg10[%mul3A_234, %run_scoped3A, %dma_wait3A_256] : memref<26x1x128xi32, #tpu.memory_space<vmem>> -> memref<1x1x128xi32, #tpu.memory_space<vmem>>
          %dma_wait3A_258 = tpu.memref_squeeze %dma_wait3A_257 : memref<1x1x128xi32, #tpu.memory_space<vmem>> -> memref<128xi32, #tpu.memory_space<vmem>>
          %dma_wait3A_259 = arith.constant 0 : i32
          %dma_wait3A_260 = arith.constant 0 : i32
          %dma_wait3A_261 = tpu.memref_slice %arg15[%dma_wait3A_259, %dma_wait3A_260] : memref<10008x128xf32, #tpu.memory_space<vmem_shared>> -> memref<10008x128xf32, #tpu.memory_space<vmem_shared>>
          tpu.wait_indirect_dma semaphore(%run_scoped3A_249 : memref<!tpu.dma_semaphore, #tpu.memory_space<semaphore_mem>>) src(%arg13 : memref<128x128xf32, #tpu.memory_space<vmem>>) dst(%dma_wait3A_261 : memref<10008x128xf32, #tpu.memory_space<vmem_shared>>)
          tpu.yield
        }) : () -> ()
        %lt3A_235 = arith.constant 12 : i32
        %lt3A_236 = arith.cmpi slt, %scan3A_217, %lt3A_235 : i32
        %convert_element_type3A_237 = arith.extui %lt3A_236 : i1 to i32
        %cond3A_238 = arith.constant 0 : i32
        %cond3A_239 = arith.cmpi ne, %convert_element_type3A_237, %cond3A_238 : i32
        scf.if %cond3A_239 {
          %mul3A_249 = arith.constant 2 : i32
          %mul3A_250 = arith.muli %mul3A_249, %scan3A_217 : i32
          %add3A_251 = arith.constant 2 : i32
          %add3A_252 = arith.addi %mul3A_250, %add3A_251 : i32
          %mul3A_253 = arith.constant 128 : i32
          %mul3A_254 = arith.muli %add3A_252, %mul3A_253 : i32
          %dma_start3A_255 = tpu.memref_slice %arg8[%mul3A_254] : memref<3328xi32, #tpu.memory_space<vmem>> -> memref<128xi32, #tpu.memory_space<vmem>>
          %dma_start3A_256 = arith.constant 0 : i32
          %dma_start3A_257 = arith.constant 0 : i32
          %dma_start3A_258 = tpu.memref_slice %arg2[%dma_start3A_256, %dma_start3A_257] : memref<10000x128xf32, #tpu.memory_space<hbm>> -> memref<10000x128xf32, #tpu.memory_space<hbm>>
          tpu.enqueue_indirect_dma source(%dma_start3A_258 : memref<10000x128xf32, #tpu.memory_space<hbm>>) target(%arg13 : memref<128x128xf32, #tpu.memory_space<vmem>>) offsets(%dma_start3A_255 : memref<128xi32, #tpu.memory_space<vmem>>) semaphore(%arg16 : memref<!tpu.dma_semaphore, #tpu.memory_space<semaphore_mem>>)
        } else {
        }
        %dma_wait3A_240 = tpu.memref_slice %arg8[%mul3A_223] : memref<3328xi32, #tpu.memory_space<vmem>> -> memref<128xi32, #tpu.memory_space<vmem>>
        %dma_wait3A_241 = arith.constant 0 : i32
        %dma_wait3A_242 = arith.constant 0 : i32
        %dma_wait3A_243 = tpu.memref_slice %arg2[%dma_wait3A_241, %dma_wait3A_242] : memref<10000x128xf32, #tpu.memory_space<hbm>> -> memref<10000x128xf32, #tpu.memory_space<hbm>>
        tpu.wait_indirect_dma semaphore(%arg17 : memref<!tpu.dma_semaphore, #tpu.memory_space<semaphore_mem>>) src(%dma_wait3A_243 : memref<10000x128xf32, #tpu.memory_space<hbm>>) dst(%arg14 : memref<128x128xf32, #tpu.memory_space<vmem>>)
        %mul3A_244 = arith.constant 2 : i32
        %mul3A_245 = arith.muli %mul3A_244, %scan3A_217 : i32
        %add3A_246 = arith.constant 1 : i32
        %add3A_247 = arith.addi %mul3A_245, %add3A_246 : i32
        %run_scoped3A_248 = arith.constant 0 : i32
        "tpu.region"() ({
          %run_scoped3A_249 = tpu.sem_alloc : memref<!tpu.dma_semaphore, #tpu.memory_space<semaphore_mem>>
          %dma_start3A_250 = arith.constant 0 : i32
          %dma_start3A_251 = tpu.memref_slice %arg10[%add3A_247, %run_scoped3A_248, %dma_start3A_250] : memref<26x1x128xi32, #tpu.memory_space<vmem>> -> memref<1x1x128xi32, #tpu.memory_space<vmem>>
          %dma_start3A_252 = tpu.memref_squeeze %dma_start3A_251 : memref<1x1x128xi32, #tpu.memory_space<vmem>> -> memref<128xi32, #tpu.memory_space<vmem>>
          %dma_start3A_253 = arith.constant 0 : i32
          %dma_start3A_254 = arith.constant 0 : i32
          %dma_start3A_255 = tpu.memref_slice %arg15[%dma_start3A_253, %dma_start3A_254] : memref<10008x128xf32, #tpu.memory_space<vmem_shared>> -> memref<10008x128xf32, #tpu.memory_space<vmem_shared>>
          tpu.enqueue_indirect_dma source(%arg14 : memref<128x128xf32, #tpu.memory_space<vmem>>) target(%dma_start3A_255 : memref<10008x128xf32, #tpu.memory_space<vmem_shared>>) offsets(%dma_start3A_252 : memref<128xi32, #tpu.memory_space<vmem>>) semaphore(%run_scoped3A_249 : memref<!tpu.dma_semaphore, #tpu.memory_space<semaphore_mem>>) {add = true}
          %dma_wait3A_256 = arith.constant 0 : i32
          %dma_wait3A_257 = tpu.memref_slice %arg10[%add3A_247, %run_scoped3A_248, %dma_wait3A_256] : memref<26x1x128xi32, #tpu.memory_space<vmem>> -> memref<1x1x128xi32, #tpu.memory_space<vmem>>
          %dma_wait3A_258 = tpu.memref_squeeze %dma_wait3A_257 : memref<1x1x128xi32, #tpu.memory_space<vmem>> -> memref<128xi32, #tpu.memory_space<vmem>>
          %dma_wait3A_259 = arith.constant 0 : i32
          %dma_wait3A_260 = arith.constant 0 : i32
          %dma_wait3A_261 = tpu.memref_slice %arg15[%dma_wait3A_259, %dma_wait3A_260] : memref<10008x128xf32, #tpu.memory_space<vmem_shared>> -> memref<10008x128xf32, #tpu.memory_space<vmem_shared>>
          tpu.wait_indirect_dma semaphore(%run_scoped3A_249 : memref<!tpu.dma_semaphore, #tpu.memory_space<semaphore_mem>>) src(%arg14 : memref<128x128xf32, #tpu.memory_space<vmem>>) dst(%dma_wait3A_261 : memref<10008x128xf32, #tpu.memory_space<vmem_shared>>)
          tpu.yield
        }) : () -> ()
      }
      %scan3A_59 = arith.constant 13 : i32
      %dma_wait3A_60 = tpu.memref_slice %arg4[%mul3A_41] : memref<320000xi32, #tpu.memory_space<hbm>> -> memref<3328xi32, #tpu.memory_space<hbm>>
      %dma_wait3A_61 = tpu.memref_slice %arg4[%mul3A_41] : memref<320000xi32, #tpu.memory_space<hbm>> -> memref<3328xi32, #tpu.memory_space<hbm>>
      tpu.wait_dma2 semaphore(%arg18 : memref<!tpu.dma_semaphore, #tpu.memory_space<semaphore_mem>>) src(%dma_wait3A_61 : memref<3328xi32, #tpu.memory_space<hbm>>) dst(%arg9 : memref<3328xi32, #tpu.memory_space<vmem>>)
      %dma_wait3A_62 = arith.constant 0 : i32
      %dma_wait3A_63 = arith.constant 0 : i32
      %dma_wait3A_64 = tpu.memref_slice %arg5[%add3A_39, %dma_wait3A_62, %dma_wait3A_63] : memref<2500x1x128xi32, #tpu.memory_space<hbm>> -> memref<26x1x128xi32, #tpu.memory_space<hbm>>
      %dma_wait3A_65 = arith.constant 0 : i32
      %dma_wait3A_66 = arith.constant 0 : i32
      %dma_wait3A_67 = tpu.memref_slice %arg5[%add3A_39, %dma_wait3A_65, %dma_wait3A_66] : memref<2500x1x128xi32, #tpu.memory_space<hbm>> -> memref<26x1x128xi32, #tpu.memory_space<hbm>>
      tpu.wait_dma2 semaphore(%arg18 : memref<!tpu.dma_semaphore, #tpu.memory_space<semaphore_mem>>) src(%dma_wait3A_67 : memref<26x1x128xi32, #tpu.memory_space<hbm>>) dst(%arg11 : memref<26x1x128xi32, #tpu.memory_space<vmem>>)
      %add3A_68 = arith.constant 52 : i32
      %add3A_69 = arith.addi %mul3A_0, %add3A_68 : i32
      %mul3A_70 = arith.constant 128 : i32
      %mul3A_71 = arith.muli %add3A_69, %mul3A_70 : i32
      %dma_start3A_72 = tpu.memref_slice %arg4[%mul3A_71] : memref<320000xi32, #tpu.memory_space<hbm>> -> memref<3328xi32, #tpu.memory_space<hbm>>
      %dma_start3A_73 = tpu.memref_slice %arg4[%mul3A_71] : memref<320000xi32, #tpu.memory_space<hbm>> -> memref<3328xi32, #tpu.memory_space<hbm>>
      tpu.enqueue_dma source(%dma_start3A_73 : memref<3328xi32, #tpu.memory_space<hbm>>) target(%arg8 : memref<3328xi32, #tpu.memory_space<vmem>>) target_semaphore(%arg18 : memref<!tpu.dma_semaphore, #tpu.memory_space<semaphore_mem>>)
      %dma_start3A_74 = arith.constant 0 : i32
      %dma_start3A_75 = arith.constant 0 : i32
      %dma_start3A_76 = tpu.memref_slice %arg5[%add3A_69, %dma_start3A_74, %dma_start3A_75] : memref<2500x1x128xi32, #tpu.memory_space<hbm>> -> memref<26x1x128xi32, #tpu.memory_space<hbm>>
      %dma_start3A_77 = arith.constant 0 : i32
      %dma_start3A_78 = arith.constant 0 : i32
      %dma_start3A_79 = tpu.memref_slice %arg5[%add3A_69, %dma_start3A_77, %dma_start3A_78] : memref<2500x1x128xi32, #tpu.memory_space<hbm>> -> memref<26x1x128xi32, #tpu.memory_space<hbm>>
      tpu.enqueue_dma source(%dma_start3A_79 : memref<26x1x128xi32, #tpu.memory_space<hbm>>) target(%arg10 : memref<26x1x128xi32, #tpu.memory_space<vmem>>) target_semaphore(%arg18 : memref<!tpu.dma_semaphore, #tpu.memory_space<semaphore_mem>>)
      %dma_start3A_80 = arith.constant 0 : i32
      %dma_start3A_81 = tpu.memref_slice %arg9[%dma_start3A_80] : memref<3328xi32, #tpu.memory_space<vmem>> -> memref<128xi32, #tpu.memory_space<vmem>>
      %dma_start3A_82 = arith.constant 0 : i32
      %dma_start3A_83 = arith.constant 0 : i32
      %dma_start3A_84 = tpu.memref_slice %arg2[%dma_start3A_82, %dma_start3A_83] : memref<10000x128xf32, #tpu.memory_space<hbm>> -> memref<10000x128xf32, #tpu.memory_space<hbm>>
      tpu.enqueue_indirect_dma source(%dma_start3A_84 : memref<10000x128xf32, #tpu.memory_space<hbm>>) target(%arg13 : memref<128x128xf32, #tpu.memory_space<vmem>>) offsets(%dma_start3A_81 : memref<128xi32, #tpu.memory_space<vmem>>) semaphore(%arg16 : memref<!tpu.dma_semaphore, #tpu.memory_space<semaphore_mem>>)
      %scan3A_85 = arith.constant 0 : i32
      %scan3A_86 = arith.constant 0 : i32
      %scan3A_87 = arith.constant 13 : i32
      %scan3A_88 = arith.addi %scan3A_86, %scan3A_87 : i32
      %scan3A_89 = arith.constant 1 : i32
      scf.for %scan3A_217 = %scan3A_86 to %scan3A_88 step %scan3A_89  : i32 {
        %mul3A_218 = arith.constant 2 : i32
        %mul3A_219 = arith.muli %mul3A_218, %scan3A_217 : i32
        %add3A_220 = arith.constant 1 : i32
        %add3A_221 = arith.addi %mul3A_219, %add3A_220 : i32
        %mul3A_222 = arith.constant 128 : i32
        %mul3A_223 = arith.muli %add3A_221, %mul3A_222 : i32
        %dma_start3A_224 = tpu.memref_slice %arg9[%mul3A_223] : memref<3328xi32, #tpu.memory_space<vmem>> -> memref<128xi32, #tpu.memory_space<vmem>>
        %dma_start3A_225 = arith.constant 0 : i32
        %dma_start3A_226 = arith.constant 0 : i32
        %dma_start3A_227 = tpu.memref_slice %arg2[%dma_start3A_225, %dma_start3A_226] : memref<10000x128xf32, #tpu.memory_space<hbm>> -> memref<10000x128xf32, #tpu.memory_space<hbm>>
        tpu.enqueue_indirect_dma source(%dma_start3A_227 : memref<10000x128xf32, #tpu.memory_space<hbm>>) target(%arg14 : memref<128x128xf32, #tpu.memory_space<vmem>>) offsets(%dma_start3A_224 : memref<128xi32, #tpu.memory_space<vmem>>) semaphore(%arg17 : memref<!tpu.dma_semaphore, #tpu.memory_space<semaphore_mem>>)
        %dma_wait3A_228 = arith.constant 0 : i32
        %dma_wait3A_229 = tpu.memref_slice %arg9[%dma_wait3A_228] : memref<3328xi32, #tpu.memory_space<vmem>> -> memref<128xi32, #tpu.memory_space<vmem>>
        %dma_wait3A_230 = arith.constant 0 : i32
        %dma_wait3A_231 = arith.constant 0 : i32
        %dma_wait3A_232 = tpu.memref_slice %arg2[%dma_wait3A_230, %dma_wait3A_231] : memref<10000x128xf32, #tpu.memory_space<hbm>> -> memref<10000x128xf32, #tpu.memory_space<hbm>>
        tpu.wait_indirect_dma semaphore(%arg16 : memref<!tpu.dma_semaphore, #tpu.memory_space<semaphore_mem>>) src(%dma_wait3A_232 : memref<10000x128xf32, #tpu.memory_space<hbm>>) dst(%arg13 : memref<128x128xf32, #tpu.memory_space<vmem>>)
        %mul3A_233 = arith.constant 2 : i32
        %mul3A_234 = arith.muli %mul3A_233, %scan3A_217 : i32
        %run_scoped3A = arith.constant 0 : i32
        "tpu.region"() ({
          %run_scoped3A_249 = tpu.sem_alloc : memref<!tpu.dma_semaphore, #tpu.memory_space<semaphore_mem>>
          %dma_start3A_250 = arith.constant 0 : i32
          %dma_start3A_251 = tpu.memref_slice %arg11[%mul3A_234, %run_scoped3A, %dma_start3A_250] : memref<26x1x128xi32, #tpu.memory_space<vmem>> -> memref<1x1x128xi32, #tpu.memory_space<vmem>>
          %dma_start3A_252 = tpu.memref_squeeze %dma_start3A_251 : memref<1x1x128xi32, #tpu.memory_space<vmem>> -> memref<128xi32, #tpu.memory_space<vmem>>
          %dma_start3A_253 = arith.constant 0 : i32
          %dma_start3A_254 = arith.constant 0 : i32
          %dma_start3A_255 = tpu.memref_slice %arg15[%dma_start3A_253, %dma_start3A_254] : memref<10008x128xf32, #tpu.memory_space<vmem_shared>> -> memref<10008x128xf32, #tpu.memory_space<vmem_shared>>
          tpu.enqueue_indirect_dma source(%arg13 : memref<128x128xf32, #tpu.memory_space<vmem>>) target(%dma_start3A_255 : memref<10008x128xf32, #tpu.memory_space<vmem_shared>>) offsets(%dma_start3A_252 : memref<128xi32, #tpu.memory_space<vmem>>) semaphore(%run_scoped3A_249 : memref<!tpu.dma_semaphore, #tpu.memory_space<semaphore_mem>>) {add = true}
          %dma_wait3A_256 = arith.constant 0 : i32
          %dma_wait3A_257 = tpu.memref_slice %arg11[%mul3A_234, %run_scoped3A, %dma_wait3A_256] : memref<26x1x128xi32, #tpu.memory_space<vmem>> -> memref<1x1x128xi32, #tpu.memory_space<vmem>>
          %dma_wait3A_258 = tpu.memref_squeeze %dma_wait3A_257 : memref<1x1x128xi32, #tpu.memory_space<vmem>> -> memref<128xi32, #tpu.memory_space<vmem>>
          %dma_wait3A_259 = arith.constant 0 : i32
          %dma_wait3A_260 = arith.constant 0 : i32
          %dma_wait3A_261 = tpu.memref_slice %arg15[%dma_wait3A_259, %dma_wait3A_260] : memref<10008x128xf32, #tpu.memory_space<vmem_shared>> -> memref<10008x128xf32, #tpu.memory_space<vmem_shared>>
          tpu.wait_indirect_dma semaphore(%run_scoped3A_249 : memref<!tpu.dma_semaphore, #tpu.memory_space<semaphore_mem>>) src(%arg13 : memref<128x128xf32, #tpu.memory_space<vmem>>) dst(%dma_wait3A_261 : memref<10008x128xf32, #tpu.memory_space<vmem_shared>>)
          tpu.yield
        }) : () -> ()
        %lt3A_235 = arith.constant 12 : i32
        %lt3A_236 = arith.cmpi slt, %scan3A_217, %lt3A_235 : i32
        %convert_element_type3A_237 = arith.extui %lt3A_236 : i1 to i32
        %cond3A_238 = arith.constant 0 : i32
        %cond3A_239 = arith.cmpi ne, %convert_element_type3A_237, %cond3A_238 : i32
        scf.if %cond3A_239 {
          %mul3A_249 = arith.constant 2 : i32
          %mul3A_250 = arith.muli %mul3A_249, %scan3A_217 : i32
          %add3A_251 = arith.constant 2 : i32
          %add3A_252 = arith.addi %mul3A_250, %add3A_251 : i32
          %mul3A_253 = arith.constant 128 : i32
          %mul3A_254 = arith.muli %add3A_252, %mul3A_253 : i32
          %dma_start3A_255 = tpu.memref_slice %arg9[%mul3A_254] : memref<3328xi32, #tpu.memory_space<vmem>> -> memref<128xi32, #tpu.memory_space<vmem>>
          %dma_start3A_256 = arith.constant 0 : i32
          %dma_start3A_257 = arith.constant 0 : i32
          %dma_start3A_258 = tpu.memref_slice %arg2[%dma_start3A_256, %dma_start3A_257] : memref<10000x128xf32, #tpu.memory_space<hbm>> -> memref<10000x128xf32, #tpu.memory_space<hbm>>
          tpu.enqueue_indirect_dma source(%dma_start3A_258 : memref<10000x128xf32, #tpu.memory_space<hbm>>) target(%arg13 : memref<128x128xf32, #tpu.memory_space<vmem>>) offsets(%dma_start3A_255 : memref<128xi32, #tpu.memory_space<vmem>>) semaphore(%arg16 : memref<!tpu.dma_semaphore, #tpu.memory_space<semaphore_mem>>)
        } else {
        }
        %dma_wait3A_240 = tpu.memref_slice %arg9[%mul3A_223] : memref<3328xi32, #tpu.memory_space<vmem>> -> memref<128xi32, #tpu.memory_space<vmem>>
        %dma_wait3A_241 = arith.constant 0 : i32
        %dma_wait3A_242 = arith.constant 0 : i32
        %dma_wait3A_243 = tpu.memref_slice %arg2[%dma_wait3A_241, %dma_wait3A_242] : memref<10000x128xf32, #tpu.memory_space<hbm>> -> memref<10000x128xf32, #tpu.memory_space<hbm>>
        tpu.wait_indirect_dma semaphore(%arg17 : memref<!tpu.dma_semaphore, #tpu.memory_space<semaphore_mem>>) src(%dma_wait3A_243 : memref<10000x128xf32, #tpu.memory_space<hbm>>) dst(%arg14 : memref<128x128xf32, #tpu.memory_space<vmem>>)
        %mul3A_244 = arith.constant 2 : i32
        %mul3A_245 = arith.muli %mul3A_244, %scan3A_217 : i32
        %add3A_246 = arith.constant 1 : i32
        %add3A_247 = arith.addi %mul3A_245, %add3A_246 : i32
        %run_scoped3A_248 = arith.constant 0 : i32
        "tpu.region"() ({
          %run_scoped3A_249 = tpu.sem_alloc : memref<!tpu.dma_semaphore, #tpu.memory_space<semaphore_mem>>
          %dma_start3A_250 = arith.constant 0 : i32
          %dma_start3A_251 = tpu.memref_slice %arg11[%add3A_247, %run_scoped3A_248, %dma_start3A_250] : memref<26x1x128xi32, #tpu.memory_space<vmem>> -> memref<1x1x128xi32, #tpu.memory_space<vmem>>
          %dma_start3A_252 = tpu.memref_squeeze %dma_start3A_251 : memref<1x1x128xi32, #tpu.memory_space<vmem>> -> memref<128xi32, #tpu.memory_space<vmem>>
          %dma_start3A_253 = arith.constant 0 : i32
          %dma_start3A_254 = arith.constant 0 : i32
          %dma_start3A_255 = tpu.memref_slice %arg15[%dma_start3A_253, %dma_start3A_254] : memref<10008x128xf32, #tpu.memory_space<vmem_shared>> -> memref<10008x128xf32, #tpu.memory_space<vmem_shared>>
          tpu.enqueue_indirect_dma source(%arg14 : memref<128x128xf32, #tpu.memory_space<vmem>>) target(%dma_start3A_255 : memref<10008x128xf32, #tpu.memory_space<vmem_shared>>) offsets(%dma_start3A_252 : memref<128xi32, #tpu.memory_space<vmem>>) semaphore(%run_scoped3A_249 : memref<!tpu.dma_semaphore, #tpu.memory_space<semaphore_mem>>) {add = true}
          %dma_wait3A_256 = arith.constant 0 : i32
          %dma_wait3A_257 = tpu.memref_slice %arg11[%add3A_247, %run_scoped3A_248, %dma_wait3A_256] : memref<26x1x128xi32, #tpu.memory_space<vmem>> -> memref<1x1x128xi32, #tpu.memory_space<vmem>>
          %dma_wait3A_258 = tpu.memref_squeeze %dma_wait3A_257 : memref<1x1x128xi32, #tpu.memory_space<vmem>> -> memref<128xi32, #tpu.memory_space<vmem>>
          %dma_wait3A_259 = arith.constant 0 : i32
          %dma_wait3A_260 = arith.constant 0 : i32
          %dma_wait3A_261 = tpu.memref_slice %arg15[%dma_wait3A_259, %dma_wait3A_260] : memref<10008x128xf32, #tpu.memory_space<vmem_shared>> -> memref<10008x128xf32, #tpu.memory_space<vmem_shared>>
          tpu.wait_indirect_dma semaphore(%run_scoped3A_249 : memref<!tpu.dma_semaphore, #tpu.memory_space<semaphore_mem>>) src(%arg14 : memref<128x128xf32, #tpu.memory_space<vmem>>) dst(%dma_wait3A_261 : memref<10008x128xf32, #tpu.memory_space<vmem_shared>>)
          tpu.yield
        }) : () -> ()
      }
      %scan3A_90 = arith.constant 13 : i32
      %dma_wait3A_91 = tpu.memref_slice %arg4[%mul3A_71] : memref<320000xi32, #tpu.memory_space<hbm>> -> memref<3328xi32, #tpu.memory_space<hbm>>
      %dma_wait3A_92 = tpu.memref_slice %arg4[%mul3A_71] : memref<320000xi32, #tpu.memory_space<hbm>> -> memref<3328xi32, #tpu.memory_space<hbm>>
      tpu.wait_dma2 semaphore(%arg18 : memref<!tpu.dma_semaphore, #tpu.memory_space<semaphore_mem>>) src(%dma_wait3A_92 : memref<3328xi32, #tpu.memory_space<hbm>>) dst(%arg8 : memref<3328xi32, #tpu.memory_space<vmem>>)
      %dma_wait3A_93 = arith.constant 0 : i32
      %dma_wait3A_94 = arith.constant 0 : i32
      %dma_wait3A_95 = tpu.memref_slice %arg5[%add3A_69, %dma_wait3A_93, %dma_wait3A_94] : memref<2500x1x128xi32, #tpu.memory_space<hbm>> -> memref<26x1x128xi32, #tpu.memory_space<hbm>>
      %dma_wait3A_96 = arith.constant 0 : i32
      %dma_wait3A_97 = arith.constant 0 : i32
      %dma_wait3A_98 = tpu.memref_slice %arg5[%add3A_69, %dma_wait3A_96, %dma_wait3A_97] : memref<2500x1x128xi32, #tpu.memory_space<hbm>> -> memref<26x1x128xi32, #tpu.memory_space<hbm>>
      tpu.wait_dma2 semaphore(%arg18 : memref<!tpu.dma_semaphore, #tpu.memory_space<semaphore_mem>>) src(%dma_wait3A_98 : memref<26x1x128xi32, #tpu.memory_space<hbm>>) dst(%arg10 : memref<26x1x128xi32, #tpu.memory_space<vmem>>)
      %add3A_99 = arith.constant 78 : i32
      %add3A_100 = arith.addi %mul3A_0, %add3A_99 : i32
      %mul3A_101 = arith.constant 128 : i32
      %mul3A_102 = arith.muli %add3A_100, %mul3A_101 : i32
      %dma_start3A_103 = tpu.memref_slice %arg4[%mul3A_102] : memref<320000xi32, #tpu.memory_space<hbm>> -> memref<3328xi32, #tpu.memory_space<hbm>>
      %dma_start3A_104 = tpu.memref_slice %arg4[%mul3A_102] : memref<320000xi32, #tpu.memory_space<hbm>> -> memref<3328xi32, #tpu.memory_space<hbm>>
      tpu.enqueue_dma source(%dma_start3A_104 : memref<3328xi32, #tpu.memory_space<hbm>>) target(%arg9 : memref<3328xi32, #tpu.memory_space<vmem>>) target_semaphore(%arg18 : memref<!tpu.dma_semaphore, #tpu.memory_space<semaphore_mem>>)
      %dma_start3A_105 = arith.constant 0 : i32
      %dma_start3A_106 = arith.constant 0 : i32
      %dma_start3A_107 = tpu.memref_slice %arg5[%add3A_100, %dma_start3A_105, %dma_start3A_106] : memref<2500x1x128xi32, #tpu.memory_space<hbm>> -> memref<26x1x128xi32, #tpu.memory_space<hbm>>
      %dma_start3A_108 = arith.constant 0 : i32
      %dma_start3A_109 = arith.constant 0 : i32
      %dma_start3A_110 = tpu.memref_slice %arg5[%add3A_100, %dma_start3A_108, %dma_start3A_109] : memref<2500x1x128xi32, #tpu.memory_space<hbm>> -> memref<26x1x128xi32, #tpu.memory_space<hbm>>
      tpu.enqueue_dma source(%dma_start3A_110 : memref<26x1x128xi32, #tpu.memory_space<hbm>>) target(%arg11 : memref<26x1x128xi32, #tpu.memory_space<vmem>>) target_semaphore(%arg18 : memref<!tpu.dma_semaphore, #tpu.memory_space<semaphore_mem>>)
      %dma_start3A_111 = arith.constant 0 : i32
      %dma_start3A_112 = tpu.memref_slice %arg8[%dma_start3A_111] : memref<3328xi32, #tpu.memory_space<vmem>> -> memref<128xi32, #tpu.memory_space<vmem>>
      %dma_start3A_113 = arith.constant 0 : i32
      %dma_start3A_114 = arith.constant 0 : i32
      %dma_start3A_115 = tpu.memref_slice %arg2[%dma_start3A_113, %dma_start3A_114] : memref<10000x128xf32, #tpu.memory_space<hbm>> -> memref<10000x128xf32, #tpu.memory_space<hbm>>
      tpu.enqueue_indirect_dma source(%dma_start3A_115 : memref<10000x128xf32, #tpu.memory_space<hbm>>) target(%arg13 : memref<128x128xf32, #tpu.memory_space<vmem>>) offsets(%dma_start3A_112 : memref<128xi32, #tpu.memory_space<vmem>>) semaphore(%arg16 : memref<!tpu.dma_semaphore, #tpu.memory_space<semaphore_mem>>)
      %scan3A_116 = arith.constant 0 : i32
      %scan3A_117 = arith.constant 0 : i32
      %scan3A_118 = arith.constant 13 : i32
      %scan3A_119 = arith.addi %scan3A_117, %scan3A_118 : i32
      %scan3A_120 = arith.constant 1 : i32
      scf.for %scan3A_217 = %scan3A_117 to %scan3A_119 step %scan3A_120  : i32 {
        %mul3A_218 = arith.constant 2 : i32
        %mul3A_219 = arith.muli %mul3A_218, %scan3A_217 : i32
        %add3A_220 = arith.constant 1 : i32
        %add3A_221 = arith.addi %mul3A_219, %add3A_220 : i32
        %mul3A_222 = arith.constant 128 : i32
        %mul3A_223 = arith.muli %add3A_221, %mul3A_222 : i32
        %dma_start3A_224 = tpu.memref_slice %arg8[%mul3A_223] : memref<3328xi32, #tpu.memory_space<vmem>> -> memref<128xi32, #tpu.memory_space<vmem>>
        %dma_start3A_225 = arith.constant 0 : i32
        %dma_start3A_226 = arith.constant 0 : i32
        %dma_start3A_227 = tpu.memref_slice %arg2[%dma_start3A_225, %dma_start3A_226] : memref<10000x128xf32, #tpu.memory_space<hbm>> -> memref<10000x128xf32, #tpu.memory_space<hbm>>
        tpu.enqueue_indirect_dma source(%dma_start3A_227 : memref<10000x128xf32, #tpu.memory_space<hbm>>) target(%arg14 : memref<128x128xf32, #tpu.memory_space<vmem>>) offsets(%dma_start3A_224 : memref<128xi32, #tpu.memory_space<vmem>>) semaphore(%arg17 : memref<!tpu.dma_semaphore, #tpu.memory_space<semaphore_mem>>)
        %dma_wait3A_228 = arith.constant 0 : i32
        %dma_wait3A_229 = tpu.memref_slice %arg8[%dma_wait3A_228] : memref<3328xi32, #tpu.memory_space<vmem>> -> memref<128xi32, #tpu.memory_space<vmem>>
        %dma_wait3A_230 = arith.constant 0 : i32
        %dma_wait3A_231 = arith.constant 0 : i32
        %dma_wait3A_232 = tpu.memref_slice %arg2[%dma_wait3A_230, %dma_wait3A_231] : memref<10000x128xf32, #tpu.memory_space<hbm>> -> memref<10000x128xf32, #tpu.memory_space<hbm>>
        tpu.wait_indirect_dma semaphore(%arg16 : memref<!tpu.dma_semaphore, #tpu.memory_space<semaphore_mem>>) src(%dma_wait3A_232 : memref<10000x128xf32, #tpu.memory_space<hbm>>) dst(%arg13 : memref<128x128xf32, #tpu.memory_space<vmem>>)
        %mul3A_233 = arith.constant 2 : i32
        %mul3A_234 = arith.muli %mul3A_233, %scan3A_217 : i32
        %run_scoped3A = arith.constant 0 : i32
        "tpu.region"() ({
          %run_scoped3A_249 = tpu.sem_alloc : memref<!tpu.dma_semaphore, #tpu.memory_space<semaphore_mem>>
          %dma_start3A_250 = arith.constant 0 : i32
          %dma_start3A_251 = tpu.memref_slice %arg10[%mul3A_234, %run_scoped3A, %dma_start3A_250] : memref<26x1x128xi32, #tpu.memory_space<vmem>> -> memref<1x1x128xi32, #tpu.memory_space<vmem>>
          %dma_start3A_252 = tpu.memref_squeeze %dma_start3A_251 : memref<1x1x128xi32, #tpu.memory_space<vmem>> -> memref<128xi32, #tpu.memory_space<vmem>>
          %dma_start3A_253 = arith.constant 0 : i32
          %dma_start3A_254 = arith.constant 0 : i32
          %dma_start3A_255 = tpu.memref_slice %arg15[%dma_start3A_253, %dma_start3A_254] : memref<10008x128xf32, #tpu.memory_space<vmem_shared>> -> memref<10008x128xf32, #tpu.memory_space<vmem_shared>>
          tpu.enqueue_indirect_dma source(%arg13 : memref<128x128xf32, #tpu.memory_space<vmem>>) target(%dma_start3A_255 : memref<10008x128xf32, #tpu.memory_space<vmem_shared>>) offsets(%dma_start3A_252 : memref<128xi32, #tpu.memory_space<vmem>>) semaphore(%run_scoped3A_249 : memref<!tpu.dma_semaphore, #tpu.memory_space<semaphore_mem>>) {add = true}
          %dma_wait3A_256 = arith.constant 0 : i32
          %dma_wait3A_257 = tpu.memref_slice %arg10[%mul3A_234, %run_scoped3A, %dma_wait3A_256] : memref<26x1x128xi32, #tpu.memory_space<vmem>> -> memref<1x1x128xi32, #tpu.memory_space<vmem>>
          %dma_wait3A_258 = tpu.memref_squeeze %dma_wait3A_257 : memref<1x1x128xi32, #tpu.memory_space<vmem>> -> memref<128xi32, #tpu.memory_space<vmem>>
          %dma_wait3A_259 = arith.constant 0 : i32
          %dma_wait3A_260 = arith.constant 0 : i32
          %dma_wait3A_261 = tpu.memref_slice %arg15[%dma_wait3A_259, %dma_wait3A_260] : memref<10008x128xf32, #tpu.memory_space<vmem_shared>> -> memref<10008x128xf32, #tpu.memory_space<vmem_shared>>
          tpu.wait_indirect_dma semaphore(%run_scoped3A_249 : memref<!tpu.dma_semaphore, #tpu.memory_space<semaphore_mem>>) src(%arg13 : memref<128x128xf32, #tpu.memory_space<vmem>>) dst(%dma_wait3A_261 : memref<10008x128xf32, #tpu.memory_space<vmem_shared>>)
          tpu.yield
        }) : () -> ()
        %lt3A_235 = arith.constant 12 : i32
        %lt3A_236 = arith.cmpi slt, %scan3A_217, %lt3A_235 : i32
        %convert_element_type3A_237 = arith.extui %lt3A_236 : i1 to i32
        %cond3A_238 = arith.constant 0 : i32
        %cond3A_239 = arith.cmpi ne, %convert_element_type3A_237, %cond3A_238 : i32
        scf.if %cond3A_239 {
          %mul3A_249 = arith.constant 2 : i32
          %mul3A_250 = arith.muli %mul3A_249, %scan3A_217 : i32
          %add3A_251 = arith.constant 2 : i32
          %add3A_252 = arith.addi %mul3A_250, %add3A_251 : i32
          %mul3A_253 = arith.constant 128 : i32
          %mul3A_254 = arith.muli %add3A_252, %mul3A_253 : i32
          %dma_start3A_255 = tpu.memref_slice %arg8[%mul3A_254] : memref<3328xi32, #tpu.memory_space<vmem>> -> memref<128xi32, #tpu.memory_space<vmem>>
          %dma_start3A_256 = arith.constant 0 : i32
          %dma_start3A_257 = arith.constant 0 : i32
          %dma_start3A_258 = tpu.memref_slice %arg2[%dma_start3A_256, %dma_start3A_257] : memref<10000x128xf32, #tpu.memory_space<hbm>> -> memref<10000x128xf32, #tpu.memory_space<hbm>>
          tpu.enqueue_indirect_dma source(%dma_start3A_258 : memref<10000x128xf32, #tpu.memory_space<hbm>>) target(%arg13 : memref<128x128xf32, #tpu.memory_space<vmem>>) offsets(%dma_start3A_255 : memref<128xi32, #tpu.memory_space<vmem>>) semaphore(%arg16 : memref<!tpu.dma_semaphore, #tpu.memory_space<semaphore_mem>>)
        } else {
        }
        %dma_wait3A_240 = tpu.memref_slice %arg8[%mul3A_223] : memref<3328xi32, #tpu.memory_space<vmem>> -> memref<128xi32, #tpu.memory_space<vmem>>
        %dma_wait3A_241 = arith.constant 0 : i32
        %dma_wait3A_242 = arith.constant 0 : i32
        %dma_wait3A_243 = tpu.memref_slice %arg2[%dma_wait3A_241, %dma_wait3A_242] : memref<10000x128xf32, #tpu.memory_space<hbm>> -> memref<10000x128xf32, #tpu.memory_space<hbm>>
        tpu.wait_indirect_dma semaphore(%arg17 : memref<!tpu.dma_semaphore, #tpu.memory_space<semaphore_mem>>) src(%dma_wait3A_243 : memref<10000x128xf32, #tpu.memory_space<hbm>>) dst(%arg14 : memref<128x128xf32, #tpu.memory_space<vmem>>)
        %mul3A_244 = arith.constant 2 : i32
        %mul3A_245 = arith.muli %mul3A_244, %scan3A_217 : i32
        %add3A_246 = arith.constant 1 : i32
        %add3A_247 = arith.addi %mul3A_245, %add3A_246 : i32
        %run_scoped3A_248 = arith.constant 0 : i32
        "tpu.region"() ({
          %run_scoped3A_249 = tpu.sem_alloc : memref<!tpu.dma_semaphore, #tpu.memory_space<semaphore_mem>>
          %dma_start3A_250 = arith.constant 0 : i32
          %dma_start3A_251 = tpu.memref_slice %arg10[%add3A_247, %run_scoped3A_248, %dma_start3A_250] : memref<26x1x128xi32, #tpu.memory_space<vmem>> -> memref<1x1x128xi32, #tpu.memory_space<vmem>>
          %dma_start3A_252 = tpu.memref_squeeze %dma_start3A_251 : memref<1x1x128xi32, #tpu.memory_space<vmem>> -> memref<128xi32, #tpu.memory_space<vmem>>
          %dma_start3A_253 = arith.constant 0 : i32
          %dma_start3A_254 = arith.constant 0 : i32
          %dma_start3A_255 = tpu.memref_slice %arg15[%dma_start3A_253, %dma_start3A_254] : memref<10008x128xf32, #tpu.memory_space<vmem_shared>> -> memref<10008x128xf32, #tpu.memory_space<vmem_shared>>
          tpu.enqueue_indirect_dma source(%arg14 : memref<128x128xf32, #tpu.memory_space<vmem>>) target(%dma_start3A_255 : memref<10008x128xf32, #tpu.memory_space<vmem_shared>>) offsets(%dma_start3A_252 : memref<128xi32, #tpu.memory_space<vmem>>) semaphore(%run_scoped3A_249 : memref<!tpu.dma_semaphore, #tpu.memory_space<semaphore_mem>>) {add = true}
          %dma_wait3A_256 = arith.constant 0 : i32
          %dma_wait3A_257 = tpu.memref_slice %arg10[%add3A_247, %run_scoped3A_248, %dma_wait3A_256] : memref<26x1x128xi32, #tpu.memory_space<vmem>> -> memref<1x1x128xi32, #tpu.memory_space<vmem>>
          %dma_wait3A_258 = tpu.memref_squeeze %dma_wait3A_257 : memref<1x1x128xi32, #tpu.memory_space<vmem>> -> memref<128xi32, #tpu.memory_space<vmem>>
          %dma_wait3A_259 = arith.constant 0 : i32
          %dma_wait3A_260 = arith.constant 0 : i32
          %dma_wait3A_261 = tpu.memref_slice %arg15[%dma_wait3A_259, %dma_wait3A_260] : memref<10008x128xf32, #tpu.memory_space<vmem_shared>> -> memref<10008x128xf32, #tpu.memory_space<vmem_shared>>
          tpu.wait_indirect_dma semaphore(%run_scoped3A_249 : memref<!tpu.dma_semaphore, #tpu.memory_space<semaphore_mem>>) src(%arg14 : memref<128x128xf32, #tpu.memory_space<vmem>>) dst(%dma_wait3A_261 : memref<10008x128xf32, #tpu.memory_space<vmem_shared>>)
          tpu.yield
        }) : () -> ()
      }
      %scan3A_121 = arith.constant 13 : i32
      %dma_wait3A_122 = tpu.memref_slice %arg4[%mul3A_102] : memref<320000xi32, #tpu.memory_space<hbm>> -> memref<3328xi32, #tpu.memory_space<hbm>>
      %dma_wait3A_123 = tpu.memref_slice %arg4[%mul3A_102] : memref<320000xi32, #tpu.memory_space<hbm>> -> memref<3328xi32, #tpu.memory_space<hbm>>
      tpu.wait_dma2 semaphore(%arg18 : memref<!tpu.dma_semaphore, #tpu.memory_space<semaphore_mem>>) src(%dma_wait3A_123 : memref<3328xi32, #tpu.memory_space<hbm>>) dst(%arg9 : memref<3328xi32, #tpu.memory_space<vmem>>)
      %dma_wait3A_124 = arith.constant 0 : i32
      %dma_wait3A_125 = arith.constant 0 : i32
      %dma_wait3A_126 = tpu.memref_slice %arg5[%add3A_100, %dma_wait3A_124, %dma_wait3A_125] : memref<2500x1x128xi32, #tpu.memory_space<hbm>> -> memref<26x1x128xi32, #tpu.memory_space<hbm>>
      %dma_wait3A_127 = arith.constant 0 : i32
      %dma_wait3A_128 = arith.constant 0 : i32
      %dma_wait3A_129 = tpu.memref_slice %arg5[%add3A_100, %dma_wait3A_127, %dma_wait3A_128] : memref<2500x1x128xi32, #tpu.memory_space<hbm>> -> memref<26x1x128xi32, #tpu.memory_space<hbm>>
      tpu.wait_dma2 semaphore(%arg18 : memref<!tpu.dma_semaphore, #tpu.memory_space<semaphore_mem>>) src(%dma_wait3A_129 : memref<26x1x128xi32, #tpu.memory_space<hbm>>) dst(%arg11 : memref<26x1x128xi32, #tpu.memory_space<vmem>>)
      %add3A_130 = arith.constant 104 : i32
      %add3A_131 = arith.addi %mul3A_0, %add3A_130 : i32
      %mul3A_132 = arith.constant 128 : i32
      %mul3A_133 = arith.muli %add3A_131, %mul3A_132 : i32
      %dma_start3A_134 = tpu.memref_slice %arg4[%mul3A_133] : memref<320000xi32, #tpu.memory_space<hbm>> -> memref<3328xi32, #tpu.memory_space<hbm>>
      %dma_start3A_135 = tpu.memref_slice %arg4[%mul3A_133] : memref<320000xi32, #tpu.memory_space<hbm>> -> memref<3328xi32, #tpu.memory_space<hbm>>
      tpu.enqueue_dma source(%dma_start3A_135 : memref<3328xi32, #tpu.memory_space<hbm>>) target(%arg8 : memref<3328xi32, #tpu.memory_space<vmem>>) target_semaphore(%arg18 : memref<!tpu.dma_semaphore, #tpu.memory_space<semaphore_mem>>)
      %dma_start3A_136 = arith.constant 0 : i32
      %dma_start3A_137 = arith.constant 0 : i32
      %dma_start3A_138 = tpu.memref_slice %arg5[%add3A_131, %dma_start3A_136, %dma_start3A_137] : memref<2500x1x128xi32, #tpu.memory_space<hbm>> -> memref<26x1x128xi32, #tpu.memory_space<hbm>>
      %dma_start3A_139 = arith.constant 0 : i32
      %dma_start3A_140 = arith.constant 0 : i32
      %dma_start3A_141 = tpu.memref_slice %arg5[%add3A_131, %dma_start3A_139, %dma_start3A_140] : memref<2500x1x128xi32, #tpu.memory_space<hbm>> -> memref<26x1x128xi32, #tpu.memory_space<hbm>>
      tpu.enqueue_dma source(%dma_start3A_141 : memref<26x1x128xi32, #tpu.memory_space<hbm>>) target(%arg10 : memref<26x1x128xi32, #tpu.memory_space<vmem>>) target_semaphore(%arg18 : memref<!tpu.dma_semaphore, #tpu.memory_space<semaphore_mem>>)
      %dma_start3A_142 = arith.constant 0 : i32
      %dma_start3A_143 = tpu.memref_slice %arg9[%dma_start3A_142] : memref<3328xi32, #tpu.memory_space<vmem>> -> memref<128xi32, #tpu.memory_space<vmem>>
      %dma_start3A_144 = arith.constant 0 : i32
      %dma_start3A_145 = arith.constant 0 : i32
      %dma_start3A_146 = tpu.memref_slice %arg2[%dma_start3A_144, %dma_start3A_145] : memref<10000x128xf32, #tpu.memory_space<hbm>> -> memref<10000x128xf32, #tpu.memory_space<hbm>>
      tpu.enqueue_indirect_dma source(%dma_start3A_146 : memref<10000x128xf32, #tpu.memory_space<hbm>>) target(%arg13 : memref<128x128xf32, #tpu.memory_space<vmem>>) offsets(%dma_start3A_143 : memref<128xi32, #tpu.memory_space<vmem>>) semaphore(%arg16 : memref<!tpu.dma_semaphore, #tpu.memory_space<semaphore_mem>>)
      %scan3A_147 = arith.constant 0 : i32
      %scan3A_148 = arith.constant 0 : i32
      %scan3A_149 = arith.constant 13 : i32
      %scan3A_150 = arith.addi %scan3A_148, %scan3A_149 : i32
      %scan3A_151 = arith.constant 1 : i32
      scf.for %scan3A_217 = %scan3A_148 to %scan3A_150 step %scan3A_151  : i32 {
        %mul3A_218 = arith.constant 2 : i32
        %mul3A_219 = arith.muli %mul3A_218, %scan3A_217 : i32
        %add3A_220 = arith.constant 1 : i32
        %add3A_221 = arith.addi %mul3A_219, %add3A_220 : i32
        %mul3A_222 = arith.constant 128 : i32
        %mul3A_223 = arith.muli %add3A_221, %mul3A_222 : i32
        %dma_start3A_224 = tpu.memref_slice %arg9[%mul3A_223] : memref<3328xi32, #tpu.memory_space<vmem>> -> memref<128xi32, #tpu.memory_space<vmem>>
        %dma_start3A_225 = arith.constant 0 : i32
        %dma_start3A_226 = arith.constant 0 : i32
        %dma_start3A_227 = tpu.memref_slice %arg2[%dma_start3A_225, %dma_start3A_226] : memref<10000x128xf32, #tpu.memory_space<hbm>> -> memref<10000x128xf32, #tpu.memory_space<hbm>>
        tpu.enqueue_indirect_dma source(%dma_start3A_227 : memref<10000x128xf32, #tpu.memory_space<hbm>>) target(%arg14 : memref<128x128xf32, #tpu.memory_space<vmem>>) offsets(%dma_start3A_224 : memref<128xi32, #tpu.memory_space<vmem>>) semaphore(%arg17 : memref<!tpu.dma_semaphore, #tpu.memory_space<semaphore_mem>>)
        %dma_wait3A_228 = arith.constant 0 : i32
        %dma_wait3A_229 = tpu.memref_slice %arg9[%dma_wait3A_228] : memref<3328xi32, #tpu.memory_space<vmem>> -> memref<128xi32, #tpu.memory_space<vmem>>
        %dma_wait3A_230 = arith.constant 0 : i32
        %dma_wait3A_231 = arith.constant 0 : i32
        %dma_wait3A_232 = tpu.memref_slice %arg2[%dma_wait3A_230, %dma_wait3A_231] : memref<10000x128xf32, #tpu.memory_space<hbm>> -> memref<10000x128xf32, #tpu.memory_space<hbm>>
        tpu.wait_indirect_dma semaphore(%arg16 : memref<!tpu.dma_semaphore, #tpu.memory_space<semaphore_mem>>) src(%dma_wait3A_232 : memref<10000x128xf32, #tpu.memory_space<hbm>>) dst(%arg13 : memref<128x128xf32, #tpu.memory_space<vmem>>)
        %mul3A_233 = arith.constant 2 : i32
        %mul3A_234 = arith.muli %mul3A_233, %scan3A_217 : i32
        %run_scoped3A = arith.constant 0 : i32
        "tpu.region"() ({
          %run_scoped3A_249 = tpu.sem_alloc : memref<!tpu.dma_semaphore, #tpu.memory_space<semaphore_mem>>
          %dma_start3A_250 = arith.constant 0 : i32
          %dma_start3A_251 = tpu.memref_slice %arg11[%mul3A_234, %run_scoped3A, %dma_start3A_250] : memref<26x1x128xi32, #tpu.memory_space<vmem>> -> memref<1x1x128xi32, #tpu.memory_space<vmem>>
          %dma_start3A_252 = tpu.memref_squeeze %dma_start3A_251 : memref<1x1x128xi32, #tpu.memory_space<vmem>> -> memref<128xi32, #tpu.memory_space<vmem>>
          %dma_start3A_253 = arith.constant 0 : i32
          %dma_start3A_254 = arith.constant 0 : i32
          %dma_start3A_255 = tpu.memref_slice %arg15[%dma_start3A_253, %dma_start3A_254] : memref<10008x128xf32, #tpu.memory_space<vmem_shared>> -> memref<10008x128xf32, #tpu.memory_space<vmem_shared>>
          tpu.enqueue_indirect_dma source(%arg13 : memref<128x128xf32, #tpu.memory_space<vmem>>) target(%dma_start3A_255 : memref<10008x128xf32, #tpu.memory_space<vmem_shared>>) offsets(%dma_start3A_252 : memref<128xi32, #tpu.memory_space<vmem>>) semaphore(%run_scoped3A_249 : memref<!tpu.dma_semaphore, #tpu.memory_space<semaphore_mem>>) {add = true}
          %dma_wait3A_256 = arith.constant 0 : i32
          %dma_wait3A_257 = tpu.memref_slice %arg11[%mul3A_234, %run_scoped3A, %dma_wait3A_256] : memref<26x1x128xi32, #tpu.memory_space<vmem>> -> memref<1x1x128xi32, #tpu.memory_space<vmem>>
          %dma_wait3A_258 = tpu.memref_squeeze %dma_wait3A_257 : memref<1x1x128xi32, #tpu.memory_space<vmem>> -> memref<128xi32, #tpu.memory_space<vmem>>
          %dma_wait3A_259 = arith.constant 0 : i32
          %dma_wait3A_260 = arith.constant 0 : i32
          %dma_wait3A_261 = tpu.memref_slice %arg15[%dma_wait3A_259, %dma_wait3A_260] : memref<10008x128xf32, #tpu.memory_space<vmem_shared>> -> memref<10008x128xf32, #tpu.memory_space<vmem_shared>>
          tpu.wait_indirect_dma semaphore(%run_scoped3A_249 : memref<!tpu.dma_semaphore, #tpu.memory_space<semaphore_mem>>) src(%arg13 : memref<128x128xf32, #tpu.memory_space<vmem>>) dst(%dma_wait3A_261 : memref<10008x128xf32, #tpu.memory_space<vmem_shared>>)
          tpu.yield
        }) : () -> ()
        %lt3A_235 = arith.constant 12 : i32
        %lt3A_236 = arith.cmpi slt, %scan3A_217, %lt3A_235 : i32
        %convert_element_type3A_237 = arith.extui %lt3A_236 : i1 to i32
        %cond3A_238 = arith.constant 0 : i32
        %cond3A_239 = arith.cmpi ne, %convert_element_type3A_237, %cond3A_238 : i32
        scf.if %cond3A_239 {
          %mul3A_249 = arith.constant 2 : i32
          %mul3A_250 = arith.muli %mul3A_249, %scan3A_217 : i32
          %add3A_251 = arith.constant 2 : i32
          %add3A_252 = arith.addi %mul3A_250, %add3A_251 : i32
          %mul3A_253 = arith.constant 128 : i32
          %mul3A_254 = arith.muli %add3A_252, %mul3A_253 : i32
          %dma_start3A_255 = tpu.memref_slice %arg9[%mul3A_254] : memref<3328xi32, #tpu.memory_space<vmem>> -> memref<128xi32, #tpu.memory_space<vmem>>
          %dma_start3A_256 = arith.constant 0 : i32
          %dma_start3A_257 = arith.constant 0 : i32
          %dma_start3A_258 = tpu.memref_slice %arg2[%dma_start3A_256, %dma_start3A_257] : memref<10000x128xf32, #tpu.memory_space<hbm>> -> memref<10000x128xf32, #tpu.memory_space<hbm>>
          tpu.enqueue_indirect_dma source(%dma_start3A_258 : memref<10000x128xf32, #tpu.memory_space<hbm>>) target(%arg13 : memref<128x128xf32, #tpu.memory_space<vmem>>) offsets(%dma_start3A_255 : memref<128xi32, #tpu.memory_space<vmem>>) semaphore(%arg16 : memref<!tpu.dma_semaphore, #tpu.memory_space<semaphore_mem>>)
        } else {
        }
        %dma_wait3A_240 = tpu.memref_slice %arg9[%mul3A_223] : memref<3328xi32, #tpu.memory_space<vmem>> -> memref<128xi32, #tpu.memory_space<vmem>>
        %dma_wait3A_241 = arith.constant 0 : i32
        %dma_wait3A_242 = arith.constant 0 : i32
        %dma_wait3A_243 = tpu.memref_slice %arg2[%dma_wait3A_241, %dma_wait3A_242] : memref<10000x128xf32, #tpu.memory_space<hbm>> -> memref<10000x128xf32, #tpu.memory_space<hbm>>
        tpu.wait_indirect_dma semaphore(%arg17 : memref<!tpu.dma_semaphore, #tpu.memory_space<semaphore_mem>>) src(%dma_wait3A_243 : memref<10000x128xf32, #tpu.memory_space<hbm>>) dst(%arg14 : memref<128x128xf32, #tpu.memory_space<vmem>>)
        %mul3A_244 = arith.constant 2 : i32
        %mul3A_245 = arith.muli %mul3A_244, %scan3A_217 : i32
        %add3A_246 = arith.constant 1 : i32
        %add3A_247 = arith.addi %mul3A_245, %add3A_246 : i32
        %run_scoped3A_248 = arith.constant 0 : i32
        "tpu.region"() ({
          %run_scoped3A_249 = tpu.sem_alloc : memref<!tpu.dma_semaphore, #tpu.memory_space<semaphore_mem>>
          %dma_start3A_250 = arith.constant 0 : i32
          %dma_start3A_251 = tpu.memref_slice %arg11[%add3A_247, %run_scoped3A_248, %dma_start3A_250] : memref<26x1x128xi32, #tpu.memory_space<vmem>> -> memref<1x1x128xi32, #tpu.memory_space<vmem>>
          %dma_start3A_252 = tpu.memref_squeeze %dma_start3A_251 : memref<1x1x128xi32, #tpu.memory_space<vmem>> -> memref<128xi32, #tpu.memory_space<vmem>>
          %dma_start3A_253 = arith.constant 0 : i32
          %dma_start3A_254 = arith.constant 0 : i32
          %dma_start3A_255 = tpu.memref_slice %arg15[%dma_start3A_253, %dma_start3A_254] : memref<10008x128xf32, #tpu.memory_space<vmem_shared>> -> memref<10008x128xf32, #tpu.memory_space<vmem_shared>>
          tpu.enqueue_indirect_dma source(%arg14 : memref<128x128xf32, #tpu.memory_space<vmem>>) target(%dma_start3A_255 : memref<10008x128xf32, #tpu.memory_space<vmem_shared>>) offsets(%dma_start3A_252 : memref<128xi32, #tpu.memory_space<vmem>>) semaphore(%run_scoped3A_249 : memref<!tpu.dma_semaphore, #tpu.memory_space<semaphore_mem>>) {add = true}
          %dma_wait3A_256 = arith.constant 0 : i32
          %dma_wait3A_257 = tpu.memref_slice %arg11[%add3A_247, %run_scoped3A_248, %dma_wait3A_256] : memref<26x1x128xi32, #tpu.memory_space<vmem>> -> memref<1x1x128xi32, #tpu.memory_space<vmem>>
          %dma_wait3A_258 = tpu.memref_squeeze %dma_wait3A_257 : memref<1x1x128xi32, #tpu.memory_space<vmem>> -> memref<128xi32, #tpu.memory_space<vmem>>
          %dma_wait3A_259 = arith.constant 0 : i32
          %dma_wait3A_260 = arith.constant 0 : i32
          %dma_wait3A_261 = tpu.memref_slice %arg15[%dma_wait3A_259, %dma_wait3A_260] : memref<10008x128xf32, #tpu.memory_space<vmem_shared>> -> memref<10008x128xf32, #tpu.memory_space<vmem_shared>>
          tpu.wait_indirect_dma semaphore(%run_scoped3A_249 : memref<!tpu.dma_semaphore, #tpu.memory_space<semaphore_mem>>) src(%arg14 : memref<128x128xf32, #tpu.memory_space<vmem>>) dst(%dma_wait3A_261 : memref<10008x128xf32, #tpu.memory_space<vmem_shared>>)
          tpu.yield
        }) : () -> ()
      }
      %scan3A_152 = arith.constant 13 : i32
      %dma_wait3A_153 = tpu.memref_slice %arg4[%mul3A_133] : memref<320000xi32, #tpu.memory_space<hbm>> -> memref<3328xi32, #tpu.memory_space<hbm>>
      %dma_wait3A_154 = tpu.memref_slice %arg4[%mul3A_133] : memref<320000xi32, #tpu.memory_space<hbm>> -> memref<3328xi32, #tpu.memory_space<hbm>>
      tpu.wait_dma2 semaphore(%arg18 : memref<!tpu.dma_semaphore, #tpu.memory_space<semaphore_mem>>) src(%dma_wait3A_154 : memref<3328xi32, #tpu.memory_space<hbm>>) dst(%arg8 : memref<3328xi32, #tpu.memory_space<vmem>>)
      %dma_wait3A_155 = arith.constant 0 : i32
      %dma_wait3A_156 = arith.constant 0 : i32
      %dma_wait3A_157 = tpu.memref_slice %arg5[%add3A_131, %dma_wait3A_155, %dma_wait3A_156] : memref<2500x1x128xi32, #tpu.memory_space<hbm>> -> memref<26x1x128xi32, #tpu.memory_space<hbm>>
      %dma_wait3A_158 = arith.constant 0 : i32
      %dma_wait3A_159 = arith.constant 0 : i32
      %dma_wait3A_160 = tpu.memref_slice %arg5[%add3A_131, %dma_wait3A_158, %dma_wait3A_159] : memref<2500x1x128xi32, #tpu.memory_space<hbm>> -> memref<26x1x128xi32, #tpu.memory_space<hbm>>
      tpu.wait_dma2 semaphore(%arg18 : memref<!tpu.dma_semaphore, #tpu.memory_space<semaphore_mem>>) src(%dma_wait3A_160 : memref<26x1x128xi32, #tpu.memory_space<hbm>>) dst(%arg10 : memref<26x1x128xi32, #tpu.memory_space<vmem>>)
      %add3A_161 = arith.constant 130 : i32
      %add3A_162 = arith.addi %mul3A_0, %add3A_161 : i32
      %mul3A_163 = arith.constant 128 : i32
      %mul3A_164 = arith.muli %add3A_162, %mul3A_163 : i32
      %dma_start3A_165 = tpu.memref_slice %arg4[%mul3A_164] : memref<320000xi32, #tpu.memory_space<hbm>> -> memref<3328xi32, #tpu.memory_space<hbm>>
      %dma_start3A_166 = tpu.memref_slice %arg4[%mul3A_164] : memref<320000xi32, #tpu.memory_space<hbm>> -> memref<3328xi32, #tpu.memory_space<hbm>>
      tpu.enqueue_dma source(%dma_start3A_166 : memref<3328xi32, #tpu.memory_space<hbm>>) target(%arg9 : memref<3328xi32, #tpu.memory_space<vmem>>) target_semaphore(%arg18 : memref<!tpu.dma_semaphore, #tpu.memory_space<semaphore_mem>>)
      %dma_start3A_167 = arith.constant 0 : i32
      %dma_start3A_168 = arith.constant 0 : i32
      %dma_start3A_169 = tpu.memref_slice %arg5[%add3A_162, %dma_start3A_167, %dma_start3A_168] : memref<2500x1x128xi32, #tpu.memory_space<hbm>> -> memref<26x1x128xi32, #tpu.memory_space<hbm>>
      %dma_start3A_170 = arith.constant 0 : i32
      %dma_start3A_171 = arith.constant 0 : i32
      %dma_start3A_172 = tpu.memref_slice %arg5[%add3A_162, %dma_start3A_170, %dma_start3A_171] : memref<2500x1x128xi32, #tpu.memory_space<hbm>> -> memref<26x1x128xi32, #tpu.memory_space<hbm>>
      tpu.enqueue_dma source(%dma_start3A_172 : memref<26x1x128xi32, #tpu.memory_space<hbm>>) target(%arg11 : memref<26x1x128xi32, #tpu.memory_space<vmem>>) target_semaphore(%arg18 : memref<!tpu.dma_semaphore, #tpu.memory_space<semaphore_mem>>)
      %dma_start3A_173 = arith.constant 0 : i32
      %dma_start3A_174 = tpu.memref_slice %arg8[%dma_start3A_173] : memref<3328xi32, #tpu.memory_space<vmem>> -> memref<128xi32, #tpu.memory_space<vmem>>
      %dma_start3A_175 = arith.constant 0 : i32
      %dma_start3A_176 = arith.constant 0 : i32
      %dma_start3A_177 = tpu.memref_slice %arg2[%dma_start3A_175, %dma_start3A_176] : memref<10000x128xf32, #tpu.memory_space<hbm>> -> memref<10000x128xf32, #tpu.memory_space<hbm>>
      tpu.enqueue_indirect_dma source(%dma_start3A_177 : memref<10000x128xf32, #tpu.memory_space<hbm>>) target(%arg13 : memref<128x128xf32, #tpu.memory_space<vmem>>) offsets(%dma_start3A_174 : memref<128xi32, #tpu.memory_space<vmem>>) semaphore(%arg16 : memref<!tpu.dma_semaphore, #tpu.memory_space<semaphore_mem>>)
      %scan3A_178 = arith.constant 0 : i32
      %scan3A_179 = arith.constant 0 : i32
      %scan3A_180 = arith.constant 13 : i32
      %scan3A_181 = arith.addi %scan3A_179, %scan3A_180 : i32
      %scan3A_182 = arith.constant 1 : i32
      scf.for %scan3A_217 = %scan3A_179 to %scan3A_181 step %scan3A_182  : i32 {
        %mul3A_218 = arith.constant 2 : i32
        %mul3A_219 = arith.muli %mul3A_218, %scan3A_217 : i32
        %add3A_220 = arith.constant 1 : i32
        %add3A_221 = arith.addi %mul3A_219, %add3A_220 : i32
        %mul3A_222 = arith.constant 128 : i32
        %mul3A_223 = arith.muli %add3A_221, %mul3A_222 : i32
        %dma_start3A_224 = tpu.memref_slice %arg8[%mul3A_223] : memref<3328xi32, #tpu.memory_space<vmem>> -> memref<128xi32, #tpu.memory_space<vmem>>
        %dma_start3A_225 = arith.constant 0 : i32
        %dma_start3A_226 = arith.constant 0 : i32
        %dma_start3A_227 = tpu.memref_slice %arg2[%dma_start3A_225, %dma_start3A_226] : memref<10000x128xf32, #tpu.memory_space<hbm>> -> memref<10000x128xf32, #tpu.memory_space<hbm>>
        tpu.enqueue_indirect_dma source(%dma_start3A_227 : memref<10000x128xf32, #tpu.memory_space<hbm>>) target(%arg14 : memref<128x128xf32, #tpu.memory_space<vmem>>) offsets(%dma_start3A_224 : memref<128xi32, #tpu.memory_space<vmem>>) semaphore(%arg17 : memref<!tpu.dma_semaphore, #tpu.memory_space<semaphore_mem>>)
        %dma_wait3A_228 = arith.constant 0 : i32
        %dma_wait3A_229 = tpu.memref_slice %arg8[%dma_wait3A_228] : memref<3328xi32, #tpu.memory_space<vmem>> -> memref<128xi32, #tpu.memory_space<vmem>>
        %dma_wait3A_230 = arith.constant 0 : i32
        %dma_wait3A_231 = arith.constant 0 : i32
        %dma_wait3A_232 = tpu.memref_slice %arg2[%dma_wait3A_230, %dma_wait3A_231] : memref<10000x128xf32, #tpu.memory_space<hbm>> -> memref<10000x128xf32, #tpu.memory_space<hbm>>
        tpu.wait_indirect_dma semaphore(%arg16 : memref<!tpu.dma_semaphore, #tpu.memory_space<semaphore_mem>>) src(%dma_wait3A_232 : memref<10000x128xf32, #tpu.memory_space<hbm>>) dst(%arg13 : memref<128x128xf32, #tpu.memory_space<vmem>>)
        %mul3A_233 = arith.constant 2 : i32
        %mul3A_234 = arith.muli %mul3A_233, %scan3A_217 : i32
        %run_scoped3A = arith.constant 0 : i32
        "tpu.region"() ({
          %run_scoped3A_249 = tpu.sem_alloc : memref<!tpu.dma_semaphore, #tpu.memory_space<semaphore_mem>>
          %dma_start3A_250 = arith.constant 0 : i32
          %dma_start3A_251 = tpu.memref_slice %arg10[%mul3A_234, %run_scoped3A, %dma_start3A_250] : memref<26x1x128xi32, #tpu.memory_space<vmem>> -> memref<1x1x128xi32, #tpu.memory_space<vmem>>
          %dma_start3A_252 = tpu.memref_squeeze %dma_start3A_251 : memref<1x1x128xi32, #tpu.memory_space<vmem>> -> memref<128xi32, #tpu.memory_space<vmem>>
          %dma_start3A_253 = arith.constant 0 : i32
          %dma_start3A_254 = arith.constant 0 : i32
          %dma_start3A_255 = tpu.memref_slice %arg15[%dma_start3A_253, %dma_start3A_254] : memref<10008x128xf32, #tpu.memory_space<vmem_shared>> -> memref<10008x128xf32, #tpu.memory_space<vmem_shared>>
          tpu.enqueue_indirect_dma source(%arg13 : memref<128x128xf32, #tpu.memory_space<vmem>>) target(%dma_start3A_255 : memref<10008x128xf32, #tpu.memory_space<vmem_shared>>) offsets(%dma_start3A_252 : memref<128xi32, #tpu.memory_space<vmem>>) semaphore(%run_scoped3A_249 : memref<!tpu.dma_semaphore, #tpu.memory_space<semaphore_mem>>) {add = true}
          %dma_wait3A_256 = arith.constant 0 : i32
          %dma_wait3A_257 = tpu.memref_slice %arg10[%mul3A_234, %run_scoped3A, %dma_wait3A_256] : memref<26x1x128xi32, #tpu.memory_space<vmem>> -> memref<1x1x128xi32, #tpu.memory_space<vmem>>
          %dma_wait3A_258 = tpu.memref_squeeze %dma_wait3A_257 : memref<1x1x128xi32, #tpu.memory_space<vmem>> -> memref<128xi32, #tpu.memory_space<vmem>>
          %dma_wait3A_259 = arith.constant 0 : i32
          %dma_wait3A_260 = arith.constant 0 : i32
          %dma_wait3A_261 = tpu.memref_slice %arg15[%dma_wait3A_259, %dma_wait3A_260] : memref<10008x128xf32, #tpu.memory_space<vmem_shared>> -> memref<10008x128xf32, #tpu.memory_space<vmem_shared>>
          tpu.wait_indirect_dma semaphore(%run_scoped3A_249 : memref<!tpu.dma_semaphore, #tpu.memory_space<semaphore_mem>>) src(%arg13 : memref<128x128xf32, #tpu.memory_space<vmem>>) dst(%dma_wait3A_261 : memref<10008x128xf32, #tpu.memory_space<vmem_shared>>)
          tpu.yield
        }) : () -> ()
        %lt3A_235 = arith.constant 12 : i32
        %lt3A_236 = arith.cmpi slt, %scan3A_217, %lt3A_235 : i32
        %convert_element_type3A_237 = arith.extui %lt3A_236 : i1 to i32
        %cond3A_238 = arith.constant 0 : i32
        %cond3A_239 = arith.cmpi ne, %convert_element_type3A_237, %cond3A_238 : i32
        scf.if %cond3A_239 {
          %mul3A_249 = arith.constant 2 : i32
          %mul3A_250 = arith.muli %mul3A_249, %scan3A_217 : i32
          %add3A_251 = arith.constant 2 : i32
          %add3A_252 = arith.addi %mul3A_250, %add3A_251 : i32
          %mul3A_253 = arith.constant 128 : i32
          %mul3A_254 = arith.muli %add3A_252, %mul3A_253 : i32
          %dma_start3A_255 = tpu.memref_slice %arg8[%mul3A_254] : memref<3328xi32, #tpu.memory_space<vmem>> -> memref<128xi32, #tpu.memory_space<vmem>>
          %dma_start3A_256 = arith.constant 0 : i32
          %dma_start3A_257 = arith.constant 0 : i32
          %dma_start3A_258 = tpu.memref_slice %arg2[%dma_start3A_256, %dma_start3A_257] : memref<10000x128xf32, #tpu.memory_space<hbm>> -> memref<10000x128xf32, #tpu.memory_space<hbm>>
          tpu.enqueue_indirect_dma source(%dma_start3A_258 : memref<10000x128xf32, #tpu.memory_space<hbm>>) target(%arg13 : memref<128x128xf32, #tpu.memory_space<vmem>>) offsets(%dma_start3A_255 : memref<128xi32, #tpu.memory_space<vmem>>) semaphore(%arg16 : memref<!tpu.dma_semaphore, #tpu.memory_space<semaphore_mem>>)
        } else {
        }
        %dma_wait3A_240 = tpu.memref_slice %arg8[%mul3A_223] : memref<3328xi32, #tpu.memory_space<vmem>> -> memref<128xi32, #tpu.memory_space<vmem>>
        %dma_wait3A_241 = arith.constant 0 : i32
        %dma_wait3A_242 = arith.constant 0 : i32
        %dma_wait3A_243 = tpu.memref_slice %arg2[%dma_wait3A_241, %dma_wait3A_242] : memref<10000x128xf32, #tpu.memory_space<hbm>> -> memref<10000x128xf32, #tpu.memory_space<hbm>>
        tpu.wait_indirect_dma semaphore(%arg17 : memref<!tpu.dma_semaphore, #tpu.memory_space<semaphore_mem>>) src(%dma_wait3A_243 : memref<10000x128xf32, #tpu.memory_space<hbm>>) dst(%arg14 : memref<128x128xf32, #tpu.memory_space<vmem>>)
        %mul3A_244 = arith.constant 2 : i32
        %mul3A_245 = arith.muli %mul3A_244, %scan3A_217 : i32
        %add3A_246 = arith.constant 1 : i32
        %add3A_247 = arith.addi %mul3A_245, %add3A_246 : i32
        %run_scoped3A_248 = arith.constant 0 : i32
        "tpu.region"() ({
          %run_scoped3A_249 = tpu.sem_alloc : memref<!tpu.dma_semaphore, #tpu.memory_space<semaphore_mem>>
          %dma_start3A_250 = arith.constant 0 : i32
          %dma_start3A_251 = tpu.memref_slice %arg10[%add3A_247, %run_scoped3A_248, %dma_start3A_250] : memref<26x1x128xi32, #tpu.memory_space<vmem>> -> memref<1x1x128xi32, #tpu.memory_space<vmem>>
          %dma_start3A_252 = tpu.memref_squeeze %dma_start3A_251 : memref<1x1x128xi32, #tpu.memory_space<vmem>> -> memref<128xi32, #tpu.memory_space<vmem>>
          %dma_start3A_253 = arith.constant 0 : i32
          %dma_start3A_254 = arith.constant 0 : i32
          %dma_start3A_255 = tpu.memref_slice %arg15[%dma_start3A_253, %dma_start3A_254] : memref<10008x128xf32, #tpu.memory_space<vmem_shared>> -> memref<10008x128xf32, #tpu.memory_space<vmem_shared>>
          tpu.enqueue_indirect_dma source(%arg14 : memref<128x128xf32, #tpu.memory_space<vmem>>) target(%dma_start3A_255 : memref<10008x128xf32, #tpu.memory_space<vmem_shared>>) offsets(%dma_start3A_252 : memref<128xi32, #tpu.memory_space<vmem>>) semaphore(%run_scoped3A_249 : memref<!tpu.dma_semaphore, #tpu.memory_space<semaphore_mem>>) {add = true}
          %dma_wait3A_256 = arith.constant 0 : i32
          %dma_wait3A_257 = tpu.memref_slice %arg10[%add3A_247, %run_scoped3A_248, %dma_wait3A_256] : memref<26x1x128xi32, #tpu.memory_space<vmem>> -> memref<1x1x128xi32, #tpu.memory_space<vmem>>
          %dma_wait3A_258 = tpu.memref_squeeze %dma_wait3A_257 : memref<1x1x128xi32, #tpu.memory_space<vmem>> -> memref<128xi32, #tpu.memory_space<vmem>>
          %dma_wait3A_259 = arith.constant 0 : i32
          %dma_wait3A_260 = arith.constant 0 : i32
          %dma_wait3A_261 = tpu.memref_slice %arg15[%dma_wait3A_259, %dma_wait3A_260] : memref<10008x128xf32, #tpu.memory_space<vmem_shared>> -> memref<10008x128xf32, #tpu.memory_space<vmem_shared>>
          tpu.wait_indirect_dma semaphore(%run_scoped3A_249 : memref<!tpu.dma_semaphore, #tpu.memory_space<semaphore_mem>>) src(%arg14 : memref<128x128xf32, #tpu.memory_space<vmem>>) dst(%dma_wait3A_261 : memref<10008x128xf32, #tpu.memory_space<vmem_shared>>)
          tpu.yield
        }) : () -> ()
      }
      %scan3A_183 = arith.constant 13 : i32
      %dma_wait3A_184 = tpu.memref_slice %arg4[%mul3A_164] : memref<320000xi32, #tpu.memory_space<hbm>> -> memref<3328xi32, #tpu.memory_space<hbm>>
      %dma_wait3A_185 = tpu.memref_slice %arg4[%mul3A_164] : memref<320000xi32, #tpu.memory_space<hbm>> -> memref<3328xi32, #tpu.memory_space<hbm>>
      tpu.wait_dma2 semaphore(%arg18 : memref<!tpu.dma_semaphore, #tpu.memory_space<semaphore_mem>>) src(%dma_wait3A_185 : memref<3328xi32, #tpu.memory_space<hbm>>) dst(%arg9 : memref<3328xi32, #tpu.memory_space<vmem>>)
      %dma_wait3A_186 = arith.constant 0 : i32
      %dma_wait3A_187 = arith.constant 0 : i32
      %dma_wait3A_188 = tpu.memref_slice %arg5[%add3A_162, %dma_wait3A_186, %dma_wait3A_187] : memref<2500x1x128xi32, #tpu.memory_space<hbm>> -> memref<26x1x128xi32, #tpu.memory_space<hbm>>
      %dma_wait3A_189 = arith.constant 0 : i32
      %dma_wait3A_190 = arith.constant 0 : i32
      %dma_wait3A_191 = tpu.memref_slice %arg5[%add3A_162, %dma_wait3A_189, %dma_wait3A_190] : memref<2500x1x128xi32, #tpu.memory_space<hbm>> -> memref<26x1x128xi32, #tpu.memory_space<hbm>>
      tpu.wait_dma2 semaphore(%arg18 : memref<!tpu.dma_semaphore, #tpu.memory_space<semaphore_mem>>) src(%dma_wait3A_191 : memref<26x1x128xi32, #tpu.memory_space<hbm>>) dst(%arg11 : memref<26x1x128xi32, #tpu.memory_space<vmem>>)
      %dma_start3A_192 = arith.constant 0 : i32
      %dma_start3A_193 = tpu.memref_slice %arg9[%dma_start3A_192] : memref<3328xi32, #tpu.memory_space<vmem>> -> memref<128xi32, #tpu.memory_space<vmem>>
      %dma_start3A_194 = arith.constant 0 : i32
      %dma_start3A_195 = arith.constant 0 : i32
      %dma_start3A_196 = tpu.memref_slice %arg2[%dma_start3A_194, %dma_start3A_195] : memref<10000x128xf32, #tpu.memory_space<hbm>> -> memref<10000x128xf32, #tpu.memory_space<hbm>>
      tpu.enqueue_indirect_dma source(%dma_start3A_196 : memref<10000x128xf32, #tpu.memory_space<hbm>>) target(%arg13 : memref<128x128xf32, #tpu.memory_space<vmem>>) offsets(%dma_start3A_193 : memref<128xi32, #tpu.memory_space<vmem>>) semaphore(%arg16 : memref<!tpu.dma_semaphore, #tpu.memory_space<semaphore_mem>>)
      %scan3A_197 = arith.constant 0 : i32
      %scan3A_198 = arith.constant 0 : i32
      %scan3A_199 = arith.constant 13 : i32
      %scan3A_200 = arith.addi %scan3A_198, %scan3A_199 : i32
      %scan3A_201 = arith.constant 1 : i32
      scf.for %scan3A_217 = %scan3A_198 to %scan3A_200 step %scan3A_201  : i32 {
        %mul3A_218 = arith.constant 2 : i32
        %mul3A_219 = arith.muli %mul3A_218, %scan3A_217 : i32
        %add3A_220 = arith.constant 1 : i32
        %add3A_221 = arith.addi %mul3A_219, %add3A_220 : i32
        %mul3A_222 = arith.constant 128 : i32
        %mul3A_223 = arith.muli %add3A_221, %mul3A_222 : i32
        %dma_start3A_224 = tpu.memref_slice %arg9[%mul3A_223] : memref<3328xi32, #tpu.memory_space<vmem>> -> memref<128xi32, #tpu.memory_space<vmem>>
        %dma_start3A_225 = arith.constant 0 : i32
        %dma_start3A_226 = arith.constant 0 : i32
        %dma_start3A_227 = tpu.memref_slice %arg2[%dma_start3A_225, %dma_start3A_226] : memref<10000x128xf32, #tpu.memory_space<hbm>> -> memref<10000x128xf32, #tpu.memory_space<hbm>>
        tpu.enqueue_indirect_dma source(%dma_start3A_227 : memref<10000x128xf32, #tpu.memory_space<hbm>>) target(%arg14 : memref<128x128xf32, #tpu.memory_space<vmem>>) offsets(%dma_start3A_224 : memref<128xi32, #tpu.memory_space<vmem>>) semaphore(%arg17 : memref<!tpu.dma_semaphore, #tpu.memory_space<semaphore_mem>>)
        %dma_wait3A_228 = arith.constant 0 : i32
        %dma_wait3A_229 = tpu.memref_slice %arg9[%dma_wait3A_228] : memref<3328xi32, #tpu.memory_space<vmem>> -> memref<128xi32, #tpu.memory_space<vmem>>
        %dma_wait3A_230 = arith.constant 0 : i32
        %dma_wait3A_231 = arith.constant 0 : i32
        %dma_wait3A_232 = tpu.memref_slice %arg2[%dma_wait3A_230, %dma_wait3A_231] : memref<10000x128xf32, #tpu.memory_space<hbm>> -> memref<10000x128xf32, #tpu.memory_space<hbm>>
        tpu.wait_indirect_dma semaphore(%arg16 : memref<!tpu.dma_semaphore, #tpu.memory_space<semaphore_mem>>) src(%dma_wait3A_232 : memref<10000x128xf32, #tpu.memory_space<hbm>>) dst(%arg13 : memref<128x128xf32, #tpu.memory_space<vmem>>)
        %mul3A_233 = arith.constant 2 : i32
        %mul3A_234 = arith.muli %mul3A_233, %scan3A_217 : i32
        %run_scoped3A = arith.constant 0 : i32
        "tpu.region"() ({
          %run_scoped3A_249 = tpu.sem_alloc : memref<!tpu.dma_semaphore, #tpu.memory_space<semaphore_mem>>
          %dma_start3A_250 = arith.constant 0 : i32
          %dma_start3A_251 = tpu.memref_slice %arg11[%mul3A_234, %run_scoped3A, %dma_start3A_250] : memref<26x1x128xi32, #tpu.memory_space<vmem>> -> memref<1x1x128xi32, #tpu.memory_space<vmem>>
          %dma_start3A_252 = tpu.memref_squeeze %dma_start3A_251 : memref<1x1x128xi32, #tpu.memory_space<vmem>> -> memref<128xi32, #tpu.memory_space<vmem>>
          %dma_start3A_253 = arith.constant 0 : i32
          %dma_start3A_254 = arith.constant 0 : i32
          %dma_start3A_255 = tpu.memref_slice %arg15[%dma_start3A_253, %dma_start3A_254] : memref<10008x128xf32, #tpu.memory_space<vmem_shared>> -> memref<10008x128xf32, #tpu.memory_space<vmem_shared>>
          tpu.enqueue_indirect_dma source(%arg13 : memref<128x128xf32, #tpu.memory_space<vmem>>) target(%dma_start3A_255 : memref<10008x128xf32, #tpu.memory_space<vmem_shared>>) offsets(%dma_start3A_252 : memref<128xi32, #tpu.memory_space<vmem>>) semaphore(%run_scoped3A_249 : memref<!tpu.dma_semaphore, #tpu.memory_space<semaphore_mem>>) {add = true}
          %dma_wait3A_256 = arith.constant 0 : i32
          %dma_wait3A_257 = tpu.memref_slice %arg11[%mul3A_234, %run_scoped3A, %dma_wait3A_256] : memref<26x1x128xi32, #tpu.memory_space<vmem>> -> memref<1x1x128xi32, #tpu.memory_space<vmem>>
          %dma_wait3A_258 = tpu.memref_squeeze %dma_wait3A_257 : memref<1x1x128xi32, #tpu.memory_space<vmem>> -> memref<128xi32, #tpu.memory_space<vmem>>
          %dma_wait3A_259 = arith.constant 0 : i32
          %dma_wait3A_260 = arith.constant 0 : i32
          %dma_wait3A_261 = tpu.memref_slice %arg15[%dma_wait3A_259, %dma_wait3A_260] : memref<10008x128xf32, #tpu.memory_space<vmem_shared>> -> memref<10008x128xf32, #tpu.memory_space<vmem_shared>>
          tpu.wait_indirect_dma semaphore(%run_scoped3A_249 : memref<!tpu.dma_semaphore, #tpu.memory_space<semaphore_mem>>) src(%arg13 : memref<128x128xf32, #tpu.memory_space<vmem>>) dst(%dma_wait3A_261 : memref<10008x128xf32, #tpu.memory_space<vmem_shared>>)
          tpu.yield
        }) : () -> ()
        %lt3A_235 = arith.constant 12 : i32
        %lt3A_236 = arith.cmpi slt, %scan3A_217, %lt3A_235 : i32
        %convert_element_type3A_237 = arith.extui %lt3A_236 : i1 to i32
        %cond3A_238 = arith.constant 0 : i32
        %cond3A_239 = arith.cmpi ne, %convert_element_type3A_237, %cond3A_238 : i32
        scf.if %cond3A_239 {
          %mul3A_249 = arith.constant 2 : i32
          %mul3A_250 = arith.muli %mul3A_249, %scan3A_217 : i32
          %add3A_251 = arith.constant 2 : i32
          %add3A_252 = arith.addi %mul3A_250, %add3A_251 : i32
          %mul3A_253 = arith.constant 128 : i32
          %mul3A_254 = arith.muli %add3A_252, %mul3A_253 : i32
          %dma_start3A_255 = tpu.memref_slice %arg9[%mul3A_254] : memref<3328xi32, #tpu.memory_space<vmem>> -> memref<128xi32, #tpu.memory_space<vmem>>
          %dma_start3A_256 = arith.constant 0 : i32
          %dma_start3A_257 = arith.constant 0 : i32
          %dma_start3A_258 = tpu.memref_slice %arg2[%dma_start3A_256, %dma_start3A_257] : memref<10000x128xf32, #tpu.memory_space<hbm>> -> memref<10000x128xf32, #tpu.memory_space<hbm>>
          tpu.enqueue_indirect_dma source(%dma_start3A_258 : memref<10000x128xf32, #tpu.memory_space<hbm>>) target(%arg13 : memref<128x128xf32, #tpu.memory_space<vmem>>) offsets(%dma_start3A_255 : memref<128xi32, #tpu.memory_space<vmem>>) semaphore(%arg16 : memref<!tpu.dma_semaphore, #tpu.memory_space<semaphore_mem>>)
        } else {
        }
        %dma_wait3A_240 = tpu.memref_slice %arg9[%mul3A_223] : memref<3328xi32, #tpu.memory_space<vmem>> -> memref<128xi32, #tpu.memory_space<vmem>>
        %dma_wait3A_241 = arith.constant 0 : i32
        %dma_wait3A_242 = arith.constant 0 : i32
        %dma_wait3A_243 = tpu.memref_slice %arg2[%dma_wait3A_241, %dma_wait3A_242] : memref<10000x128xf32, #tpu.memory_space<hbm>> -> memref<10000x128xf32, #tpu.memory_space<hbm>>
        tpu.wait_indirect_dma semaphore(%arg17 : memref<!tpu.dma_semaphore, #tpu.memory_space<semaphore_mem>>) src(%dma_wait3A_243 : memref<10000x128xf32, #tpu.memory_space<hbm>>) dst(%arg14 : memref<128x128xf32, #tpu.memory_space<vmem>>)
        %mul3A_244 = arith.constant 2 : i32
        %mul3A_245 = arith.muli %mul3A_244, %scan3A_217 : i32
        %add3A_246 = arith.constant 1 : i32
        %add3A_247 = arith.addi %mul3A_245, %add3A_246 : i32
        %run_scoped3A_248 = arith.constant 0 : i32
        "tpu.region"() ({
          %run_scoped3A_249 = tpu.sem_alloc : memref<!tpu.dma_semaphore, #tpu.memory_space<semaphore_mem>>
          %dma_start3A_250 = arith.constant 0 : i32
          %dma_start3A_251 = tpu.memref_slice %arg11[%add3A_247, %run_scoped3A_248, %dma_start3A_250] : memref<26x1x128xi32, #tpu.memory_space<vmem>> -> memref<1x1x128xi32, #tpu.memory_space<vmem>>
          %dma_start3A_252 = tpu.memref_squeeze %dma_start3A_251 : memref<1x1x128xi32, #tpu.memory_space<vmem>> -> memref<128xi32, #tpu.memory_space<vmem>>
          %dma_start3A_253 = arith.constant 0 : i32
          %dma_start3A_254 = arith.constant 0 : i32
          %dma_start3A_255 = tpu.memref_slice %arg15[%dma_start3A_253, %dma_start3A_254] : memref<10008x128xf32, #tpu.memory_space<vmem_shared>> -> memref<10008x128xf32, #tpu.memory_space<vmem_shared>>
          tpu.enqueue_indirect_dma source(%arg14 : memref<128x128xf32, #tpu.memory_space<vmem>>) target(%dma_start3A_255 : memref<10008x128xf32, #tpu.memory_space<vmem_shared>>) offsets(%dma_start3A_252 : memref<128xi32, #tpu.memory_space<vmem>>) semaphore(%run_scoped3A_249 : memref<!tpu.dma_semaphore, #tpu.memory_space<semaphore_mem>>) {add = true}
          %dma_wait3A_256 = arith.constant 0 : i32
          %dma_wait3A_257 = tpu.memref_slice %arg11[%add3A_247, %run_scoped3A_248, %dma_wait3A_256] : memref<26x1x128xi32, #tpu.memory_space<vmem>> -> memref<1x1x128xi32, #tpu.memory_space<vmem>>
          %dma_wait3A_258 = tpu.memref_squeeze %dma_wait3A_257 : memref<1x1x128xi32, #tpu.memory_space<vmem>> -> memref<128xi32, #tpu.memory_space<vmem>>
          %dma_wait3A_259 = arith.constant 0 : i32
          %dma_wait3A_260 = arith.constant 0 : i32
          %dma_wait3A_261 = tpu.memref_slice %arg15[%dma_wait3A_259, %dma_wait3A_260] : memref<10008x128xf32, #tpu.memory_space<vmem_shared>> -> memref<10008x128xf32, #tpu.memory_space<vmem_shared>>
          tpu.wait_indirect_dma semaphore(%run_scoped3A_249 : memref<!tpu.dma_semaphore, #tpu.memory_space<semaphore_mem>>) src(%arg14 : memref<128x128xf32, #tpu.memory_space<vmem>>) dst(%dma_wait3A_261 : memref<10008x128xf32, #tpu.memory_space<vmem_shared>>)
          tpu.yield
        }) : () -> ()
      }
      %scan3A_202 = arith.constant 13 : i32
      %convert_element_type3A_203 = arith.extui %lt3A_1 : i1 to i32
      %cond3A_204 = arith.constant 0 : i32
      %cond3A_205 = arith.cmpi ne, %convert_element_type3A_203, %cond3A_204 : i32
      scf.if %cond3A_205 {
        %mul3A_217 = arith.constant 128 : i32
        %mul3A_218 = arith.muli %add3A_2, %mul3A_217 : i32
        %run_scoped3A = arith.constant 0 : i32
        "tpu.region"() ({
          %run_scoped3A_236 = tpu.sem_alloc : memref<!tpu.dma_semaphore, #tpu.memory_space<semaphore_mem>>
          %dma_start3A_237 = arith.constant 0 : i32
          %dma_start3A_238 = tpu.memref_slice %arg12[%run_scoped3A, %dma_start3A_237] : memref<2x128xi32, #tpu.memory_space<vmem>> -> memref<1x128xi32, #tpu.memory_space<vmem>>
          %dma_start3A_239 = tpu.memref_squeeze %dma_start3A_238 : memref<1x128xi32, #tpu.memory_space<vmem>> -> memref<128xi32, #tpu.memory_space<vmem>>
          %dma_start3A_240 = tpu.memref_slice %arg4[%mul3A_218] : memref<320000xi32, #tpu.memory_space<hbm>> -> memref<128xi32, #tpu.memory_space<hbm>>
          %dma_start3A_241 = arith.constant 0 : i32
          %dma_start3A_242 = tpu.memref_slice %arg12[%run_scoped3A, %dma_start3A_241] : memref<2x128xi32, #tpu.memory_space<vmem>> -> memref<1x128xi32, #tpu.memory_space<vmem>>
          %dma_start3A_243 = tpu.memref_squeeze %dma_start3A_242 : memref<1x128xi32, #tpu.memory_space<vmem>> -> memref<128xi32, #tpu.memory_space<vmem>>
          %dma_start3A_244 = tpu.memref_slice %arg4[%mul3A_218] : memref<320000xi32, #tpu.memory_space<hbm>> -> memref<128xi32, #tpu.memory_space<hbm>>
          tpu.enqueue_dma source(%dma_start3A_244 : memref<128xi32, #tpu.memory_space<hbm>>) target(%dma_start3A_243 : memref<128xi32, #tpu.memory_space<vmem>>) target_semaphore(%run_scoped3A_236 : memref<!tpu.dma_semaphore, #tpu.memory_space<semaphore_mem>>)
          %dma_wait3A_245 = arith.constant 0 : i32
          %dma_wait3A_246 = tpu.memref_slice %arg12[%run_scoped3A, %dma_wait3A_245] : memref<2x128xi32, #tpu.memory_space<vmem>> -> memref<1x128xi32, #tpu.memory_space<vmem>>
          %dma_wait3A_247 = tpu.memref_squeeze %dma_wait3A_246 : memref<1x128xi32, #tpu.memory_space<vmem>> -> memref<128xi32, #tpu.memory_space<vmem>>
          %dma_wait3A_248 = tpu.memref_slice %arg4[%mul3A_218] : memref<320000xi32, #tpu.memory_space<hbm>> -> memref<128xi32, #tpu.memory_space<hbm>>
          %dma_wait3A_249 = arith.constant 0 : i32
          %dma_wait3A_250 = tpu.memref_slice %arg12[%run_scoped3A, %dma_wait3A_249] : memref<2x128xi32, #tpu.memory_space<vmem>> -> memref<1x128xi32, #tpu.memory_space<vmem>>
          %dma_wait3A_251 = tpu.memref_squeeze %dma_wait3A_250 : memref<1x128xi32, #tpu.memory_space<vmem>> -> memref<128xi32, #tpu.memory_space<vmem>>
          %dma_wait3A_252 = tpu.memref_slice %arg4[%mul3A_218] : memref<320000xi32, #tpu.memory_space<hbm>> -> memref<128xi32, #tpu.memory_space<hbm>>
          tpu.wait_dma2 semaphore(%run_scoped3A_236 : memref<!tpu.dma_semaphore, #tpu.memory_space<semaphore_mem>>) src(%dma_wait3A_252 : memref<128xi32, #tpu.memory_space<hbm>>) dst(%dma_wait3A_251 : memref<128xi32, #tpu.memory_space<vmem>>)
          tpu.yield
        }) : () -> ()
        %run_scoped3A_219 = arith.constant 0 : i32
        %run_scoped3A_220 = arith.constant 1 : i32
        "tpu.region"() ({
          %run_scoped3A_236 = tpu.sem_alloc : memref<!tpu.dma_semaphore, #tpu.memory_space<semaphore_mem>>
          %dma_start3A_237 = arith.constant 0 : i32
          %dma_start3A_238 = tpu.memref_slice %arg12[%run_scoped3A_220, %dma_start3A_237] : memref<2x128xi32, #tpu.memory_space<vmem>> -> memref<1x128xi32, #tpu.memory_space<vmem>>
          %dma_start3A_239 = tpu.memref_squeeze %dma_start3A_238 : memref<1x128xi32, #tpu.memory_space<vmem>> -> memref<128xi32, #tpu.memory_space<vmem>>
          %dma_start3A_240 = arith.constant 0 : i32
          %dma_start3A_241 = tpu.memref_slice %arg5[%add3A_2, %run_scoped3A_219, %dma_start3A_240] : memref<2500x1x128xi32, #tpu.memory_space<hbm>> -> memref<1x1x128xi32, #tpu.memory_space<hbm>>
          %dma_start3A_242 = tpu.memref_squeeze %dma_start3A_241 : memref<1x1x128xi32, #tpu.memory_space<hbm>> -> memref<128xi32, #tpu.memory_space<hbm>>
          %dma_start3A_243 = arith.constant 0 : i32
          %dma_start3A_244 = tpu.memref_slice %arg12[%run_scoped3A_220, %dma_start3A_243] : memref<2x128xi32, #tpu.memory_space<vmem>> -> memref<1x128xi32, #tpu.memory_space<vmem>>
          %dma_start3A_245 = tpu.memref_squeeze %dma_start3A_244 : memref<1x128xi32, #tpu.memory_space<vmem>> -> memref<128xi32, #tpu.memory_space<vmem>>
          %dma_start3A_246 = arith.constant 0 : i32
          %dma_start3A_247 = tpu.memref_slice %arg5[%add3A_2, %run_scoped3A_219, %dma_start3A_246] : memref<2500x1x128xi32, #tpu.memory_space<hbm>> -> memref<1x1x128xi32, #tpu.memory_space<hbm>>
          %dma_start3A_248 = tpu.memref_squeeze %dma_start3A_247 : memref<1x1x128xi32, #tpu.memory_space<hbm>> -> memref<128xi32, #tpu.memory_space<hbm>>
          tpu.enqueue_dma source(%dma_start3A_248 : memref<128xi32, #tpu.memory_space<hbm>>) target(%dma_start3A_245 : memref<128xi32, #tpu.memory_space<vmem>>) target_semaphore(%run_scoped3A_236 : memref<!tpu.dma_semaphore, #tpu.memory_space<semaphore_mem>>)
          %dma_wait3A_249 = arith.constant 0 : i32
          %dma_wait3A_250 = tpu.memref_slice %arg12[%run_scoped3A_220, %dma_wait3A_249] : memref<2x128xi32, #tpu.memory_space<vmem>> -> memref<1x128xi32, #tpu.memory_space<vmem>>
          %dma_wait3A_251 = tpu.memref_squeeze %dma_wait3A_250 : memref<1x128xi32, #tpu.memory_space<vmem>> -> memref<128xi32, #tpu.memory_space<vmem>>
          %dma_wait3A_252 = arith.constant 0 : i32
          %dma_wait3A_253 = tpu.memref_slice %arg5[%add3A_2, %run_scoped3A_219, %dma_wait3A_252] : memref<2500x1x128xi32, #tpu.memory_space<hbm>> -> memref<1x1x128xi32, #tpu.memory_space<hbm>>
          %dma_wait3A_254 = tpu.memref_squeeze %dma_wait3A_253 : memref<1x1x128xi32, #tpu.memory_space<hbm>> -> memref<128xi32, #tpu.memory_space<hbm>>
          %dma_wait3A_255 = arith.constant 0 : i32
          %dma_wait3A_256 = tpu.memref_slice %arg12[%run_scoped3A_220, %dma_wait3A_255] : memref<2x128xi32, #tpu.memory_space<vmem>> -> memref<1x128xi32, #tpu.memory_space<vmem>>
          %dma_wait3A_257 = tpu.memref_squeeze %dma_wait3A_256 : memref<1x128xi32, #tpu.memory_space<vmem>> -> memref<128xi32, #tpu.memory_space<vmem>>
          %dma_wait3A_258 = arith.constant 0 : i32
          %dma_wait3A_259 = tpu.memref_slice %arg5[%add3A_2, %run_scoped3A_219, %dma_wait3A_258] : memref<2500x1x128xi32, #tpu.memory_space<hbm>> -> memref<1x1x128xi32, #tpu.memory_space<hbm>>
          %dma_wait3A_260 = tpu.memref_squeeze %dma_wait3A_259 : memref<1x1x128xi32, #tpu.memory_space<hbm>> -> memref<128xi32, #tpu.memory_space<hbm>>
          tpu.wait_dma2 semaphore(%run_scoped3A_236 : memref<!tpu.dma_semaphore, #tpu.memory_space<semaphore_mem>>) src(%dma_wait3A_260 : memref<128xi32, #tpu.memory_space<hbm>>) dst(%dma_wait3A_257 : memref<128xi32, #tpu.memory_space<vmem>>)
          tpu.yield
        }) : () -> ()
        %dma_start3A_221 = arith.constant 0 : i32
        %dma_start3A_222 = arith.constant 0 : i32
        %dma_start3A_223 = tpu.memref_slice %arg12[%dma_start3A_221, %dma_start3A_222] : memref<2x128xi32, #tpu.memory_space<vmem>> -> memref<1x128xi32, #tpu.memory_space<vmem>>
        %dma_start3A_224 = tpu.memref_squeeze %dma_start3A_223 : memref<1x128xi32, #tpu.memory_space<vmem>> -> memref<128xi32, #tpu.memory_space<vmem>>
        %dma_start3A_225 = arith.constant 0 : i32
        %dma_start3A_226 = arith.constant 0 : i32
        %dma_start3A_227 = tpu.memref_slice %arg2[%dma_start3A_225, %dma_start3A_226] : memref<10000x128xf32, #tpu.memory_space<hbm>> -> memref<10000x128xf32, #tpu.memory_space<hbm>>
        tpu.enqueue_indirect_dma source(%dma_start3A_227 : memref<10000x128xf32, #tpu.memory_space<hbm>>) target(%arg13 : memref<128x128xf32, #tpu.memory_space<vmem>>) offsets(%dma_start3A_224 : memref<128xi32, #tpu.memory_space<vmem>>) semaphore(%arg16 : memref<!tpu.dma_semaphore, #tpu.memory_space<semaphore_mem>>)
        %dma_wait3A_228 = arith.constant 0 : i32
        %dma_wait3A_229 = arith.constant 0 : i32
        %dma_wait3A_230 = tpu.memref_slice %arg12[%dma_wait3A_228, %dma_wait3A_229] : memref<2x128xi32, #tpu.memory_space<vmem>> -> memref<1x128xi32, #tpu.memory_space<vmem>>
        %dma_wait3A_231 = tpu.memref_squeeze %dma_wait3A_230 : memref<1x128xi32, #tpu.memory_space<vmem>> -> memref<128xi32, #tpu.memory_space<vmem>>
        %dma_wait3A_232 = arith.constant 0 : i32
        %dma_wait3A_233 = arith.constant 0 : i32
        %dma_wait3A_234 = tpu.memref_slice %arg2[%dma_wait3A_232, %dma_wait3A_233] : memref<10000x128xf32, #tpu.memory_space<hbm>> -> memref<10000x128xf32, #tpu.memory_space<hbm>>
        tpu.wait_indirect_dma semaphore(%arg16 : memref<!tpu.dma_semaphore, #tpu.memory_space<semaphore_mem>>) src(%dma_wait3A_234 : memref<10000x128xf32, #tpu.memory_space<hbm>>) dst(%arg13 : memref<128x128xf32, #tpu.memory_space<vmem>>)
        %run_scoped3A_235 = arith.constant 1 : i32
        "tpu.region"() ({
          %run_scoped3A_236 = tpu.sem_alloc : memref<!tpu.dma_semaphore, #tpu.memory_space<semaphore_mem>>
          %dma_start3A_237 = arith.constant 0 : i32
          %dma_start3A_238 = tpu.memref_slice %arg12[%run_scoped3A_235, %dma_start3A_237] : memref<2x128xi32, #tpu.memory_space<vmem>> -> memref<1x128xi32, #tpu.memory_space<vmem>>
          %dma_start3A_239 = tpu.memref_squeeze %dma_start3A_238 : memref<1x128xi32, #tpu.memory_space<vmem>> -> memref<128xi32, #tpu.memory_space<vmem>>
          %dma_start3A_240 = arith.constant 0 : i32
          %dma_start3A_241 = arith.constant 0 : i32
          %dma_start3A_242 = tpu.memref_slice %arg15[%dma_start3A_240, %dma_start3A_241] : memref<10008x128xf32, #tpu.memory_space<vmem_shared>> -> memref<10008x128xf32, #tpu.memory_space<vmem_shared>>
          tpu.enqueue_indirect_dma source(%arg13 : memref<128x128xf32, #tpu.memory_space<vmem>>) target(%dma_start3A_242 : memref<10008x128xf32, #tpu.memory_space<vmem_shared>>) offsets(%dma_start3A_239 : memref<128xi32, #tpu.memory_space<vmem>>) semaphore(%run_scoped3A_236 : memref<!tpu.dma_semaphore, #tpu.memory_space<semaphore_mem>>) {add = true}
          %dma_wait3A_243 = arith.constant 0 : i32
          %dma_wait3A_244 = tpu.memref_slice %arg12[%run_scoped3A_235, %dma_wait3A_243] : memref<2x128xi32, #tpu.memory_space<vmem>> -> memref<1x128xi32, #tpu.memory_space<vmem>>
          %dma_wait3A_245 = tpu.memref_squeeze %dma_wait3A_244 : memref<1x128xi32, #tpu.memory_space<vmem>> -> memref<128xi32, #tpu.memory_space<vmem>>
          %dma_wait3A_246 = arith.constant 0 : i32
          %dma_wait3A_247 = arith.constant 0 : i32
          %dma_wait3A_248 = tpu.memref_slice %arg15[%dma_wait3A_246, %dma_wait3A_247] : memref<10008x128xf32, #tpu.memory_space<vmem_shared>> -> memref<10008x128xf32, #tpu.memory_space<vmem_shared>>
          tpu.wait_indirect_dma semaphore(%run_scoped3A_236 : memref<!tpu.dma_semaphore, #tpu.memory_space<semaphore_mem>>) src(%arg13 : memref<128x128xf32, #tpu.memory_space<vmem>>) dst(%dma_wait3A_248 : memref<10008x128xf32, #tpu.memory_space<vmem_shared>>)
          tpu.yield
        }) : () -> ()
      } else {
      }
      %barrier3A_206 = arith.constant 0 : index
      tpu.barrier barrier_id(%barrier3A_206)
      %lt3A_207 = arith.constant 15 : i32
      %lt3A_208 = arith.cmpi slt, %arg1, %lt3A_207 : i32
      %convert_element_type3A_209 = arith.extui %lt3A_208 : i1 to i32
      %cond3A_210 = arith.constant 0 : i32
      %cond3A_211 = arith.cmpi ne, %convert_element_type3A_209, %cond3A_210 : i32
      scf.if %cond3A_211 {
        %mul3A_217 = arith.constant 640 : i32
        %mul3A_218 = arith.muli %arg1, %mul3A_217 : i32
        %multiple_of3A = tpu.assume_multiple %mul3A_218, 8 : i32
        %multiple_of3A_219 = tpu.assume_multiple %mul3A_218, 8 : i32
        "tpu.region"() ({
          %run_scoped3A = tpu.sem_alloc : memref<!tpu.dma_semaphore, #tpu.memory_space<semaphore_mem>>
          %dma_start3A_220 = arith.constant 0 : i32
          %dma_start3A_221 = tpu.memref_slice %arg6[%multiple_of3A_219, %dma_start3A_220] : memref<10000x128xf32, #tpu.memory_space<hbm>> -> memref<640x128xf32, #tpu.memory_space<hbm>>
          %dma_start3A_222 = arith.constant 0 : i32
          %dma_start3A_223 = tpu.memref_slice %arg15[%multiple_of3A, %dma_start3A_222] : memref<10008x128xf32, #tpu.memory_space<vmem_shared>> -> memref<640x128xf32, #tpu.memory_space<vmem_shared>>
          tpu.enqueue_dma source(%dma_start3A_223 : memref<640x128xf32, #tpu.memory_space<vmem_shared>>) target(%dma_start3A_221 : memref<640x128xf32, #tpu.memory_space<hbm>>) target_semaphore(%run_scoped3A : memref<!tpu.dma_semaphore, #tpu.memory_space<semaphore_mem>>)
          %dma_wait3A_224 = arith.constant 0 : i32
          %dma_wait3A_225 = tpu.memref_slice %arg6[%multiple_of3A_219, %dma_wait3A_224] : memref<10000x128xf32, #tpu.memory_space<hbm>> -> memref<640x128xf32, #tpu.memory_space<hbm>>
          %dma_wait3A_226 = arith.constant 0 : i32
          %dma_wait3A_227 = tpu.memref_slice %arg15[%multiple_of3A, %dma_wait3A_226] : memref<10008x128xf32, #tpu.memory_space<vmem_shared>> -> memref<640x128xf32, #tpu.memory_space<vmem_shared>>
          tpu.wait_dma2 semaphore(%run_scoped3A : memref<!tpu.dma_semaphore, #tpu.memory_space<semaphore_mem>>) src(%dma_wait3A_227 : memref<640x128xf32, #tpu.memory_space<vmem_shared>>) dst(%dma_wait3A_225 : memref<640x128xf32, #tpu.memory_space<hbm>>)
          tpu.yield
        }) : () -> ()
      } else {
      }
      %eq3A_212 = arith.constant 15 : i32
      %eq3A_213 = arith.cmpi eq, %arg1, %eq3A_212 : i32
      %convert_element_type3A_214 = arith.extui %eq3A_213 : i1 to i32
      %cond3A_215 = arith.constant 0 : i32
      %cond3A_216 = arith.cmpi ne, %convert_element_type3A_214, %cond3A_215 : i32
      scf.if %cond3A_216 {
        %multiple_of3A = arith.constant 9600 : i32
        %multiple_of3A_217 = tpu.assume_multiple %multiple_of3A, 8 : i32
        %multiple_of3A_218 = arith.constant 9600 : i32
        %multiple_of3A_219 = tpu.assume_multiple %multiple_of3A_218, 8 : i32
        "tpu.region"() ({
          %run_scoped3A = tpu.sem_alloc : memref<!tpu.dma_semaphore, #tpu.memory_space<semaphore_mem>>
          %dma_start3A_220 = arith.constant 0 : i32
          %dma_start3A_221 = tpu.memref_slice %arg6[%multiple_of3A_219, %dma_start3A_220] : memref<10000x128xf32, #tpu.memory_space<hbm>> -> memref<400x128xf32, #tpu.memory_space<hbm>>
          %dma_start3A_222 = arith.constant 0 : i32
          %dma_start3A_223 = tpu.memref_slice %arg15[%multiple_of3A_217, %dma_start3A_222] : memref<10008x128xf32, #tpu.memory_space<vmem_shared>> -> memref<400x128xf32, #tpu.memory_space<vmem_shared>>
          tpu.enqueue_dma source(%dma_start3A_223 : memref<400x128xf32, #tpu.memory_space<vmem_shared>>) target(%dma_start3A_221 : memref<400x128xf32, #tpu.memory_space<hbm>>) target_semaphore(%run_scoped3A : memref<!tpu.dma_semaphore, #tpu.memory_space<semaphore_mem>>)
          %dma_wait3A_224 = arith.constant 0 : i32
          %dma_wait3A_225 = tpu.memref_slice %arg6[%multiple_of3A_219, %dma_wait3A_224] : memref<10000x128xf32, #tpu.memory_space<hbm>> -> memref<400x128xf32, #tpu.memory_space<hbm>>
          %dma_wait3A_226 = arith.constant 0 : i32
          %dma_wait3A_227 = tpu.memref_slice %arg15[%multiple_of3A_217, %dma_wait3A_226] : memref<10008x128xf32, #tpu.memory_space<vmem_shared>> -> memref<400x128xf32, #tpu.memory_space<vmem_shared>>
          tpu.wait_dma2 semaphore(%run_scoped3A : memref<!tpu.dma_semaphore, #tpu.memory_space<semaphore_mem>>) src(%dma_wait3A_227 : memref<400x128xf32, #tpu.memory_space<vmem_shared>>) dst(%dma_wait3A_225 : memref<400x128xf32, #tpu.memory_space<hbm>>)
          tpu.yield
        }) : () -> ()
      } else {
      }
    } else {
    }
    %eq3A_5 = arith.constant 1 : i32
    %eq3A_6 = arith.cmpi eq, %arg0, %eq3A_5 : i32
    %convert_element_type3A_7 = arith.extui %eq3A_6 : i1 to i32
    %cond3A_8 = arith.constant 0 : i32
    %cond3A_9 = arith.cmpi ne, %convert_element_type3A_7, %cond3A_8 : i32
    scf.if %cond3A_9 {
      %add3A_10 = arith.constant 0 : i32
      %add3A_11 = arith.addi %mul3A_0, %add3A_10 : i32
      %mul3A_12 = arith.constant 128 : i32
      %mul3A_13 = arith.muli %add3A_11, %mul3A_12 : i32
      %dma_start3A = tpu.memref_slice %arg4[%mul3A_13] : memref<320000xi32, #tpu.memory_space<hbm>> -> memref<3328xi32, #tpu.memory_space<hbm>>
      %dma_start3A_14 = tpu.memref_slice %arg4[%mul3A_13] : memref<320000xi32, #tpu.memory_space<hbm>> -> memref<3328xi32, #tpu.memory_space<hbm>>
      tpu.enqueue_dma source(%dma_start3A_14 : memref<3328xi32, #tpu.memory_space<hbm>>) target(%arg8 : memref<3328xi32, #tpu.memory_space<vmem>>) target_semaphore(%arg18 : memref<!tpu.dma_semaphore, #tpu.memory_space<semaphore_mem>>)
      %dma_start3A_15 = arith.constant 0 : i32
      %dma_start3A_16 = arith.constant 0 : i32
      %dma_start3A_17 = tpu.memref_slice %arg5[%add3A_11, %dma_start3A_15, %dma_start3A_16] : memref<2500x1x128xi32, #tpu.memory_space<hbm>> -> memref<26x1x128xi32, #tpu.memory_space<hbm>>
      %dma_start3A_18 = arith.constant 0 : i32
      %dma_start3A_19 = arith.constant 0 : i32
      %dma_start3A_20 = tpu.memref_slice %arg5[%add3A_11, %dma_start3A_18, %dma_start3A_19] : memref<2500x1x128xi32, #tpu.memory_space<hbm>> -> memref<26x1x128xi32, #tpu.memory_space<hbm>>
      tpu.enqueue_dma source(%dma_start3A_20 : memref<26x1x128xi32, #tpu.memory_space<hbm>>) target(%arg10 : memref<26x1x128xi32, #tpu.memory_space<vmem>>) target_semaphore(%arg18 : memref<!tpu.dma_semaphore, #tpu.memory_space<semaphore_mem>>)
      %lt3A_21 = arith.constant 15 : i32
      %lt3A_22 = arith.cmpi slt, %arg1, %lt3A_21 : i32
      %convert_element_type3A_23 = arith.extui %lt3A_22 : i1 to i32
      %cond3A_24 = arith.constant 0 : i32
      %cond3A_25 = arith.cmpi ne, %convert_element_type3A_23, %cond3A_24 : i32
      scf.if %cond3A_25 {
        %mul3A_217 = arith.constant 640 : i32
        %mul3A_218 = arith.muli %arg1, %mul3A_217 : i32
        %multiple_of3A = tpu.assume_multiple %mul3A_218, 8 : i32
        %multiple_of3A_219 = tpu.assume_multiple %mul3A_218, 8 : i32
        "tpu.region"() ({
          %run_scoped3A = tpu.sem_alloc : memref<!tpu.dma_semaphore, #tpu.memory_space<semaphore_mem>>
          %dma_start3A_220 = arith.constant 0 : i32
          %dma_start3A_221 = tpu.memref_slice %arg15[%multiple_of3A_219, %dma_start3A_220] : memref<10008x128xf32, #tpu.memory_space<vmem_shared>> -> memref<640x128xf32, #tpu.memory_space<vmem_shared>>
          %dma_start3A_222 = arith.constant 0 : i32
          %dma_start3A_223 = tpu.memref_slice %arg3[%multiple_of3A, %dma_start3A_222] : memref<10000x128xf32, #tpu.memory_space<hbm>> -> memref<640x128xf32, #tpu.memory_space<hbm>>
          tpu.enqueue_dma source(%dma_start3A_223 : memref<640x128xf32, #tpu.memory_space<hbm>>) target(%dma_start3A_221 : memref<640x128xf32, #tpu.memory_space<vmem_shared>>) target_semaphore(%run_scoped3A : memref<!tpu.dma_semaphore, #tpu.memory_space<semaphore_mem>>)
          %dma_wait3A_224 = arith.constant 0 : i32
          %dma_wait3A_225 = tpu.memref_slice %arg15[%multiple_of3A_219, %dma_wait3A_224] : memref<10008x128xf32, #tpu.memory_space<vmem_shared>> -> memref<640x128xf32, #tpu.memory_space<vmem_shared>>
          %dma_wait3A_226 = arith.constant 0 : i32
          %dma_wait3A_227 = tpu.memref_slice %arg3[%multiple_of3A, %dma_wait3A_226] : memref<10000x128xf32, #tpu.memory_space<hbm>> -> memref<640x128xf32, #tpu.memory_space<hbm>>
          tpu.wait_dma2 semaphore(%run_scoped3A : memref<!tpu.dma_semaphore, #tpu.memory_space<semaphore_mem>>) src(%dma_wait3A_227 : memref<640x128xf32, #tpu.memory_space<hbm>>) dst(%dma_wait3A_225 : memref<640x128xf32, #tpu.memory_space<vmem_shared>>)
          tpu.yield
        }) : () -> ()
      } else {
      }
      %eq3A_26 = arith.constant 15 : i32
      %eq3A_27 = arith.cmpi eq, %arg1, %eq3A_26 : i32
      %convert_element_type3A_28 = arith.extui %eq3A_27 : i1 to i32
      %cond3A_29 = arith.constant 0 : i32
      %cond3A_30 = arith.cmpi ne, %convert_element_type3A_28, %cond3A_29 : i32
      scf.if %cond3A_30 {
        %multiple_of3A = arith.constant 9600 : i32
        %multiple_of3A_217 = tpu.assume_multiple %multiple_of3A, 8 : i32
        %multiple_of3A_218 = arith.constant 9600 : i32
        %multiple_of3A_219 = tpu.assume_multiple %multiple_of3A_218, 8 : i32
        "tpu.region"() ({
          %run_scoped3A = tpu.sem_alloc : memref<!tpu.dma_semaphore, #tpu.memory_space<semaphore_mem>>
          %dma_start3A_220 = arith.constant 0 : i32
          %dma_start3A_221 = tpu.memref_slice %arg15[%multiple_of3A_219, %dma_start3A_220] : memref<10008x128xf32, #tpu.memory_space<vmem_shared>> -> memref<400x128xf32, #tpu.memory_space<vmem_shared>>
          %dma_start3A_222 = arith.constant 0 : i32
          %dma_start3A_223 = tpu.memref_slice %arg3[%multiple_of3A_217, %dma_start3A_222] : memref<10000x128xf32, #tpu.memory_space<hbm>> -> memref<400x128xf32, #tpu.memory_space<hbm>>
          tpu.enqueue_dma source(%dma_start3A_223 : memref<400x128xf32, #tpu.memory_space<hbm>>) target(%dma_start3A_221 : memref<400x128xf32, #tpu.memory_space<vmem_shared>>) target_semaphore(%run_scoped3A : memref<!tpu.dma_semaphore, #tpu.memory_space<semaphore_mem>>)
          %dma_wait3A_224 = arith.constant 0 : i32
          %dma_wait3A_225 = tpu.memref_slice %arg15[%multiple_of3A_219, %dma_wait3A_224] : memref<10008x128xf32, #tpu.memory_space<vmem_shared>> -> memref<400x128xf32, #tpu.memory_space<vmem_shared>>
          %dma_wait3A_226 = arith.constant 0 : i32
          %dma_wait3A_227 = tpu.memref_slice %arg3[%multiple_of3A_217, %dma_wait3A_226] : memref<10000x128xf32, #tpu.memory_space<hbm>> -> memref<400x128xf32, #tpu.memory_space<hbm>>
          tpu.wait_dma2 semaphore(%run_scoped3A : memref<!tpu.dma_semaphore, #tpu.memory_space<semaphore_mem>>) src(%dma_wait3A_227 : memref<400x128xf32, #tpu.memory_space<hbm>>) dst(%dma_wait3A_225 : memref<400x128xf32, #tpu.memory_space<vmem_shared>>)
          tpu.yield
        }) : () -> ()
      } else {
      }
      %barrier3A = arith.constant 0 : index
      tpu.barrier barrier_id(%barrier3A)
      %dma_wait3A = tpu.memref_slice %arg4[%mul3A_13] : memref<320000xi32, #tpu.memory_space<hbm>> -> memref<3328xi32, #tpu.memory_space<hbm>>
      %dma_wait3A_31 = tpu.memref_slice %arg4[%mul3A_13] : memref<320000xi32, #tpu.memory_space<hbm>> -> memref<3328xi32, #tpu.memory_space<hbm>>
      tpu.wait_dma2 semaphore(%arg18 : memref<!tpu.dma_semaphore, #tpu.memory_space<semaphore_mem>>) src(%dma_wait3A_31 : memref<3328xi32, #tpu.memory_space<hbm>>) dst(%arg8 : memref<3328xi32, #tpu.memory_space<vmem>>)
      %dma_wait3A_32 = arith.constant 0 : i32
      %dma_wait3A_33 = arith.constant 0 : i32
      %dma_wait3A_34 = tpu.memref_slice %arg5[%add3A_11, %dma_wait3A_32, %dma_wait3A_33] : memref<2500x1x128xi32, #tpu.memory_space<hbm>> -> memref<26x1x128xi32, #tpu.memory_space<hbm>>
      %dma_wait3A_35 = arith.constant 0 : i32
      %dma_wait3A_36 = arith.constant 0 : i32
      %dma_wait3A_37 = tpu.memref_slice %arg5[%add3A_11, %dma_wait3A_35, %dma_wait3A_36] : memref<2500x1x128xi32, #tpu.memory_space<hbm>> -> memref<26x1x128xi32, #tpu.memory_space<hbm>>
      tpu.wait_dma2 semaphore(%arg18 : memref<!tpu.dma_semaphore, #tpu.memory_space<semaphore_mem>>) src(%dma_wait3A_37 : memref<26x1x128xi32, #tpu.memory_space<hbm>>) dst(%arg10 : memref<26x1x128xi32, #tpu.memory_space<vmem>>)
      %add3A_38 = arith.constant 26 : i32
      %add3A_39 = arith.addi %mul3A_0, %add3A_38 : i32
      %mul3A_40 = arith.constant 128 : i32
      %mul3A_41 = arith.muli %add3A_39, %mul3A_40 : i32
      %dma_start3A_42 = tpu.memref_slice %arg4[%mul3A_41] : memref<320000xi32, #tpu.memory_space<hbm>> -> memref<3328xi32, #tpu.memory_space<hbm>>
      %dma_start3A_43 = tpu.memref_slice %arg4[%mul3A_41] : memref<320000xi32, #tpu.memory_space<hbm>> -> memref<3328xi32, #tpu.memory_space<hbm>>
      tpu.enqueue_dma source(%dma_start3A_43 : memref<3328xi32, #tpu.memory_space<hbm>>) target(%arg9 : memref<3328xi32, #tpu.memory_space<vmem>>) target_semaphore(%arg18 : memref<!tpu.dma_semaphore, #tpu.memory_space<semaphore_mem>>)
      %dma_start3A_44 = arith.constant 0 : i32
      %dma_start3A_45 = arith.constant 0 : i32
      %dma_start3A_46 = tpu.memref_slice %arg5[%add3A_39, %dma_start3A_44, %dma_start3A_45] : memref<2500x1x128xi32, #tpu.memory_space<hbm>> -> memref<26x1x128xi32, #tpu.memory_space<hbm>>
      %dma_start3A_47 = arith.constant 0 : i32
      %dma_start3A_48 = arith.constant 0 : i32
      %dma_start3A_49 = tpu.memref_slice %arg5[%add3A_39, %dma_start3A_47, %dma_start3A_48] : memref<2500x1x128xi32, #tpu.memory_space<hbm>> -> memref<26x1x128xi32, #tpu.memory_space<hbm>>
      tpu.enqueue_dma source(%dma_start3A_49 : memref<26x1x128xi32, #tpu.memory_space<hbm>>) target(%arg11 : memref<26x1x128xi32, #tpu.memory_space<vmem>>) target_semaphore(%arg18 : memref<!tpu.dma_semaphore, #tpu.memory_space<semaphore_mem>>)
      %dma_start3A_50 = arith.constant 0 : i32
      %dma_start3A_51 = tpu.memref_slice %arg8[%dma_start3A_50] : memref<3328xi32, #tpu.memory_space<vmem>> -> memref<128xi32, #tpu.memory_space<vmem>>
      %dma_start3A_52 = arith.constant 0 : i32
      %dma_start3A_53 = arith.constant 0 : i32
      %dma_start3A_54 = tpu.memref_slice %arg3[%dma_start3A_52, %dma_start3A_53] : memref<10000x128xf32, #tpu.memory_space<hbm>> -> memref<10000x128xf32, #tpu.memory_space<hbm>>
      tpu.enqueue_indirect_dma source(%dma_start3A_54 : memref<10000x128xf32, #tpu.memory_space<hbm>>) target(%arg13 : memref<128x128xf32, #tpu.memory_space<vmem>>) offsets(%dma_start3A_51 : memref<128xi32, #tpu.memory_space<vmem>>) semaphore(%arg16 : memref<!tpu.dma_semaphore, #tpu.memory_space<semaphore_mem>>)
      %scan3A = arith.constant 0 : i32
      %scan3A_55 = arith.constant 0 : i32
      %scan3A_56 = arith.constant 13 : i32
      %scan3A_57 = arith.addi %scan3A_55, %scan3A_56 : i32
      %scan3A_58 = arith.constant 1 : i32
      scf.for %scan3A_217 = %scan3A_55 to %scan3A_57 step %scan3A_58  : i32 {
        %mul3A_218 = arith.constant 2 : i32
        %mul3A_219 = arith.muli %mul3A_218, %scan3A_217 : i32
        %add3A_220 = arith.constant 1 : i32
        %add3A_221 = arith.addi %mul3A_219, %add3A_220 : i32
        %mul3A_222 = arith.constant 128 : i32
        %mul3A_223 = arith.muli %add3A_221, %mul3A_222 : i32
        %dma_start3A_224 = tpu.memref_slice %arg8[%mul3A_223] : memref<3328xi32, #tpu.memory_space<vmem>> -> memref<128xi32, #tpu.memory_space<vmem>>
        %dma_start3A_225 = arith.constant 0 : i32
        %dma_start3A_226 = arith.constant 0 : i32
        %dma_start3A_227 = tpu.memref_slice %arg3[%dma_start3A_225, %dma_start3A_226] : memref<10000x128xf32, #tpu.memory_space<hbm>> -> memref<10000x128xf32, #tpu.memory_space<hbm>>
        tpu.enqueue_indirect_dma source(%dma_start3A_227 : memref<10000x128xf32, #tpu.memory_space<hbm>>) target(%arg14 : memref<128x128xf32, #tpu.memory_space<vmem>>) offsets(%dma_start3A_224 : memref<128xi32, #tpu.memory_space<vmem>>) semaphore(%arg17 : memref<!tpu.dma_semaphore, #tpu.memory_space<semaphore_mem>>)
        %dma_wait3A_228 = arith.constant 0 : i32
        %dma_wait3A_229 = tpu.memref_slice %arg8[%dma_wait3A_228] : memref<3328xi32, #tpu.memory_space<vmem>> -> memref<128xi32, #tpu.memory_space<vmem>>
        %dma_wait3A_230 = arith.constant 0 : i32
        %dma_wait3A_231 = arith.constant 0 : i32
        %dma_wait3A_232 = tpu.memref_slice %arg3[%dma_wait3A_230, %dma_wait3A_231] : memref<10000x128xf32, #tpu.memory_space<hbm>> -> memref<10000x128xf32, #tpu.memory_space<hbm>>
        tpu.wait_indirect_dma semaphore(%arg16 : memref<!tpu.dma_semaphore, #tpu.memory_space<semaphore_mem>>) src(%dma_wait3A_232 : memref<10000x128xf32, #tpu.memory_space<hbm>>) dst(%arg13 : memref<128x128xf32, #tpu.memory_space<vmem>>)
        %mul3A_233 = arith.constant 2 : i32
        %mul3A_234 = arith.muli %mul3A_233, %scan3A_217 : i32
        %run_scoped3A = arith.constant 0 : i32
        "tpu.region"() ({
          %run_scoped3A_249 = tpu.sem_alloc : memref<!tpu.dma_semaphore, #tpu.memory_space<semaphore_mem>>
          %dma_start3A_250 = arith.constant 0 : i32
          %dma_start3A_251 = tpu.memref_slice %arg10[%mul3A_234, %run_scoped3A, %dma_start3A_250] : memref<26x1x128xi32, #tpu.memory_space<vmem>> -> memref<1x1x128xi32, #tpu.memory_space<vmem>>
          %dma_start3A_252 = tpu.memref_squeeze %dma_start3A_251 : memref<1x1x128xi32, #tpu.memory_space<vmem>> -> memref<128xi32, #tpu.memory_space<vmem>>
          %dma_start3A_253 = arith.constant 0 : i32
          %dma_start3A_254 = arith.constant 0 : i32
          %dma_start3A_255 = tpu.memref_slice %arg15[%dma_start3A_253, %dma_start3A_254] : memref<10008x128xf32, #tpu.memory_space<vmem_shared>> -> memref<10008x128xf32, #tpu.memory_space<vmem_shared>>
          tpu.enqueue_indirect_dma source(%arg13 : memref<128x128xf32, #tpu.memory_space<vmem>>) target(%dma_start3A_255 : memref<10008x128xf32, #tpu.memory_space<vmem_shared>>) offsets(%dma_start3A_252 : memref<128xi32, #tpu.memory_space<vmem>>) semaphore(%run_scoped3A_249 : memref<!tpu.dma_semaphore, #tpu.memory_space<semaphore_mem>>) {add = true}
          %dma_wait3A_256 = arith.constant 0 : i32
          %dma_wait3A_257 = tpu.memref_slice %arg10[%mul3A_234, %run_scoped3A, %dma_wait3A_256] : memref<26x1x128xi32, #tpu.memory_space<vmem>> -> memref<1x1x128xi32, #tpu.memory_space<vmem>>
          %dma_wait3A_258 = tpu.memref_squeeze %dma_wait3A_257 : memref<1x1x128xi32, #tpu.memory_space<vmem>> -> memref<128xi32, #tpu.memory_space<vmem>>
          %dma_wait3A_259 = arith.constant 0 : i32
          %dma_wait3A_260 = arith.constant 0 : i32
          %dma_wait3A_261 = tpu.memref_slice %arg15[%dma_wait3A_259, %dma_wait3A_260] : memref<10008x128xf32, #tpu.memory_space<vmem_shared>> -> memref<10008x128xf32, #tpu.memory_space<vmem_shared>>
          tpu.wait_indirect_dma semaphore(%run_scoped3A_249 : memref<!tpu.dma_semaphore, #tpu.memory_space<semaphore_mem>>) src(%arg13 : memref<128x128xf32, #tpu.memory_space<vmem>>) dst(%dma_wait3A_261 : memref<10008x128xf32, #tpu.memory_space<vmem_shared>>)
          tpu.yield
        }) : () -> ()
        %lt3A_235 = arith.constant 12 : i32
        %lt3A_236 = arith.cmpi slt, %scan3A_217, %lt3A_235 : i32
        %convert_element_type3A_237 = arith.extui %lt3A_236 : i1 to i32
        %cond3A_238 = arith.constant 0 : i32
        %cond3A_239 = arith.cmpi ne, %convert_element_type3A_237, %cond3A_238 : i32
        scf.if %cond3A_239 {
          %mul3A_249 = arith.constant 2 : i32
          %mul3A_250 = arith.muli %mul3A_249, %scan3A_217 : i32
          %add3A_251 = arith.constant 2 : i32
          %add3A_252 = arith.addi %mul3A_250, %add3A_251 : i32
          %mul3A_253 = arith.constant 128 : i32
          %mul3A_254 = arith.muli %add3A_252, %mul3A_253 : i32
          %dma_start3A_255 = tpu.memref_slice %arg8[%mul3A_254] : memref<3328xi32, #tpu.memory_space<vmem>> -> memref<128xi32, #tpu.memory_space<vmem>>
          %dma_start3A_256 = arith.constant 0 : i32
          %dma_start3A_257 = arith.constant 0 : i32
          %dma_start3A_258 = tpu.memref_slice %arg3[%dma_start3A_256, %dma_start3A_257] : memref<10000x128xf32, #tpu.memory_space<hbm>> -> memref<10000x128xf32, #tpu.memory_space<hbm>>
          tpu.enqueue_indirect_dma source(%dma_start3A_258 : memref<10000x128xf32, #tpu.memory_space<hbm>>) target(%arg13 : memref<128x128xf32, #tpu.memory_space<vmem>>) offsets(%dma_start3A_255 : memref<128xi32, #tpu.memory_space<vmem>>) semaphore(%arg16 : memref<!tpu.dma_semaphore, #tpu.memory_space<semaphore_mem>>)
        } else {
        }
        %dma_wait3A_240 = tpu.memref_slice %arg8[%mul3A_223] : memref<3328xi32, #tpu.memory_space<vmem>> -> memref<128xi32, #tpu.memory_space<vmem>>
        %dma_wait3A_241 = arith.constant 0 : i32
        %dma_wait3A_242 = arith.constant 0 : i32
        %dma_wait3A_243 = tpu.memref_slice %arg3[%dma_wait3A_241, %dma_wait3A_242] : memref<10000x128xf32, #tpu.memory_space<hbm>> -> memref<10000x128xf32, #tpu.memory_space<hbm>>
        tpu.wait_indirect_dma semaphore(%arg17 : memref<!tpu.dma_semaphore, #tpu.memory_space<semaphore_mem>>) src(%dma_wait3A_243 : memref<10000x128xf32, #tpu.memory_space<hbm>>) dst(%arg14 : memref<128x128xf32, #tpu.memory_space<vmem>>)
        %mul3A_244 = arith.constant 2 : i32
        %mul3A_245 = arith.muli %mul3A_244, %scan3A_217 : i32
        %add3A_246 = arith.constant 1 : i32
        %add3A_247 = arith.addi %mul3A_245, %add3A_246 : i32
        %run_scoped3A_248 = arith.constant 0 : i32
        "tpu.region"() ({
          %run_scoped3A_249 = tpu.sem_alloc : memref<!tpu.dma_semaphore, #tpu.memory_space<semaphore_mem>>
          %dma_start3A_250 = arith.constant 0 : i32
          %dma_start3A_251 = tpu.memref_slice %arg10[%add3A_247, %run_scoped3A_248, %dma_start3A_250] : memref<26x1x128xi32, #tpu.memory_space<vmem>> -> memref<1x1x128xi32, #tpu.memory_space<vmem>>
          %dma_start3A_252 = tpu.memref_squeeze %dma_start3A_251 : memref<1x1x128xi32, #tpu.memory_space<vmem>> -> memref<128xi32, #tpu.memory_space<vmem>>
          %dma_start3A_253 = arith.constant 0 : i32
          %dma_start3A_254 = arith.constant 0 : i32
          %dma_start3A_255 = tpu.memref_slice %arg15[%dma_start3A_253, %dma_start3A_254] : memref<10008x128xf32, #tpu.memory_space<vmem_shared>> -> memref<10008x128xf32, #tpu.memory_space<vmem_shared>>
          tpu.enqueue_indirect_dma source(%arg14 : memref<128x128xf32, #tpu.memory_space<vmem>>) target(%dma_start3A_255 : memref<10008x128xf32, #tpu.memory_space<vmem_shared>>) offsets(%dma_start3A_252 : memref<128xi32, #tpu.memory_space<vmem>>) semaphore(%run_scoped3A_249 : memref<!tpu.dma_semaphore, #tpu.memory_space<semaphore_mem>>) {add = true}
          %dma_wait3A_256 = arith.constant 0 : i32
          %dma_wait3A_257 = tpu.memref_slice %arg10[%add3A_247, %run_scoped3A_248, %dma_wait3A_256] : memref<26x1x128xi32, #tpu.memory_space<vmem>> -> memref<1x1x128xi32, #tpu.memory_space<vmem>>
          %dma_wait3A_258 = tpu.memref_squeeze %dma_wait3A_257 : memref<1x1x128xi32, #tpu.memory_space<vmem>> -> memref<128xi32, #tpu.memory_space<vmem>>
          %dma_wait3A_259 = arith.constant 0 : i32
          %dma_wait3A_260 = arith.constant 0 : i32
          %dma_wait3A_261 = tpu.memref_slice %arg15[%dma_wait3A_259, %dma_wait3A_260] : memref<10008x128xf32, #tpu.memory_space<vmem_shared>> -> memref<10008x128xf32, #tpu.memory_space<vmem_shared>>
          tpu.wait_indirect_dma semaphore(%run_scoped3A_249 : memref<!tpu.dma_semaphore, #tpu.memory_space<semaphore_mem>>) src(%arg14 : memref<128x128xf32, #tpu.memory_space<vmem>>) dst(%dma_wait3A_261 : memref<10008x128xf32, #tpu.memory_space<vmem_shared>>)
          tpu.yield
        }) : () -> ()
      }
      %scan3A_59 = arith.constant 13 : i32
      %dma_wait3A_60 = tpu.memref_slice %arg4[%mul3A_41] : memref<320000xi32, #tpu.memory_space<hbm>> -> memref<3328xi32, #tpu.memory_space<hbm>>
      %dma_wait3A_61 = tpu.memref_slice %arg4[%mul3A_41] : memref<320000xi32, #tpu.memory_space<hbm>> -> memref<3328xi32, #tpu.memory_space<hbm>>
      tpu.wait_dma2 semaphore(%arg18 : memref<!tpu.dma_semaphore, #tpu.memory_space<semaphore_mem>>) src(%dma_wait3A_61 : memref<3328xi32, #tpu.memory_space<hbm>>) dst(%arg9 : memref<3328xi32, #tpu.memory_space<vmem>>)
      %dma_wait3A_62 = arith.constant 0 : i32
      %dma_wait3A_63 = arith.constant 0 : i32
      %dma_wait3A_64 = tpu.memref_slice %arg5[%add3A_39, %dma_wait3A_62, %dma_wait3A_63] : memref<2500x1x128xi32, #tpu.memory_space<hbm>> -> memref<26x1x128xi32, #tpu.memory_space<hbm>>
      %dma_wait3A_65 = arith.constant 0 : i32
      %dma_wait3A_66 = arith.constant 0 : i32
      %dma_wait3A_67 = tpu.memref_slice %arg5[%add3A_39, %dma_wait3A_65, %dma_wait3A_66] : memref<2500x1x128xi32, #tpu.memory_space<hbm>> -> memref<26x1x128xi32, #tpu.memory_space<hbm>>
      tpu.wait_dma2 semaphore(%arg18 : memref<!tpu.dma_semaphore, #tpu.memory_space<semaphore_mem>>) src(%dma_wait3A_67 : memref<26x1x128xi32, #tpu.memory_space<hbm>>) dst(%arg11 : memref<26x1x128xi32, #tpu.memory_space<vmem>>)
      %add3A_68 = arith.constant 52 : i32
      %add3A_69 = arith.addi %mul3A_0, %add3A_68 : i32
      %mul3A_70 = arith.constant 128 : i32
      %mul3A_71 = arith.muli %add3A_69, %mul3A_70 : i32
      %dma_start3A_72 = tpu.memref_slice %arg4[%mul3A_71] : memref<320000xi32, #tpu.memory_space<hbm>> -> memref<3328xi32, #tpu.memory_space<hbm>>
      %dma_start3A_73 = tpu.memref_slice %arg4[%mul3A_71] : memref<320000xi32, #tpu.memory_space<hbm>> -> memref<3328xi32, #tpu.memory_space<hbm>>
      tpu.enqueue_dma source(%dma_start3A_73 : memref<3328xi32, #tpu.memory_space<hbm>>) target(%arg8 : memref<3328xi32, #tpu.memory_space<vmem>>) target_semaphore(%arg18 : memref<!tpu.dma_semaphore, #tpu.memory_space<semaphore_mem>>)
      %dma_start3A_74 = arith.constant 0 : i32
      %dma_start3A_75 = arith.constant 0 : i32
      %dma_start3A_76 = tpu.memref_slice %arg5[%add3A_69, %dma_start3A_74, %dma_start3A_75] : memref<2500x1x128xi32, #tpu.memory_space<hbm>> -> memref<26x1x128xi32, #tpu.memory_space<hbm>>
      %dma_start3A_77 = arith.constant 0 : i32
      %dma_start3A_78 = arith.constant 0 : i32
      %dma_start3A_79 = tpu.memref_slice %arg5[%add3A_69, %dma_start3A_77, %dma_start3A_78] : memref<2500x1x128xi32, #tpu.memory_space<hbm>> -> memref<26x1x128xi32, #tpu.memory_space<hbm>>
      tpu.enqueue_dma source(%dma_start3A_79 : memref<26x1x128xi32, #tpu.memory_space<hbm>>) target(%arg10 : memref<26x1x128xi32, #tpu.memory_space<vmem>>) target_semaphore(%arg18 : memref<!tpu.dma_semaphore, #tpu.memory_space<semaphore_mem>>)
      %dma_start3A_80 = arith.constant 0 : i32
      %dma_start3A_81 = tpu.memref_slice %arg9[%dma_start3A_80] : memref<3328xi32, #tpu.memory_space<vmem>> -> memref<128xi32, #tpu.memory_space<vmem>>
      %dma_start3A_82 = arith.constant 0 : i32
      %dma_start3A_83 = arith.constant 0 : i32
      %dma_start3A_84 = tpu.memref_slice %arg3[%dma_start3A_82, %dma_start3A_83] : memref<10000x128xf32, #tpu.memory_space<hbm>> -> memref<10000x128xf32, #tpu.memory_space<hbm>>
      tpu.enqueue_indirect_dma source(%dma_start3A_84 : memref<10000x128xf32, #tpu.memory_space<hbm>>) target(%arg13 : memref<128x128xf32, #tpu.memory_space<vmem>>) offsets(%dma_start3A_81 : memref<128xi32, #tpu.memory_space<vmem>>) semaphore(%arg16 : memref<!tpu.dma_semaphore, #tpu.memory_space<semaphore_mem>>)
      %scan3A_85 = arith.constant 0 : i32
      %scan3A_86 = arith.constant 0 : i32
      %scan3A_87 = arith.constant 13 : i32
      %scan3A_88 = arith.addi %scan3A_86, %scan3A_87 : i32
      %scan3A_89 = arith.constant 1 : i32
      scf.for %scan3A_217 = %scan3A_86 to %scan3A_88 step %scan3A_89  : i32 {
        %mul3A_218 = arith.constant 2 : i32
        %mul3A_219 = arith.muli %mul3A_218, %scan3A_217 : i32
        %add3A_220 = arith.constant 1 : i32
        %add3A_221 = arith.addi %mul3A_219, %add3A_220 : i32
        %mul3A_222 = arith.constant 128 : i32
        %mul3A_223 = arith.muli %add3A_221, %mul3A_222 : i32
        %dma_start3A_224 = tpu.memref_slice %arg9[%mul3A_223] : memref<3328xi32, #tpu.memory_space<vmem>> -> memref<128xi32, #tpu.memory_space<vmem>>
        %dma_start3A_225 = arith.constant 0 : i32
        %dma_start3A_226 = arith.constant 0 : i32
        %dma_start3A_227 = tpu.memref_slice %arg3[%dma_start3A_225, %dma_start3A_226] : memref<10000x128xf32, #tpu.memory_space<hbm>> -> memref<10000x128xf32, #tpu.memory_space<hbm>>
        tpu.enqueue_indirect_dma source(%dma_start3A_227 : memref<10000x128xf32, #tpu.memory_space<hbm>>) target(%arg14 : memref<128x128xf32, #tpu.memory_space<vmem>>) offsets(%dma_start3A_224 : memref<128xi32, #tpu.memory_space<vmem>>) semaphore(%arg17 : memref<!tpu.dma_semaphore, #tpu.memory_space<semaphore_mem>>)
        %dma_wait3A_228 = arith.constant 0 : i32
        %dma_wait3A_229 = tpu.memref_slice %arg9[%dma_wait3A_228] : memref<3328xi32, #tpu.memory_space<vmem>> -> memref<128xi32, #tpu.memory_space<vmem>>
        %dma_wait3A_230 = arith.constant 0 : i32
        %dma_wait3A_231 = arith.constant 0 : i32
        %dma_wait3A_232 = tpu.memref_slice %arg3[%dma_wait3A_230, %dma_wait3A_231] : memref<10000x128xf32, #tpu.memory_space<hbm>> -> memref<10000x128xf32, #tpu.memory_space<hbm>>
        tpu.wait_indirect_dma semaphore(%arg16 : memref<!tpu.dma_semaphore, #tpu.memory_space<semaphore_mem>>) src(%dma_wait3A_232 : memref<10000x128xf32, #tpu.memory_space<hbm>>) dst(%arg13 : memref<128x128xf32, #tpu.memory_space<vmem>>)
        %mul3A_233 = arith.constant 2 : i32
        %mul3A_234 = arith.muli %mul3A_233, %scan3A_217 : i32
        %run_scoped3A = arith.constant 0 : i32
        "tpu.region"() ({
          %run_scoped3A_249 = tpu.sem_alloc : memref<!tpu.dma_semaphore, #tpu.memory_space<semaphore_mem>>
          %dma_start3A_250 = arith.constant 0 : i32
          %dma_start3A_251 = tpu.memref_slice %arg11[%mul3A_234, %run_scoped3A, %dma_start3A_250] : memref<26x1x128xi32, #tpu.memory_space<vmem>> -> memref<1x1x128xi32, #tpu.memory_space<vmem>>
          %dma_start3A_252 = tpu.memref_squeeze %dma_start3A_251 : memref<1x1x128xi32, #tpu.memory_space<vmem>> -> memref<128xi32, #tpu.memory_space<vmem>>
          %dma_start3A_253 = arith.constant 0 : i32
          %dma_start3A_254 = arith.constant 0 : i32
          %dma_start3A_255 = tpu.memref_slice %arg15[%dma_start3A_253, %dma_start3A_254] : memref<10008x128xf32, #tpu.memory_space<vmem_shared>> -> memref<10008x128xf32, #tpu.memory_space<vmem_shared>>
          tpu.enqueue_indirect_dma source(%arg13 : memref<128x128xf32, #tpu.memory_space<vmem>>) target(%dma_start3A_255 : memref<10008x128xf32, #tpu.memory_space<vmem_shared>>) offsets(%dma_start3A_252 : memref<128xi32, #tpu.memory_space<vmem>>) semaphore(%run_scoped3A_249 : memref<!tpu.dma_semaphore, #tpu.memory_space<semaphore_mem>>) {add = true}
          %dma_wait3A_256 = arith.constant 0 : i32
          %dma_wait3A_257 = tpu.memref_slice %arg11[%mul3A_234, %run_scoped3A, %dma_wait3A_256] : memref<26x1x128xi32, #tpu.memory_space<vmem>> -> memref<1x1x128xi32, #tpu.memory_space<vmem>>
          %dma_wait3A_258 = tpu.memref_squeeze %dma_wait3A_257 : memref<1x1x128xi32, #tpu.memory_space<vmem>> -> memref<128xi32, #tpu.memory_space<vmem>>
          %dma_wait3A_259 = arith.constant 0 : i32
          %dma_wait3A_260 = arith.constant 0 : i32
          %dma_wait3A_261 = tpu.memref_slice %arg15[%dma_wait3A_259, %dma_wait3A_260] : memref<10008x128xf32, #tpu.memory_space<vmem_shared>> -> memref<10008x128xf32, #tpu.memory_space<vmem_shared>>
          tpu.wait_indirect_dma semaphore(%run_scoped3A_249 : memref<!tpu.dma_semaphore, #tpu.memory_space<semaphore_mem>>) src(%arg13 : memref<128x128xf32, #tpu.memory_space<vmem>>) dst(%dma_wait3A_261 : memref<10008x128xf32, #tpu.memory_space<vmem_shared>>)
          tpu.yield
        }) : () -> ()
        %lt3A_235 = arith.constant 12 : i32
        %lt3A_236 = arith.cmpi slt, %scan3A_217, %lt3A_235 : i32
        %convert_element_type3A_237 = arith.extui %lt3A_236 : i1 to i32
        %cond3A_238 = arith.constant 0 : i32
        %cond3A_239 = arith.cmpi ne, %convert_element_type3A_237, %cond3A_238 : i32
        scf.if %cond3A_239 {
          %mul3A_249 = arith.constant 2 : i32
          %mul3A_250 = arith.muli %mul3A_249, %scan3A_217 : i32
          %add3A_251 = arith.constant 2 : i32
          %add3A_252 = arith.addi %mul3A_250, %add3A_251 : i32
          %mul3A_253 = arith.constant 128 : i32
          %mul3A_254 = arith.muli %add3A_252, %mul3A_253 : i32
          %dma_start3A_255 = tpu.memref_slice %arg9[%mul3A_254] : memref<3328xi32, #tpu.memory_space<vmem>> -> memref<128xi32, #tpu.memory_space<vmem>>
          %dma_start3A_256 = arith.constant 0 : i32
          %dma_start3A_257 = arith.constant 0 : i32
          %dma_start3A_258 = tpu.memref_slice %arg3[%dma_start3A_256, %dma_start3A_257] : memref<10000x128xf32, #tpu.memory_space<hbm>> -> memref<10000x128xf32, #tpu.memory_space<hbm>>
          tpu.enqueue_indirect_dma source(%dma_start3A_258 : memref<10000x128xf32, #tpu.memory_space<hbm>>) target(%arg13 : memref<128x128xf32, #tpu.memory_space<vmem>>) offsets(%dma_start3A_255 : memref<128xi32, #tpu.memory_space<vmem>>) semaphore(%arg16 : memref<!tpu.dma_semaphore, #tpu.memory_space<semaphore_mem>>)
        } else {
        }
        %dma_wait3A_240 = tpu.memref_slice %arg9[%mul3A_223] : memref<3328xi32, #tpu.memory_space<vmem>> -> memref<128xi32, #tpu.memory_space<vmem>>
        %dma_wait3A_241 = arith.constant 0 : i32
        %dma_wait3A_242 = arith.constant 0 : i32
        %dma_wait3A_243 = tpu.memref_slice %arg3[%dma_wait3A_241, %dma_wait3A_242] : memref<10000x128xf32, #tpu.memory_space<hbm>> -> memref<10000x128xf32, #tpu.memory_space<hbm>>
        tpu.wait_indirect_dma semaphore(%arg17 : memref<!tpu.dma_semaphore, #tpu.memory_space<semaphore_mem>>) src(%dma_wait3A_243 : memref<10000x128xf32, #tpu.memory_space<hbm>>) dst(%arg14 : memref<128x128xf32, #tpu.memory_space<vmem>>)
        %mul3A_244 = arith.constant 2 : i32
        %mul3A_245 = arith.muli %mul3A_244, %scan3A_217 : i32
        %add3A_246 = arith.constant 1 : i32
        %add3A_247 = arith.addi %mul3A_245, %add3A_246 : i32
        %run_scoped3A_248 = arith.constant 0 : i32
        "tpu.region"() ({
          %run_scoped3A_249 = tpu.sem_alloc : memref<!tpu.dma_semaphore, #tpu.memory_space<semaphore_mem>>
          %dma_start3A_250 = arith.constant 0 : i32
          %dma_start3A_251 = tpu.memref_slice %arg11[%add3A_247, %run_scoped3A_248, %dma_start3A_250] : memref<26x1x128xi32, #tpu.memory_space<vmem>> -> memref<1x1x128xi32, #tpu.memory_space<vmem>>
          %dma_start3A_252 = tpu.memref_squeeze %dma_start3A_251 : memref<1x1x128xi32, #tpu.memory_space<vmem>> -> memref<128xi32, #tpu.memory_space<vmem>>
          %dma_start3A_253 = arith.constant 0 : i32
          %dma_start3A_254 = arith.constant 0 : i32
          %dma_start3A_255 = tpu.memref_slice %arg15[%dma_start3A_253, %dma_start3A_254] : memref<10008x128xf32, #tpu.memory_space<vmem_shared>> -> memref<10008x128xf32, #tpu.memory_space<vmem_shared>>
          tpu.enqueue_indirect_dma source(%arg14 : memref<128x128xf32, #tpu.memory_space<vmem>>) target(%dma_start3A_255 : memref<10008x128xf32, #tpu.memory_space<vmem_shared>>) offsets(%dma_start3A_252 : memref<128xi32, #tpu.memory_space<vmem>>) semaphore(%run_scoped3A_249 : memref<!tpu.dma_semaphore, #tpu.memory_space<semaphore_mem>>) {add = true}
          %dma_wait3A_256 = arith.constant 0 : i32
          %dma_wait3A_257 = tpu.memref_slice %arg11[%add3A_247, %run_scoped3A_248, %dma_wait3A_256] : memref<26x1x128xi32, #tpu.memory_space<vmem>> -> memref<1x1x128xi32, #tpu.memory_space<vmem>>
          %dma_wait3A_258 = tpu.memref_squeeze %dma_wait3A_257 : memref<1x1x128xi32, #tpu.memory_space<vmem>> -> memref<128xi32, #tpu.memory_space<vmem>>
          %dma_wait3A_259 = arith.constant 0 : i32
          %dma_wait3A_260 = arith.constant 0 : i32
          %dma_wait3A_261 = tpu.memref_slice %arg15[%dma_wait3A_259, %dma_wait3A_260] : memref<10008x128xf32, #tpu.memory_space<vmem_shared>> -> memref<10008x128xf32, #tpu.memory_space<vmem_shared>>
          tpu.wait_indirect_dma semaphore(%run_scoped3A_249 : memref<!tpu.dma_semaphore, #tpu.memory_space<semaphore_mem>>) src(%arg14 : memref<128x128xf32, #tpu.memory_space<vmem>>) dst(%dma_wait3A_261 : memref<10008x128xf32, #tpu.memory_space<vmem_shared>>)
          tpu.yield
        }) : () -> ()
      }
      %scan3A_90 = arith.constant 13 : i32
      %dma_wait3A_91 = tpu.memref_slice %arg4[%mul3A_71] : memref<320000xi32, #tpu.memory_space<hbm>> -> memref<3328xi32, #tpu.memory_space<hbm>>
      %dma_wait3A_92 = tpu.memref_slice %arg4[%mul3A_71] : memref<320000xi32, #tpu.memory_space<hbm>> -> memref<3328xi32, #tpu.memory_space<hbm>>
      tpu.wait_dma2 semaphore(%arg18 : memref<!tpu.dma_semaphore, #tpu.memory_space<semaphore_mem>>) src(%dma_wait3A_92 : memref<3328xi32, #tpu.memory_space<hbm>>) dst(%arg8 : memref<3328xi32, #tpu.memory_space<vmem>>)
      %dma_wait3A_93 = arith.constant 0 : i32
      %dma_wait3A_94 = arith.constant 0 : i32
      %dma_wait3A_95 = tpu.memref_slice %arg5[%add3A_69, %dma_wait3A_93, %dma_wait3A_94] : memref<2500x1x128xi32, #tpu.memory_space<hbm>> -> memref<26x1x128xi32, #tpu.memory_space<hbm>>
      %dma_wait3A_96 = arith.constant 0 : i32
      %dma_wait3A_97 = arith.constant 0 : i32
      %dma_wait3A_98 = tpu.memref_slice %arg5[%add3A_69, %dma_wait3A_96, %dma_wait3A_97] : memref<2500x1x128xi32, #tpu.memory_space<hbm>> -> memref<26x1x128xi32, #tpu.memory_space<hbm>>
      tpu.wait_dma2 semaphore(%arg18 : memref<!tpu.dma_semaphore, #tpu.memory_space<semaphore_mem>>) src(%dma_wait3A_98 : memref<26x1x128xi32, #tpu.memory_space<hbm>>) dst(%arg10 : memref<26x1x128xi32, #tpu.memory_space<vmem>>)
      %add3A_99 = arith.constant 78 : i32
      %add3A_100 = arith.addi %mul3A_0, %add3A_99 : i32
      %mul3A_101 = arith.constant 128 : i32
      %mul3A_102 = arith.muli %add3A_100, %mul3A_101 : i32
      %dma_start3A_103 = tpu.memref_slice %arg4[%mul3A_102] : memref<320000xi32, #tpu.memory_space<hbm>> -> memref<3328xi32, #tpu.memory_space<hbm>>
      %dma_start3A_104 = tpu.memref_slice %arg4[%mul3A_102] : memref<320000xi32, #tpu.memory_space<hbm>> -> memref<3328xi32, #tpu.memory_space<hbm>>
      tpu.enqueue_dma source(%dma_start3A_104 : memref<3328xi32, #tpu.memory_space<hbm>>) target(%arg9 : memref<3328xi32, #tpu.memory_space<vmem>>) target_semaphore(%arg18 : memref<!tpu.dma_semaphore, #tpu.memory_space<semaphore_mem>>)
      %dma_start3A_105 = arith.constant 0 : i32
      %dma_start3A_106 = arith.constant 0 : i32
      %dma_start3A_107 = tpu.memref_slice %arg5[%add3A_100, %dma_start3A_105, %dma_start3A_106] : memref<2500x1x128xi32, #tpu.memory_space<hbm>> -> memref<26x1x128xi32, #tpu.memory_space<hbm>>
      %dma_start3A_108 = arith.constant 0 : i32
      %dma_start3A_109 = arith.constant 0 : i32
      %dma_start3A_110 = tpu.memref_slice %arg5[%add3A_100, %dma_start3A_108, %dma_start3A_109] : memref<2500x1x128xi32, #tpu.memory_space<hbm>> -> memref<26x1x128xi32, #tpu.memory_space<hbm>>
      tpu.enqueue_dma source(%dma_start3A_110 : memref<26x1x128xi32, #tpu.memory_space<hbm>>) target(%arg11 : memref<26x1x128xi32, #tpu.memory_space<vmem>>) target_semaphore(%arg18 : memref<!tpu.dma_semaphore, #tpu.memory_space<semaphore_mem>>)
      %dma_start3A_111 = arith.constant 0 : i32
      %dma_start3A_112 = tpu.memref_slice %arg8[%dma_start3A_111] : memref<3328xi32, #tpu.memory_space<vmem>> -> memref<128xi32, #tpu.memory_space<vmem>>
      %dma_start3A_113 = arith.constant 0 : i32
      %dma_start3A_114 = arith.constant 0 : i32
      %dma_start3A_115 = tpu.memref_slice %arg3[%dma_start3A_113, %dma_start3A_114] : memref<10000x128xf32, #tpu.memory_space<hbm>> -> memref<10000x128xf32, #tpu.memory_space<hbm>>
      tpu.enqueue_indirect_dma source(%dma_start3A_115 : memref<10000x128xf32, #tpu.memory_space<hbm>>) target(%arg13 : memref<128x128xf32, #tpu.memory_space<vmem>>) offsets(%dma_start3A_112 : memref<128xi32, #tpu.memory_space<vmem>>) semaphore(%arg16 : memref<!tpu.dma_semaphore, #tpu.memory_space<semaphore_mem>>)
      %scan3A_116 = arith.constant 0 : i32
      %scan3A_117 = arith.constant 0 : i32
      %scan3A_118 = arith.constant 13 : i32
      %scan3A_119 = arith.addi %scan3A_117, %scan3A_118 : i32
      %scan3A_120 = arith.constant 1 : i32
      scf.for %scan3A_217 = %scan3A_117 to %scan3A_119 step %scan3A_120  : i32 {
        %mul3A_218 = arith.constant 2 : i32
        %mul3A_219 = arith.muli %mul3A_218, %scan3A_217 : i32
        %add3A_220 = arith.constant 1 : i32
        %add3A_221 = arith.addi %mul3A_219, %add3A_220 : i32
        %mul3A_222 = arith.constant 128 : i32
        %mul3A_223 = arith.muli %add3A_221, %mul3A_222 : i32
        %dma_start3A_224 = tpu.memref_slice %arg8[%mul3A_223] : memref<3328xi32, #tpu.memory_space<vmem>> -> memref<128xi32, #tpu.memory_space<vmem>>
        %dma_start3A_225 = arith.constant 0 : i32
        %dma_start3A_226 = arith.constant 0 : i32
        %dma_start3A_227 = tpu.memref_slice %arg3[%dma_start3A_225, %dma_start3A_226] : memref<10000x128xf32, #tpu.memory_space<hbm>> -> memref<10000x128xf32, #tpu.memory_space<hbm>>
        tpu.enqueue_indirect_dma source(%dma_start3A_227 : memref<10000x128xf32, #tpu.memory_space<hbm>>) target(%arg14 : memref<128x128xf32, #tpu.memory_space<vmem>>) offsets(%dma_start3A_224 : memref<128xi32, #tpu.memory_space<vmem>>) semaphore(%arg17 : memref<!tpu.dma_semaphore, #tpu.memory_space<semaphore_mem>>)
        %dma_wait3A_228 = arith.constant 0 : i32
        %dma_wait3A_229 = tpu.memref_slice %arg8[%dma_wait3A_228] : memref<3328xi32, #tpu.memory_space<vmem>> -> memref<128xi32, #tpu.memory_space<vmem>>
        %dma_wait3A_230 = arith.constant 0 : i32
        %dma_wait3A_231 = arith.constant 0 : i32
        %dma_wait3A_232 = tpu.memref_slice %arg3[%dma_wait3A_230, %dma_wait3A_231] : memref<10000x128xf32, #tpu.memory_space<hbm>> -> memref<10000x128xf32, #tpu.memory_space<hbm>>
        tpu.wait_indirect_dma semaphore(%arg16 : memref<!tpu.dma_semaphore, #tpu.memory_space<semaphore_mem>>) src(%dma_wait3A_232 : memref<10000x128xf32, #tpu.memory_space<hbm>>) dst(%arg13 : memref<128x128xf32, #tpu.memory_space<vmem>>)
        %mul3A_233 = arith.constant 2 : i32
        %mul3A_234 = arith.muli %mul3A_233, %scan3A_217 : i32
        %run_scoped3A = arith.constant 0 : i32
        "tpu.region"() ({
          %run_scoped3A_249 = tpu.sem_alloc : memref<!tpu.dma_semaphore, #tpu.memory_space<semaphore_mem>>
          %dma_start3A_250 = arith.constant 0 : i32
          %dma_start3A_251 = tpu.memref_slice %arg10[%mul3A_234, %run_scoped3A, %dma_start3A_250] : memref<26x1x128xi32, #tpu.memory_space<vmem>> -> memref<1x1x128xi32, #tpu.memory_space<vmem>>
          %dma_start3A_252 = tpu.memref_squeeze %dma_start3A_251 : memref<1x1x128xi32, #tpu.memory_space<vmem>> -> memref<128xi32, #tpu.memory_space<vmem>>
          %dma_start3A_253 = arith.constant 0 : i32
          %dma_start3A_254 = arith.constant 0 : i32
          %dma_start3A_255 = tpu.memref_slice %arg15[%dma_start3A_253, %dma_start3A_254] : memref<10008x128xf32, #tpu.memory_space<vmem_shared>> -> memref<10008x128xf32, #tpu.memory_space<vmem_shared>>
          tpu.enqueue_indirect_dma source(%arg13 : memref<128x128xf32, #tpu.memory_space<vmem>>) target(%dma_start3A_255 : memref<10008x128xf32, #tpu.memory_space<vmem_shared>>) offsets(%dma_start3A_252 : memref<128xi32, #tpu.memory_space<vmem>>) semaphore(%run_scoped3A_249 : memref<!tpu.dma_semaphore, #tpu.memory_space<semaphore_mem>>) {add = true}
          %dma_wait3A_256 = arith.constant 0 : i32
          %dma_wait3A_257 = tpu.memref_slice %arg10[%mul3A_234, %run_scoped3A, %dma_wait3A_256] : memref<26x1x128xi32, #tpu.memory_space<vmem>> -> memref<1x1x128xi32, #tpu.memory_space<vmem>>
          %dma_wait3A_258 = tpu.memref_squeeze %dma_wait3A_257 : memref<1x1x128xi32, #tpu.memory_space<vmem>> -> memref<128xi32, #tpu.memory_space<vmem>>
          %dma_wait3A_259 = arith.constant 0 : i32
          %dma_wait3A_260 = arith.constant 0 : i32
          %dma_wait3A_261 = tpu.memref_slice %arg15[%dma_wait3A_259, %dma_wait3A_260] : memref<10008x128xf32, #tpu.memory_space<vmem_shared>> -> memref<10008x128xf32, #tpu.memory_space<vmem_shared>>
          tpu.wait_indirect_dma semaphore(%run_scoped3A_249 : memref<!tpu.dma_semaphore, #tpu.memory_space<semaphore_mem>>) src(%arg13 : memref<128x128xf32, #tpu.memory_space<vmem>>) dst(%dma_wait3A_261 : memref<10008x128xf32, #tpu.memory_space<vmem_shared>>)
          tpu.yield
        }) : () -> ()
        %lt3A_235 = arith.constant 12 : i32
        %lt3A_236 = arith.cmpi slt, %scan3A_217, %lt3A_235 : i32
        %convert_element_type3A_237 = arith.extui %lt3A_236 : i1 to i32
        %cond3A_238 = arith.constant 0 : i32
        %cond3A_239 = arith.cmpi ne, %convert_element_type3A_237, %cond3A_238 : i32
        scf.if %cond3A_239 {
          %mul3A_249 = arith.constant 2 : i32
          %mul3A_250 = arith.muli %mul3A_249, %scan3A_217 : i32
          %add3A_251 = arith.constant 2 : i32
          %add3A_252 = arith.addi %mul3A_250, %add3A_251 : i32
          %mul3A_253 = arith.constant 128 : i32
          %mul3A_254 = arith.muli %add3A_252, %mul3A_253 : i32
          %dma_start3A_255 = tpu.memref_slice %arg8[%mul3A_254] : memref<3328xi32, #tpu.memory_space<vmem>> -> memref<128xi32, #tpu.memory_space<vmem>>
          %dma_start3A_256 = arith.constant 0 : i32
          %dma_start3A_257 = arith.constant 0 : i32
          %dma_start3A_258 = tpu.memref_slice %arg3[%dma_start3A_256, %dma_start3A_257] : memref<10000x128xf32, #tpu.memory_space<hbm>> -> memref<10000x128xf32, #tpu.memory_space<hbm>>
          tpu.enqueue_indirect_dma source(%dma_start3A_258 : memref<10000x128xf32, #tpu.memory_space<hbm>>) target(%arg13 : memref<128x128xf32, #tpu.memory_space<vmem>>) offsets(%dma_start3A_255 : memref<128xi32, #tpu.memory_space<vmem>>) semaphore(%arg16 : memref<!tpu.dma_semaphore, #tpu.memory_space<semaphore_mem>>)
        } else {
        }
        %dma_wait3A_240 = tpu.memref_slice %arg8[%mul3A_223] : memref<3328xi32, #tpu.memory_space<vmem>> -> memref<128xi32, #tpu.memory_space<vmem>>
        %dma_wait3A_241 = arith.constant 0 : i32
        %dma_wait3A_242 = arith.constant 0 : i32
        %dma_wait3A_243 = tpu.memref_slice %arg3[%dma_wait3A_241, %dma_wait3A_242] : memref<10000x128xf32, #tpu.memory_space<hbm>> -> memref<10000x128xf32, #tpu.memory_space<hbm>>
        tpu.wait_indirect_dma semaphore(%arg17 : memref<!tpu.dma_semaphore, #tpu.memory_space<semaphore_mem>>) src(%dma_wait3A_243 : memref<10000x128xf32, #tpu.memory_space<hbm>>) dst(%arg14 : memref<128x128xf32, #tpu.memory_space<vmem>>)
        %mul3A_244 = arith.constant 2 : i32
        %mul3A_245 = arith.muli %mul3A_244, %scan3A_217 : i32
        %add3A_246 = arith.constant 1 : i32
        %add3A_247 = arith.addi %mul3A_245, %add3A_246 : i32
        %run_scoped3A_248 = arith.constant 0 : i32
        "tpu.region"() ({
          %run_scoped3A_249 = tpu.sem_alloc : memref<!tpu.dma_semaphore, #tpu.memory_space<semaphore_mem>>
          %dma_start3A_250 = arith.constant 0 : i32
          %dma_start3A_251 = tpu.memref_slice %arg10[%add3A_247, %run_scoped3A_248, %dma_start3A_250] : memref<26x1x128xi32, #tpu.memory_space<vmem>> -> memref<1x1x128xi32, #tpu.memory_space<vmem>>
          %dma_start3A_252 = tpu.memref_squeeze %dma_start3A_251 : memref<1x1x128xi32, #tpu.memory_space<vmem>> -> memref<128xi32, #tpu.memory_space<vmem>>
          %dma_start3A_253 = arith.constant 0 : i32
          %dma_start3A_254 = arith.constant 0 : i32
          %dma_start3A_255 = tpu.memref_slice %arg15[%dma_start3A_253, %dma_start3A_254] : memref<10008x128xf32, #tpu.memory_space<vmem_shared>> -> memref<10008x128xf32, #tpu.memory_space<vmem_shared>>
          tpu.enqueue_indirect_dma source(%arg14 : memref<128x128xf32, #tpu.memory_space<vmem>>) target(%dma_start3A_255 : memref<10008x128xf32, #tpu.memory_space<vmem_shared>>) offsets(%dma_start3A_252 : memref<128xi32, #tpu.memory_space<vmem>>) semaphore(%run_scoped3A_249 : memref<!tpu.dma_semaphore, #tpu.memory_space<semaphore_mem>>) {add = true}
          %dma_wait3A_256 = arith.constant 0 : i32
          %dma_wait3A_257 = tpu.memref_slice %arg10[%add3A_247, %run_scoped3A_248, %dma_wait3A_256] : memref<26x1x128xi32, #tpu.memory_space<vmem>> -> memref<1x1x128xi32, #tpu.memory_space<vmem>>
          %dma_wait3A_258 = tpu.memref_squeeze %dma_wait3A_257 : memref<1x1x128xi32, #tpu.memory_space<vmem>> -> memref<128xi32, #tpu.memory_space<vmem>>
          %dma_wait3A_259 = arith.constant 0 : i32
          %dma_wait3A_260 = arith.constant 0 : i32
          %dma_wait3A_261 = tpu.memref_slice %arg15[%dma_wait3A_259, %dma_wait3A_260] : memref<10008x128xf32, #tpu.memory_space<vmem_shared>> -> memref<10008x128xf32, #tpu.memory_space<vmem_shared>>
          tpu.wait_indirect_dma semaphore(%run_scoped3A_249 : memref<!tpu.dma_semaphore, #tpu.memory_space<semaphore_mem>>) src(%arg14 : memref<128x128xf32, #tpu.memory_space<vmem>>) dst(%dma_wait3A_261 : memref<10008x128xf32, #tpu.memory_space<vmem_shared>>)
          tpu.yield
        }) : () -> ()
      }
      %scan3A_121 = arith.constant 13 : i32
      %dma_wait3A_122 = tpu.memref_slice %arg4[%mul3A_102] : memref<320000xi32, #tpu.memory_space<hbm>> -> memref<3328xi32, #tpu.memory_space<hbm>>
      %dma_wait3A_123 = tpu.memref_slice %arg4[%mul3A_102] : memref<320000xi32, #tpu.memory_space<hbm>> -> memref<3328xi32, #tpu.memory_space<hbm>>
      tpu.wait_dma2 semaphore(%arg18 : memref<!tpu.dma_semaphore, #tpu.memory_space<semaphore_mem>>) src(%dma_wait3A_123 : memref<3328xi32, #tpu.memory_space<hbm>>) dst(%arg9 : memref<3328xi32, #tpu.memory_space<vmem>>)
      %dma_wait3A_124 = arith.constant 0 : i32
      %dma_wait3A_125 = arith.constant 0 : i32
      %dma_wait3A_126 = tpu.memref_slice %arg5[%add3A_100, %dma_wait3A_124, %dma_wait3A_125] : memref<2500x1x128xi32, #tpu.memory_space<hbm>> -> memref<26x1x128xi32, #tpu.memory_space<hbm>>
      %dma_wait3A_127 = arith.constant 0 : i32
      %dma_wait3A_128 = arith.constant 0 : i32
      %dma_wait3A_129 = tpu.memref_slice %arg5[%add3A_100, %dma_wait3A_127, %dma_wait3A_128] : memref<2500x1x128xi32, #tpu.memory_space<hbm>> -> memref<26x1x128xi32, #tpu.memory_space<hbm>>
      tpu.wait_dma2 semaphore(%arg18 : memref<!tpu.dma_semaphore, #tpu.memory_space<semaphore_mem>>) src(%dma_wait3A_129 : memref<26x1x128xi32, #tpu.memory_space<hbm>>) dst(%arg11 : memref<26x1x128xi32, #tpu.memory_space<vmem>>)
      %add3A_130 = arith.constant 104 : i32
      %add3A_131 = arith.addi %mul3A_0, %add3A_130 : i32
      %mul3A_132 = arith.constant 128 : i32
      %mul3A_133 = arith.muli %add3A_131, %mul3A_132 : i32
      %dma_start3A_134 = tpu.memref_slice %arg4[%mul3A_133] : memref<320000xi32, #tpu.memory_space<hbm>> -> memref<3328xi32, #tpu.memory_space<hbm>>
      %dma_start3A_135 = tpu.memref_slice %arg4[%mul3A_133] : memref<320000xi32, #tpu.memory_space<hbm>> -> memref<3328xi32, #tpu.memory_space<hbm>>
      tpu.enqueue_dma source(%dma_start3A_135 : memref<3328xi32, #tpu.memory_space<hbm>>) target(%arg8 : memref<3328xi32, #tpu.memory_space<vmem>>) target_semaphore(%arg18 : memref<!tpu.dma_semaphore, #tpu.memory_space<semaphore_mem>>)
      %dma_start3A_136 = arith.constant 0 : i32
      %dma_start3A_137 = arith.constant 0 : i32
      %dma_start3A_138 = tpu.memref_slice %arg5[%add3A_131, %dma_start3A_136, %dma_start3A_137] : memref<2500x1x128xi32, #tpu.memory_space<hbm>> -> memref<26x1x128xi32, #tpu.memory_space<hbm>>
      %dma_start3A_139 = arith.constant 0 : i32
      %dma_start3A_140 = arith.constant 0 : i32
      %dma_start3A_141 = tpu.memref_slice %arg5[%add3A_131, %dma_start3A_139, %dma_start3A_140] : memref<2500x1x128xi32, #tpu.memory_space<hbm>> -> memref<26x1x128xi32, #tpu.memory_space<hbm>>
      tpu.enqueue_dma source(%dma_start3A_141 : memref<26x1x128xi32, #tpu.memory_space<hbm>>) target(%arg10 : memref<26x1x128xi32, #tpu.memory_space<vmem>>) target_semaphore(%arg18 : memref<!tpu.dma_semaphore, #tpu.memory_space<semaphore_mem>>)
      %dma_start3A_142 = arith.constant 0 : i32
      %dma_start3A_143 = tpu.memref_slice %arg9[%dma_start3A_142] : memref<3328xi32, #tpu.memory_space<vmem>> -> memref<128xi32, #tpu.memory_space<vmem>>
      %dma_start3A_144 = arith.constant 0 : i32
      %dma_start3A_145 = arith.constant 0 : i32
      %dma_start3A_146 = tpu.memref_slice %arg3[%dma_start3A_144, %dma_start3A_145] : memref<10000x128xf32, #tpu.memory_space<hbm>> -> memref<10000x128xf32, #tpu.memory_space<hbm>>
      tpu.enqueue_indirect_dma source(%dma_start3A_146 : memref<10000x128xf32, #tpu.memory_space<hbm>>) target(%arg13 : memref<128x128xf32, #tpu.memory_space<vmem>>) offsets(%dma_start3A_143 : memref<128xi32, #tpu.memory_space<vmem>>) semaphore(%arg16 : memref<!tpu.dma_semaphore, #tpu.memory_space<semaphore_mem>>)
      %scan3A_147 = arith.constant 0 : i32
      %scan3A_148 = arith.constant 0 : i32
      %scan3A_149 = arith.constant 13 : i32
      %scan3A_150 = arith.addi %scan3A_148, %scan3A_149 : i32
      %scan3A_151 = arith.constant 1 : i32
      scf.for %scan3A_217 = %scan3A_148 to %scan3A_150 step %scan3A_151  : i32 {
        %mul3A_218 = arith.constant 2 : i32
        %mul3A_219 = arith.muli %mul3A_218, %scan3A_217 : i32
        %add3A_220 = arith.constant 1 : i32
        %add3A_221 = arith.addi %mul3A_219, %add3A_220 : i32
        %mul3A_222 = arith.constant 128 : i32
        %mul3A_223 = arith.muli %add3A_221, %mul3A_222 : i32
        %dma_start3A_224 = tpu.memref_slice %arg9[%mul3A_223] : memref<3328xi32, #tpu.memory_space<vmem>> -> memref<128xi32, #tpu.memory_space<vmem>>
        %dma_start3A_225 = arith.constant 0 : i32
        %dma_start3A_226 = arith.constant 0 : i32
        %dma_start3A_227 = tpu.memref_slice %arg3[%dma_start3A_225, %dma_start3A_226] : memref<10000x128xf32, #tpu.memory_space<hbm>> -> memref<10000x128xf32, #tpu.memory_space<hbm>>
        tpu.enqueue_indirect_dma source(%dma_start3A_227 : memref<10000x128xf32, #tpu.memory_space<hbm>>) target(%arg14 : memref<128x128xf32, #tpu.memory_space<vmem>>) offsets(%dma_start3A_224 : memref<128xi32, #tpu.memory_space<vmem>>) semaphore(%arg17 : memref<!tpu.dma_semaphore, #tpu.memory_space<semaphore_mem>>)
        %dma_wait3A_228 = arith.constant 0 : i32
        %dma_wait3A_229 = tpu.memref_slice %arg9[%dma_wait3A_228] : memref<3328xi32, #tpu.memory_space<vmem>> -> memref<128xi32, #tpu.memory_space<vmem>>
        %dma_wait3A_230 = arith.constant 0 : i32
        %dma_wait3A_231 = arith.constant 0 : i32
        %dma_wait3A_232 = tpu.memref_slice %arg3[%dma_wait3A_230, %dma_wait3A_231] : memref<10000x128xf32, #tpu.memory_space<hbm>> -> memref<10000x128xf32, #tpu.memory_space<hbm>>
        tpu.wait_indirect_dma semaphore(%arg16 : memref<!tpu.dma_semaphore, #tpu.memory_space<semaphore_mem>>) src(%dma_wait3A_232 : memref<10000x128xf32, #tpu.memory_space<hbm>>) dst(%arg13 : memref<128x128xf32, #tpu.memory_space<vmem>>)
        %mul3A_233 = arith.constant 2 : i32
        %mul3A_234 = arith.muli %mul3A_233, %scan3A_217 : i32
        %run_scoped3A = arith.constant 0 : i32
        "tpu.region"() ({
          %run_scoped3A_249 = tpu.sem_alloc : memref<!tpu.dma_semaphore, #tpu.memory_space<semaphore_mem>>
          %dma_start3A_250 = arith.constant 0 : i32
          %dma_start3A_251 = tpu.memref_slice %arg11[%mul3A_234, %run_scoped3A, %dma_start3A_250] : memref<26x1x128xi32, #tpu.memory_space<vmem>> -> memref<1x1x128xi32, #tpu.memory_space<vmem>>
          %dma_start3A_252 = tpu.memref_squeeze %dma_start3A_251 : memref<1x1x128xi32, #tpu.memory_space<vmem>> -> memref<128xi32, #tpu.memory_space<vmem>>
          %dma_start3A_253 = arith.constant 0 : i32
          %dma_start3A_254 = arith.constant 0 : i32
          %dma_start3A_255 = tpu.memref_slice %arg15[%dma_start3A_253, %dma_start3A_254] : memref<10008x128xf32, #tpu.memory_space<vmem_shared>> -> memref<10008x128xf32, #tpu.memory_space<vmem_shared>>
          tpu.enqueue_indirect_dma source(%arg13 : memref<128x128xf32, #tpu.memory_space<vmem>>) target(%dma_start3A_255 : memref<10008x128xf32, #tpu.memory_space<vmem_shared>>) offsets(%dma_start3A_252 : memref<128xi32, #tpu.memory_space<vmem>>) semaphore(%run_scoped3A_249 : memref<!tpu.dma_semaphore, #tpu.memory_space<semaphore_mem>>) {add = true}
          %dma_wait3A_256 = arith.constant 0 : i32
          %dma_wait3A_257 = tpu.memref_slice %arg11[%mul3A_234, %run_scoped3A, %dma_wait3A_256] : memref<26x1x128xi32, #tpu.memory_space<vmem>> -> memref<1x1x128xi32, #tpu.memory_space<vmem>>
          %dma_wait3A_258 = tpu.memref_squeeze %dma_wait3A_257 : memref<1x1x128xi32, #tpu.memory_space<vmem>> -> memref<128xi32, #tpu.memory_space<vmem>>
          %dma_wait3A_259 = arith.constant 0 : i32
          %dma_wait3A_260 = arith.constant 0 : i32
          %dma_wait3A_261 = tpu.memref_slice %arg15[%dma_wait3A_259, %dma_wait3A_260] : memref<10008x128xf32, #tpu.memory_space<vmem_shared>> -> memref<10008x128xf32, #tpu.memory_space<vmem_shared>>
          tpu.wait_indirect_dma semaphore(%run_scoped3A_249 : memref<!tpu.dma_semaphore, #tpu.memory_space<semaphore_mem>>) src(%arg13 : memref<128x128xf32, #tpu.memory_space<vmem>>) dst(%dma_wait3A_261 : memref<10008x128xf32, #tpu.memory_space<vmem_shared>>)
          tpu.yield
        }) : () -> ()
        %lt3A_235 = arith.constant 12 : i32
        %lt3A_236 = arith.cmpi slt, %scan3A_217, %lt3A_235 : i32
        %convert_element_type3A_237 = arith.extui %lt3A_236 : i1 to i32
        %cond3A_238 = arith.constant 0 : i32
        %cond3A_239 = arith.cmpi ne, %convert_element_type3A_237, %cond3A_238 : i32
        scf.if %cond3A_239 {
          %mul3A_249 = arith.constant 2 : i32
          %mul3A_250 = arith.muli %mul3A_249, %scan3A_217 : i32
          %add3A_251 = arith.constant 2 : i32
          %add3A_252 = arith.addi %mul3A_250, %add3A_251 : i32
          %mul3A_253 = arith.constant 128 : i32
          %mul3A_254 = arith.muli %add3A_252, %mul3A_253 : i32
          %dma_start3A_255 = tpu.memref_slice %arg9[%mul3A_254] : memref<3328xi32, #tpu.memory_space<vmem>> -> memref<128xi32, #tpu.memory_space<vmem>>
          %dma_start3A_256 = arith.constant 0 : i32
          %dma_start3A_257 = arith.constant 0 : i32
          %dma_start3A_258 = tpu.memref_slice %arg3[%dma_start3A_256, %dma_start3A_257] : memref<10000x128xf32, #tpu.memory_space<hbm>> -> memref<10000x128xf32, #tpu.memory_space<hbm>>
          tpu.enqueue_indirect_dma source(%dma_start3A_258 : memref<10000x128xf32, #tpu.memory_space<hbm>>) target(%arg13 : memref<128x128xf32, #tpu.memory_space<vmem>>) offsets(%dma_start3A_255 : memref<128xi32, #tpu.memory_space<vmem>>) semaphore(%arg16 : memref<!tpu.dma_semaphore, #tpu.memory_space<semaphore_mem>>)
        } else {
        }
        %dma_wait3A_240 = tpu.memref_slice %arg9[%mul3A_223] : memref<3328xi32, #tpu.memory_space<vmem>> -> memref<128xi32, #tpu.memory_space<vmem>>
        %dma_wait3A_241 = arith.constant 0 : i32
        %dma_wait3A_242 = arith.constant 0 : i32
        %dma_wait3A_243 = tpu.memref_slice %arg3[%dma_wait3A_241, %dma_wait3A_242] : memref<10000x128xf32, #tpu.memory_space<hbm>> -> memref<10000x128xf32, #tpu.memory_space<hbm>>
        tpu.wait_indirect_dma semaphore(%arg17 : memref<!tpu.dma_semaphore, #tpu.memory_space<semaphore_mem>>) src(%dma_wait3A_243 : memref<10000x128xf32, #tpu.memory_space<hbm>>) dst(%arg14 : memref<128x128xf32, #tpu.memory_space<vmem>>)
        %mul3A_244 = arith.constant 2 : i32
        %mul3A_245 = arith.muli %mul3A_244, %scan3A_217 : i32
        %add3A_246 = arith.constant 1 : i32
        %add3A_247 = arith.addi %mul3A_245, %add3A_246 : i32
        %run_scoped3A_248 = arith.constant 0 : i32
        "tpu.region"() ({
          %run_scoped3A_249 = tpu.sem_alloc : memref<!tpu.dma_semaphore, #tpu.memory_space<semaphore_mem>>
          %dma_start3A_250 = arith.constant 0 : i32
          %dma_start3A_251 = tpu.memref_slice %arg11[%add3A_247, %run_scoped3A_248, %dma_start3A_250] : memref<26x1x128xi32, #tpu.memory_space<vmem>> -> memref<1x1x128xi32, #tpu.memory_space<vmem>>
          %dma_start3A_252 = tpu.memref_squeeze %dma_start3A_251 : memref<1x1x128xi32, #tpu.memory_space<vmem>> -> memref<128xi32, #tpu.memory_space<vmem>>
          %dma_start3A_253 = arith.constant 0 : i32
          %dma_start3A_254 = arith.constant 0 : i32
          %dma_start3A_255 = tpu.memref_slice %arg15[%dma_start3A_253, %dma_start3A_254] : memref<10008x128xf32, #tpu.memory_space<vmem_shared>> -> memref<10008x128xf32, #tpu.memory_space<vmem_shared>>
          tpu.enqueue_indirect_dma source(%arg14 : memref<128x128xf32, #tpu.memory_space<vmem>>) target(%dma_start3A_255 : memref<10008x128xf32, #tpu.memory_space<vmem_shared>>) offsets(%dma_start3A_252 : memref<128xi32, #tpu.memory_space<vmem>>) semaphore(%run_scoped3A_249 : memref<!tpu.dma_semaphore, #tpu.memory_space<semaphore_mem>>) {add = true}
          %dma_wait3A_256 = arith.constant 0 : i32
          %dma_wait3A_257 = tpu.memref_slice %arg11[%add3A_247, %run_scoped3A_248, %dma_wait3A_256] : memref<26x1x128xi32, #tpu.memory_space<vmem>> -> memref<1x1x128xi32, #tpu.memory_space<vmem>>
          %dma_wait3A_258 = tpu.memref_squeeze %dma_wait3A_257 : memref<1x1x128xi32, #tpu.memory_space<vmem>> -> memref<128xi32, #tpu.memory_space<vmem>>
          %dma_wait3A_259 = arith.constant 0 : i32
          %dma_wait3A_260 = arith.constant 0 : i32
          %dma_wait3A_261 = tpu.memref_slice %arg15[%dma_wait3A_259, %dma_wait3A_260] : memref<10008x128xf32, #tpu.memory_space<vmem_shared>> -> memref<10008x128xf32, #tpu.memory_space<vmem_shared>>
          tpu.wait_indirect_dma semaphore(%run_scoped3A_249 : memref<!tpu.dma_semaphore, #tpu.memory_space<semaphore_mem>>) src(%arg14 : memref<128x128xf32, #tpu.memory_space<vmem>>) dst(%dma_wait3A_261 : memref<10008x128xf32, #tpu.memory_space<vmem_shared>>)
          tpu.yield
        }) : () -> ()
      }
      %scan3A_152 = arith.constant 13 : i32
      %dma_wait3A_153 = tpu.memref_slice %arg4[%mul3A_133] : memref<320000xi32, #tpu.memory_space<hbm>> -> memref<3328xi32, #tpu.memory_space<hbm>>
      %dma_wait3A_154 = tpu.memref_slice %arg4[%mul3A_133] : memref<320000xi32, #tpu.memory_space<hbm>> -> memref<3328xi32, #tpu.memory_space<hbm>>
      tpu.wait_dma2 semaphore(%arg18 : memref<!tpu.dma_semaphore, #tpu.memory_space<semaphore_mem>>) src(%dma_wait3A_154 : memref<3328xi32, #tpu.memory_space<hbm>>) dst(%arg8 : memref<3328xi32, #tpu.memory_space<vmem>>)
      %dma_wait3A_155 = arith.constant 0 : i32
      %dma_wait3A_156 = arith.constant 0 : i32
      %dma_wait3A_157 = tpu.memref_slice %arg5[%add3A_131, %dma_wait3A_155, %dma_wait3A_156] : memref<2500x1x128xi32, #tpu.memory_space<hbm>> -> memref<26x1x128xi32, #tpu.memory_space<hbm>>
      %dma_wait3A_158 = arith.constant 0 : i32
      %dma_wait3A_159 = arith.constant 0 : i32
      %dma_wait3A_160 = tpu.memref_slice %arg5[%add3A_131, %dma_wait3A_158, %dma_wait3A_159] : memref<2500x1x128xi32, #tpu.memory_space<hbm>> -> memref<26x1x128xi32, #tpu.memory_space<hbm>>
      tpu.wait_dma2 semaphore(%arg18 : memref<!tpu.dma_semaphore, #tpu.memory_space<semaphore_mem>>) src(%dma_wait3A_160 : memref<26x1x128xi32, #tpu.memory_space<hbm>>) dst(%arg10 : memref<26x1x128xi32, #tpu.memory_space<vmem>>)
      %add3A_161 = arith.constant 130 : i32
      %add3A_162 = arith.addi %mul3A_0, %add3A_161 : i32
      %mul3A_163 = arith.constant 128 : i32
      %mul3A_164 = arith.muli %add3A_162, %mul3A_163 : i32
      %dma_start3A_165 = tpu.memref_slice %arg4[%mul3A_164] : memref<320000xi32, #tpu.memory_space<hbm>> -> memref<3328xi32, #tpu.memory_space<hbm>>
      %dma_start3A_166 = tpu.memref_slice %arg4[%mul3A_164] : memref<320000xi32, #tpu.memory_space<hbm>> -> memref<3328xi32, #tpu.memory_space<hbm>>
      tpu.enqueue_dma source(%dma_start3A_166 : memref<3328xi32, #tpu.memory_space<hbm>>) target(%arg9 : memref<3328xi32, #tpu.memory_space<vmem>>) target_semaphore(%arg18 : memref<!tpu.dma_semaphore, #tpu.memory_space<semaphore_mem>>)
      %dma_start3A_167 = arith.constant 0 : i32
      %dma_start3A_168 = arith.constant 0 : i32
      %dma_start3A_169 = tpu.memref_slice %arg5[%add3A_162, %dma_start3A_167, %dma_start3A_168] : memref<2500x1x128xi32, #tpu.memory_space<hbm>> -> memref<26x1x128xi32, #tpu.memory_space<hbm>>
      %dma_start3A_170 = arith.constant 0 : i32
      %dma_start3A_171 = arith.constant 0 : i32
      %dma_start3A_172 = tpu.memref_slice %arg5[%add3A_162, %dma_start3A_170, %dma_start3A_171] : memref<2500x1x128xi32, #tpu.memory_space<hbm>> -> memref<26x1x128xi32, #tpu.memory_space<hbm>>
      tpu.enqueue_dma source(%dma_start3A_172 : memref<26x1x128xi32, #tpu.memory_space<hbm>>) target(%arg11 : memref<26x1x128xi32, #tpu.memory_space<vmem>>) target_semaphore(%arg18 : memref<!tpu.dma_semaphore, #tpu.memory_space<semaphore_mem>>)
      %dma_start3A_173 = arith.constant 0 : i32
      %dma_start3A_174 = tpu.memref_slice %arg8[%dma_start3A_173] : memref<3328xi32, #tpu.memory_space<vmem>> -> memref<128xi32, #tpu.memory_space<vmem>>
      %dma_start3A_175 = arith.constant 0 : i32
      %dma_start3A_176 = arith.constant 0 : i32
      %dma_start3A_177 = tpu.memref_slice %arg3[%dma_start3A_175, %dma_start3A_176] : memref<10000x128xf32, #tpu.memory_space<hbm>> -> memref<10000x128xf32, #tpu.memory_space<hbm>>
      tpu.enqueue_indirect_dma source(%dma_start3A_177 : memref<10000x128xf32, #tpu.memory_space<hbm>>) target(%arg13 : memref<128x128xf32, #tpu.memory_space<vmem>>) offsets(%dma_start3A_174 : memref<128xi32, #tpu.memory_space<vmem>>) semaphore(%arg16 : memref<!tpu.dma_semaphore, #tpu.memory_space<semaphore_mem>>)
      %scan3A_178 = arith.constant 0 : i32
      %scan3A_179 = arith.constant 0 : i32
      %scan3A_180 = arith.constant 13 : i32
      %scan3A_181 = arith.addi %scan3A_179, %scan3A_180 : i32
      %scan3A_182 = arith.constant 1 : i32
      scf.for %scan3A_217 = %scan3A_179 to %scan3A_181 step %scan3A_182  : i32 {
        %mul3A_218 = arith.constant 2 : i32
        %mul3A_219 = arith.muli %mul3A_218, %scan3A_217 : i32
        %add3A_220 = arith.constant 1 : i32
        %add3A_221 = arith.addi %mul3A_219, %add3A_220 : i32
        %mul3A_222 = arith.constant 128 : i32
        %mul3A_223 = arith.muli %add3A_221, %mul3A_222 : i32
        %dma_start3A_224 = tpu.memref_slice %arg8[%mul3A_223] : memref<3328xi32, #tpu.memory_space<vmem>> -> memref<128xi32, #tpu.memory_space<vmem>>
        %dma_start3A_225 = arith.constant 0 : i32
        %dma_start3A_226 = arith.constant 0 : i32
        %dma_start3A_227 = tpu.memref_slice %arg3[%dma_start3A_225, %dma_start3A_226] : memref<10000x128xf32, #tpu.memory_space<hbm>> -> memref<10000x128xf32, #tpu.memory_space<hbm>>
        tpu.enqueue_indirect_dma source(%dma_start3A_227 : memref<10000x128xf32, #tpu.memory_space<hbm>>) target(%arg14 : memref<128x128xf32, #tpu.memory_space<vmem>>) offsets(%dma_start3A_224 : memref<128xi32, #tpu.memory_space<vmem>>) semaphore(%arg17 : memref<!tpu.dma_semaphore, #tpu.memory_space<semaphore_mem>>)
        %dma_wait3A_228 = arith.constant 0 : i32
        %dma_wait3A_229 = tpu.memref_slice %arg8[%dma_wait3A_228] : memref<3328xi32, #tpu.memory_space<vmem>> -> memref<128xi32, #tpu.memory_space<vmem>>
        %dma_wait3A_230 = arith.constant 0 : i32
        %dma_wait3A_231 = arith.constant 0 : i32
        %dma_wait3A_232 = tpu.memref_slice %arg3[%dma_wait3A_230, %dma_wait3A_231] : memref<10000x128xf32, #tpu.memory_space<hbm>> -> memref<10000x128xf32, #tpu.memory_space<hbm>>
        tpu.wait_indirect_dma semaphore(%arg16 : memref<!tpu.dma_semaphore, #tpu.memory_space<semaphore_mem>>) src(%dma_wait3A_232 : memref<10000x128xf32, #tpu.memory_space<hbm>>) dst(%arg13 : memref<128x128xf32, #tpu.memory_space<vmem>>)
        %mul3A_233 = arith.constant 2 : i32
        %mul3A_234 = arith.muli %mul3A_233, %scan3A_217 : i32
        %run_scoped3A = arith.constant 0 : i32
        "tpu.region"() ({
          %run_scoped3A_249 = tpu.sem_alloc : memref<!tpu.dma_semaphore, #tpu.memory_space<semaphore_mem>>
          %dma_start3A_250 = arith.constant 0 : i32
          %dma_start3A_251 = tpu.memref_slice %arg10[%mul3A_234, %run_scoped3A, %dma_start3A_250] : memref<26x1x128xi32, #tpu.memory_space<vmem>> -> memref<1x1x128xi32, #tpu.memory_space<vmem>>
          %dma_start3A_252 = tpu.memref_squeeze %dma_start3A_251 : memref<1x1x128xi32, #tpu.memory_space<vmem>> -> memref<128xi32, #tpu.memory_space<vmem>>
          %dma_start3A_253 = arith.constant 0 : i32
          %dma_start3A_254 = arith.constant 0 : i32
          %dma_start3A_255 = tpu.memref_slice %arg15[%dma_start3A_253, %dma_start3A_254] : memref<10008x128xf32, #tpu.memory_space<vmem_shared>> -> memref<10008x128xf32, #tpu.memory_space<vmem_shared>>
          tpu.enqueue_indirect_dma source(%arg13 : memref<128x128xf32, #tpu.memory_space<vmem>>) target(%dma_start3A_255 : memref<10008x128xf32, #tpu.memory_space<vmem_shared>>) offsets(%dma_start3A_252 : memref<128xi32, #tpu.memory_space<vmem>>) semaphore(%run_scoped3A_249 : memref<!tpu.dma_semaphore, #tpu.memory_space<semaphore_mem>>) {add = true}
          %dma_wait3A_256 = arith.constant 0 : i32
          %dma_wait3A_257 = tpu.memref_slice %arg10[%mul3A_234, %run_scoped3A, %dma_wait3A_256] : memref<26x1x128xi32, #tpu.memory_space<vmem>> -> memref<1x1x128xi32, #tpu.memory_space<vmem>>
          %dma_wait3A_258 = tpu.memref_squeeze %dma_wait3A_257 : memref<1x1x128xi32, #tpu.memory_space<vmem>> -> memref<128xi32, #tpu.memory_space<vmem>>
          %dma_wait3A_259 = arith.constant 0 : i32
          %dma_wait3A_260 = arith.constant 0 : i32
          %dma_wait3A_261 = tpu.memref_slice %arg15[%dma_wait3A_259, %dma_wait3A_260] : memref<10008x128xf32, #tpu.memory_space<vmem_shared>> -> memref<10008x128xf32, #tpu.memory_space<vmem_shared>>
          tpu.wait_indirect_dma semaphore(%run_scoped3A_249 : memref<!tpu.dma_semaphore, #tpu.memory_space<semaphore_mem>>) src(%arg13 : memref<128x128xf32, #tpu.memory_space<vmem>>) dst(%dma_wait3A_261 : memref<10008x128xf32, #tpu.memory_space<vmem_shared>>)
          tpu.yield
        }) : () -> ()
        %lt3A_235 = arith.constant 12 : i32
        %lt3A_236 = arith.cmpi slt, %scan3A_217, %lt3A_235 : i32
        %convert_element_type3A_237 = arith.extui %lt3A_236 : i1 to i32
        %cond3A_238 = arith.constant 0 : i32
        %cond3A_239 = arith.cmpi ne, %convert_element_type3A_237, %cond3A_238 : i32
        scf.if %cond3A_239 {
          %mul3A_249 = arith.constant 2 : i32
          %mul3A_250 = arith.muli %mul3A_249, %scan3A_217 : i32
          %add3A_251 = arith.constant 2 : i32
          %add3A_252 = arith.addi %mul3A_250, %add3A_251 : i32
          %mul3A_253 = arith.constant 128 : i32
          %mul3A_254 = arith.muli %add3A_252, %mul3A_253 : i32
          %dma_start3A_255 = tpu.memref_slice %arg8[%mul3A_254] : memref<3328xi32, #tpu.memory_space<vmem>> -> memref<128xi32, #tpu.memory_space<vmem>>
          %dma_start3A_256 = arith.constant 0 : i32
          %dma_start3A_257 = arith.constant 0 : i32
          %dma_start3A_258 = tpu.memref_slice %arg3[%dma_start3A_256, %dma_start3A_257] : memref<10000x128xf32, #tpu.memory_space<hbm>> -> memref<10000x128xf32, #tpu.memory_space<hbm>>
          tpu.enqueue_indirect_dma source(%dma_start3A_258 : memref<10000x128xf32, #tpu.memory_space<hbm>>) target(%arg13 : memref<128x128xf32, #tpu.memory_space<vmem>>) offsets(%dma_start3A_255 : memref<128xi32, #tpu.memory_space<vmem>>) semaphore(%arg16 : memref<!tpu.dma_semaphore, #tpu.memory_space<semaphore_mem>>)
        } else {
        }
        %dma_wait3A_240 = tpu.memref_slice %arg8[%mul3A_223] : memref<3328xi32, #tpu.memory_space<vmem>> -> memref<128xi32, #tpu.memory_space<vmem>>
        %dma_wait3A_241 = arith.constant 0 : i32
        %dma_wait3A_242 = arith.constant 0 : i32
        %dma_wait3A_243 = tpu.memref_slice %arg3[%dma_wait3A_241, %dma_wait3A_242] : memref<10000x128xf32, #tpu.memory_space<hbm>> -> memref<10000x128xf32, #tpu.memory_space<hbm>>
        tpu.wait_indirect_dma semaphore(%arg17 : memref<!tpu.dma_semaphore, #tpu.memory_space<semaphore_mem>>) src(%dma_wait3A_243 : memref<10000x128xf32, #tpu.memory_space<hbm>>) dst(%arg14 : memref<128x128xf32, #tpu.memory_space<vmem>>)
        %mul3A_244 = arith.constant 2 : i32
        %mul3A_245 = arith.muli %mul3A_244, %scan3A_217 : i32
        %add3A_246 = arith.constant 1 : i32
        %add3A_247 = arith.addi %mul3A_245, %add3A_246 : i32
        %run_scoped3A_248 = arith.constant 0 : i32
        "tpu.region"() ({
          %run_scoped3A_249 = tpu.sem_alloc : memref<!tpu.dma_semaphore, #tpu.memory_space<semaphore_mem>>
          %dma_start3A_250 = arith.constant 0 : i32
          %dma_start3A_251 = tpu.memref_slice %arg10[%add3A_247, %run_scoped3A_248, %dma_start3A_250] : memref<26x1x128xi32, #tpu.memory_space<vmem>> -> memref<1x1x128xi32, #tpu.memory_space<vmem>>
          %dma_start3A_252 = tpu.memref_squeeze %dma_start3A_251 : memref<1x1x128xi32, #tpu.memory_space<vmem>> -> memref<128xi32, #tpu.memory_space<vmem>>
          %dma_start3A_253 = arith.constant 0 : i32
          %dma_start3A_254 = arith.constant 0 : i32
          %dma_start3A_255 = tpu.memref_slice %arg15[%dma_start3A_253, %dma_start3A_254] : memref<10008x128xf32, #tpu.memory_space<vmem_shared>> -> memref<10008x128xf32, #tpu.memory_space<vmem_shared>>
          tpu.enqueue_indirect_dma source(%arg14 : memref<128x128xf32, #tpu.memory_space<vmem>>) target(%dma_start3A_255 : memref<10008x128xf32, #tpu.memory_space<vmem_shared>>) offsets(%dma_start3A_252 : memref<128xi32, #tpu.memory_space<vmem>>) semaphore(%run_scoped3A_249 : memref<!tpu.dma_semaphore, #tpu.memory_space<semaphore_mem>>) {add = true}
          %dma_wait3A_256 = arith.constant 0 : i32
          %dma_wait3A_257 = tpu.memref_slice %arg10[%add3A_247, %run_scoped3A_248, %dma_wait3A_256] : memref<26x1x128xi32, #tpu.memory_space<vmem>> -> memref<1x1x128xi32, #tpu.memory_space<vmem>>
          %dma_wait3A_258 = tpu.memref_squeeze %dma_wait3A_257 : memref<1x1x128xi32, #tpu.memory_space<vmem>> -> memref<128xi32, #tpu.memory_space<vmem>>
          %dma_wait3A_259 = arith.constant 0 : i32
          %dma_wait3A_260 = arith.constant 0 : i32
          %dma_wait3A_261 = tpu.memref_slice %arg15[%dma_wait3A_259, %dma_wait3A_260] : memref<10008x128xf32, #tpu.memory_space<vmem_shared>> -> memref<10008x128xf32, #tpu.memory_space<vmem_shared>>
          tpu.wait_indirect_dma semaphore(%run_scoped3A_249 : memref<!tpu.dma_semaphore, #tpu.memory_space<semaphore_mem>>) src(%arg14 : memref<128x128xf32, #tpu.memory_space<vmem>>) dst(%dma_wait3A_261 : memref<10008x128xf32, #tpu.memory_space<vmem_shared>>)
          tpu.yield
        }) : () -> ()
      }
      %scan3A_183 = arith.constant 13 : i32
      %dma_wait3A_184 = tpu.memref_slice %arg4[%mul3A_164] : memref<320000xi32, #tpu.memory_space<hbm>> -> memref<3328xi32, #tpu.memory_space<hbm>>
      %dma_wait3A_185 = tpu.memref_slice %arg4[%mul3A_164] : memref<320000xi32, #tpu.memory_space<hbm>> -> memref<3328xi32, #tpu.memory_space<hbm>>
      tpu.wait_dma2 semaphore(%arg18 : memref<!tpu.dma_semaphore, #tpu.memory_space<semaphore_mem>>) src(%dma_wait3A_185 : memref<3328xi32, #tpu.memory_space<hbm>>) dst(%arg9 : memref<3328xi32, #tpu.memory_space<vmem>>)
      %dma_wait3A_186 = arith.constant 0 : i32
      %dma_wait3A_187 = arith.constant 0 : i32
      %dma_wait3A_188 = tpu.memref_slice %arg5[%add3A_162, %dma_wait3A_186, %dma_wait3A_187] : memref<2500x1x128xi32, #tpu.memory_space<hbm>> -> memref<26x1x128xi32, #tpu.memory_space<hbm>>
      %dma_wait3A_189 = arith.constant 0 : i32
      %dma_wait3A_190 = arith.constant 0 : i32
      %dma_wait3A_191 = tpu.memref_slice %arg5[%add3A_162, %dma_wait3A_189, %dma_wait3A_190] : memref<2500x1x128xi32, #tpu.memory_space<hbm>> -> memref<26x1x128xi32, #tpu.memory_space<hbm>>
      tpu.wait_dma2 semaphore(%arg18 : memref<!tpu.dma_semaphore, #tpu.memory_space<semaphore_mem>>) src(%dma_wait3A_191 : memref<26x1x128xi32, #tpu.memory_space<hbm>>) dst(%arg11 : memref<26x1x128xi32, #tpu.memory_space<vmem>>)
      %dma_start3A_192 = arith.constant 0 : i32
      %dma_start3A_193 = tpu.memref_slice %arg9[%dma_start3A_192] : memref<3328xi32, #tpu.memory_space<vmem>> -> memref<128xi32, #tpu.memory_space<vmem>>
      %dma_start3A_194 = arith.constant 0 : i32
      %dma_start3A_195 = arith.constant 0 : i32
      %dma_start3A_196 = tpu.memref_slice %arg3[%dma_start3A_194, %dma_start3A_195] : memref<10000x128xf32, #tpu.memory_space<hbm>> -> memref<10000x128xf32, #tpu.memory_space<hbm>>
      tpu.enqueue_indirect_dma source(%dma_start3A_196 : memref<10000x128xf32, #tpu.memory_space<hbm>>) target(%arg13 : memref<128x128xf32, #tpu.memory_space<vmem>>) offsets(%dma_start3A_193 : memref<128xi32, #tpu.memory_space<vmem>>) semaphore(%arg16 : memref<!tpu.dma_semaphore, #tpu.memory_space<semaphore_mem>>)
      %scan3A_197 = arith.constant 0 : i32
      %scan3A_198 = arith.constant 0 : i32
      %scan3A_199 = arith.constant 13 : i32
      %scan3A_200 = arith.addi %scan3A_198, %scan3A_199 : i32
      %scan3A_201 = arith.constant 1 : i32
      scf.for %scan3A_217 = %scan3A_198 to %scan3A_200 step %scan3A_201  : i32 {
        %mul3A_218 = arith.constant 2 : i32
        %mul3A_219 = arith.muli %mul3A_218, %scan3A_217 : i32
        %add3A_220 = arith.constant 1 : i32
        %add3A_221 = arith.addi %mul3A_219, %add3A_220 : i32
        %mul3A_222 = arith.constant 128 : i32
        %mul3A_223 = arith.muli %add3A_221, %mul3A_222 : i32
        %dma_start3A_224 = tpu.memref_slice %arg9[%mul3A_223] : memref<3328xi32, #tpu.memory_space<vmem>> -> memref<128xi32, #tpu.memory_space<vmem>>
        %dma_start3A_225 = arith.constant 0 : i32
        %dma_start3A_226 = arith.constant 0 : i32
        %dma_start3A_227 = tpu.memref_slice %arg3[%dma_start3A_225, %dma_start3A_226] : memref<10000x128xf32, #tpu.memory_space<hbm>> -> memref<10000x128xf32, #tpu.memory_space<hbm>>
        tpu.enqueue_indirect_dma source(%dma_start3A_227 : memref<10000x128xf32, #tpu.memory_space<hbm>>) target(%arg14 : memref<128x128xf32, #tpu.memory_space<vmem>>) offsets(%dma_start3A_224 : memref<128xi32, #tpu.memory_space<vmem>>) semaphore(%arg17 : memref<!tpu.dma_semaphore, #tpu.memory_space<semaphore_mem>>)
        %dma_wait3A_228 = arith.constant 0 : i32
        %dma_wait3A_229 = tpu.memref_slice %arg9[%dma_wait3A_228] : memref<3328xi32, #tpu.memory_space<vmem>> -> memref<128xi32, #tpu.memory_space<vmem>>
        %dma_wait3A_230 = arith.constant 0 : i32
        %dma_wait3A_231 = arith.constant 0 : i32
        %dma_wait3A_232 = tpu.memref_slice %arg3[%dma_wait3A_230, %dma_wait3A_231] : memref<10000x128xf32, #tpu.memory_space<hbm>> -> memref<10000x128xf32, #tpu.memory_space<hbm>>
        tpu.wait_indirect_dma semaphore(%arg16 : memref<!tpu.dma_semaphore, #tpu.memory_space<semaphore_mem>>) src(%dma_wait3A_232 : memref<10000x128xf32, #tpu.memory_space<hbm>>) dst(%arg13 : memref<128x128xf32, #tpu.memory_space<vmem>>)
        %mul3A_233 = arith.constant 2 : i32
        %mul3A_234 = arith.muli %mul3A_233, %scan3A_217 : i32
        %run_scoped3A = arith.constant 0 : i32
        "tpu.region"() ({
          %run_scoped3A_249 = tpu.sem_alloc : memref<!tpu.dma_semaphore, #tpu.memory_space<semaphore_mem>>
          %dma_start3A_250 = arith.constant 0 : i32
          %dma_start3A_251 = tpu.memref_slice %arg11[%mul3A_234, %run_scoped3A, %dma_start3A_250] : memref<26x1x128xi32, #tpu.memory_space<vmem>> -> memref<1x1x128xi32, #tpu.memory_space<vmem>>
          %dma_start3A_252 = tpu.memref_squeeze %dma_start3A_251 : memref<1x1x128xi32, #tpu.memory_space<vmem>> -> memref<128xi32, #tpu.memory_space<vmem>>
          %dma_start3A_253 = arith.constant 0 : i32
          %dma_start3A_254 = arith.constant 0 : i32
          %dma_start3A_255 = tpu.memref_slice %arg15[%dma_start3A_253, %dma_start3A_254] : memref<10008x128xf32, #tpu.memory_space<vmem_shared>> -> memref<10008x128xf32, #tpu.memory_space<vmem_shared>>
          tpu.enqueue_indirect_dma source(%arg13 : memref<128x128xf32, #tpu.memory_space<vmem>>) target(%dma_start3A_255 : memref<10008x128xf32, #tpu.memory_space<vmem_shared>>) offsets(%dma_start3A_252 : memref<128xi32, #tpu.memory_space<vmem>>) semaphore(%run_scoped3A_249 : memref<!tpu.dma_semaphore, #tpu.memory_space<semaphore_mem>>) {add = true}
          %dma_wait3A_256 = arith.constant 0 : i32
          %dma_wait3A_257 = tpu.memref_slice %arg11[%mul3A_234, %run_scoped3A, %dma_wait3A_256] : memref<26x1x128xi32, #tpu.memory_space<vmem>> -> memref<1x1x128xi32, #tpu.memory_space<vmem>>
          %dma_wait3A_258 = tpu.memref_squeeze %dma_wait3A_257 : memref<1x1x128xi32, #tpu.memory_space<vmem>> -> memref<128xi32, #tpu.memory_space<vmem>>
          %dma_wait3A_259 = arith.constant 0 : i32
          %dma_wait3A_260 = arith.constant 0 : i32
          %dma_wait3A_261 = tpu.memref_slice %arg15[%dma_wait3A_259, %dma_wait3A_260] : memref<10008x128xf32, #tpu.memory_space<vmem_shared>> -> memref<10008x128xf32, #tpu.memory_space<vmem_shared>>
          tpu.wait_indirect_dma semaphore(%run_scoped3A_249 : memref<!tpu.dma_semaphore, #tpu.memory_space<semaphore_mem>>) src(%arg13 : memref<128x128xf32, #tpu.memory_space<vmem>>) dst(%dma_wait3A_261 : memref<10008x128xf32, #tpu.memory_space<vmem_shared>>)
          tpu.yield
        }) : () -> ()
        %lt3A_235 = arith.constant 12 : i32
        %lt3A_236 = arith.cmpi slt, %scan3A_217, %lt3A_235 : i32
        %convert_element_type3A_237 = arith.extui %lt3A_236 : i1 to i32
        %cond3A_238 = arith.constant 0 : i32
        %cond3A_239 = arith.cmpi ne, %convert_element_type3A_237, %cond3A_238 : i32
        scf.if %cond3A_239 {
          %mul3A_249 = arith.constant 2 : i32
          %mul3A_250 = arith.muli %mul3A_249, %scan3A_217 : i32
          %add3A_251 = arith.constant 2 : i32
          %add3A_252 = arith.addi %mul3A_250, %add3A_251 : i32
          %mul3A_253 = arith.constant 128 : i32
          %mul3A_254 = arith.muli %add3A_252, %mul3A_253 : i32
          %dma_start3A_255 = tpu.memref_slice %arg9[%mul3A_254] : memref<3328xi32, #tpu.memory_space<vmem>> -> memref<128xi32, #tpu.memory_space<vmem>>
          %dma_start3A_256 = arith.constant 0 : i32
          %dma_start3A_257 = arith.constant 0 : i32
          %dma_start3A_258 = tpu.memref_slice %arg3[%dma_start3A_256, %dma_start3A_257] : memref<10000x128xf32, #tpu.memory_space<hbm>> -> memref<10000x128xf32, #tpu.memory_space<hbm>>
          tpu.enqueue_indirect_dma source(%dma_start3A_258 : memref<10000x128xf32, #tpu.memory_space<hbm>>) target(%arg13 : memref<128x128xf32, #tpu.memory_space<vmem>>) offsets(%dma_start3A_255 : memref<128xi32, #tpu.memory_space<vmem>>) semaphore(%arg16 : memref<!tpu.dma_semaphore, #tpu.memory_space<semaphore_mem>>)
        } else {
        }
        %dma_wait3A_240 = tpu.memref_slice %arg9[%mul3A_223] : memref<3328xi32, #tpu.memory_space<vmem>> -> memref<128xi32, #tpu.memory_space<vmem>>
        %dma_wait3A_241 = arith.constant 0 : i32
        %dma_wait3A_242 = arith.constant 0 : i32
        %dma_wait3A_243 = tpu.memref_slice %arg3[%dma_wait3A_241, %dma_wait3A_242] : memref<10000x128xf32, #tpu.memory_space<hbm>> -> memref<10000x128xf32, #tpu.memory_space<hbm>>
        tpu.wait_indirect_dma semaphore(%arg17 : memref<!tpu.dma_semaphore, #tpu.memory_space<semaphore_mem>>) src(%dma_wait3A_243 : memref<10000x128xf32, #tpu.memory_space<hbm>>) dst(%arg14 : memref<128x128xf32, #tpu.memory_space<vmem>>)
        %mul3A_244 = arith.constant 2 : i32
        %mul3A_245 = arith.muli %mul3A_244, %scan3A_217 : i32
        %add3A_246 = arith.constant 1 : i32
        %add3A_247 = arith.addi %mul3A_245, %add3A_246 : i32
        %run_scoped3A_248 = arith.constant 0 : i32
        "tpu.region"() ({
          %run_scoped3A_249 = tpu.sem_alloc : memref<!tpu.dma_semaphore, #tpu.memory_space<semaphore_mem>>
          %dma_start3A_250 = arith.constant 0 : i32
          %dma_start3A_251 = tpu.memref_slice %arg11[%add3A_247, %run_scoped3A_248, %dma_start3A_250] : memref<26x1x128xi32, #tpu.memory_space<vmem>> -> memref<1x1x128xi32, #tpu.memory_space<vmem>>
          %dma_start3A_252 = tpu.memref_squeeze %dma_start3A_251 : memref<1x1x128xi32, #tpu.memory_space<vmem>> -> memref<128xi32, #tpu.memory_space<vmem>>
          %dma_start3A_253 = arith.constant 0 : i32
          %dma_start3A_254 = arith.constant 0 : i32
          %dma_start3A_255 = tpu.memref_slice %arg15[%dma_start3A_253, %dma_start3A_254] : memref<10008x128xf32, #tpu.memory_space<vmem_shared>> -> memref<10008x128xf32, #tpu.memory_space<vmem_shared>>
          tpu.enqueue_indirect_dma source(%arg14 : memref<128x128xf32, #tpu.memory_space<vmem>>) target(%dma_start3A_255 : memref<10008x128xf32, #tpu.memory_space<vmem_shared>>) offsets(%dma_start3A_252 : memref<128xi32, #tpu.memory_space<vmem>>) semaphore(%run_scoped3A_249 : memref<!tpu.dma_semaphore, #tpu.memory_space<semaphore_mem>>) {add = true}
          %dma_wait3A_256 = arith.constant 0 : i32
          %dma_wait3A_257 = tpu.memref_slice %arg11[%add3A_247, %run_scoped3A_248, %dma_wait3A_256] : memref<26x1x128xi32, #tpu.memory_space<vmem>> -> memref<1x1x128xi32, #tpu.memory_space<vmem>>
          %dma_wait3A_258 = tpu.memref_squeeze %dma_wait3A_257 : memref<1x1x128xi32, #tpu.memory_space<vmem>> -> memref<128xi32, #tpu.memory_space<vmem>>
          %dma_wait3A_259 = arith.constant 0 : i32
          %dma_wait3A_260 = arith.constant 0 : i32
          %dma_wait3A_261 = tpu.memref_slice %arg15[%dma_wait3A_259, %dma_wait3A_260] : memref<10008x128xf32, #tpu.memory_space<vmem_shared>> -> memref<10008x128xf32, #tpu.memory_space<vmem_shared>>
          tpu.wait_indirect_dma semaphore(%run_scoped3A_249 : memref<!tpu.dma_semaphore, #tpu.memory_space<semaphore_mem>>) src(%arg14 : memref<128x128xf32, #tpu.memory_space<vmem>>) dst(%dma_wait3A_261 : memref<10008x128xf32, #tpu.memory_space<vmem_shared>>)
          tpu.yield
        }) : () -> ()
      }
      %scan3A_202 = arith.constant 13 : i32
      %convert_element_type3A_203 = arith.extui %lt3A_1 : i1 to i32
      %cond3A_204 = arith.constant 0 : i32
      %cond3A_205 = arith.cmpi ne, %convert_element_type3A_203, %cond3A_204 : i32
      scf.if %cond3A_205 {
        %mul3A_217 = arith.constant 128 : i32
        %mul3A_218 = arith.muli %add3A_2, %mul3A_217 : i32
        %run_scoped3A = arith.constant 0 : i32
        "tpu.region"() ({
          %run_scoped3A_236 = tpu.sem_alloc : memref<!tpu.dma_semaphore, #tpu.memory_space<semaphore_mem>>
          %dma_start3A_237 = arith.constant 0 : i32
          %dma_start3A_238 = tpu.memref_slice %arg12[%run_scoped3A, %dma_start3A_237] : memref<2x128xi32, #tpu.memory_space<vmem>> -> memref<1x128xi32, #tpu.memory_space<vmem>>
          %dma_start3A_239 = tpu.memref_squeeze %dma_start3A_238 : memref<1x128xi32, #tpu.memory_space<vmem>> -> memref<128xi32, #tpu.memory_space<vmem>>
          %dma_start3A_240 = tpu.memref_slice %arg4[%mul3A_218] : memref<320000xi32, #tpu.memory_space<hbm>> -> memref<128xi32, #tpu.memory_space<hbm>>
          %dma_start3A_241 = arith.constant 0 : i32
          %dma_start3A_242 = tpu.memref_slice %arg12[%run_scoped3A, %dma_start3A_241] : memref<2x128xi32, #tpu.memory_space<vmem>> -> memref<1x128xi32, #tpu.memory_space<vmem>>
          %dma_start3A_243 = tpu.memref_squeeze %dma_start3A_242 : memref<1x128xi32, #tpu.memory_space<vmem>> -> memref<128xi32, #tpu.memory_space<vmem>>
          %dma_start3A_244 = tpu.memref_slice %arg4[%mul3A_218] : memref<320000xi32, #tpu.memory_space<hbm>> -> memref<128xi32, #tpu.memory_space<hbm>>
          tpu.enqueue_dma source(%dma_start3A_244 : memref<128xi32, #tpu.memory_space<hbm>>) target(%dma_start3A_243 : memref<128xi32, #tpu.memory_space<vmem>>) target_semaphore(%run_scoped3A_236 : memref<!tpu.dma_semaphore, #tpu.memory_space<semaphore_mem>>)
          %dma_wait3A_245 = arith.constant 0 : i32
          %dma_wait3A_246 = tpu.memref_slice %arg12[%run_scoped3A, %dma_wait3A_245] : memref<2x128xi32, #tpu.memory_space<vmem>> -> memref<1x128xi32, #tpu.memory_space<vmem>>
          %dma_wait3A_247 = tpu.memref_squeeze %dma_wait3A_246 : memref<1x128xi32, #tpu.memory_space<vmem>> -> memref<128xi32, #tpu.memory_space<vmem>>
          %dma_wait3A_248 = tpu.memref_slice %arg4[%mul3A_218] : memref<320000xi32, #tpu.memory_space<hbm>> -> memref<128xi32, #tpu.memory_space<hbm>>
          %dma_wait3A_249 = arith.constant 0 : i32
          %dma_wait3A_250 = tpu.memref_slice %arg12[%run_scoped3A, %dma_wait3A_249] : memref<2x128xi32, #tpu.memory_space<vmem>> -> memref<1x128xi32, #tpu.memory_space<vmem>>
          %dma_wait3A_251 = tpu.memref_squeeze %dma_wait3A_250 : memref<1x128xi32, #tpu.memory_space<vmem>> -> memref<128xi32, #tpu.memory_space<vmem>>
          %dma_wait3A_252 = tpu.memref_slice %arg4[%mul3A_218] : memref<320000xi32, #tpu.memory_space<hbm>> -> memref<128xi32, #tpu.memory_space<hbm>>
          tpu.wait_dma2 semaphore(%run_scoped3A_236 : memref<!tpu.dma_semaphore, #tpu.memory_space<semaphore_mem>>) src(%dma_wait3A_252 : memref<128xi32, #tpu.memory_space<hbm>>) dst(%dma_wait3A_251 : memref<128xi32, #tpu.memory_space<vmem>>)
          tpu.yield
        }) : () -> ()
        %run_scoped3A_219 = arith.constant 0 : i32
        %run_scoped3A_220 = arith.constant 1 : i32
        "tpu.region"() ({
          %run_scoped3A_236 = tpu.sem_alloc : memref<!tpu.dma_semaphore, #tpu.memory_space<semaphore_mem>>
          %dma_start3A_237 = arith.constant 0 : i32
          %dma_start3A_238 = tpu.memref_slice %arg12[%run_scoped3A_220, %dma_start3A_237] : memref<2x128xi32, #tpu.memory_space<vmem>> -> memref<1x128xi32, #tpu.memory_space<vmem>>
          %dma_start3A_239 = tpu.memref_squeeze %dma_start3A_238 : memref<1x128xi32, #tpu.memory_space<vmem>> -> memref<128xi32, #tpu.memory_space<vmem>>
          %dma_start3A_240 = arith.constant 0 : i32
          %dma_start3A_241 = tpu.memref_slice %arg5[%add3A_2, %run_scoped3A_219, %dma_start3A_240] : memref<2500x1x128xi32, #tpu.memory_space<hbm>> -> memref<1x1x128xi32, #tpu.memory_space<hbm>>
          %dma_start3A_242 = tpu.memref_squeeze %dma_start3A_241 : memref<1x1x128xi32, #tpu.memory_space<hbm>> -> memref<128xi32, #tpu.memory_space<hbm>>
          %dma_start3A_243 = arith.constant 0 : i32
          %dma_start3A_244 = tpu.memref_slice %arg12[%run_scoped3A_220, %dma_start3A_243] : memref<2x128xi32, #tpu.memory_space<vmem>> -> memref<1x128xi32, #tpu.memory_space<vmem>>
          %dma_start3A_245 = tpu.memref_squeeze %dma_start3A_244 : memref<1x128xi32, #tpu.memory_space<vmem>> -> memref<128xi32, #tpu.memory_space<vmem>>
          %dma_start3A_246 = arith.constant 0 : i32
          %dma_start3A_247 = tpu.memref_slice %arg5[%add3A_2, %run_scoped3A_219, %dma_start3A_246] : memref<2500x1x128xi32, #tpu.memory_space<hbm>> -> memref<1x1x128xi32, #tpu.memory_space<hbm>>
          %dma_start3A_248 = tpu.memref_squeeze %dma_start3A_247 : memref<1x1x128xi32, #tpu.memory_space<hbm>> -> memref<128xi32, #tpu.memory_space<hbm>>
          tpu.enqueue_dma source(%dma_start3A_248 : memref<128xi32, #tpu.memory_space<hbm>>) target(%dma_start3A_245 : memref<128xi32, #tpu.memory_space<vmem>>) target_semaphore(%run_scoped3A_236 : memref<!tpu.dma_semaphore, #tpu.memory_space<semaphore_mem>>)
          %dma_wait3A_249 = arith.constant 0 : i32
          %dma_wait3A_250 = tpu.memref_slice %arg12[%run_scoped3A_220, %dma_wait3A_249] : memref<2x128xi32, #tpu.memory_space<vmem>> -> memref<1x128xi32, #tpu.memory_space<vmem>>
          %dma_wait3A_251 = tpu.memref_squeeze %dma_wait3A_250 : memref<1x128xi32, #tpu.memory_space<vmem>> -> memref<128xi32, #tpu.memory_space<vmem>>
          %dma_wait3A_252 = arith.constant 0 : i32
          %dma_wait3A_253 = tpu.memref_slice %arg5[%add3A_2, %run_scoped3A_219, %dma_wait3A_252] : memref<2500x1x128xi32, #tpu.memory_space<hbm>> -> memref<1x1x128xi32, #tpu.memory_space<hbm>>
          %dma_wait3A_254 = tpu.memref_squeeze %dma_wait3A_253 : memref<1x1x128xi32, #tpu.memory_space<hbm>> -> memref<128xi32, #tpu.memory_space<hbm>>
          %dma_wait3A_255 = arith.constant 0 : i32
          %dma_wait3A_256 = tpu.memref_slice %arg12[%run_scoped3A_220, %dma_wait3A_255] : memref<2x128xi32, #tpu.memory_space<vmem>> -> memref<1x128xi32, #tpu.memory_space<vmem>>
          %dma_wait3A_257 = tpu.memref_squeeze %dma_wait3A_256 : memref<1x128xi32, #tpu.memory_space<vmem>> -> memref<128xi32, #tpu.memory_space<vmem>>
          %dma_wait3A_258 = arith.constant 0 : i32
          %dma_wait3A_259 = tpu.memref_slice %arg5[%add3A_2, %run_scoped3A_219, %dma_wait3A_258] : memref<2500x1x128xi32, #tpu.memory_space<hbm>> -> memref<1x1x128xi32, #tpu.memory_space<hbm>>
          %dma_wait3A_260 = tpu.memref_squeeze %dma_wait3A_259 : memref<1x1x128xi32, #tpu.memory_space<hbm>> -> memref<128xi32, #tpu.memory_space<hbm>>
          tpu.wait_dma2 semaphore(%run_scoped3A_236 : memref<!tpu.dma_semaphore, #tpu.memory_space<semaphore_mem>>) src(%dma_wait3A_260 : memref<128xi32, #tpu.memory_space<hbm>>) dst(%dma_wait3A_257 : memref<128xi32, #tpu.memory_space<vmem>>)
          tpu.yield
        }) : () -> ()
        %dma_start3A_221 = arith.constant 0 : i32
        %dma_start3A_222 = arith.constant 0 : i32
        %dma_start3A_223 = tpu.memref_slice %arg12[%dma_start3A_221, %dma_start3A_222] : memref<2x128xi32, #tpu.memory_space<vmem>> -> memref<1x128xi32, #tpu.memory_space<vmem>>
        %dma_start3A_224 = tpu.memref_squeeze %dma_start3A_223 : memref<1x128xi32, #tpu.memory_space<vmem>> -> memref<128xi32, #tpu.memory_space<vmem>>
        %dma_start3A_225 = arith.constant 0 : i32
        %dma_start3A_226 = arith.constant 0 : i32
        %dma_start3A_227 = tpu.memref_slice %arg3[%dma_start3A_225, %dma_start3A_226] : memref<10000x128xf32, #tpu.memory_space<hbm>> -> memref<10000x128xf32, #tpu.memory_space<hbm>>
        tpu.enqueue_indirect_dma source(%dma_start3A_227 : memref<10000x128xf32, #tpu.memory_space<hbm>>) target(%arg13 : memref<128x128xf32, #tpu.memory_space<vmem>>) offsets(%dma_start3A_224 : memref<128xi32, #tpu.memory_space<vmem>>) semaphore(%arg16 : memref<!tpu.dma_semaphore, #tpu.memory_space<semaphore_mem>>)
        %dma_wait3A_228 = arith.constant 0 : i32
        %dma_wait3A_229 = arith.constant 0 : i32
        %dma_wait3A_230 = tpu.memref_slice %arg12[%dma_wait3A_228, %dma_wait3A_229] : memref<2x128xi32, #tpu.memory_space<vmem>> -> memref<1x128xi32, #tpu.memory_space<vmem>>
        %dma_wait3A_231 = tpu.memref_squeeze %dma_wait3A_230 : memref<1x128xi32, #tpu.memory_space<vmem>> -> memref<128xi32, #tpu.memory_space<vmem>>
        %dma_wait3A_232 = arith.constant 0 : i32
        %dma_wait3A_233 = arith.constant 0 : i32
        %dma_wait3A_234 = tpu.memref_slice %arg3[%dma_wait3A_232, %dma_wait3A_233] : memref<10000x128xf32, #tpu.memory_space<hbm>> -> memref<10000x128xf32, #tpu.memory_space<hbm>>
        tpu.wait_indirect_dma semaphore(%arg16 : memref<!tpu.dma_semaphore, #tpu.memory_space<semaphore_mem>>) src(%dma_wait3A_234 : memref<10000x128xf32, #tpu.memory_space<hbm>>) dst(%arg13 : memref<128x128xf32, #tpu.memory_space<vmem>>)
        %run_scoped3A_235 = arith.constant 1 : i32
        "tpu.region"() ({
          %run_scoped3A_236 = tpu.sem_alloc : memref<!tpu.dma_semaphore, #tpu.memory_space<semaphore_mem>>
          %dma_start3A_237 = arith.constant 0 : i32
          %dma_start3A_238 = tpu.memref_slice %arg12[%run_scoped3A_235, %dma_start3A_237] : memref<2x128xi32, #tpu.memory_space<vmem>> -> memref<1x128xi32, #tpu.memory_space<vmem>>
          %dma_start3A_239 = tpu.memref_squeeze %dma_start3A_238 : memref<1x128xi32, #tpu.memory_space<vmem>> -> memref<128xi32, #tpu.memory_space<vmem>>
          %dma_start3A_240 = arith.constant 0 : i32
          %dma_start3A_241 = arith.constant 0 : i32
          %dma_start3A_242 = tpu.memref_slice %arg15[%dma_start3A_240, %dma_start3A_241] : memref<10008x128xf32, #tpu.memory_space<vmem_shared>> -> memref<10008x128xf32, #tpu.memory_space<vmem_shared>>
          tpu.enqueue_indirect_dma source(%arg13 : memref<128x128xf32, #tpu.memory_space<vmem>>) target(%dma_start3A_242 : memref<10008x128xf32, #tpu.memory_space<vmem_shared>>) offsets(%dma_start3A_239 : memref<128xi32, #tpu.memory_space<vmem>>) semaphore(%run_scoped3A_236 : memref<!tpu.dma_semaphore, #tpu.memory_space<semaphore_mem>>) {add = true}
          %dma_wait3A_243 = arith.constant 0 : i32
          %dma_wait3A_244 = tpu.memref_slice %arg12[%run_scoped3A_235, %dma_wait3A_243] : memref<2x128xi32, #tpu.memory_space<vmem>> -> memref<1x128xi32, #tpu.memory_space<vmem>>
          %dma_wait3A_245 = tpu.memref_squeeze %dma_wait3A_244 : memref<1x128xi32, #tpu.memory_space<vmem>> -> memref<128xi32, #tpu.memory_space<vmem>>
          %dma_wait3A_246 = arith.constant 0 : i32
          %dma_wait3A_247 = arith.constant 0 : i32
          %dma_wait3A_248 = tpu.memref_slice %arg15[%dma_wait3A_246, %dma_wait3A_247] : memref<10008x128xf32, #tpu.memory_space<vmem_shared>> -> memref<10008x128xf32, #tpu.memory_space<vmem_shared>>
          tpu.wait_indirect_dma semaphore(%run_scoped3A_236 : memref<!tpu.dma_semaphore, #tpu.memory_space<semaphore_mem>>) src(%arg13 : memref<128x128xf32, #tpu.memory_space<vmem>>) dst(%dma_wait3A_248 : memref<10008x128xf32, #tpu.memory_space<vmem_shared>>)
          tpu.yield
        }) : () -> ()
      } else {
      }
      %barrier3A_206 = arith.constant 0 : index
      tpu.barrier barrier_id(%barrier3A_206)
      %lt3A_207 = arith.constant 15 : i32
      %lt3A_208 = arith.cmpi slt, %arg1, %lt3A_207 : i32
      %convert_element_type3A_209 = arith.extui %lt3A_208 : i1 to i32
      %cond3A_210 = arith.constant 0 : i32
      %cond3A_211 = arith.cmpi ne, %convert_element_type3A_209, %cond3A_210 : i32
      scf.if %cond3A_211 {
        %mul3A_217 = arith.constant 640 : i32
        %mul3A_218 = arith.muli %arg1, %mul3A_217 : i32
        %multiple_of3A = tpu.assume_multiple %mul3A_218, 8 : i32
        %multiple_of3A_219 = tpu.assume_multiple %mul3A_218, 8 : i32
        "tpu.region"() ({
          %run_scoped3A = tpu.sem_alloc : memref<!tpu.dma_semaphore, #tpu.memory_space<semaphore_mem>>
          %dma_start3A_220 = arith.constant 0 : i32
          %dma_start3A_221 = tpu.memref_slice %arg7[%multiple_of3A_219, %dma_start3A_220] : memref<10000x128xf32, #tpu.memory_space<hbm>> -> memref<640x128xf32, #tpu.memory_space<hbm>>
          %dma_start3A_222 = arith.constant 0 : i32
          %dma_start3A_223 = tpu.memref_slice %arg15[%multiple_of3A, %dma_start3A_222] : memref<10008x128xf32, #tpu.memory_space<vmem_shared>> -> memref<640x128xf32, #tpu.memory_space<vmem_shared>>
          tpu.enqueue_dma source(%dma_start3A_223 : memref<640x128xf32, #tpu.memory_space<vmem_shared>>) target(%dma_start3A_221 : memref<640x128xf32, #tpu.memory_space<hbm>>) target_semaphore(%run_scoped3A : memref<!tpu.dma_semaphore, #tpu.memory_space<semaphore_mem>>)
          %dma_wait3A_224 = arith.constant 0 : i32
          %dma_wait3A_225 = tpu.memref_slice %arg7[%multiple_of3A_219, %dma_wait3A_224] : memref<10000x128xf32, #tpu.memory_space<hbm>> -> memref<640x128xf32, #tpu.memory_space<hbm>>
          %dma_wait3A_226 = arith.constant 0 : i32
          %dma_wait3A_227 = tpu.memref_slice %arg15[%multiple_of3A, %dma_wait3A_226] : memref<10008x128xf32, #tpu.memory_space<vmem_shared>> -> memref<640x128xf32, #tpu.memory_space<vmem_shared>>
          tpu.wait_dma2 semaphore(%run_scoped3A : memref<!tpu.dma_semaphore, #tpu.memory_space<semaphore_mem>>) src(%dma_wait3A_227 : memref<640x128xf32, #tpu.memory_space<vmem_shared>>) dst(%dma_wait3A_225 : memref<640x128xf32, #tpu.memory_space<hbm>>)
          tpu.yield
        }) : () -> ()
      } else {
      }
      %eq3A_212 = arith.constant 15 : i32
      %eq3A_213 = arith.cmpi eq, %arg1, %eq3A_212 : i32
      %convert_element_type3A_214 = arith.extui %eq3A_213 : i1 to i32
      %cond3A_215 = arith.constant 0 : i32
      %cond3A_216 = arith.cmpi ne, %convert_element_type3A_214, %cond3A_215 : i32
      scf.if %cond3A_216 {
        %multiple_of3A = arith.constant 9600 : i32
        %multiple_of3A_217 = tpu.assume_multiple %multiple_of3A, 8 : i32
        %multiple_of3A_218 = arith.constant 9600 : i32
        %multiple_of3A_219 = tpu.assume_multiple %multiple_of3A_218, 8 : i32
        "tpu.region"() ({
          %run_scoped3A = tpu.sem_alloc : memref<!tpu.dma_semaphore, #tpu.memory_space<semaphore_mem>>
          %dma_start3A_220 = arith.constant 0 : i32
          %dma_start3A_221 = tpu.memref_slice %arg7[%multiple_of3A_219, %dma_start3A_220] : memref<10000x128xf32, #tpu.memory_space<hbm>> -> memref<400x128xf32, #tpu.memory_space<hbm>>
          %dma_start3A_222 = arith.constant 0 : i32
          %dma_start3A_223 = tpu.memref_slice %arg15[%multiple_of3A_217, %dma_start3A_222] : memref<10008x128xf32, #tpu.memory_space<vmem_shared>> -> memref<400x128xf32, #tpu.memory_space<vmem_shared>>
          tpu.enqueue_dma source(%dma_start3A_223 : memref<400x128xf32, #tpu.memory_space<vmem_shared>>) target(%dma_start3A_221 : memref<400x128xf32, #tpu.memory_space<hbm>>) target_semaphore(%run_scoped3A : memref<!tpu.dma_semaphore, #tpu.memory_space<semaphore_mem>>)
          %dma_wait3A_224 = arith.constant 0 : i32
          %dma_wait3A_225 = tpu.memref_slice %arg7[%multiple_of3A_219, %dma_wait3A_224] : memref<10000x128xf32, #tpu.memory_space<hbm>> -> memref<400x128xf32, #tpu.memory_space<hbm>>
          %dma_wait3A_226 = arith.constant 0 : i32
          %dma_wait3A_227 = tpu.memref_slice %arg15[%multiple_of3A_217, %dma_wait3A_226] : memref<10008x128xf32, #tpu.memory_space<vmem_shared>> -> memref<400x128xf32, #tpu.memory_space<vmem_shared>>
          tpu.wait_dma2 semaphore(%run_scoped3A : memref<!tpu.dma_semaphore, #tpu.memory_space<semaphore_mem>>) src(%dma_wait3A_227 : memref<400x128xf32, #tpu.memory_space<vmem_shared>>) dst(%dma_wait3A_225 : memref<400x128xf32, #tpu.memory_space<hbm>>)
          tpu.yield
        }) : () -> ()
      } else {
      }
    } else {
    }
    return
  }
}

#map = affine_map<(d0, d1) -> (0, 0)>
#map1 = affine_map<(d0, d1) -> (0)>
#map2 = affine_map<(d0, d1) -> (0, 0, 0)>
module attributes {stable_mosaic.version = 14 : i64} {
  func.func @_prop2_body(%arg0: i32, %arg1: i32, %arg2: memref<10000x128xf32, #tpu.memory_space<hbm>>, %arg3: memref<320000xi32, #tpu.memory_space<hbm>>, %arg4: memref<2500x1x128xi32, #tpu.memory_space<hbm>>, %arg5: memref<10000x128xf32, #tpu.memory_space<hbm>>, %arg6: memref<10000x128xf32, #tpu.memory_space<hbm>>, %arg7: memref<3328xi32, #tpu.memory_space<vmem>>, %arg8: memref<3328xi32, #tpu.memory_space<vmem>>, %arg9: memref<26x1x128xi32, #tpu.memory_space<vmem>>, %arg10: memref<26x1x128xi32, #tpu.memory_space<vmem>>, %arg11: memref<2x128xi32, #tpu.memory_space<vmem>>, %arg12: memref<128x128xf32, #tpu.memory_space<vmem>>, %arg13: memref<128x128xf32, #tpu.memory_space<vmem>>, %arg14: memref<10008x128xf32, #tpu.memory_space<vmem_shared>>, %arg15: memref<!tpu.dma_semaphore, #tpu.memory_space<semaphore_mem>>, %arg16: memref<!tpu.dma_semaphore, #tpu.memory_space<semaphore_mem>>, %arg17: memref<!tpu.dma_semaphore, #tpu.memory_space<semaphore_mem>>) attributes {dimension_semantics = [#tpu.dimension_semantics<core_parallel>, #tpu.dimension_semantics<subcore_parallel>], iteration_bounds = array<i64: 2, 16>, scalar_prefetch = 0 : i64, scratch_operands = 11 : i64, tpu.core_type = #tpu.core_type<sc_vector_subcore>, window_params = [{transform_indices = #map}, {transform_indices = #map1}, {transform_indices = #map2}, {transform_indices = #map}, {transform_indices = #map}]} {
    %mul3A = arith.constant 1250 : i32
    %mul3A_0 = arith.muli %arg0, %mul3A : i32
    %mul3A_1 = arith.constant 78 : i32
    %mul3A_2 = arith.muli %arg1, %mul3A_1 : i32
    %add3A = arith.addi %mul3A_0, %mul3A_2 : i32
    %lt3A = arith.constant 2 : i32
    %lt3A_3 = arith.cmpi slt, %arg1, %lt3A : i32
    %mul3A_4 = arith.constant 1250 : i32
    %mul3A_5 = arith.muli %arg0, %mul3A_4 : i32
    %add3A_6 = arith.constant 1248 : i32
    %add3A_7 = arith.addi %mul3A_5, %add3A_6 : i32
    %add3A_8 = arith.addi %add3A_7, %arg1 : i32
    %add3A_9 = arith.constant 0 : i32
    %add3A_10 = arith.addi %add3A, %add3A_9 : i32
    %mul3A_11 = arith.constant 128 : i32
    %mul3A_12 = arith.muli %add3A_10, %mul3A_11 : i32
    %dma_start3A = tpu.memref_slice %arg3[%mul3A_12] : memref<320000xi32, #tpu.memory_space<hbm>> -> memref<3328xi32, #tpu.memory_space<hbm>>
    %dma_start3A_13 = tpu.memref_slice %arg3[%mul3A_12] : memref<320000xi32, #tpu.memory_space<hbm>> -> memref<3328xi32, #tpu.memory_space<hbm>>
    tpu.enqueue_dma source(%dma_start3A_13 : memref<3328xi32, #tpu.memory_space<hbm>>) target(%arg7 : memref<3328xi32, #tpu.memory_space<vmem>>) target_semaphore(%arg17 : memref<!tpu.dma_semaphore, #tpu.memory_space<semaphore_mem>>)
    %dma_start3A_14 = arith.constant 0 : i32
    %dma_start3A_15 = arith.constant 0 : i32
    %dma_start3A_16 = tpu.memref_slice %arg4[%add3A_10, %dma_start3A_14, %dma_start3A_15] : memref<2500x1x128xi32, #tpu.memory_space<hbm>> -> memref<26x1x128xi32, #tpu.memory_space<hbm>>
    %dma_start3A_17 = arith.constant 0 : i32
    %dma_start3A_18 = arith.constant 0 : i32
    %dma_start3A_19 = tpu.memref_slice %arg4[%add3A_10, %dma_start3A_17, %dma_start3A_18] : memref<2500x1x128xi32, #tpu.memory_space<hbm>> -> memref<26x1x128xi32, #tpu.memory_space<hbm>>
    tpu.enqueue_dma source(%dma_start3A_19 : memref<26x1x128xi32, #tpu.memory_space<hbm>>) target(%arg9 : memref<26x1x128xi32, #tpu.memory_space<vmem>>) target_semaphore(%arg17 : memref<!tpu.dma_semaphore, #tpu.memory_space<semaphore_mem>>)
    %lt3A_20 = arith.constant 15 : i32
    %lt3A_21 = arith.cmpi slt, %arg1, %lt3A_20 : i32
    %convert_element_type3A = arith.extui %lt3A_21 : i1 to i32
    %cond3A = arith.constant 0 : i32
    %cond3A_22 = arith.cmpi ne, %convert_element_type3A, %cond3A : i32
    scf.if %cond3A_22 {
      %mul3A_120 = arith.constant 640 : i32
      %mul3A_121 = arith.muli %arg1, %mul3A_120 : i32
      %multiple_of3A = tpu.assume_multiple %mul3A_121, 8 : i32
      %multiple_of3A_122 = tpu.assume_multiple %mul3A_121, 8 : i32
      "tpu.region"() ({
        %run_scoped3A = tpu.sem_alloc : memref<!tpu.dma_semaphore, #tpu.memory_space<semaphore_mem>>
        %dma_start3A_123 = arith.constant 0 : i32
        %dma_start3A_124 = tpu.memref_slice %arg14[%multiple_of3A_122, %dma_start3A_123] : memref<10008x128xf32, #tpu.memory_space<vmem_shared>> -> memref<640x128xf32, #tpu.memory_space<vmem_shared>>
        %dma_start3A_125 = arith.constant 0 : i32
        %dma_start3A_126 = tpu.memref_slice %arg2[%multiple_of3A, %dma_start3A_125] : memref<10000x128xf32, #tpu.memory_space<hbm>> -> memref<640x128xf32, #tpu.memory_space<hbm>>
        tpu.enqueue_dma source(%dma_start3A_126 : memref<640x128xf32, #tpu.memory_space<hbm>>) target(%dma_start3A_124 : memref<640x128xf32, #tpu.memory_space<vmem_shared>>) target_semaphore(%run_scoped3A : memref<!tpu.dma_semaphore, #tpu.memory_space<semaphore_mem>>)
        %dma_wait3A_127 = arith.constant 0 : i32
        %dma_wait3A_128 = tpu.memref_slice %arg14[%multiple_of3A_122, %dma_wait3A_127] : memref<10008x128xf32, #tpu.memory_space<vmem_shared>> -> memref<640x128xf32, #tpu.memory_space<vmem_shared>>
        %dma_wait3A_129 = arith.constant 0 : i32
        %dma_wait3A_130 = tpu.memref_slice %arg2[%multiple_of3A, %dma_wait3A_129] : memref<10000x128xf32, #tpu.memory_space<hbm>> -> memref<640x128xf32, #tpu.memory_space<hbm>>
        tpu.wait_dma2 semaphore(%run_scoped3A : memref<!tpu.dma_semaphore, #tpu.memory_space<semaphore_mem>>) src(%dma_wait3A_130 : memref<640x128xf32, #tpu.memory_space<hbm>>) dst(%dma_wait3A_128 : memref<640x128xf32, #tpu.memory_space<vmem_shared>>)
        tpu.yield
      }) : () -> ()
    } else {
    }
    %eq3A = arith.constant 15 : i32
    %eq3A_23 = arith.cmpi eq, %arg1, %eq3A : i32
    %convert_element_type3A_24 = arith.extui %eq3A_23 : i1 to i32
    %cond3A_25 = arith.constant 0 : i32
    %cond3A_26 = arith.cmpi ne, %convert_element_type3A_24, %cond3A_25 : i32
    scf.if %cond3A_26 {
      %multiple_of3A = arith.constant 9600 : i32
      %multiple_of3A_120 = tpu.assume_multiple %multiple_of3A, 8 : i32
      %multiple_of3A_121 = arith.constant 9600 : i32
      %multiple_of3A_122 = tpu.assume_multiple %multiple_of3A_121, 8 : i32
      "tpu.region"() ({
        %run_scoped3A = tpu.sem_alloc : memref<!tpu.dma_semaphore, #tpu.memory_space<semaphore_mem>>
        %dma_start3A_123 = arith.constant 0 : i32
        %dma_start3A_124 = tpu.memref_slice %arg14[%multiple_of3A_122, %dma_start3A_123] : memref<10008x128xf32, #tpu.memory_space<vmem_shared>> -> memref<400x128xf32, #tpu.memory_space<vmem_shared>>
        %dma_start3A_125 = arith.constant 0 : i32
        %dma_start3A_126 = tpu.memref_slice %arg2[%multiple_of3A_120, %dma_start3A_125] : memref<10000x128xf32, #tpu.memory_space<hbm>> -> memref<400x128xf32, #tpu.memory_space<hbm>>
        tpu.enqueue_dma source(%dma_start3A_126 : memref<400x128xf32, #tpu.memory_space<hbm>>) target(%dma_start3A_124 : memref<400x128xf32, #tpu.memory_space<vmem_shared>>) target_semaphore(%run_scoped3A : memref<!tpu.dma_semaphore, #tpu.memory_space<semaphore_mem>>)
        %dma_wait3A_127 = arith.constant 0 : i32
        %dma_wait3A_128 = tpu.memref_slice %arg14[%multiple_of3A_122, %dma_wait3A_127] : memref<10008x128xf32, #tpu.memory_space<vmem_shared>> -> memref<400x128xf32, #tpu.memory_space<vmem_shared>>
        %dma_wait3A_129 = arith.constant 0 : i32
        %dma_wait3A_130 = tpu.memref_slice %arg2[%multiple_of3A_120, %dma_wait3A_129] : memref<10000x128xf32, #tpu.memory_space<hbm>> -> memref<400x128xf32, #tpu.memory_space<hbm>>
        tpu.wait_dma2 semaphore(%run_scoped3A : memref<!tpu.dma_semaphore, #tpu.memory_space<semaphore_mem>>) src(%dma_wait3A_130 : memref<400x128xf32, #tpu.memory_space<hbm>>) dst(%dma_wait3A_128 : memref<400x128xf32, #tpu.memory_space<vmem_shared>>)
        tpu.yield
      }) : () -> ()
    } else {
    }
    %barrier3A = arith.constant 0 : index
    tpu.barrier barrier_id(%barrier3A)
    %dma_wait3A = tpu.memref_slice %arg3[%mul3A_12] : memref<320000xi32, #tpu.memory_space<hbm>> -> memref<3328xi32, #tpu.memory_space<hbm>>
    %dma_wait3A_27 = tpu.memref_slice %arg3[%mul3A_12] : memref<320000xi32, #tpu.memory_space<hbm>> -> memref<3328xi32, #tpu.memory_space<hbm>>
    tpu.wait_dma2 semaphore(%arg17 : memref<!tpu.dma_semaphore, #tpu.memory_space<semaphore_mem>>) src(%dma_wait3A_27 : memref<3328xi32, #tpu.memory_space<hbm>>) dst(%arg7 : memref<3328xi32, #tpu.memory_space<vmem>>)
    %dma_wait3A_28 = arith.constant 0 : i32
    %dma_wait3A_29 = arith.constant 0 : i32
    %dma_wait3A_30 = tpu.memref_slice %arg4[%add3A_10, %dma_wait3A_28, %dma_wait3A_29] : memref<2500x1x128xi32, #tpu.memory_space<hbm>> -> memref<26x1x128xi32, #tpu.memory_space<hbm>>
    %dma_wait3A_31 = arith.constant 0 : i32
    %dma_wait3A_32 = arith.constant 0 : i32
    %dma_wait3A_33 = tpu.memref_slice %arg4[%add3A_10, %dma_wait3A_31, %dma_wait3A_32] : memref<2500x1x128xi32, #tpu.memory_space<hbm>> -> memref<26x1x128xi32, #tpu.memory_space<hbm>>
    tpu.wait_dma2 semaphore(%arg17 : memref<!tpu.dma_semaphore, #tpu.memory_space<semaphore_mem>>) src(%dma_wait3A_33 : memref<26x1x128xi32, #tpu.memory_space<hbm>>) dst(%arg9 : memref<26x1x128xi32, #tpu.memory_space<vmem>>)
    %add3A_34 = arith.constant 26 : i32
    %add3A_35 = arith.addi %add3A, %add3A_34 : i32
    %mul3A_36 = arith.constant 128 : i32
    %mul3A_37 = arith.muli %add3A_35, %mul3A_36 : i32
    %dma_start3A_38 = tpu.memref_slice %arg3[%mul3A_37] : memref<320000xi32, #tpu.memory_space<hbm>> -> memref<3328xi32, #tpu.memory_space<hbm>>
    %dma_start3A_39 = tpu.memref_slice %arg3[%mul3A_37] : memref<320000xi32, #tpu.memory_space<hbm>> -> memref<3328xi32, #tpu.memory_space<hbm>>
    tpu.enqueue_dma source(%dma_start3A_39 : memref<3328xi32, #tpu.memory_space<hbm>>) target(%arg8 : memref<3328xi32, #tpu.memory_space<vmem>>) target_semaphore(%arg17 : memref<!tpu.dma_semaphore, #tpu.memory_space<semaphore_mem>>)
    %dma_start3A_40 = arith.constant 0 : i32
    %dma_start3A_41 = arith.constant 0 : i32
    %dma_start3A_42 = tpu.memref_slice %arg4[%add3A_35, %dma_start3A_40, %dma_start3A_41] : memref<2500x1x128xi32, #tpu.memory_space<hbm>> -> memref<26x1x128xi32, #tpu.memory_space<hbm>>
    %dma_start3A_43 = arith.constant 0 : i32
    %dma_start3A_44 = arith.constant 0 : i32
    %dma_start3A_45 = tpu.memref_slice %arg4[%add3A_35, %dma_start3A_43, %dma_start3A_44] : memref<2500x1x128xi32, #tpu.memory_space<hbm>> -> memref<26x1x128xi32, #tpu.memory_space<hbm>>
    tpu.enqueue_dma source(%dma_start3A_45 : memref<26x1x128xi32, #tpu.memory_space<hbm>>) target(%arg10 : memref<26x1x128xi32, #tpu.memory_space<vmem>>) target_semaphore(%arg17 : memref<!tpu.dma_semaphore, #tpu.memory_space<semaphore_mem>>)
    %dma_start3A_46 = arith.constant 0 : i32
    %dma_start3A_47 = tpu.memref_slice %arg7[%dma_start3A_46] : memref<3328xi32, #tpu.memory_space<vmem>> -> memref<128xi32, #tpu.memory_space<vmem>>
    %dma_start3A_48 = arith.constant 0 : i32
    %dma_start3A_49 = arith.constant 0 : i32
    %dma_start3A_50 = tpu.memref_slice %arg2[%dma_start3A_48, %dma_start3A_49] : memref<10000x128xf32, #tpu.memory_space<hbm>> -> memref<10000x128xf32, #tpu.memory_space<hbm>>
    tpu.enqueue_indirect_dma source(%dma_start3A_50 : memref<10000x128xf32, #tpu.memory_space<hbm>>) target(%arg12 : memref<128x128xf32, #tpu.memory_space<vmem>>) offsets(%dma_start3A_47 : memref<128xi32, #tpu.memory_space<vmem>>) semaphore(%arg15 : memref<!tpu.dma_semaphore, #tpu.memory_space<semaphore_mem>>)
    %scan3A = arith.constant 0 : i32
    %scan3A_51 = arith.constant 0 : i32
    %scan3A_52 = arith.constant 13 : i32
    %scan3A_53 = arith.addi %scan3A_51, %scan3A_52 : i32
    %scan3A_54 = arith.constant 1 : i32
    scf.for %scan3A_120 = %scan3A_51 to %scan3A_53 step %scan3A_54  : i32 {
      %mul3A_121 = arith.constant 2 : i32
      %mul3A_122 = arith.muli %mul3A_121, %scan3A_120 : i32
      %add3A_123 = arith.constant 1 : i32
      %add3A_124 = arith.addi %mul3A_122, %add3A_123 : i32
      %mul3A_125 = arith.constant 128 : i32
      %mul3A_126 = arith.muli %add3A_124, %mul3A_125 : i32
      %dma_start3A_127 = tpu.memref_slice %arg7[%mul3A_126] : memref<3328xi32, #tpu.memory_space<vmem>> -> memref<128xi32, #tpu.memory_space<vmem>>
      %dma_start3A_128 = arith.constant 0 : i32
      %dma_start3A_129 = arith.constant 0 : i32
      %dma_start3A_130 = tpu.memref_slice %arg2[%dma_start3A_128, %dma_start3A_129] : memref<10000x128xf32, #tpu.memory_space<hbm>> -> memref<10000x128xf32, #tpu.memory_space<hbm>>
      tpu.enqueue_indirect_dma source(%dma_start3A_130 : memref<10000x128xf32, #tpu.memory_space<hbm>>) target(%arg13 : memref<128x128xf32, #tpu.memory_space<vmem>>) offsets(%dma_start3A_127 : memref<128xi32, #tpu.memory_space<vmem>>) semaphore(%arg16 : memref<!tpu.dma_semaphore, #tpu.memory_space<semaphore_mem>>)
      %dma_wait3A_131 = arith.constant 0 : i32
      %dma_wait3A_132 = tpu.memref_slice %arg7[%dma_wait3A_131] : memref<3328xi32, #tpu.memory_space<vmem>> -> memref<128xi32, #tpu.memory_space<vmem>>
      %dma_wait3A_133 = arith.constant 0 : i32
      %dma_wait3A_134 = arith.constant 0 : i32
      %dma_wait3A_135 = tpu.memref_slice %arg2[%dma_wait3A_133, %dma_wait3A_134] : memref<10000x128xf32, #tpu.memory_space<hbm>> -> memref<10000x128xf32, #tpu.memory_space<hbm>>
      tpu.wait_indirect_dma semaphore(%arg15 : memref<!tpu.dma_semaphore, #tpu.memory_space<semaphore_mem>>) src(%dma_wait3A_135 : memref<10000x128xf32, #tpu.memory_space<hbm>>) dst(%arg12 : memref<128x128xf32, #tpu.memory_space<vmem>>)
      %mul3A_136 = arith.constant 2 : i32
      %mul3A_137 = arith.muli %mul3A_136, %scan3A_120 : i32
      %run_scoped3A = arith.constant 0 : i32
      "tpu.region"() ({
        %run_scoped3A_152 = tpu.sem_alloc : memref<!tpu.dma_semaphore, #tpu.memory_space<semaphore_mem>>
        %dma_start3A_153 = arith.constant 0 : i32
        %dma_start3A_154 = tpu.memref_slice %arg9[%mul3A_137, %run_scoped3A, %dma_start3A_153] : memref<26x1x128xi32, #tpu.memory_space<vmem>> -> memref<1x1x128xi32, #tpu.memory_space<vmem>>
        %dma_start3A_155 = tpu.memref_squeeze %dma_start3A_154 : memref<1x1x128xi32, #tpu.memory_space<vmem>> -> memref<128xi32, #tpu.memory_space<vmem>>
        %dma_start3A_156 = arith.constant 0 : i32
        %dma_start3A_157 = arith.constant 0 : i32
        %dma_start3A_158 = tpu.memref_slice %arg14[%dma_start3A_156, %dma_start3A_157] : memref<10008x128xf32, #tpu.memory_space<vmem_shared>> -> memref<10008x128xf32, #tpu.memory_space<vmem_shared>>
        tpu.enqueue_indirect_dma source(%arg12 : memref<128x128xf32, #tpu.memory_space<vmem>>) target(%dma_start3A_158 : memref<10008x128xf32, #tpu.memory_space<vmem_shared>>) offsets(%dma_start3A_155 : memref<128xi32, #tpu.memory_space<vmem>>) semaphore(%run_scoped3A_152 : memref<!tpu.dma_semaphore, #tpu.memory_space<semaphore_mem>>) {add = true}
        %dma_wait3A_159 = arith.constant 0 : i32
        %dma_wait3A_160 = tpu.memref_slice %arg9[%mul3A_137, %run_scoped3A, %dma_wait3A_159] : memref<26x1x128xi32, #tpu.memory_space<vmem>> -> memref<1x1x128xi32, #tpu.memory_space<vmem>>
        %dma_wait3A_161 = tpu.memref_squeeze %dma_wait3A_160 : memref<1x1x128xi32, #tpu.memory_space<vmem>> -> memref<128xi32, #tpu.memory_space<vmem>>
        %dma_wait3A_162 = arith.constant 0 : i32
        %dma_wait3A_163 = arith.constant 0 : i32
        %dma_wait3A_164 = tpu.memref_slice %arg14[%dma_wait3A_162, %dma_wait3A_163] : memref<10008x128xf32, #tpu.memory_space<vmem_shared>> -> memref<10008x128xf32, #tpu.memory_space<vmem_shared>>
        tpu.wait_indirect_dma semaphore(%run_scoped3A_152 : memref<!tpu.dma_semaphore, #tpu.memory_space<semaphore_mem>>) src(%arg12 : memref<128x128xf32, #tpu.memory_space<vmem>>) dst(%dma_wait3A_164 : memref<10008x128xf32, #tpu.memory_space<vmem_shared>>)
        tpu.yield
      }) : () -> ()
      %lt3A_138 = arith.constant 12 : i32
      %lt3A_139 = arith.cmpi slt, %scan3A_120, %lt3A_138 : i32
      %convert_element_type3A_140 = arith.extui %lt3A_139 : i1 to i32
      %cond3A_141 = arith.constant 0 : i32
      %cond3A_142 = arith.cmpi ne, %convert_element_type3A_140, %cond3A_141 : i32
      scf.if %cond3A_142 {
        %mul3A_152 = arith.constant 2 : i32
        %mul3A_153 = arith.muli %mul3A_152, %scan3A_120 : i32
        %add3A_154 = arith.constant 2 : i32
        %add3A_155 = arith.addi %mul3A_153, %add3A_154 : i32
        %mul3A_156 = arith.constant 128 : i32
        %mul3A_157 = arith.muli %add3A_155, %mul3A_156 : i32
        %dma_start3A_158 = tpu.memref_slice %arg7[%mul3A_157] : memref<3328xi32, #tpu.memory_space<vmem>> -> memref<128xi32, #tpu.memory_space<vmem>>
        %dma_start3A_159 = arith.constant 0 : i32
        %dma_start3A_160 = arith.constant 0 : i32
        %dma_start3A_161 = tpu.memref_slice %arg2[%dma_start3A_159, %dma_start3A_160] : memref<10000x128xf32, #tpu.memory_space<hbm>> -> memref<10000x128xf32, #tpu.memory_space<hbm>>
        tpu.enqueue_indirect_dma source(%dma_start3A_161 : memref<10000x128xf32, #tpu.memory_space<hbm>>) target(%arg12 : memref<128x128xf32, #tpu.memory_space<vmem>>) offsets(%dma_start3A_158 : memref<128xi32, #tpu.memory_space<vmem>>) semaphore(%arg15 : memref<!tpu.dma_semaphore, #tpu.memory_space<semaphore_mem>>)
      } else {
      }
      %dma_wait3A_143 = tpu.memref_slice %arg7[%mul3A_126] : memref<3328xi32, #tpu.memory_space<vmem>> -> memref<128xi32, #tpu.memory_space<vmem>>
      %dma_wait3A_144 = arith.constant 0 : i32
      %dma_wait3A_145 = arith.constant 0 : i32
      %dma_wait3A_146 = tpu.memref_slice %arg2[%dma_wait3A_144, %dma_wait3A_145] : memref<10000x128xf32, #tpu.memory_space<hbm>> -> memref<10000x128xf32, #tpu.memory_space<hbm>>
      tpu.wait_indirect_dma semaphore(%arg16 : memref<!tpu.dma_semaphore, #tpu.memory_space<semaphore_mem>>) src(%dma_wait3A_146 : memref<10000x128xf32, #tpu.memory_space<hbm>>) dst(%arg13 : memref<128x128xf32, #tpu.memory_space<vmem>>)
      %mul3A_147 = arith.constant 2 : i32
      %mul3A_148 = arith.muli %mul3A_147, %scan3A_120 : i32
      %add3A_149 = arith.constant 1 : i32
      %add3A_150 = arith.addi %mul3A_148, %add3A_149 : i32
      %run_scoped3A_151 = arith.constant 0 : i32
      "tpu.region"() ({
        %run_scoped3A_152 = tpu.sem_alloc : memref<!tpu.dma_semaphore, #tpu.memory_space<semaphore_mem>>
        %dma_start3A_153 = arith.constant 0 : i32
        %dma_start3A_154 = tpu.memref_slice %arg9[%add3A_150, %run_scoped3A_151, %dma_start3A_153] : memref<26x1x128xi32, #tpu.memory_space<vmem>> -> memref<1x1x128xi32, #tpu.memory_space<vmem>>
        %dma_start3A_155 = tpu.memref_squeeze %dma_start3A_154 : memref<1x1x128xi32, #tpu.memory_space<vmem>> -> memref<128xi32, #tpu.memory_space<vmem>>
        %dma_start3A_156 = arith.constant 0 : i32
        %dma_start3A_157 = arith.constant 0 : i32
        %dma_start3A_158 = tpu.memref_slice %arg14[%dma_start3A_156, %dma_start3A_157] : memref<10008x128xf32, #tpu.memory_space<vmem_shared>> -> memref<10008x128xf32, #tpu.memory_space<vmem_shared>>
        tpu.enqueue_indirect_dma source(%arg13 : memref<128x128xf32, #tpu.memory_space<vmem>>) target(%dma_start3A_158 : memref<10008x128xf32, #tpu.memory_space<vmem_shared>>) offsets(%dma_start3A_155 : memref<128xi32, #tpu.memory_space<vmem>>) semaphore(%run_scoped3A_152 : memref<!tpu.dma_semaphore, #tpu.memory_space<semaphore_mem>>) {add = true}
        %dma_wait3A_159 = arith.constant 0 : i32
        %dma_wait3A_160 = tpu.memref_slice %arg9[%add3A_150, %run_scoped3A_151, %dma_wait3A_159] : memref<26x1x128xi32, #tpu.memory_space<vmem>> -> memref<1x1x128xi32, #tpu.memory_space<vmem>>
        %dma_wait3A_161 = tpu.memref_squeeze %dma_wait3A_160 : memref<1x1x128xi32, #tpu.memory_space<vmem>> -> memref<128xi32, #tpu.memory_space<vmem>>
        %dma_wait3A_162 = arith.constant 0 : i32
        %dma_wait3A_163 = arith.constant 0 : i32
        %dma_wait3A_164 = tpu.memref_slice %arg14[%dma_wait3A_162, %dma_wait3A_163] : memref<10008x128xf32, #tpu.memory_space<vmem_shared>> -> memref<10008x128xf32, #tpu.memory_space<vmem_shared>>
        tpu.wait_indirect_dma semaphore(%run_scoped3A_152 : memref<!tpu.dma_semaphore, #tpu.memory_space<semaphore_mem>>) src(%arg13 : memref<128x128xf32, #tpu.memory_space<vmem>>) dst(%dma_wait3A_164 : memref<10008x128xf32, #tpu.memory_space<vmem_shared>>)
        tpu.yield
      }) : () -> ()
    }
    %scan3A_55 = arith.constant 13 : i32
    %dma_wait3A_56 = tpu.memref_slice %arg3[%mul3A_37] : memref<320000xi32, #tpu.memory_space<hbm>> -> memref<3328xi32, #tpu.memory_space<hbm>>
    %dma_wait3A_57 = tpu.memref_slice %arg3[%mul3A_37] : memref<320000xi32, #tpu.memory_space<hbm>> -> memref<3328xi32, #tpu.memory_space<hbm>>
    tpu.wait_dma2 semaphore(%arg17 : memref<!tpu.dma_semaphore, #tpu.memory_space<semaphore_mem>>) src(%dma_wait3A_57 : memref<3328xi32, #tpu.memory_space<hbm>>) dst(%arg8 : memref<3328xi32, #tpu.memory_space<vmem>>)
    %dma_wait3A_58 = arith.constant 0 : i32
    %dma_wait3A_59 = arith.constant 0 : i32
    %dma_wait3A_60 = tpu.memref_slice %arg4[%add3A_35, %dma_wait3A_58, %dma_wait3A_59] : memref<2500x1x128xi32, #tpu.memory_space<hbm>> -> memref<26x1x128xi32, #tpu.memory_space<hbm>>
    %dma_wait3A_61 = arith.constant 0 : i32
    %dma_wait3A_62 = arith.constant 0 : i32
    %dma_wait3A_63 = tpu.memref_slice %arg4[%add3A_35, %dma_wait3A_61, %dma_wait3A_62] : memref<2500x1x128xi32, #tpu.memory_space<hbm>> -> memref<26x1x128xi32, #tpu.memory_space<hbm>>
    tpu.wait_dma2 semaphore(%arg17 : memref<!tpu.dma_semaphore, #tpu.memory_space<semaphore_mem>>) src(%dma_wait3A_63 : memref<26x1x128xi32, #tpu.memory_space<hbm>>) dst(%arg10 : memref<26x1x128xi32, #tpu.memory_space<vmem>>)
    %add3A_64 = arith.constant 52 : i32
    %add3A_65 = arith.addi %add3A, %add3A_64 : i32
    %mul3A_66 = arith.constant 128 : i32
    %mul3A_67 = arith.muli %add3A_65, %mul3A_66 : i32
    %dma_start3A_68 = tpu.memref_slice %arg3[%mul3A_67] : memref<320000xi32, #tpu.memory_space<hbm>> -> memref<3328xi32, #tpu.memory_space<hbm>>
    %dma_start3A_69 = tpu.memref_slice %arg3[%mul3A_67] : memref<320000xi32, #tpu.memory_space<hbm>> -> memref<3328xi32, #tpu.memory_space<hbm>>
    tpu.enqueue_dma source(%dma_start3A_69 : memref<3328xi32, #tpu.memory_space<hbm>>) target(%arg7 : memref<3328xi32, #tpu.memory_space<vmem>>) target_semaphore(%arg17 : memref<!tpu.dma_semaphore, #tpu.memory_space<semaphore_mem>>)
    %dma_start3A_70 = arith.constant 0 : i32
    %dma_start3A_71 = arith.constant 0 : i32
    %dma_start3A_72 = tpu.memref_slice %arg4[%add3A_65, %dma_start3A_70, %dma_start3A_71] : memref<2500x1x128xi32, #tpu.memory_space<hbm>> -> memref<26x1x128xi32, #tpu.memory_space<hbm>>
    %dma_start3A_73 = arith.constant 0 : i32
    %dma_start3A_74 = arith.constant 0 : i32
    %dma_start3A_75 = tpu.memref_slice %arg4[%add3A_65, %dma_start3A_73, %dma_start3A_74] : memref<2500x1x128xi32, #tpu.memory_space<hbm>> -> memref<26x1x128xi32, #tpu.memory_space<hbm>>
    tpu.enqueue_dma source(%dma_start3A_75 : memref<26x1x128xi32, #tpu.memory_space<hbm>>) target(%arg9 : memref<26x1x128xi32, #tpu.memory_space<vmem>>) target_semaphore(%arg17 : memref<!tpu.dma_semaphore, #tpu.memory_space<semaphore_mem>>)
    %dma_start3A_76 = arith.constant 0 : i32
    %dma_start3A_77 = tpu.memref_slice %arg8[%dma_start3A_76] : memref<3328xi32, #tpu.memory_space<vmem>> -> memref<128xi32, #tpu.memory_space<vmem>>
    %dma_start3A_78 = arith.constant 0 : i32
    %dma_start3A_79 = arith.constant 0 : i32
    %dma_start3A_80 = tpu.memref_slice %arg2[%dma_start3A_78, %dma_start3A_79] : memref<10000x128xf32, #tpu.memory_space<hbm>> -> memref<10000x128xf32, #tpu.memory_space<hbm>>
    tpu.enqueue_indirect_dma source(%dma_start3A_80 : memref<10000x128xf32, #tpu.memory_space<hbm>>) target(%arg12 : memref<128x128xf32, #tpu.memory_space<vmem>>) offsets(%dma_start3A_77 : memref<128xi32, #tpu.memory_space<vmem>>) semaphore(%arg15 : memref<!tpu.dma_semaphore, #tpu.memory_space<semaphore_mem>>)
    %scan3A_81 = arith.constant 0 : i32
    %scan3A_82 = arith.constant 0 : i32
    %scan3A_83 = arith.constant 13 : i32
    %scan3A_84 = arith.addi %scan3A_82, %scan3A_83 : i32
    %scan3A_85 = arith.constant 1 : i32
    scf.for %scan3A_120 = %scan3A_82 to %scan3A_84 step %scan3A_85  : i32 {
      %mul3A_121 = arith.constant 2 : i32
      %mul3A_122 = arith.muli %mul3A_121, %scan3A_120 : i32
      %add3A_123 = arith.constant 1 : i32
      %add3A_124 = arith.addi %mul3A_122, %add3A_123 : i32
      %mul3A_125 = arith.constant 128 : i32
      %mul3A_126 = arith.muli %add3A_124, %mul3A_125 : i32
      %dma_start3A_127 = tpu.memref_slice %arg8[%mul3A_126] : memref<3328xi32, #tpu.memory_space<vmem>> -> memref<128xi32, #tpu.memory_space<vmem>>
      %dma_start3A_128 = arith.constant 0 : i32
      %dma_start3A_129 = arith.constant 0 : i32
      %dma_start3A_130 = tpu.memref_slice %arg2[%dma_start3A_128, %dma_start3A_129] : memref<10000x128xf32, #tpu.memory_space<hbm>> -> memref<10000x128xf32, #tpu.memory_space<hbm>>
      tpu.enqueue_indirect_dma source(%dma_start3A_130 : memref<10000x128xf32, #tpu.memory_space<hbm>>) target(%arg13 : memref<128x128xf32, #tpu.memory_space<vmem>>) offsets(%dma_start3A_127 : memref<128xi32, #tpu.memory_space<vmem>>) semaphore(%arg16 : memref<!tpu.dma_semaphore, #tpu.memory_space<semaphore_mem>>)
      %dma_wait3A_131 = arith.constant 0 : i32
      %dma_wait3A_132 = tpu.memref_slice %arg8[%dma_wait3A_131] : memref<3328xi32, #tpu.memory_space<vmem>> -> memref<128xi32, #tpu.memory_space<vmem>>
      %dma_wait3A_133 = arith.constant 0 : i32
      %dma_wait3A_134 = arith.constant 0 : i32
      %dma_wait3A_135 = tpu.memref_slice %arg2[%dma_wait3A_133, %dma_wait3A_134] : memref<10000x128xf32, #tpu.memory_space<hbm>> -> memref<10000x128xf32, #tpu.memory_space<hbm>>
      tpu.wait_indirect_dma semaphore(%arg15 : memref<!tpu.dma_semaphore, #tpu.memory_space<semaphore_mem>>) src(%dma_wait3A_135 : memref<10000x128xf32, #tpu.memory_space<hbm>>) dst(%arg12 : memref<128x128xf32, #tpu.memory_space<vmem>>)
      %mul3A_136 = arith.constant 2 : i32
      %mul3A_137 = arith.muli %mul3A_136, %scan3A_120 : i32
      %run_scoped3A = arith.constant 0 : i32
      "tpu.region"() ({
        %run_scoped3A_152 = tpu.sem_alloc : memref<!tpu.dma_semaphore, #tpu.memory_space<semaphore_mem>>
        %dma_start3A_153 = arith.constant 0 : i32
        %dma_start3A_154 = tpu.memref_slice %arg10[%mul3A_137, %run_scoped3A, %dma_start3A_153] : memref<26x1x128xi32, #tpu.memory_space<vmem>> -> memref<1x1x128xi32, #tpu.memory_space<vmem>>
        %dma_start3A_155 = tpu.memref_squeeze %dma_start3A_154 : memref<1x1x128xi32, #tpu.memory_space<vmem>> -> memref<128xi32, #tpu.memory_space<vmem>>
        %dma_start3A_156 = arith.constant 0 : i32
        %dma_start3A_157 = arith.constant 0 : i32
        %dma_start3A_158 = tpu.memref_slice %arg14[%dma_start3A_156, %dma_start3A_157] : memref<10008x128xf32, #tpu.memory_space<vmem_shared>> -> memref<10008x128xf32, #tpu.memory_space<vmem_shared>>
        tpu.enqueue_indirect_dma source(%arg12 : memref<128x128xf32, #tpu.memory_space<vmem>>) target(%dma_start3A_158 : memref<10008x128xf32, #tpu.memory_space<vmem_shared>>) offsets(%dma_start3A_155 : memref<128xi32, #tpu.memory_space<vmem>>) semaphore(%run_scoped3A_152 : memref<!tpu.dma_semaphore, #tpu.memory_space<semaphore_mem>>) {add = true}
        %dma_wait3A_159 = arith.constant 0 : i32
        %dma_wait3A_160 = tpu.memref_slice %arg10[%mul3A_137, %run_scoped3A, %dma_wait3A_159] : memref<26x1x128xi32, #tpu.memory_space<vmem>> -> memref<1x1x128xi32, #tpu.memory_space<vmem>>
        %dma_wait3A_161 = tpu.memref_squeeze %dma_wait3A_160 : memref<1x1x128xi32, #tpu.memory_space<vmem>> -> memref<128xi32, #tpu.memory_space<vmem>>
        %dma_wait3A_162 = arith.constant 0 : i32
        %dma_wait3A_163 = arith.constant 0 : i32
        %dma_wait3A_164 = tpu.memref_slice %arg14[%dma_wait3A_162, %dma_wait3A_163] : memref<10008x128xf32, #tpu.memory_space<vmem_shared>> -> memref<10008x128xf32, #tpu.memory_space<vmem_shared>>
        tpu.wait_indirect_dma semaphore(%run_scoped3A_152 : memref<!tpu.dma_semaphore, #tpu.memory_space<semaphore_mem>>) src(%arg12 : memref<128x128xf32, #tpu.memory_space<vmem>>) dst(%dma_wait3A_164 : memref<10008x128xf32, #tpu.memory_space<vmem_shared>>)
        tpu.yield
      }) : () -> ()
      %lt3A_138 = arith.constant 12 : i32
      %lt3A_139 = arith.cmpi slt, %scan3A_120, %lt3A_138 : i32
      %convert_element_type3A_140 = arith.extui %lt3A_139 : i1 to i32
      %cond3A_141 = arith.constant 0 : i32
      %cond3A_142 = arith.cmpi ne, %convert_element_type3A_140, %cond3A_141 : i32
      scf.if %cond3A_142 {
        %mul3A_152 = arith.constant 2 : i32
        %mul3A_153 = arith.muli %mul3A_152, %scan3A_120 : i32
        %add3A_154 = arith.constant 2 : i32
        %add3A_155 = arith.addi %mul3A_153, %add3A_154 : i32
        %mul3A_156 = arith.constant 128 : i32
        %mul3A_157 = arith.muli %add3A_155, %mul3A_156 : i32
        %dma_start3A_158 = tpu.memref_slice %arg8[%mul3A_157] : memref<3328xi32, #tpu.memory_space<vmem>> -> memref<128xi32, #tpu.memory_space<vmem>>
        %dma_start3A_159 = arith.constant 0 : i32
        %dma_start3A_160 = arith.constant 0 : i32
        %dma_start3A_161 = tpu.memref_slice %arg2[%dma_start3A_159, %dma_start3A_160] : memref<10000x128xf32, #tpu.memory_space<hbm>> -> memref<10000x128xf32, #tpu.memory_space<hbm>>
        tpu.enqueue_indirect_dma source(%dma_start3A_161 : memref<10000x128xf32, #tpu.memory_space<hbm>>) target(%arg12 : memref<128x128xf32, #tpu.memory_space<vmem>>) offsets(%dma_start3A_158 : memref<128xi32, #tpu.memory_space<vmem>>) semaphore(%arg15 : memref<!tpu.dma_semaphore, #tpu.memory_space<semaphore_mem>>)
      } else {
      }
      %dma_wait3A_143 = tpu.memref_slice %arg8[%mul3A_126] : memref<3328xi32, #tpu.memory_space<vmem>> -> memref<128xi32, #tpu.memory_space<vmem>>
      %dma_wait3A_144 = arith.constant 0 : i32
      %dma_wait3A_145 = arith.constant 0 : i32
      %dma_wait3A_146 = tpu.memref_slice %arg2[%dma_wait3A_144, %dma_wait3A_145] : memref<10000x128xf32, #tpu.memory_space<hbm>> -> memref<10000x128xf32, #tpu.memory_space<hbm>>
      tpu.wait_indirect_dma semaphore(%arg16 : memref<!tpu.dma_semaphore, #tpu.memory_space<semaphore_mem>>) src(%dma_wait3A_146 : memref<10000x128xf32, #tpu.memory_space<hbm>>) dst(%arg13 : memref<128x128xf32, #tpu.memory_space<vmem>>)
      %mul3A_147 = arith.constant 2 : i32
      %mul3A_148 = arith.muli %mul3A_147, %scan3A_120 : i32
      %add3A_149 = arith.constant 1 : i32
      %add3A_150 = arith.addi %mul3A_148, %add3A_149 : i32
      %run_scoped3A_151 = arith.constant 0 : i32
      "tpu.region"() ({
        %run_scoped3A_152 = tpu.sem_alloc : memref<!tpu.dma_semaphore, #tpu.memory_space<semaphore_mem>>
        %dma_start3A_153 = arith.constant 0 : i32
        %dma_start3A_154 = tpu.memref_slice %arg10[%add3A_150, %run_scoped3A_151, %dma_start3A_153] : memref<26x1x128xi32, #tpu.memory_space<vmem>> -> memref<1x1x128xi32, #tpu.memory_space<vmem>>
        %dma_start3A_155 = tpu.memref_squeeze %dma_start3A_154 : memref<1x1x128xi32, #tpu.memory_space<vmem>> -> memref<128xi32, #tpu.memory_space<vmem>>
        %dma_start3A_156 = arith.constant 0 : i32
        %dma_start3A_157 = arith.constant 0 : i32
        %dma_start3A_158 = tpu.memref_slice %arg14[%dma_start3A_156, %dma_start3A_157] : memref<10008x128xf32, #tpu.memory_space<vmem_shared>> -> memref<10008x128xf32, #tpu.memory_space<vmem_shared>>
        tpu.enqueue_indirect_dma source(%arg13 : memref<128x128xf32, #tpu.memory_space<vmem>>) target(%dma_start3A_158 : memref<10008x128xf32, #tpu.memory_space<vmem_shared>>) offsets(%dma_start3A_155 : memref<128xi32, #tpu.memory_space<vmem>>) semaphore(%run_scoped3A_152 : memref<!tpu.dma_semaphore, #tpu.memory_space<semaphore_mem>>) {add = true}
        %dma_wait3A_159 = arith.constant 0 : i32
        %dma_wait3A_160 = tpu.memref_slice %arg10[%add3A_150, %run_scoped3A_151, %dma_wait3A_159] : memref<26x1x128xi32, #tpu.memory_space<vmem>> -> memref<1x1x128xi32, #tpu.memory_space<vmem>>
        %dma_wait3A_161 = tpu.memref_squeeze %dma_wait3A_160 : memref<1x1x128xi32, #tpu.memory_space<vmem>> -> memref<128xi32, #tpu.memory_space<vmem>>
        %dma_wait3A_162 = arith.constant 0 : i32
        %dma_wait3A_163 = arith.constant 0 : i32
        %dma_wait3A_164 = tpu.memref_slice %arg14[%dma_wait3A_162, %dma_wait3A_163] : memref<10008x128xf32, #tpu.memory_space<vmem_shared>> -> memref<10008x128xf32, #tpu.memory_space<vmem_shared>>
        tpu.wait_indirect_dma semaphore(%run_scoped3A_152 : memref<!tpu.dma_semaphore, #tpu.memory_space<semaphore_mem>>) src(%arg13 : memref<128x128xf32, #tpu.memory_space<vmem>>) dst(%dma_wait3A_164 : memref<10008x128xf32, #tpu.memory_space<vmem_shared>>)
        tpu.yield
      }) : () -> ()
    }
    %scan3A_86 = arith.constant 13 : i32
    %dma_wait3A_87 = tpu.memref_slice %arg3[%mul3A_67] : memref<320000xi32, #tpu.memory_space<hbm>> -> memref<3328xi32, #tpu.memory_space<hbm>>
    %dma_wait3A_88 = tpu.memref_slice %arg3[%mul3A_67] : memref<320000xi32, #tpu.memory_space<hbm>> -> memref<3328xi32, #tpu.memory_space<hbm>>
    tpu.wait_dma2 semaphore(%arg17 : memref<!tpu.dma_semaphore, #tpu.memory_space<semaphore_mem>>) src(%dma_wait3A_88 : memref<3328xi32, #tpu.memory_space<hbm>>) dst(%arg7 : memref<3328xi32, #tpu.memory_space<vmem>>)
    %dma_wait3A_89 = arith.constant 0 : i32
    %dma_wait3A_90 = arith.constant 0 : i32
    %dma_wait3A_91 = tpu.memref_slice %arg4[%add3A_65, %dma_wait3A_89, %dma_wait3A_90] : memref<2500x1x128xi32, #tpu.memory_space<hbm>> -> memref<26x1x128xi32, #tpu.memory_space<hbm>>
    %dma_wait3A_92 = arith.constant 0 : i32
    %dma_wait3A_93 = arith.constant 0 : i32
    %dma_wait3A_94 = tpu.memref_slice %arg4[%add3A_65, %dma_wait3A_92, %dma_wait3A_93] : memref<2500x1x128xi32, #tpu.memory_space<hbm>> -> memref<26x1x128xi32, #tpu.memory_space<hbm>>
    tpu.wait_dma2 semaphore(%arg17 : memref<!tpu.dma_semaphore, #tpu.memory_space<semaphore_mem>>) src(%dma_wait3A_94 : memref<26x1x128xi32, #tpu.memory_space<hbm>>) dst(%arg9 : memref<26x1x128xi32, #tpu.memory_space<vmem>>)
    %dma_start3A_95 = arith.constant 0 : i32
    %dma_start3A_96 = tpu.memref_slice %arg7[%dma_start3A_95] : memref<3328xi32, #tpu.memory_space<vmem>> -> memref<128xi32, #tpu.memory_space<vmem>>
    %dma_start3A_97 = arith.constant 0 : i32
    %dma_start3A_98 = arith.constant 0 : i32
    %dma_start3A_99 = tpu.memref_slice %arg2[%dma_start3A_97, %dma_start3A_98] : memref<10000x128xf32, #tpu.memory_space<hbm>> -> memref<10000x128xf32, #tpu.memory_space<hbm>>
    tpu.enqueue_indirect_dma source(%dma_start3A_99 : memref<10000x128xf32, #tpu.memory_space<hbm>>) target(%arg12 : memref<128x128xf32, #tpu.memory_space<vmem>>) offsets(%dma_start3A_96 : memref<128xi32, #tpu.memory_space<vmem>>) semaphore(%arg15 : memref<!tpu.dma_semaphore, #tpu.memory_space<semaphore_mem>>)
    %scan3A_100 = arith.constant 0 : i32
    %scan3A_101 = arith.constant 0 : i32
    %scan3A_102 = arith.constant 13 : i32
    %scan3A_103 = arith.addi %scan3A_101, %scan3A_102 : i32
    %scan3A_104 = arith.constant 1 : i32
    scf.for %scan3A_120 = %scan3A_101 to %scan3A_103 step %scan3A_104  : i32 {
      %mul3A_121 = arith.constant 2 : i32
      %mul3A_122 = arith.muli %mul3A_121, %scan3A_120 : i32
      %add3A_123 = arith.constant 1 : i32
      %add3A_124 = arith.addi %mul3A_122, %add3A_123 : i32
      %mul3A_125 = arith.constant 128 : i32
      %mul3A_126 = arith.muli %add3A_124, %mul3A_125 : i32
      %dma_start3A_127 = tpu.memref_slice %arg7[%mul3A_126] : memref<3328xi32, #tpu.memory_space<vmem>> -> memref<128xi32, #tpu.memory_space<vmem>>
      %dma_start3A_128 = arith.constant 0 : i32
      %dma_start3A_129 = arith.constant 0 : i32
      %dma_start3A_130 = tpu.memref_slice %arg2[%dma_start3A_128, %dma_start3A_129] : memref<10000x128xf32, #tpu.memory_space<hbm>> -> memref<10000x128xf32, #tpu.memory_space<hbm>>
      tpu.enqueue_indirect_dma source(%dma_start3A_130 : memref<10000x128xf32, #tpu.memory_space<hbm>>) target(%arg13 : memref<128x128xf32, #tpu.memory_space<vmem>>) offsets(%dma_start3A_127 : memref<128xi32, #tpu.memory_space<vmem>>) semaphore(%arg16 : memref<!tpu.dma_semaphore, #tpu.memory_space<semaphore_mem>>)
      %dma_wait3A_131 = arith.constant 0 : i32
      %dma_wait3A_132 = tpu.memref_slice %arg7[%dma_wait3A_131] : memref<3328xi32, #tpu.memory_space<vmem>> -> memref<128xi32, #tpu.memory_space<vmem>>
      %dma_wait3A_133 = arith.constant 0 : i32
      %dma_wait3A_134 = arith.constant 0 : i32
      %dma_wait3A_135 = tpu.memref_slice %arg2[%dma_wait3A_133, %dma_wait3A_134] : memref<10000x128xf32, #tpu.memory_space<hbm>> -> memref<10000x128xf32, #tpu.memory_space<hbm>>
      tpu.wait_indirect_dma semaphore(%arg15 : memref<!tpu.dma_semaphore, #tpu.memory_space<semaphore_mem>>) src(%dma_wait3A_135 : memref<10000x128xf32, #tpu.memory_space<hbm>>) dst(%arg12 : memref<128x128xf32, #tpu.memory_space<vmem>>)
      %mul3A_136 = arith.constant 2 : i32
      %mul3A_137 = arith.muli %mul3A_136, %scan3A_120 : i32
      %run_scoped3A = arith.constant 0 : i32
      "tpu.region"() ({
        %run_scoped3A_152 = tpu.sem_alloc : memref<!tpu.dma_semaphore, #tpu.memory_space<semaphore_mem>>
        %dma_start3A_153 = arith.constant 0 : i32
        %dma_start3A_154 = tpu.memref_slice %arg9[%mul3A_137, %run_scoped3A, %dma_start3A_153] : memref<26x1x128xi32, #tpu.memory_space<vmem>> -> memref<1x1x128xi32, #tpu.memory_space<vmem>>
        %dma_start3A_155 = tpu.memref_squeeze %dma_start3A_154 : memref<1x1x128xi32, #tpu.memory_space<vmem>> -> memref<128xi32, #tpu.memory_space<vmem>>
        %dma_start3A_156 = arith.constant 0 : i32
        %dma_start3A_157 = arith.constant 0 : i32
        %dma_start3A_158 = tpu.memref_slice %arg14[%dma_start3A_156, %dma_start3A_157] : memref<10008x128xf32, #tpu.memory_space<vmem_shared>> -> memref<10008x128xf32, #tpu.memory_space<vmem_shared>>
        tpu.enqueue_indirect_dma source(%arg12 : memref<128x128xf32, #tpu.memory_space<vmem>>) target(%dma_start3A_158 : memref<10008x128xf32, #tpu.memory_space<vmem_shared>>) offsets(%dma_start3A_155 : memref<128xi32, #tpu.memory_space<vmem>>) semaphore(%run_scoped3A_152 : memref<!tpu.dma_semaphore, #tpu.memory_space<semaphore_mem>>) {add = true}
        %dma_wait3A_159 = arith.constant 0 : i32
        %dma_wait3A_160 = tpu.memref_slice %arg9[%mul3A_137, %run_scoped3A, %dma_wait3A_159] : memref<26x1x128xi32, #tpu.memory_space<vmem>> -> memref<1x1x128xi32, #tpu.memory_space<vmem>>
        %dma_wait3A_161 = tpu.memref_squeeze %dma_wait3A_160 : memref<1x1x128xi32, #tpu.memory_space<vmem>> -> memref<128xi32, #tpu.memory_space<vmem>>
        %dma_wait3A_162 = arith.constant 0 : i32
        %dma_wait3A_163 = arith.constant 0 : i32
        %dma_wait3A_164 = tpu.memref_slice %arg14[%dma_wait3A_162, %dma_wait3A_163] : memref<10008x128xf32, #tpu.memory_space<vmem_shared>> -> memref<10008x128xf32, #tpu.memory_space<vmem_shared>>
        tpu.wait_indirect_dma semaphore(%run_scoped3A_152 : memref<!tpu.dma_semaphore, #tpu.memory_space<semaphore_mem>>) src(%arg12 : memref<128x128xf32, #tpu.memory_space<vmem>>) dst(%dma_wait3A_164 : memref<10008x128xf32, #tpu.memory_space<vmem_shared>>)
        tpu.yield
      }) : () -> ()
      %lt3A_138 = arith.constant 12 : i32
      %lt3A_139 = arith.cmpi slt, %scan3A_120, %lt3A_138 : i32
      %convert_element_type3A_140 = arith.extui %lt3A_139 : i1 to i32
      %cond3A_141 = arith.constant 0 : i32
      %cond3A_142 = arith.cmpi ne, %convert_element_type3A_140, %cond3A_141 : i32
      scf.if %cond3A_142 {
        %mul3A_152 = arith.constant 2 : i32
        %mul3A_153 = arith.muli %mul3A_152, %scan3A_120 : i32
        %add3A_154 = arith.constant 2 : i32
        %add3A_155 = arith.addi %mul3A_153, %add3A_154 : i32
        %mul3A_156 = arith.constant 128 : i32
        %mul3A_157 = arith.muli %add3A_155, %mul3A_156 : i32
        %dma_start3A_158 = tpu.memref_slice %arg7[%mul3A_157] : memref<3328xi32, #tpu.memory_space<vmem>> -> memref<128xi32, #tpu.memory_space<vmem>>
        %dma_start3A_159 = arith.constant 0 : i32
        %dma_start3A_160 = arith.constant 0 : i32
        %dma_start3A_161 = tpu.memref_slice %arg2[%dma_start3A_159, %dma_start3A_160] : memref<10000x128xf32, #tpu.memory_space<hbm>> -> memref<10000x128xf32, #tpu.memory_space<hbm>>
        tpu.enqueue_indirect_dma source(%dma_start3A_161 : memref<10000x128xf32, #tpu.memory_space<hbm>>) target(%arg12 : memref<128x128xf32, #tpu.memory_space<vmem>>) offsets(%dma_start3A_158 : memref<128xi32, #tpu.memory_space<vmem>>) semaphore(%arg15 : memref<!tpu.dma_semaphore, #tpu.memory_space<semaphore_mem>>)
      } else {
      }
      %dma_wait3A_143 = tpu.memref_slice %arg7[%mul3A_126] : memref<3328xi32, #tpu.memory_space<vmem>> -> memref<128xi32, #tpu.memory_space<vmem>>
      %dma_wait3A_144 = arith.constant 0 : i32
      %dma_wait3A_145 = arith.constant 0 : i32
      %dma_wait3A_146 = tpu.memref_slice %arg2[%dma_wait3A_144, %dma_wait3A_145] : memref<10000x128xf32, #tpu.memory_space<hbm>> -> memref<10000x128xf32, #tpu.memory_space<hbm>>
      tpu.wait_indirect_dma semaphore(%arg16 : memref<!tpu.dma_semaphore, #tpu.memory_space<semaphore_mem>>) src(%dma_wait3A_146 : memref<10000x128xf32, #tpu.memory_space<hbm>>) dst(%arg13 : memref<128x128xf32, #tpu.memory_space<vmem>>)
      %mul3A_147 = arith.constant 2 : i32
      %mul3A_148 = arith.muli %mul3A_147, %scan3A_120 : i32
      %add3A_149 = arith.constant 1 : i32
      %add3A_150 = arith.addi %mul3A_148, %add3A_149 : i32
      %run_scoped3A_151 = arith.constant 0 : i32
      "tpu.region"() ({
        %run_scoped3A_152 = tpu.sem_alloc : memref<!tpu.dma_semaphore, #tpu.memory_space<semaphore_mem>>
        %dma_start3A_153 = arith.constant 0 : i32
        %dma_start3A_154 = tpu.memref_slice %arg9[%add3A_150, %run_scoped3A_151, %dma_start3A_153] : memref<26x1x128xi32, #tpu.memory_space<vmem>> -> memref<1x1x128xi32, #tpu.memory_space<vmem>>
        %dma_start3A_155 = tpu.memref_squeeze %dma_start3A_154 : memref<1x1x128xi32, #tpu.memory_space<vmem>> -> memref<128xi32, #tpu.memory_space<vmem>>
        %dma_start3A_156 = arith.constant 0 : i32
        %dma_start3A_157 = arith.constant 0 : i32
        %dma_start3A_158 = tpu.memref_slice %arg14[%dma_start3A_156, %dma_start3A_157] : memref<10008x128xf32, #tpu.memory_space<vmem_shared>> -> memref<10008x128xf32, #tpu.memory_space<vmem_shared>>
        tpu.enqueue_indirect_dma source(%arg13 : memref<128x128xf32, #tpu.memory_space<vmem>>) target(%dma_start3A_158 : memref<10008x128xf32, #tpu.memory_space<vmem_shared>>) offsets(%dma_start3A_155 : memref<128xi32, #tpu.memory_space<vmem>>) semaphore(%run_scoped3A_152 : memref<!tpu.dma_semaphore, #tpu.memory_space<semaphore_mem>>) {add = true}
        %dma_wait3A_159 = arith.constant 0 : i32
        %dma_wait3A_160 = tpu.memref_slice %arg9[%add3A_150, %run_scoped3A_151, %dma_wait3A_159] : memref<26x1x128xi32, #tpu.memory_space<vmem>> -> memref<1x1x128xi32, #tpu.memory_space<vmem>>
        %dma_wait3A_161 = tpu.memref_squeeze %dma_wait3A_160 : memref<1x1x128xi32, #tpu.memory_space<vmem>> -> memref<128xi32, #tpu.memory_space<vmem>>
        %dma_wait3A_162 = arith.constant 0 : i32
        %dma_wait3A_163 = arith.constant 0 : i32
        %dma_wait3A_164 = tpu.memref_slice %arg14[%dma_wait3A_162, %dma_wait3A_163] : memref<10008x128xf32, #tpu.memory_space<vmem_shared>> -> memref<10008x128xf32, #tpu.memory_space<vmem_shared>>
        tpu.wait_indirect_dma semaphore(%run_scoped3A_152 : memref<!tpu.dma_semaphore, #tpu.memory_space<semaphore_mem>>) src(%arg13 : memref<128x128xf32, #tpu.memory_space<vmem>>) dst(%dma_wait3A_164 : memref<10008x128xf32, #tpu.memory_space<vmem_shared>>)
        tpu.yield
      }) : () -> ()
    }
    %scan3A_105 = arith.constant 13 : i32
    %convert_element_type3A_106 = arith.extui %lt3A_3 : i1 to i32
    %cond3A_107 = arith.constant 0 : i32
    %cond3A_108 = arith.cmpi ne, %convert_element_type3A_106, %cond3A_107 : i32
    scf.if %cond3A_108 {
      %mul3A_120 = arith.constant 128 : i32
      %mul3A_121 = arith.muli %add3A_8, %mul3A_120 : i32
      %run_scoped3A = arith.constant 0 : i32
      "tpu.region"() ({
        %run_scoped3A_139 = tpu.sem_alloc : memref<!tpu.dma_semaphore, #tpu.memory_space<semaphore_mem>>
        %dma_start3A_140 = arith.constant 0 : i32
        %dma_start3A_141 = tpu.memref_slice %arg11[%run_scoped3A, %dma_start3A_140] : memref<2x128xi32, #tpu.memory_space<vmem>> -> memref<1x128xi32, #tpu.memory_space<vmem>>
        %dma_start3A_142 = tpu.memref_squeeze %dma_start3A_141 : memref<1x128xi32, #tpu.memory_space<vmem>> -> memref<128xi32, #tpu.memory_space<vmem>>
        %dma_start3A_143 = tpu.memref_slice %arg3[%mul3A_121] : memref<320000xi32, #tpu.memory_space<hbm>> -> memref<128xi32, #tpu.memory_space<hbm>>
        %dma_start3A_144 = arith.constant 0 : i32
        %dma_start3A_145 = tpu.memref_slice %arg11[%run_scoped3A, %dma_start3A_144] : memref<2x128xi32, #tpu.memory_space<vmem>> -> memref<1x128xi32, #tpu.memory_space<vmem>>
        %dma_start3A_146 = tpu.memref_squeeze %dma_start3A_145 : memref<1x128xi32, #tpu.memory_space<vmem>> -> memref<128xi32, #tpu.memory_space<vmem>>
        %dma_start3A_147 = tpu.memref_slice %arg3[%mul3A_121] : memref<320000xi32, #tpu.memory_space<hbm>> -> memref<128xi32, #tpu.memory_space<hbm>>
        tpu.enqueue_dma source(%dma_start3A_147 : memref<128xi32, #tpu.memory_space<hbm>>) target(%dma_start3A_146 : memref<128xi32, #tpu.memory_space<vmem>>) target_semaphore(%run_scoped3A_139 : memref<!tpu.dma_semaphore, #tpu.memory_space<semaphore_mem>>)
        %dma_wait3A_148 = arith.constant 0 : i32
        %dma_wait3A_149 = tpu.memref_slice %arg11[%run_scoped3A, %dma_wait3A_148] : memref<2x128xi32, #tpu.memory_space<vmem>> -> memref<1x128xi32, #tpu.memory_space<vmem>>
        %dma_wait3A_150 = tpu.memref_squeeze %dma_wait3A_149 : memref<1x128xi32, #tpu.memory_space<vmem>> -> memref<128xi32, #tpu.memory_space<vmem>>
        %dma_wait3A_151 = tpu.memref_slice %arg3[%mul3A_121] : memref<320000xi32, #tpu.memory_space<hbm>> -> memref<128xi32, #tpu.memory_space<hbm>>
        %dma_wait3A_152 = arith.constant 0 : i32
        %dma_wait3A_153 = tpu.memref_slice %arg11[%run_scoped3A, %dma_wait3A_152] : memref<2x128xi32, #tpu.memory_space<vmem>> -> memref<1x128xi32, #tpu.memory_space<vmem>>
        %dma_wait3A_154 = tpu.memref_squeeze %dma_wait3A_153 : memref<1x128xi32, #tpu.memory_space<vmem>> -> memref<128xi32, #tpu.memory_space<vmem>>
        %dma_wait3A_155 = tpu.memref_slice %arg3[%mul3A_121] : memref<320000xi32, #tpu.memory_space<hbm>> -> memref<128xi32, #tpu.memory_space<hbm>>
        tpu.wait_dma2 semaphore(%run_scoped3A_139 : memref<!tpu.dma_semaphore, #tpu.memory_space<semaphore_mem>>) src(%dma_wait3A_155 : memref<128xi32, #tpu.memory_space<hbm>>) dst(%dma_wait3A_154 : memref<128xi32, #tpu.memory_space<vmem>>)
        tpu.yield
      }) : () -> ()
      %run_scoped3A_122 = arith.constant 0 : i32
      %run_scoped3A_123 = arith.constant 1 : i32
      "tpu.region"() ({
        %run_scoped3A_139 = tpu.sem_alloc : memref<!tpu.dma_semaphore, #tpu.memory_space<semaphore_mem>>
        %dma_start3A_140 = arith.constant 0 : i32
        %dma_start3A_141 = tpu.memref_slice %arg11[%run_scoped3A_123, %dma_start3A_140] : memref<2x128xi32, #tpu.memory_space<vmem>> -> memref<1x128xi32, #tpu.memory_space<vmem>>
        %dma_start3A_142 = tpu.memref_squeeze %dma_start3A_141 : memref<1x128xi32, #tpu.memory_space<vmem>> -> memref<128xi32, #tpu.memory_space<vmem>>
        %dma_start3A_143 = arith.constant 0 : i32
        %dma_start3A_144 = tpu.memref_slice %arg4[%add3A_8, %run_scoped3A_122, %dma_start3A_143] : memref<2500x1x128xi32, #tpu.memory_space<hbm>> -> memref<1x1x128xi32, #tpu.memory_space<hbm>>
        %dma_start3A_145 = tpu.memref_squeeze %dma_start3A_144 : memref<1x1x128xi32, #tpu.memory_space<hbm>> -> memref<128xi32, #tpu.memory_space<hbm>>
        %dma_start3A_146 = arith.constant 0 : i32
        %dma_start3A_147 = tpu.memref_slice %arg11[%run_scoped3A_123, %dma_start3A_146] : memref<2x128xi32, #tpu.memory_space<vmem>> -> memref<1x128xi32, #tpu.memory_space<vmem>>
        %dma_start3A_148 = tpu.memref_squeeze %dma_start3A_147 : memref<1x128xi32, #tpu.memory_space<vmem>> -> memref<128xi32, #tpu.memory_space<vmem>>
        %dma_start3A_149 = arith.constant 0 : i32
        %dma_start3A_150 = tpu.memref_slice %arg4[%add3A_8, %run_scoped3A_122, %dma_start3A_149] : memref<2500x1x128xi32, #tpu.memory_space<hbm>> -> memref<1x1x128xi32, #tpu.memory_space<hbm>>
        %dma_start3A_151 = tpu.memref_squeeze %dma_start3A_150 : memref<1x1x128xi32, #tpu.memory_space<hbm>> -> memref<128xi32, #tpu.memory_space<hbm>>
        tpu.enqueue_dma source(%dma_start3A_151 : memref<128xi32, #tpu.memory_space<hbm>>) target(%dma_start3A_148 : memref<128xi32, #tpu.memory_space<vmem>>) target_semaphore(%run_scoped3A_139 : memref<!tpu.dma_semaphore, #tpu.memory_space<semaphore_mem>>)
        %dma_wait3A_152 = arith.constant 0 : i32
        %dma_wait3A_153 = tpu.memref_slice %arg11[%run_scoped3A_123, %dma_wait3A_152] : memref<2x128xi32, #tpu.memory_space<vmem>> -> memref<1x128xi32, #tpu.memory_space<vmem>>
        %dma_wait3A_154 = tpu.memref_squeeze %dma_wait3A_153 : memref<1x128xi32, #tpu.memory_space<vmem>> -> memref<128xi32, #tpu.memory_space<vmem>>
        %dma_wait3A_155 = arith.constant 0 : i32
        %dma_wait3A_156 = tpu.memref_slice %arg4[%add3A_8, %run_scoped3A_122, %dma_wait3A_155] : memref<2500x1x128xi32, #tpu.memory_space<hbm>> -> memref<1x1x128xi32, #tpu.memory_space<hbm>>
        %dma_wait3A_157 = tpu.memref_squeeze %dma_wait3A_156 : memref<1x1x128xi32, #tpu.memory_space<hbm>> -> memref<128xi32, #tpu.memory_space<hbm>>
        %dma_wait3A_158 = arith.constant 0 : i32
        %dma_wait3A_159 = tpu.memref_slice %arg11[%run_scoped3A_123, %dma_wait3A_158] : memref<2x128xi32, #tpu.memory_space<vmem>> -> memref<1x128xi32, #tpu.memory_space<vmem>>
        %dma_wait3A_160 = tpu.memref_squeeze %dma_wait3A_159 : memref<1x128xi32, #tpu.memory_space<vmem>> -> memref<128xi32, #tpu.memory_space<vmem>>
        %dma_wait3A_161 = arith.constant 0 : i32
        %dma_wait3A_162 = tpu.memref_slice %arg4[%add3A_8, %run_scoped3A_122, %dma_wait3A_161] : memref<2500x1x128xi32, #tpu.memory_space<hbm>> -> memref<1x1x128xi32, #tpu.memory_space<hbm>>
        %dma_wait3A_163 = tpu.memref_squeeze %dma_wait3A_162 : memref<1x1x128xi32, #tpu.memory_space<hbm>> -> memref<128xi32, #tpu.memory_space<hbm>>
        tpu.wait_dma2 semaphore(%run_scoped3A_139 : memref<!tpu.dma_semaphore, #tpu.memory_space<semaphore_mem>>) src(%dma_wait3A_163 : memref<128xi32, #tpu.memory_space<hbm>>) dst(%dma_wait3A_160 : memref<128xi32, #tpu.memory_space<vmem>>)
        tpu.yield
      }) : () -> ()
      %dma_start3A_124 = arith.constant 0 : i32
      %dma_start3A_125 = arith.constant 0 : i32
      %dma_start3A_126 = tpu.memref_slice %arg11[%dma_start3A_124, %dma_start3A_125] : memref<2x128xi32, #tpu.memory_space<vmem>> -> memref<1x128xi32, #tpu.memory_space<vmem>>
      %dma_start3A_127 = tpu.memref_squeeze %dma_start3A_126 : memref<1x128xi32, #tpu.memory_space<vmem>> -> memref<128xi32, #tpu.memory_space<vmem>>
      %dma_start3A_128 = arith.constant 0 : i32
      %dma_start3A_129 = arith.constant 0 : i32
      %dma_start3A_130 = tpu.memref_slice %arg2[%dma_start3A_128, %dma_start3A_129] : memref<10000x128xf32, #tpu.memory_space<hbm>> -> memref<10000x128xf32, #tpu.memory_space<hbm>>
      tpu.enqueue_indirect_dma source(%dma_start3A_130 : memref<10000x128xf32, #tpu.memory_space<hbm>>) target(%arg12 : memref<128x128xf32, #tpu.memory_space<vmem>>) offsets(%dma_start3A_127 : memref<128xi32, #tpu.memory_space<vmem>>) semaphore(%arg15 : memref<!tpu.dma_semaphore, #tpu.memory_space<semaphore_mem>>)
      %dma_wait3A_131 = arith.constant 0 : i32
      %dma_wait3A_132 = arith.constant 0 : i32
      %dma_wait3A_133 = tpu.memref_slice %arg11[%dma_wait3A_131, %dma_wait3A_132] : memref<2x128xi32, #tpu.memory_space<vmem>> -> memref<1x128xi32, #tpu.memory_space<vmem>>
      %dma_wait3A_134 = tpu.memref_squeeze %dma_wait3A_133 : memref<1x128xi32, #tpu.memory_space<vmem>> -> memref<128xi32, #tpu.memory_space<vmem>>
      %dma_wait3A_135 = arith.constant 0 : i32
      %dma_wait3A_136 = arith.constant 0 : i32
      %dma_wait3A_137 = tpu.memref_slice %arg2[%dma_wait3A_135, %dma_wait3A_136] : memref<10000x128xf32, #tpu.memory_space<hbm>> -> memref<10000x128xf32, #tpu.memory_space<hbm>>
      tpu.wait_indirect_dma semaphore(%arg15 : memref<!tpu.dma_semaphore, #tpu.memory_space<semaphore_mem>>) src(%dma_wait3A_137 : memref<10000x128xf32, #tpu.memory_space<hbm>>) dst(%arg12 : memref<128x128xf32, #tpu.memory_space<vmem>>)
      %run_scoped3A_138 = arith.constant 1 : i32
      "tpu.region"() ({
        %run_scoped3A_139 = tpu.sem_alloc : memref<!tpu.dma_semaphore, #tpu.memory_space<semaphore_mem>>
        %dma_start3A_140 = arith.constant 0 : i32
        %dma_start3A_141 = tpu.memref_slice %arg11[%run_scoped3A_138, %dma_start3A_140] : memref<2x128xi32, #tpu.memory_space<vmem>> -> memref<1x128xi32, #tpu.memory_space<vmem>>
        %dma_start3A_142 = tpu.memref_squeeze %dma_start3A_141 : memref<1x128xi32, #tpu.memory_space<vmem>> -> memref<128xi32, #tpu.memory_space<vmem>>
        %dma_start3A_143 = arith.constant 0 : i32
        %dma_start3A_144 = arith.constant 0 : i32
        %dma_start3A_145 = tpu.memref_slice %arg14[%dma_start3A_143, %dma_start3A_144] : memref<10008x128xf32, #tpu.memory_space<vmem_shared>> -> memref<10008x128xf32, #tpu.memory_space<vmem_shared>>
        tpu.enqueue_indirect_dma source(%arg12 : memref<128x128xf32, #tpu.memory_space<vmem>>) target(%dma_start3A_145 : memref<10008x128xf32, #tpu.memory_space<vmem_shared>>) offsets(%dma_start3A_142 : memref<128xi32, #tpu.memory_space<vmem>>) semaphore(%run_scoped3A_139 : memref<!tpu.dma_semaphore, #tpu.memory_space<semaphore_mem>>) {add = true}
        %dma_wait3A_146 = arith.constant 0 : i32
        %dma_wait3A_147 = tpu.memref_slice %arg11[%run_scoped3A_138, %dma_wait3A_146] : memref<2x128xi32, #tpu.memory_space<vmem>> -> memref<1x128xi32, #tpu.memory_space<vmem>>
        %dma_wait3A_148 = tpu.memref_squeeze %dma_wait3A_147 : memref<1x128xi32, #tpu.memory_space<vmem>> -> memref<128xi32, #tpu.memory_space<vmem>>
        %dma_wait3A_149 = arith.constant 0 : i32
        %dma_wait3A_150 = arith.constant 0 : i32
        %dma_wait3A_151 = tpu.memref_slice %arg14[%dma_wait3A_149, %dma_wait3A_150] : memref<10008x128xf32, #tpu.memory_space<vmem_shared>> -> memref<10008x128xf32, #tpu.memory_space<vmem_shared>>
        tpu.wait_indirect_dma semaphore(%run_scoped3A_139 : memref<!tpu.dma_semaphore, #tpu.memory_space<semaphore_mem>>) src(%arg12 : memref<128x128xf32, #tpu.memory_space<vmem>>) dst(%dma_wait3A_151 : memref<10008x128xf32, #tpu.memory_space<vmem_shared>>)
        tpu.yield
      }) : () -> ()
    } else {
    }
    %barrier3A_109 = arith.constant 0 : index
    tpu.barrier barrier_id(%barrier3A_109)
    %eq3A_110 = arith.constant 0 : i32
    %eq3A_111 = arith.cmpi eq, %arg0, %eq3A_110 : i32
    %convert_element_type3A_112 = arith.extui %eq3A_111 : i1 to i32
    %cond3A_113 = arith.constant 0 : i32
    %cond3A_114 = arith.cmpi ne, %convert_element_type3A_112, %cond3A_113 : i32
    scf.if %cond3A_114 {
      %lt3A_120 = arith.constant 15 : i32
      %lt3A_121 = arith.cmpi slt, %arg1, %lt3A_120 : i32
      %convert_element_type3A_122 = arith.extui %lt3A_121 : i1 to i32
      %cond3A_123 = arith.constant 0 : i32
      %cond3A_124 = arith.cmpi ne, %convert_element_type3A_122, %cond3A_123 : i32
      scf.if %cond3A_124 {
        %mul3A_130 = arith.constant 640 : i32
        %mul3A_131 = arith.muli %arg1, %mul3A_130 : i32
        %multiple_of3A = tpu.assume_multiple %mul3A_131, 8 : i32
        %multiple_of3A_132 = tpu.assume_multiple %mul3A_131, 8 : i32
        "tpu.region"() ({
          %run_scoped3A = tpu.sem_alloc : memref<!tpu.dma_semaphore, #tpu.memory_space<semaphore_mem>>
          %dma_start3A_133 = arith.constant 0 : i32
          %dma_start3A_134 = tpu.memref_slice %arg5[%multiple_of3A_132, %dma_start3A_133] : memref<10000x128xf32, #tpu.memory_space<hbm>> -> memref<640x128xf32, #tpu.memory_space<hbm>>
          %dma_start3A_135 = arith.constant 0 : i32
          %dma_start3A_136 = tpu.memref_slice %arg14[%multiple_of3A, %dma_start3A_135] : memref<10008x128xf32, #tpu.memory_space<vmem_shared>> -> memref<640x128xf32, #tpu.memory_space<vmem_shared>>
          tpu.enqueue_dma source(%dma_start3A_136 : memref<640x128xf32, #tpu.memory_space<vmem_shared>>) target(%dma_start3A_134 : memref<640x128xf32, #tpu.memory_space<hbm>>) target_semaphore(%run_scoped3A : memref<!tpu.dma_semaphore, #tpu.memory_space<semaphore_mem>>)
          %dma_wait3A_137 = arith.constant 0 : i32
          %dma_wait3A_138 = tpu.memref_slice %arg5[%multiple_of3A_132, %dma_wait3A_137] : memref<10000x128xf32, #tpu.memory_space<hbm>> -> memref<640x128xf32, #tpu.memory_space<hbm>>
          %dma_wait3A_139 = arith.constant 0 : i32
          %dma_wait3A_140 = tpu.memref_slice %arg14[%multiple_of3A, %dma_wait3A_139] : memref<10008x128xf32, #tpu.memory_space<vmem_shared>> -> memref<640x128xf32, #tpu.memory_space<vmem_shared>>
          tpu.wait_dma2 semaphore(%run_scoped3A : memref<!tpu.dma_semaphore, #tpu.memory_space<semaphore_mem>>) src(%dma_wait3A_140 : memref<640x128xf32, #tpu.memory_space<vmem_shared>>) dst(%dma_wait3A_138 : memref<640x128xf32, #tpu.memory_space<hbm>>)
          tpu.yield
        }) : () -> ()
      } else {
      }
      %eq3A_125 = arith.constant 15 : i32
      %eq3A_126 = arith.cmpi eq, %arg1, %eq3A_125 : i32
      %convert_element_type3A_127 = arith.extui %eq3A_126 : i1 to i32
      %cond3A_128 = arith.constant 0 : i32
      %cond3A_129 = arith.cmpi ne, %convert_element_type3A_127, %cond3A_128 : i32
      scf.if %cond3A_129 {
        %multiple_of3A = arith.constant 9600 : i32
        %multiple_of3A_130 = tpu.assume_multiple %multiple_of3A, 8 : i32
        %multiple_of3A_131 = arith.constant 9600 : i32
        %multiple_of3A_132 = tpu.assume_multiple %multiple_of3A_131, 8 : i32
        "tpu.region"() ({
          %run_scoped3A = tpu.sem_alloc : memref<!tpu.dma_semaphore, #tpu.memory_space<semaphore_mem>>
          %dma_start3A_133 = arith.constant 0 : i32
          %dma_start3A_134 = tpu.memref_slice %arg5[%multiple_of3A_132, %dma_start3A_133] : memref<10000x128xf32, #tpu.memory_space<hbm>> -> memref<400x128xf32, #tpu.memory_space<hbm>>
          %dma_start3A_135 = arith.constant 0 : i32
          %dma_start3A_136 = tpu.memref_slice %arg14[%multiple_of3A_130, %dma_start3A_135] : memref<10008x128xf32, #tpu.memory_space<vmem_shared>> -> memref<400x128xf32, #tpu.memory_space<vmem_shared>>
          tpu.enqueue_dma source(%dma_start3A_136 : memref<400x128xf32, #tpu.memory_space<vmem_shared>>) target(%dma_start3A_134 : memref<400x128xf32, #tpu.memory_space<hbm>>) target_semaphore(%run_scoped3A : memref<!tpu.dma_semaphore, #tpu.memory_space<semaphore_mem>>)
          %dma_wait3A_137 = arith.constant 0 : i32
          %dma_wait3A_138 = tpu.memref_slice %arg5[%multiple_of3A_132, %dma_wait3A_137] : memref<10000x128xf32, #tpu.memory_space<hbm>> -> memref<400x128xf32, #tpu.memory_space<hbm>>
          %dma_wait3A_139 = arith.constant 0 : i32
          %dma_wait3A_140 = tpu.memref_slice %arg14[%multiple_of3A_130, %dma_wait3A_139] : memref<10008x128xf32, #tpu.memory_space<vmem_shared>> -> memref<400x128xf32, #tpu.memory_space<vmem_shared>>
          tpu.wait_dma2 semaphore(%run_scoped3A : memref<!tpu.dma_semaphore, #tpu.memory_space<semaphore_mem>>) src(%dma_wait3A_140 : memref<400x128xf32, #tpu.memory_space<vmem_shared>>) dst(%dma_wait3A_138 : memref<400x128xf32, #tpu.memory_space<hbm>>)
          tpu.yield
        }) : () -> ()
      } else {
      }
    } else {
    }
    %eq3A_115 = arith.constant 1 : i32
    %eq3A_116 = arith.cmpi eq, %arg0, %eq3A_115 : i32
    %convert_element_type3A_117 = arith.extui %eq3A_116 : i1 to i32
    %cond3A_118 = arith.constant 0 : i32
    %cond3A_119 = arith.cmpi ne, %convert_element_type3A_117, %cond3A_118 : i32
    scf.if %cond3A_119 {
      %lt3A_120 = arith.constant 15 : i32
      %lt3A_121 = arith.cmpi slt, %arg1, %lt3A_120 : i32
      %convert_element_type3A_122 = arith.extui %lt3A_121 : i1 to i32
      %cond3A_123 = arith.constant 0 : i32
      %cond3A_124 = arith.cmpi ne, %convert_element_type3A_122, %cond3A_123 : i32
      scf.if %cond3A_124 {
        %mul3A_130 = arith.constant 640 : i32
        %mul3A_131 = arith.muli %arg1, %mul3A_130 : i32
        %multiple_of3A = tpu.assume_multiple %mul3A_131, 8 : i32
        %multiple_of3A_132 = tpu.assume_multiple %mul3A_131, 8 : i32
        "tpu.region"() ({
          %run_scoped3A = tpu.sem_alloc : memref<!tpu.dma_semaphore, #tpu.memory_space<semaphore_mem>>
          %dma_start3A_133 = arith.constant 0 : i32
          %dma_start3A_134 = tpu.memref_slice %arg6[%multiple_of3A_132, %dma_start3A_133] : memref<10000x128xf32, #tpu.memory_space<hbm>> -> memref<640x128xf32, #tpu.memory_space<hbm>>
          %dma_start3A_135 = arith.constant 0 : i32
          %dma_start3A_136 = tpu.memref_slice %arg14[%multiple_of3A, %dma_start3A_135] : memref<10008x128xf32, #tpu.memory_space<vmem_shared>> -> memref<640x128xf32, #tpu.memory_space<vmem_shared>>
          tpu.enqueue_dma source(%dma_start3A_136 : memref<640x128xf32, #tpu.memory_space<vmem_shared>>) target(%dma_start3A_134 : memref<640x128xf32, #tpu.memory_space<hbm>>) target_semaphore(%run_scoped3A : memref<!tpu.dma_semaphore, #tpu.memory_space<semaphore_mem>>)
          %dma_wait3A_137 = arith.constant 0 : i32
          %dma_wait3A_138 = tpu.memref_slice %arg6[%multiple_of3A_132, %dma_wait3A_137] : memref<10000x128xf32, #tpu.memory_space<hbm>> -> memref<640x128xf32, #tpu.memory_space<hbm>>
          %dma_wait3A_139 = arith.constant 0 : i32
          %dma_wait3A_140 = tpu.memref_slice %arg14[%multiple_of3A, %dma_wait3A_139] : memref<10008x128xf32, #tpu.memory_space<vmem_shared>> -> memref<640x128xf32, #tpu.memory_space<vmem_shared>>
          tpu.wait_dma2 semaphore(%run_scoped3A : memref<!tpu.dma_semaphore, #tpu.memory_space<semaphore_mem>>) src(%dma_wait3A_140 : memref<640x128xf32, #tpu.memory_space<vmem_shared>>) dst(%dma_wait3A_138 : memref<640x128xf32, #tpu.memory_space<hbm>>)
          tpu.yield
        }) : () -> ()
      } else {
      }
      %eq3A_125 = arith.constant 15 : i32
      %eq3A_126 = arith.cmpi eq, %arg1, %eq3A_125 : i32
      %convert_element_type3A_127 = arith.extui %eq3A_126 : i1 to i32
      %cond3A_128 = arith.constant 0 : i32
      %cond3A_129 = arith.cmpi ne, %convert_element_type3A_127, %cond3A_128 : i32
      scf.if %cond3A_129 {
        %multiple_of3A = arith.constant 9600 : i32
        %multiple_of3A_130 = tpu.assume_multiple %multiple_of3A, 8 : i32
        %multiple_of3A_131 = arith.constant 9600 : i32
        %multiple_of3A_132 = tpu.assume_multiple %multiple_of3A_131, 8 : i32
        "tpu.region"() ({
          %run_scoped3A = tpu.sem_alloc : memref<!tpu.dma_semaphore, #tpu.memory_space<semaphore_mem>>
          %dma_start3A_133 = arith.constant 0 : i32
          %dma_start3A_134 = tpu.memref_slice %arg6[%multiple_of3A_132, %dma_start3A_133] : memref<10000x128xf32, #tpu.memory_space<hbm>> -> memref<400x128xf32, #tpu.memory_space<hbm>>
          %dma_start3A_135 = arith.constant 0 : i32
          %dma_start3A_136 = tpu.memref_slice %arg14[%multiple_of3A_130, %dma_start3A_135] : memref<10008x128xf32, #tpu.memory_space<vmem_shared>> -> memref<400x128xf32, #tpu.memory_space<vmem_shared>>
          tpu.enqueue_dma source(%dma_start3A_136 : memref<400x128xf32, #tpu.memory_space<vmem_shared>>) target(%dma_start3A_134 : memref<400x128xf32, #tpu.memory_space<hbm>>) target_semaphore(%run_scoped3A : memref<!tpu.dma_semaphore, #tpu.memory_space<semaphore_mem>>)
          %dma_wait3A_137 = arith.constant 0 : i32
          %dma_wait3A_138 = tpu.memref_slice %arg6[%multiple_of3A_132, %dma_wait3A_137] : memref<10000x128xf32, #tpu.memory_space<hbm>> -> memref<400x128xf32, #tpu.memory_space<hbm>>
          %dma_wait3A_139 = arith.constant 0 : i32
          %dma_wait3A_140 = tpu.memref_slice %arg14[%multiple_of3A_130, %dma_wait3A_139] : memref<10008x128xf32, #tpu.memory_space<vmem_shared>> -> memref<400x128xf32, #tpu.memory_space<vmem_shared>>
          tpu.wait_dma2 semaphore(%run_scoped3A : memref<!tpu.dma_semaphore, #tpu.memory_space<semaphore_mem>>) src(%dma_wait3A_140 : memref<400x128xf32, #tpu.memory_space<vmem_shared>>) dst(%dma_wait3A_138 : memref<400x128xf32, #tpu.memory_space<hbm>>)
          tpu.yield
        }) : () -> ()
      } else {
      }
    } else {
    }
    return
  }
}

module attributes {stable_mosaic.version = 14 : i64} {
  func.func @_tcA1_body(%arg0: i32, %arg1: memref<2000x128xf32, #tpu.memory_space<vmem>>, %arg2: memref<256x128xf32, #tpu.memory_space<vmem>>, %arg3: memref<1x256xf32, #tpu.memory_space<vmem>>, %arg4: memref<2000x256xf32, #tpu.memory_space<vmem>>) attributes {dimension_semantics = [#tpu.dimension_semantics<arbitrary>], iteration_bounds = array<i64: 5>, scalar_prefetch = 0 : i64, scratch_operands = 0 : i64, tpu.core_type = #tpu.core_type<tc>, window_params = [{transform_indices = @transform_0, window_bounds = array<i64: 2000, 128>}, {pipeline_mode = #tpu.pipeline_mode<synchronous>, transform_indices = @transform_1, window_bounds = array<i64: 256, 128>}, {pipeline_mode = #tpu.pipeline_mode<synchronous>, transform_indices = @transform_2, window_bounds = array<i64: 1, 256>}, {transform_indices = @transform_3, window_bounds = array<i64: 2000, 256>}]} {
    %get3A = arith.constant 0 : index
    %get3A_0 = arith.constant 0 : index
    %get3A_1 = vector.load %arg1[%get3A, %get3A_0] : memref<2000x128xf32, #tpu.memory_space<vmem>>, vector<2000x128xf32>
    %get3A_2 = arith.constant 0 : index
    %get3A_3 = arith.constant 0 : index
    %get3A_4 = vector.load %arg2[%get3A_2, %get3A_3] : memref<256x128xf32, #tpu.memory_space<vmem>>, vector<256x128xf32>
    %dot_general3A = arith.constant dense<0.000000e+00> : vector<2000x256xf32>
    %dot_general3A_5 = tpu.matmul %get3A_1, %get3A_4, %dot_general3A {dimension_numbers = #tpu.dot_dimension_numbers<[1], [1], [0], [0], [0, 0, 1, 0], [], []>, transpose_lhs_hint = false} : vector<2000x128xf32>, vector<256x128xf32>, vector<2000x256xf32> -> vector<2000x256xf32>
    %get3A_6 = arith.constant 0 : index
    %get3A_7 = arith.constant 0 : index
    %get3A_8 = vector.load %arg3[%get3A_6, %get3A_7] : memref<1x256xf32, #tpu.memory_space<vmem>>, vector<1x256xf32>
    %add3A = vector.broadcast %get3A_8 : vector<1x256xf32> to vector<2000x256xf32>
    %add3A_9 = arith.addf %dot_general3A_5, %add3A : vector<2000x256xf32>
    %swap3A = arith.constant 0 : index
    %swap3A_10 = arith.constant 0 : index
    %swap3A_11 = vector.load %arg4[%swap3A, %swap3A_10] : memref<2000x256xf32, #tpu.memory_space<vmem>>, vector<2000x256xf32>
    tpu.vector_store %arg4[%swap3A, %swap3A_10], %add3A_9 {strides = array<i32>} : memref<2000x256xf32, #tpu.memory_space<vmem>>, vector<2000x256xf32>,
    return
  }
  func.func @transform_0(%arg0: i32) -> (i32, i32) {
    %c0_i32 = arith.constant 0 : i32
    %c0_i32_0 = arith.constant 0 : i32
    return %arg0, %c0_i32 : i32, i32
  }
  func.func @transform_1(%arg0: i32) -> (i32, i32) {
    %c0_i32 = arith.constant 0 : i32
    %c0_i32_0 = arith.constant 0 : i32
    %c0_i32_1 = arith.constant 0 : i32
    return %c0_i32, %c0_i32_0 : i32, i32
  }
  func.func @transform_2(%arg0: i32) -> (i32, i32) {
    %c0_i32 = arith.constant 0 : i32
    %c0_i32_0 = arith.constant 0 : i32
    %c0_i32_1 = arith.constant 0 : i32
    return %c0_i32, %c0_i32_0 : i32, i32
  }
  func.func @transform_3(%arg0: i32) -> (i32, i32) {
    %c0_i32 = arith.constant 0 : i32
    %c0_i32_0 = arith.constant 0 : i32
    return %arg0, %c0_i32 : i32, i32
  }
}

module attributes {stable_mosaic.version = 14 : i64} {
  func.func @_tcA2_body(%arg0: i32, %arg1: memref<2000x256xf32, #tpu.memory_space<vmem>>, %arg2: memref<2000x1xf32, #tpu.memory_space<vmem>>, %arg3: memref<2000x1xf32, #tpu.memory_space<vmem>>, %arg4: memref<2000x128xf32, #tpu.memory_space<vmem>>, %arg5: memref<2000x128xf32, #tpu.memory_space<vmem>>, %arg6: memref<2000x1xf32, #tpu.memory_space<vmem>>) attributes {dimension_semantics = [#tpu.dimension_semantics<arbitrary>], iteration_bounds = array<i64: 5>, scalar_prefetch = 0 : i64, scratch_operands = 0 : i64, tpu.core_type = #tpu.core_type<tc>, window_params = [{transform_indices = @transform_0, window_bounds = array<i64: 2000, 256>}, {transform_indices = @transform_1, window_bounds = array<i64: 2000, 1>}, {transform_indices = @transform_2, window_bounds = array<i64: 2000, 1>}, {transform_indices = @transform_3, window_bounds = array<i64: 2000, 128>}, {transform_indices = @transform_4, window_bounds = array<i64: 2000, 128>}, {transform_indices = @transform_5, window_bounds = array<i64: 2000, 1>}]} {
    %get3A = arith.constant 0 : index
    %get3A_0 = arith.constant 0 : index
    %get3A_1 = vector.load %arg2[%get3A, %get3A_0] : memref<2000x1xf32, #tpu.memory_space<vmem>>, vector<2000x1xf32>
    %get3A_2 = arith.constant 0 : index
    %get3A_3 = arith.constant 0 : index
    %get3A_4 = vector.load %arg3[%get3A_2, %get3A_3] : memref<2000x1xf32, #tpu.memory_space<vmem>>, vector<2000x1xf32>
    %add3A = arith.addf %get3A_1, %get3A_4 : vector<2000x1xf32>
    %add3A_5 = arith.constant 1.000000e+00 : f32
    %add3A_6 = vector.broadcast %add3A_5 : f32 to vector<2000x1xf32>
    %add3A_7 = arith.addf %add3A, %add3A_6 : vector<2000x1xf32>
    %rsqrt3A = math.rsqrt %add3A_7 : vector<2000x1xf32>
    %get3A_8 = arith.constant 0 : index
    %get3A_9 = arith.constant 0 : index
    %get3A_10 = vector.load %arg1[%get3A_8, %get3A_9] : memref<2000x256xf32, #tpu.memory_space<vmem>>, vector<2000x256xf32>
    %mul3A = vector.broadcast %rsqrt3A : vector<2000x1xf32> to vector<2000x256xf32>
    %mul3A_11 = arith.mulf %get3A_10, %mul3A : vector<2000x256xf32>
    %slice3A = vector.extract_strided_slice %mul3A_11 {offsets = [0, 0], sizes = [2000, 128], strides = [1, 1]} : vector<2000x256xf32> to vector<2000x128xf32>
    %swap3A = arith.constant 0 : index
    %swap3A_12 = arith.constant 0 : index
    %swap3A_13 = vector.load %arg4[%swap3A, %swap3A_12] : memref<2000x128xf32, #tpu.memory_space<vmem>>, vector<2000x128xf32>
    tpu.vector_store %arg4[%swap3A, %swap3A_12], %slice3A {strides = array<i32>} : memref<2000x128xf32, #tpu.memory_space<vmem>>, vector<2000x128xf32>,
    %slice3A_14 = vector.extract_strided_slice %mul3A_11 {offsets = [0, 128], sizes = [2000, 128], strides = [1, 1]} : vector<2000x256xf32> to vector<2000x128xf32>
    %swap3A_15 = arith.constant 0 : index
    %swap3A_16 = arith.constant 0 : index
    %swap3A_17 = vector.load %arg5[%swap3A_15, %swap3A_16] : memref<2000x128xf32, #tpu.memory_space<vmem>>, vector<2000x128xf32>
    tpu.vector_store %arg5[%swap3A_15, %swap3A_16], %slice3A_14 {strides = array<i32>} : memref<2000x128xf32, #tpu.memory_space<vmem>>, vector<2000x128xf32>,
    %swap3A_18 = arith.constant 0 : index
    %swap3A_19 = arith.constant 0 : index
    %swap3A_20 = vector.load %arg6[%swap3A_18, %swap3A_19] : memref<2000x1xf32, #tpu.memory_space<vmem>>, vector<2000x1xf32>
    tpu.vector_store %arg6[%swap3A_18, %swap3A_19], %rsqrt3A {strides = array<i32>} : memref<2000x1xf32, #tpu.memory_space<vmem>>, vector<2000x1xf32>,
    return
  }
  func.func @transform_0(%arg0: i32) -> (i32, i32) {
    %c0_i32 = arith.constant 0 : i32
    %c0_i32_0 = arith.constant 0 : i32
    return %arg0, %c0_i32 : i32, i32
  }
  func.func @transform_1(%arg0: i32) -> (i32, i32) {
    %c0_i32 = arith.constant 0 : i32
    %c0_i32_0 = arith.constant 0 : i32
    return %arg0, %c0_i32 : i32, i32
  }
  func.func @transform_2(%arg0: i32) -> (i32, i32) {
    %c0_i32 = arith.constant 0 : i32
    %c0_i32_0 = arith.constant 0 : i32
    return %arg0, %c0_i32 : i32, i32
  }
  func.func @transform_3(%arg0: i32) -> (i32, i32) {
    %c0_i32 = arith.constant 0 : i32
    %c0_i32_0 = arith.constant 0 : i32
    return %arg0, %c0_i32 : i32, i32
  }
  func.func @transform_4(%arg0: i32) -> (i32, i32) {
    %c0_i32 = arith.constant 0 : i32
    %c0_i32_0 = arith.constant 0 : i32
    return %arg0, %c0_i32 : i32, i32
  }
  func.func @transform_5(%arg0: i32) -> (i32, i32) {
    %c0_i32 = arith.constant 0 : i32
    %c0_i32_0 = arith.constant 0 : i32
    return %arg0, %c0_i32 : i32, i32
  }
}

module attributes {stable_mosaic.version = 14 : i64} {
  func.func @_tcB_body(%arg0: i32, %arg1: memref<2000x128xf32, #tpu.memory_space<vmem>>, %arg2: memref<2000x128xf32, #tpu.memory_space<vmem>>, %arg3: memref<2000x1xf32, #tpu.memory_space<vmem>>, %arg4: memref<128x128xf32, #tpu.memory_space<vmem>>, %arg5: memref<128x128xf32, #tpu.memory_space<vmem>>, %arg6: memref<1x128xf32, #tpu.memory_space<vmem>>, %arg7: memref<2000x128xf32, #tpu.memory_space<vmem>>) attributes {dimension_semantics = [#tpu.dimension_semantics<arbitrary>], iteration_bounds = array<i64: 5>, scalar_prefetch = 0 : i64, scratch_operands = 0 : i64, tpu.core_type = #tpu.core_type<tc>, window_params = [{transform_indices = @transform_0, window_bounds = array<i64: 2000, 128>}, {transform_indices = @transform_1, window_bounds = array<i64: 2000, 128>}, {transform_indices = @transform_2, window_bounds = array<i64: 2000, 1>}, {pipeline_mode = #tpu.pipeline_mode<synchronous>, transform_indices = @transform_3, window_bounds = array<i64: 128, 128>}, {pipeline_mode = #tpu.pipeline_mode<synchronous>, transform_indices = @transform_4, window_bounds = array<i64: 128, 128>}, {pipeline_mode = #tpu.pipeline_mode<synchronous>, transform_indices = @transform_5, window_bounds = array<i64: 1, 128>}, {transform_indices = @transform_6, window_bounds = array<i64: 2000, 128>}]} {
    %get3A = arith.constant 0 : index
    %get3A_0 = arith.constant 0 : index
    %get3A_1 = vector.load %arg3[%get3A, %get3A_0] : memref<2000x1xf32, #tpu.memory_space<vmem>>, vector<2000x1xf32>
    %get3A_2 = arith.constant 0 : index
    %get3A_3 = arith.constant 0 : index
    %get3A_4 = vector.load %arg1[%get3A_2, %get3A_3] : memref<2000x128xf32, #tpu.memory_space<vmem>>, vector<2000x128xf32>
    %mul3A = vector.broadcast %get3A_1 : vector<2000x1xf32> to vector<2000x128xf32>
    %mul3A_5 = arith.mulf %get3A_4, %mul3A : vector<2000x128xf32>
    %max3A = arith.constant 0.000000e+00 : f32
    %max3A_6 = vector.broadcast %max3A : f32 to vector<2000x128xf32>
    %max3A_7 = arith.maximumf %mul3A_5, %max3A_6 : vector<2000x128xf32>
    %get3A_8 = arith.constant 0 : index
    %get3A_9 = arith.constant 0 : index
    %get3A_10 = vector.load %arg2[%get3A_8, %get3A_9] : memref<2000x128xf32, #tpu.memory_space<vmem>>, vector<2000x128xf32>
    %mul3A_11 = vector.broadcast %get3A_1 : vector<2000x1xf32> to vector<2000x128xf32>
    %mul3A_12 = arith.mulf %get3A_10, %mul3A_11 : vector<2000x128xf32>
    %max3A_13 = arith.constant 0.000000e+00 : f32
    %max3A_14 = vector.broadcast %max3A_13 : f32 to vector<2000x128xf32>
    %max3A_15 = arith.maximumf %mul3A_12, %max3A_14 : vector<2000x128xf32>
    %get3A_16 = arith.constant 0 : index
    %get3A_17 = arith.constant 0 : index
    %get3A_18 = vector.load %arg4[%get3A_16, %get3A_17] : memref<128x128xf32, #tpu.memory_space<vmem>>, vector<128x128xf32>
    %dot_general3A = arith.constant dense<0.000000e+00> : vector<2000x128xf32>
    %dot_general3A_19 = tpu.matmul %max3A_7, %get3A_18, %dot_general3A {dimension_numbers = #tpu.dot_dimension_numbers<[1], [1], [0], [0], [0, 0, 1, 0], [], []>, transpose_lhs_hint = false} : vector<2000x128xf32>, vector<128x128xf32>, vector<2000x128xf32> -> vector<2000x128xf32>
    %get3A_20 = arith.constant 0 : index
    %get3A_21 = arith.constant 0 : index
    %get3A_22 = vector.load %arg5[%get3A_20, %get3A_21] : memref<128x128xf32, #tpu.memory_space<vmem>>, vector<128x128xf32>
    %dot_general3A_23 = arith.constant dense<0.000000e+00> : vector<2000x128xf32>
    %dot_general3A_24 = tpu.matmul %max3A_15, %get3A_22, %dot_general3A_23 {dimension_numbers = #tpu.dot_dimension_numbers<[1], [1], [0], [0], [0, 0, 1, 0], [], []>, transpose_lhs_hint = false} : vector<2000x128xf32>, vector<128x128xf32>, vector<2000x128xf32> -> vector<2000x128xf32>
    %add3A = arith.addf %dot_general3A_19, %dot_general3A_24 : vector<2000x128xf32>
    %get3A_25 = arith.constant 0 : index
    %get3A_26 = arith.constant 0 : index
    %get3A_27 = vector.load %arg6[%get3A_25, %get3A_26] : memref<1x128xf32, #tpu.memory_space<vmem>>, vector<1x128xf32>
    %add3A_28 = vector.broadcast %get3A_27 : vector<1x128xf32> to vector<2000x128xf32>
    %add3A_29 = arith.addf %add3A, %add3A_28 : vector<2000x128xf32>
    %mul3A_30 = vector.broadcast %get3A_1 : vector<2000x1xf32> to vector<2000x128xf32>
    %mul3A_31 = arith.mulf %add3A_29, %mul3A_30 : vector<2000x128xf32>
    %swap3A = arith.constant 0 : index
    %swap3A_32 = arith.constant 0 : index
    %swap3A_33 = vector.load %arg7[%swap3A, %swap3A_32] : memref<2000x128xf32, #tpu.memory_space<vmem>>, vector<2000x128xf32>
    tpu.vector_store %arg7[%swap3A, %swap3A_32], %mul3A_31 {strides = array<i32>} : memref<2000x128xf32, #tpu.memory_space<vmem>>, vector<2000x128xf32>,
    return
  }
  func.func @transform_0(%arg0: i32) -> (i32, i32) {
    %c0_i32 = arith.constant 0 : i32
    %c0_i32_0 = arith.constant 0 : i32
    return %arg0, %c0_i32 : i32, i32
  }
  func.func @transform_1(%arg0: i32) -> (i32, i32) {
    %c0_i32 = arith.constant 0 : i32
    %c0_i32_0 = arith.constant 0 : i32
    return %arg0, %c0_i32 : i32, i32
  }
  func.func @transform_2(%arg0: i32) -> (i32, i32) {
    %c0_i32 = arith.constant 0 : i32
    %c0_i32_0 = arith.constant 0 : i32
    return %arg0, %c0_i32 : i32, i32
  }
  func.func @transform_3(%arg0: i32) -> (i32, i32) {
    %c0_i32 = arith.constant 0 : i32
    %c0_i32_0 = arith.constant 0 : i32
    %c0_i32_1 = arith.constant 0 : i32
    return %c0_i32, %c0_i32_0 : i32, i32
  }
  func.func @transform_4(%arg0: i32) -> (i32, i32) {
    %c0_i32 = arith.constant 0 : i32
    %c0_i32_0 = arith.constant 0 : i32
    %c0_i32_1 = arith.constant 0 : i32
    return %c0_i32, %c0_i32_0 : i32, i32
  }
  func.func @transform_5(%arg0: i32) -> (i32, i32) {
    %c0_i32 = arith.constant 0 : i32
    %c0_i32_0 = arith.constant 0 : i32
    %c0_i32_1 = arith.constant 0 : i32
    return %c0_i32, %c0_i32_0 : i32, i32
  }
  func.func @transform_6(%arg0: i32) -> (i32, i32) {
    %c0_i32 = arith.constant 0 : i32
    %c0_i32_0 = arith.constant 0 : i32
    return %arg0, %c0_i32 : i32, i32
  }
}

module attributes {stable_mosaic.version = 14 : i64} {
  func.func @_tcC_body(%arg0: i32, %arg1: memref<2000x128xf32, #tpu.memory_space<vmem>>, %arg2: memref<2000x128xf32, #tpu.memory_space<vmem>>, %arg3: memref<2000x128xf32, #tpu.memory_space<vmem>>, %arg4: memref<2000x1xf32, #tpu.memory_space<vmem>>, %arg5: memref<2000x128xf32, #tpu.memory_space<vmem>>) attributes {dimension_semantics = [#tpu.dimension_semantics<arbitrary>], iteration_bounds = array<i64: 5>, scalar_prefetch = 0 : i64, scratch_operands = 0 : i64, tpu.core_type = #tpu.core_type<tc>, window_params = [{transform_indices = @transform_0, window_bounds = array<i64: 2000, 128>}, {transform_indices = @transform_1, window_bounds = array<i64: 2000, 128>}, {transform_indices = @transform_2, window_bounds = array<i64: 2000, 128>}, {transform_indices = @transform_3, window_bounds = array<i64: 2000, 1>}, {transform_indices = @transform_4, window_bounds = array<i64: 2000, 128>}]} {
    %get3A = arith.constant 0 : index
    %get3A_0 = arith.constant 0 : index
    %get3A_1 = vector.load %arg1[%get3A, %get3A_0] : memref<2000x128xf32, #tpu.memory_space<vmem>>, vector<2000x128xf32>
    %get3A_2 = arith.constant 0 : index
    %get3A_3 = arith.constant 0 : index
    %get3A_4 = vector.load %arg2[%get3A_2, %get3A_3] : memref<2000x128xf32, #tpu.memory_space<vmem>>, vector<2000x128xf32>
    %add3A = arith.addf %get3A_1, %get3A_4 : vector<2000x128xf32>
    %get3A_5 = arith.constant 0 : index
    %get3A_6 = arith.constant 0 : index
    %get3A_7 = vector.load %arg3[%get3A_5, %get3A_6] : memref<2000x128xf32, #tpu.memory_space<vmem>>, vector<2000x128xf32>
    %sub3A = arith.subf %add3A, %get3A_7 : vector<2000x128xf32>
    %get3A_8 = arith.constant 0 : index
    %get3A_9 = arith.constant 0 : index
    %get3A_10 = vector.load %arg4[%get3A_8, %get3A_9] : memref<2000x1xf32, #tpu.memory_space<vmem>>, vector<2000x1xf32>
    %mul3A = vector.broadcast %get3A_10 : vector<2000x1xf32> to vector<2000x128xf32>
    %mul3A_11 = arith.mulf %sub3A, %mul3A : vector<2000x128xf32>
    %reduce_max3A = arith.constant dense<0xFF800000> : vector<2000xf32>
    %reduce_max3A_12 = vector.multi_reduction <maximumf>, %mul3A_11, %reduce_max3A [1] : vector<2000x128xf32> to vector<2000xf32>
    %broadcast_in_dim3A = vector.shape_cast %reduce_max3A_12 : vector<2000xf32> to vector<2000x1xf32>
    %sub3A_13 = vector.broadcast %broadcast_in_dim3A : vector<2000x1xf32> to vector<2000x128xf32>
    %sub3A_14 = arith.subf %mul3A_11, %sub3A_13 : vector<2000x128xf32>
    %exp3A = math.exp %sub3A_14 : vector<2000x128xf32>
    %reduce_sum3A = arith.constant dense<0.000000e+00> : vector<2000xf32>
    %reduce_sum3A_15 = vector.multi_reduction <add>, %exp3A, %reduce_sum3A [1] : vector<2000x128xf32> to vector<2000xf32>
    %broadcast_in_dim3A_16 = vector.shape_cast %reduce_sum3A_15 : vector<2000xf32> to vector<2000x1xf32>
    %sub3A_17 = vector.broadcast %broadcast_in_dim3A : vector<2000x1xf32> to vector<2000x128xf32>
    %sub3A_18 = arith.subf %mul3A_11, %sub3A_17 : vector<2000x128xf32>
    %log3A = math.log %broadcast_in_dim3A_16 : vector<2000x1xf32>
    %sub3A_19 = vector.broadcast %log3A : vector<2000x1xf32> to vector<2000x128xf32>
    %sub3A_20 = arith.subf %sub3A_18, %sub3A_19 : vector<2000x128xf32>
    %swap3A = arith.constant 0 : index
    %swap3A_21 = arith.constant 0 : index
    %swap3A_22 = vector.load %arg5[%swap3A, %swap3A_21] : memref<2000x128xf32, #tpu.memory_space<vmem>>, vector<2000x128xf32>
    tpu.vector_store %arg5[%swap3A, %swap3A_21], %sub3A_20 {strides = array<i32>} : memref<2000x128xf32, #tpu.memory_space<vmem>>, vector<2000x128xf32>,
    return
  }
  func.func @transform_0(%arg0: i32) -> (i32, i32) {
    %c0_i32 = arith.constant 0 : i32
    %c0_i32_0 = arith.constant 0 : i32
    return %arg0, %c0_i32 : i32, i32
  }
  func.func @transform_1(%arg0: i32) -> (i32, i32) {
    %c0_i32 = arith.constant 0 : i32
    %c0_i32_0 = arith.constant 0 : i32
    return %arg0, %c0_i32 : i32, i32
  }
  func.func @transform_2(%arg0: i32) -> (i32, i32) {
    %c0_i32 = arith.constant 0 : i32
    %c0_i32_0 = arith.constant 0 : i32
    return %arg0, %c0_i32 : i32, i32
  }
  func.func @transform_3(%arg0: i32) -> (i32, i32) {
    %c0_i32 = arith.constant 0 : i32
    %c0_i32_0 = arith.constant 0 : i32
    return %arg0, %c0_i32 : i32, i32
  }
  func.func @transform_4(%arg0: i32) -> (i32, i32) {
    %c0_i32 = arith.constant 0 : i32
    %c0_i32_0 = arith.constant 0 : i32
    return %arg0, %c0_i32 : i32, i32
  }
}

</mosaic_0001>

<sc_bundles>
// kernel: kernel.12.cloned.1.call-start
scs
__scs_entry_jumppad:
0x0: {  	(pc) =	sbr.rel $0x88, $3  }
0x1: {  	(tag) =	ssettag $0x0;
	lr =	simm.s32 $0x1  }
0x2: {  	[smem:$0x3F9B] =	sst lr;
	_ =	strace $0xD0000000  }
0x3: {  	_ = 	snop  }
0x4: {  	_ = 	snop  }
0x5: {  	_ = 	snop  }
0x6: {  	_ = 	snop  }
0x7: {  	_ = 	snop  }
__scs_overlays_trampoline_lowered:
0x8: {  	[smem:$0x3FAA] =	sst s0  }
0x9: {  	[smem:$0x3FAB] =	sst s1  }
0xa: {  	[smem:$0x3FAC] =	sst s2  }
0xb: {  	[smem:$0x3FAD] =	sst s3  }
0xc: {  	[smem:$0x3FAE] =	sst s4  }
0xd: {  	[smem:$0x3FAF] =	sst s5  }
0xe: {  	[smem:$0x3FB0] =	sst s6  }
0xf: {  	[smem:$0x3FB1] =	sst s7  }
0x10: {  	[smem:$0x3FB2] =	sst s8  }
0x11: {  	[smem:$0x3FB3] =	sst s9;
	s0 =	simm.s32 @!p0 $0x0  }
0x12: {  	s1 =	sld [smem:$0x3F99];
	s0 =	simm.s32 @p0 $0x1  }
0x13: {  	[smem:$0x3FB4] =	sst s0;
	s0 =	simm.s32 @!p1 $0x0  }
0x14: {  	s2 =	sld [smem:$0x3F98];
	s0 =	simm.s32 @p1 $0x1  }
0x15: {  	[smem:$0x3FB5] =	sst s0;
	s0 =	simm.s32 @!p2 $0x0  }
0x16: {  	s3 =	sld [smem:$0x3FDB];
	s0 =	simm.s32 @p2 $0x1  }
0x17: {  	s4 =	simm.s32 $0x1BF5;
	[smem:$0x3FB7] =	sst s0  }
0x18: {  	s0 =	sld [smem:$0x3F9A];
	_ =	swait.ge [sflag:s4], $0x0  }
0x19: {  	s7 =	sld [smem:$0x3F9B]  }
0x1a: {  	s8 =	sadd.s32 $0xFFFFE003, lr  }
0x1b: {  	s9 =	sadd.s32 $0xFFFFFEF7, lr;
	s5 =	simm.s32 $0xFFFFFFFF;
	p2 =	slt.u32 s8, $0xFFFFF086  }
0x1c: {  	p1 =	slt.u32 s9, $0xF7A;
	s5 =	simm.s32 @!p2 $0x0  }
0x1d: {  	s5 =	simm.s32 @p1 $0x1;
	p0 =	seq.s32 s7, s2  }
0x1e: {  	s7 =	smul.u32 @!p0 $0xF7A, s2;
	p2 =	seq.s32 @!p0 s5, $0x0  }
0x1f: {  	s9 =	smul.u32 $0xF7A, s1;
	s8 =	simm.s32 @!p0 $0x1BF5;
	p2 =	por !p2, p0  }
0x20: {  	[sflag:s8] =	ssyncset.s32 @!p0 $0xFFFFF086;
	s6 =	sadd.s32 @!p0 s3, s7;
	s7 =	simm.s32 @!p0 $0x108  }
0x21: {  	s3 =	sadd.s32 s3, s9;
	s6 =	sadd.s32 @!p0 $0x88, s6;
	s7 =	simm.s32 @p2 $0x1082  }
0x22: {  	[simem:s7], [sflag:s8] =	dma.local @!p0 [hbm:s6], $0xF7A  }
0x23: {  	s9 =	sor.u32 $0xD0000000, s2;
	s6 =	simm.s32 $0x108;
	_ =	swait.ge @!p0 [sflag:s8], $0x0  }
0x24: {  	s3 =	sadd.s32 $0x88, s3;
	s6 =	simm.s32 @!p1 $0x1082;
	[sflag:s4] =	ssyncset.s32 $0xFFFFF086  }
0x25: {  	[simem:s6], [sflag:s4] =	dma.local [hbm:s3], $0xF7A  }
0x26: {  	[smem:$0x3F9B] =	sst s1;
	(tag) =	ssettag s2;
	_ =	strace s9  }
0x27: {  	s1 =	sld [smem:$0x3FAB]  }
0x28: {  	s2 =	sld [smem:$0x3FAC]  }
0x29: {  	s4 =	sld [smem:$0x3FAE]  }
0x2a: {  	p0 =	seq.s32 s5, $0x0;
	s5 =	sld [smem:$0x3FAF]  }
0x2b: {  	s6 =	sld [smem:$0x3FB0]  }
0x2c: {  	s7 =	sld [smem:$0x3FB1]  }
0x2d: {  	s3 =	simm.s32 $0x108;
	s8 =	sld [smem:$0x3FB2]  }
0x2e: {  	s3 =	simm.s32 @!p0 $0x1082;
	s9 =	sld [smem:$0x3FB3]  }
0x2f: {  	lr =	sadd.s32 s0, s3;
	s0 =	sld [smem:$0x3FAA]  }
0x30: {  	s3 =	sld [smem:$0x3FAD]  }
0x31: {  	[smem:$0x3FB6] =	sst s10  }
0x32: {  	s10 =	sld [smem:$0x3FB4];
	_ =	sdelay $0x3  }
0x33: {  	p0 =	seq.s32 s10, $0x1;
	s10 =	sld [smem:$0x3FB6];
	_ =	sdelay $0x3  }
0x34: {  	[smem:$0x3FB6] =	sst s10  }
0x35: {  	s10 =	sld [smem:$0x3FB5];
	_ =	sdelay $0x3  }
0x36: {  	p1 =	seq.s32 s10, $0x1;
	s10 =	sld [smem:$0x3FB6];
	_ =	sdelay $0x3  }
0x37: {  	[smem:$0x3FB6] =	sst s10  }
0x38: {  	s10 =	sld [smem:$0x3FB7]  }
0x39: {  	_ = 	snop;
	(pc) =	sbr.ind lr, $3  }
0x3a: {  	_ = 	snop  }
0x3b: {  	_ = 	snop  }
0x3c: {  	p2 =	seq.s32 s10, $0x1;
	s10 =	sld [smem:$0x3FB6]  }
0x3d: {  	_ =	shalt  }
0x3e: {  	_ =	shalt  }
0x3f: {  	_ =	shalt  }
0x40: {  	_ =	shalt  }
0x41: {  	_ =	shalt  }
0x42: {  	_ =	shalt  }
0x43: {  	_ =	shalt  }
0x44: {  	_ =	shalt  }
0x45: {  	_ =	shalt  }
0x46: {  	_ =	shalt  }
0x47: {  	_ =	shalt  }
0x48: {  	_ =	shalt  }
0x49: {  	_ =	shalt  }
0x4a: {  	_ =	shalt  }
0x4b: {  	_ =	shalt  }
0x4c: {  	_ =	shalt  }
0x4d: {  	_ =	shalt  }
0x4e: {  	_ =	shalt  }
0x4f: {  	_ =	shalt  }
0x50: {  	_ =	shalt  }
0x51: {  	_ =	shalt  }
0x52: {  	_ =	shalt  }
0x53: {  	_ =	shalt  }
0x54: {  	_ =	shalt  }
0x55: {  	_ =	shalt  }
0x56: {  	_ =	shalt  }
0x57: {  	_ =	shalt  }
0x58: {  	_ =	shalt  }
0x59: {  	_ =	shalt  }
0x5a: {  	_ =	shalt  }
0x5b: {  	_ =	shalt  }
0x5c: {  	_ =	shalt  }
0x5d: {  	_ =	shalt  }
0x5e: {  	_ =	shalt  }
0x5f: {  	_ =	shalt  }
0x60: {  	_ =	shalt  }
0x61: {  	_ =	shalt  }
0x62: {  	_ =	shalt  }
0x63: {  	_ =	shalt  }
0x64: {  	_ =	shalt  }
0x65: {  	_ =	shalt  }
0x66: {  	_ =	shalt  }
0x67: {  	_ =	shalt  }
0x68: {  	_ =	shalt  }
0x69: {  	_ =	shalt  }
0x6a: {  	_ =	shalt  }
0x6b: {  	_ =	shalt  }
0x6c: {  	_ =	shalt  }
0x6d: {  	_ =	shalt  }
0x6e: {  	_ =	shalt  }
0x6f: {  	_ =	shalt  }
0x70: {  	_ =	shalt  }
0x71: {  	_ =	shalt  }
0x72: {  	_ =	shalt  }
0x73: {  	_ =	shalt  }
0x74: {  	_ =	shalt  }
0x75: {  	_ =	shalt  }
0x76: {  	_ =	shalt  }
0x77: {  	_ =	shalt  }
0x78: {  	_ =	shalt  }
0x79: {  	_ =	shalt  }
0x7a: {  	_ =	shalt  }
0x7b: {  	_ =	shalt  }
0x7c: {  	_ =	shalt  }
0x7d: {  	_ =	shalt  }
0x7e: {  	_ =	shalt  }
0x7f: {  	_ =	shalt  }
0x80: {  	_ =	shalt  }
0x81: {  	_ =	shalt  }
0x82: {  	_ =	shalt  }
0x83: {  	_ =	shalt  }
0x84: {  	_ =	shalt  }
0x85: {  	_ =	shalt  }
0x86: {  	_ =	shalt  }
0x87: {  	_ =	shalt  }
.Lfunc_end0:
.L_simem_size_0:
called_computation.1_lowered:
.L_overlay_start_0:
0x88: {  	s2 =	sld [smem:$0x3FD9]  }
0x89: {  	s3 =	sld [smem:$0x3FFE];
	_ =	sdelay $0x1  }
0x8a: {  	s1 =	srdreg.scid  }
0x8b: {  	s0 =	sand.u32 $0x1, s1  }
0x8c: {  	s17 =	sshll.u32 s0, $0xA;
	s2 =	sadd.s32 s3, s2  }
0x8d: {  	s2 =	sadd.s32 s2, s17  }
0x8e: {  	[smem:$0x3FC2] =	sst s2  }
0x8f: {  	_ = 	snop  }
0x90: {  	s2 =	sld [smem:$0x3FD0];
	(tm) =	ssettm $0x1  }
0x91: {  	s18 =	sld [smem:$0x3FFB];
	_ =	sdelay $0x3  }
0x92: {  	_ =	strace s18  }
0x93: {  	s3 =	sld [smem:$0x3FFC];
	_ =	sdelay $0x3  }
0x94: {  	_ =	strace s3  }
0x95: {  	s3 =	sld [smem:$0x3FFD];
	_ =	sdelay $0x3  }
0x96: {  	_ =	strace s3  }
0x97: {  	_ =	strace $0x8FFFFFFF  }
0x98: {  	s19 =	sld [smem:$0x3FDB];
	_ =	sdelay $0x1  }
0x99: {  	s4 =	simm.s32 $_scs_section_size  }
0x9a: {  	s5 =	simm.s32 $_size__tile_overlayer_lowered;
	s6 =	simm.s32 $_tile_overlayer_lowered  }
0x9b: {  	s22 =	simm.s32 $0x1BFF;
	s21 =	sshll.u32 s6, $0x1;
	s3 =	sadd.s32 s4, s19  }
0x9c: {  	s7 =	simm.s32 $0x0;
	s20 =	sshll.u32 s5, $0x1;
	s5 =	sadd.s32 s21, s3  }
0x9d: {  	[timem:s7], [sflag:s22] =	dma.local [hbm:s5], s20  }
0x9e: {  	_ =	swait.ge [sflag:s22], s20  }
0x9f: {  	s4 =	ssub.s32 $0x0, s20;
	[sflag:s22] =	ssyncset.done $0x0  }
0xa0: {  	[sflag:s22] =	ssyncadd.s32 s4;
	_ =	sdelay $0x1  }
0xa1: {  	s23 =	simm.s32 $0x1B8B  }
0xa2: {  	_ =	swait.ge [sflag:s23], $0x1  }
0xa3: {  	[sflag:s23] =	ssyncset.done $0x0  }
0xa4: {  	s25 =	simm.s32 $0x1B8E;
	s24 =	sld [smem:$0x3FFE];
	[sflag:s23] =	ssyncadd.s32 $0xFFFFFFFF  }
0xa5: {  	s26 =	simm.s32 $execute0_lowered;
	[smem:$0x3FD2] =	sst s25  }
0xa6: {  	s5 =	sshll.u32 s26, $0x1;
	_ =	strace $0x80000049;
	[dreg:$0x1] =	wrdreg $0xFFFFFFFF  }
0xa7: {  	s28 =	simm.s32 $_size_execute0_lowered;
	s3 =	sadd.s32 s3, s5;
	[dreg:$0x0] =	wrdreg $0x0  }
0xa8: {  	s5 =	sshll.u32 s28, $0x1;
	[dreg:$0x2] =	wrdreg s3  }
0xa9: {  	[dreg:$0x3] =	wrdreg s5  }
0xaa: {  	[dreg:$0x4] =	wrdreg $0xC0  }
0xab: {  	_ =	task [dreg:s7], $0x5FFFF  }
0xac: {  	[dreg:$0x1] =	wrdreg $0xFFFFFFFF  }
0xad: {  	[dreg:$0x0] =	wrdreg $0x60  }
0xae: {  	[dreg:$0x2] =	wrdreg s2  }
0xaf: {  	[dreg:$0x3] =	wrdreg s24  }
0xb0: {  	[dreg:$0x4] =	wrdreg $0xB5000  }
0xb1: {  	[dreg:$0x5] =	wrdreg $0x9  }
0xb2: {  	_ =	task.clear_ibuf [dreg:s7], $0x6FFFF;
	_ =	strace $0x90000049  }
0xb3: {  	s29 =	simm.s32 $0x9;
	_ =	strace $0x8000004B  }
0xb4: {  	_ =	swait.ge [sflag:s29], $0x1  }
0xb5: {  	[sflag:s29] =	ssyncadd.s32 $0xFFFFFFFF  }
0xb6: {  	_ =	strace $0x9000004B  }
0xb7: {  	_ =	sfence  }
0xb8: {  	s30 =	sld [smem:$0x0];
	_ =	sdelay $0x2  }
0xb9: {  	s31 =	sshll.u32 s1, $0xD;
	s1 =	sshrl.u32 s1, $0x2  }
0xba: {  	s3 =	sand.u32 $0x4000, s31;
	s1 =	sadd.s32 s1, s30  }
0xbb: {  	s0 =	sor.u32 s3, s0;
	s1 =	sshll.u32 s1, $0x11  }
0xbc: {  	s0 =	sor.u32 s1, s0  }
0xbd: {  	s0 =	sadd.s32 $0x8F2B, s0  }
0xbe: {  	[sflag:s0] =	ssyncadd.remote.s32 $0x1  }
0xbf: {  	_ =	sfence.sel $0xFFFF  }
0xc0: {  	[dreg:$0x0] =	wrdreg $0xFFFFFFFF;
	(pc) =	sbr.abs _section_cstart, $3  }
0xc1: {  	[dreg:$0x1] =	wrdreg $0xFFFFFFFF  }
0xc2: {  	_ =	task.clear_ibuf [dreg:s7], $0x2FFFF;
	_ =	strace $0x9FFFFFFF  }
0xc3: {  	(tm) =	ssettm $0x7FFFFFFF  }
tec
execute0_lowered:
.L_overlay_start_1:
0x0: {  	(tag) =	ssettag $0x1  }
0x1: {  	s1 =	rddreg [dreg:$0x0]  }
0x2: {  	s0 =	rddreg [dreg:$0x1]  }
0x3: {  	s2 =	rddreg [dreg:$0x2];
	s4 =	simm.s32 $0x0;
	s14 =	stileid.u32  }
0x4: {  	s3 =	srdreg.scid;
	s28 =	simm.s32 $0x80;
	s6 =	smul.u32 $0x2800, s14  }
0x5: {  	s31 =	simm.s32 $0xC80;
	[smem:$0x7FF] =	sst s4;
	s9 =	smul.u32 $0x9C0, s14  }
0x6: {  	s5 =	sadd.s32 $0x18000, s0;
	s3 =	sand.u32 $0x1, s3;
	s12 =	smul.u32 $0x4E00, s14  }
0x7: {  	s7 =	sadd.s32 $0x3800, s0;
	s10 =	sadd.s32 $0xE200, s0;
	s16 =	smul.u32 $0x50000, s14  }
0x8: {  	s15 =	sshll.u32 s14, $0x4;
	p1 =	seq.s32 s14, $0xF;
	p2 =	sgt.u32 s14, $0x3  }
0x9: {  	s30 =	sadd.s32 $0x12C000, s2;
	_ =	strace $0x8000004A;
	s8 =	ssub.s32 $0x2, s3  }
0xa: {  	p0 =	seq.s32 s3, $0x1;
	s17 =	sadd.s32 s7, s9;
	s18 =	sshrl.u32 s12, $0x3  }
0xb: {  	s9 =	sadd.s32 s10, s9;
	[dreg:$0x4] =	wrdreg s17;
	s19 =	sadd.s32 $0x1A0, s18  }
0xc: {  	s11 =	sshrl.u32 s8, $0x1;
	[dreg:$0x5] =	wrdreg s9;
	s20 =	sadd.s32 s7, s19  }
0xd: {  	s21 =	sadd.s32 $0x340, s18;
	s9 =	sadd.s32 s10, s19;
	[dreg:$0x6] =	wrdreg s20  }
0xe: {  	s13 =	sadd.s32 s6, s0;
	s22 =	sadd.s32 s7, s21;
	[dreg:$0x7] =	wrdreg s9  }
0xf: {  	s23 =	sadd.s32 $0x4E0, s18;
	s12 =	sadd.s32 s10, s21;
	[dreg:$0x8] =	wrdreg s22  }
0x10: {  	s25 =	sadd.s32 $0x680, s18;
	s24 =	sadd.s32 s7, s23;
	[dreg:$0x9] =	wrdreg s12  }
0x11: {  	s11 =	ssub.s32 s8, s11;
	s26 =	sadd.s32 s7, s25;
	[dreg:$0xa] =	wrdreg s24  }
0x12: {  	s8 =	sshrl.u32 s16, $0x2;
	s21 =	sadd.s32 s5, s6;
	[dreg:$0xc] =	wrdreg s26  }
0x13: {  	s3 =	sadd.s32 $0x820, s18;
	s9 =	sadd.s32 s10, s23;
	[dreg:$0x11] =	wrdreg s21  }
0x14: {  	s8 =	sadd.s32 s8, s2;
	s12 =	sadd.s32 s10, s25;
	[dreg:$0xb] =	wrdreg s9  }
0x15: {  	s17 =	sadd.s32 s7, s3;
	s20 =	sadd.s32 s1, s6;
	[dreg:$0xd] =	wrdreg s12  }
0x16: {  	s18 =	sadd.s32 s10, s3;
	s22 =	sadd.s32 $0x64A00, s0;
	[dreg:$0x10] =	wrdreg s20  }
0x17: {  	s29 =	smax.u32 s11, $0x1;
	s23 =	sadd.s32 $0x3D800, s0;
	[dreg:$0x12] =	wrdreg s22  }
0x18: {  	s3 =	simm.s32 $0x2600;
	s0 =	sadd.s32 $0x8BC00, s0;
	[dreg:$0x13] =	wrdreg s23  }
0x19: {  	s11 =	simm.s32 $0x0;
	s24 =	sadd.s32 $0x3F200, s13;
	[dreg:$0x14] =	wrdreg s0  }
0x1a: {  	s25 =	sadd.s32 $0x66400, s13;
	s26 =	sadd.s32 $0x25800, s1;
	[dreg:$0x15] =	wrdreg s24  }
0x1b: {  	s21 =	simm.s32 $0x1;
	s6 =	simm.s32 $0x2680;
	[dreg:$0x16] =	wrdreg s25  }
0x1c: {  	s9 =	sor.u32 $0x9C00, s15;
	[dreg:$0x17] =	wrdreg s26;
	s0 =	simm.s32 $0x1A00  }
.Ltmp0:
0x1d: {  	s23 =	simm.s32 $0x3;
	s25 =	simm.s32 $0xD00;
	(pc) =	sbr.rel .LBB2_1-.Ltmp0, $4  }
0x1e: {  	s26 =	simm.s32 $0x2700;
	s20 =	simm.s32 $0x7500;
	s22 =	simm.s32 $0x4  }
0x1f: {  	s24 =	simm.s32 $0x2;
	s16 =	sadd.s32 s7, s9;
	s19 =	sadd.s32 s10, s9  }
0x20: {  	s7 =	simm.s32 $0x1980;
	s9 =	simm.s32 $0x3300;
	[dreg:$0xe] =	wrdreg s16  }
0x21: {  	s10 =	simm.s32 $0x3380;
	[dreg:$0xf] =	wrdreg s19;
	s19 =	simm.s32 $0x3500  }
.LBB2_35:
0x22: {  	s12 =	sshrl.u32 s30, $0x3;
	s13 =	rddreg [dreg:$0x14];
	s14 =	simm.s32 $0x1FC4  }
0x23: {  	[hbm:s13], [sflag:s14] =	dma.local [spmem:s12], $0x1900  }
0x24: {  	_ =	swait.ge [sflag:s22], $0x1900  }
0x25: {  	[sflag:s22] =	ssyncset.done $0x0  }
0x26: {  	[sflag:s22] =	ssyncadd.s32 $0xFFFFE700  }
.LBB2_36:
0x27: {  	s11 =	sadd.s32 $0x1, s11  }
0x28: {  	p3 =	sne.s32 s11, s29  }
.Ltmp1:
0x29: {  	_ = 	snop;
	(pc) =	sbr.rel @!p3 .LBB2_37-.Ltmp1, $1  }
0x2a: {  	_ =	sdelay $0x3  }
.LBB2_1:
0x2b: {  	s12 =	rddreg [dreg:$0x4]  }
0x2c: {  	[tilespmem:s4], [sflag:$0x3] =	stream.linear.gather [hbm4b:s12+s4], $0xD00, $0x38;
	[tilespmem:$0x1EDC0] =	vst v63  }
.Ltmp2:
0x2d: {  	_ = 	snop;
	(pc) =	sbr.rel @!p0 .LBB2_2-.Ltmp2, $4  }
0x2e: {  	s12 =	stileid.u32  }
0x2f: {  	s16 =	rddreg [dreg:$0x5];
	s13 =	sshll.u32 @!p1 s12, $0x6  }
0x30: {  	[tilespmem:s0], [sflag:$0x3] =	stream.linear.gather [hbm4b:s16+s4], $0xD00, $0x38;
	[tilespmem:$0x1EDC0] =	vst v63  }
0x31: {  	s14 =	sshrl.u32 @p1 s30, $0x3;
	s12 =	sshrl.u32 @!p1 s8, $0x3;
	s13 =	sor.u32 @!p1 $0x1C04, s13  }
0x32: {  	s15 =	simm.s32 @p1 $0x1FC4;
	s16 =	rddreg [dreg:$0x13]  }
0x33: {  	[spmem:s14], [sflag:s15] =	dma.local @p1 [hbm:s16], $0x1900  }
0x34: {  	s14 =	simm.s32 @p1 $0x4  }
0x35: {  	_ =	swait.ge @p1 [sflag:s14], $0x1900  }
0x36: {  	[sflag:s14] =	ssyncset.done @p1 $0x0  }
0x37: {  	[sflag:s14] =	ssyncadd.s32 @p1 $0xFFFFE700;
	s14 =	rddreg [dreg:$0x11]  }
0x38: {  	[spmem:s12], [sflag:s13] =	dma.local @!p1 [hbm:s14], $0x2800  }
0x39: {  	s12 =	simm.s32 @!p1 $0x4  }
0x3a: {  	_ =	swait.ge @!p1 [sflag:s12], $0x2800  }
0x3b: {  	[sflag:s12] =	ssyncset.done @!p1 $0x0  }
0x3c: {  	[sflag:s12] =	ssyncadd.s32 @!p1 $0xFFFFD800  }
0x3d: {  	[bflag:$0x0] =	sbarrier.arrive $0xFFFF  }
0x3e: {  	_ =	swait.ge [sflag:s23], $0xD00  }
0x3f: {  	[sflag:s23] =	ssyncset.done $0x0  }
0x40: {  	[sflag:s23] =	ssyncadd.s32 $0xFFFFF300  }
0x41: {  	_ =	swait.ge [sflag:s23], $0xD00  }
0x42: {  	[sflag:s23] =	ssyncset.done $0x0  }
0x43: {  	s14 =	simm.s32 $0x0;
	s15 =	rddreg [dreg:$0x6];
	[sflag:s23] =	ssyncadd.s32 $0xFFFFF300  }
0x44: {  	[tilespmem:s25], [sflag:$0x3] =	stream.linear.gather [hbm4b:s15+s14], $0xD00, $0x38;
	[tilespmem:$0x1EDC0] =	vst v63  }
0x45: {  	s16 =	rddreg [dreg:$0x7]  }
0x46: {  	[tilespmem:s26], [sflag:$0x3] =	stream.linear.gather [hbm4b:s16+s14], $0xD00, $0x38;
	[tilespmem:$0x1EDC0] =	vst v63  }
0x47: {  	_ = 	snop  }
0x48: {  	[tilespmem:s19], [sflag:$0x1] =	stream.indirect.gather [hbm4b:s5+s28], $0x80, s14, s28, $0xb8;
	[tilespmem:$0x1EDC0] =	vst v63  }
0x49: {  	s13 =	simm.s32 $0x80  }
0x4a: {  	[tilespmem:s20], [sflag:$0x2] =	stream.indirect.gather [hbm4b:s5+s28], $0x80, s13, s28, $0xb8;
	[tilespmem:$0x1EDC0] =	vst v63  }
0x4b: {  	_ =	swait.ge [sflag:s21], $0x4000  }
0x4c: {  	[sflag:s21] =	ssyncset.done $0x0  }
0x4d: {  	s14 =	simm.s32 $0x1A00;
	[sflag:s21] =	ssyncadd.s32 $0xFFFFC000  }
0x4e: {  	[spmem:s2] =	stream.indirect.scatter.add.f32 [tilespmem:s19], [sflag:$0x4], $0x80, s14, s28, $0xb8;
	[tilespmem:$0x1EDC0] =	vst v63  }
0x4f: {  	_ =	swait.ge [sflag:s22], $0x4000  }
0x50: {  	[sflag:s22] =	ssyncset.done $0x0  }
0x51: {  	s15 =	simm.s32 $0x100;
	[sflag:s22] =	ssyncadd.s32 $0xFFFFC000  }
0x52: {  	[tilespmem:s19], [sflag:$0x1] =	stream.indirect.gather [hbm4b:s5+s28], $0x80, s15, s28, $0xb8;
	[tilespmem:$0x1EDC0] =	vst v63  }
0x53: {  	_ =	swait.ge [sflag:s24], $0x4000  }
0x54: {  	[sflag:s24] =	ssyncset.done $0x0  }
0x55: {  	s16 =	simm.s32 $0x1A80;
	[sflag:s24] =	ssyncadd.s32 $0xFFFFC000  }
0x56: {  	[spmem:s2] =	stream.indirect.scatter.add.f32 [tilespmem:s20], [sflag:$0x4], $0x80, s16, s28, $0xb8;
	[tilespmem:$0x1EDC0] =	vst v63  }
0x57: {  	_ =	swait.ge [sflag:s22], $0x4000  }
0x58: {  	s12 =	simm.s32 $0x100;
	s13 =	simm.s32 $0x800;
	[sflag:s22] =	ssyncset.done $0x0  }
.LBB2_20:
0x59: {  	s14 =	sadd.s32 $0x80, s12  }
0x5a: {  	[sflag:s22] =	ssyncadd.s32 $0xFFFFC000;
	s15 =	smov.u32 s13;
	s16 =	sadd.s32 $0x400, s13  }
0x5b: {  	[tilespmem:s20], [sflag:$0x2] =	stream.indirect.gather [hbm4b:s5+s28], $0x80, s14, s28, $0xb8;
	[tilespmem:$0x1EDC0] =	vst v63  }
0x5c: {  	p3 =	sne.s32 s13, $0x2C00;
	_ =	swait.ge [sflag:s21], $0x4000  }
0x5d: {  	[sflag:s21] =	ssyncset.done $0x0  }
0x5e: {  	s13 =	sadd.s32 $0x1A00, s12;
	[sflag:s21] =	ssyncadd.s32 $0xFFFFC000  }
0x5f: {  	[spmem:s2] =	stream.indirect.scatter.add.f32 [tilespmem:s19], [sflag:$0x4], $0x80, s13, s28, $0xb8;
	[tilespmem:$0x1EDC0] =	vst v63  }
0x60: {  	_ =	swait.ge [sflag:s22], $0x4000  }
0x61: {  	[sflag:s22] =	ssyncset.done $0x0  }
0x62: {  	s13 =	sadd.s32 $0x100, s12;
	[sflag:s22] =	ssyncadd.s32 $0xFFFFC000  }
0x63: {  	[tilespmem:s19], [sflag:$0x1] =	stream.indirect.gather [hbm4b:s5+s28], $0x80, s13, s28, $0xb8;
	[tilespmem:$0x1EDC0] =	vst v63  }
0x64: {  	_ =	swait.ge [sflag:s24], $0x4000  }
.Ltmp3:
0x65: {  	[sflag:s24] =	ssyncset.done $0x0;
	(pc) =	sbr.rel @p3 .LBB2_20-.Ltmp3, $4  }
0x66: {  	s12 =	sadd.s32 $0x1A80, s12;
	[sflag:s24] =	ssyncadd.s32 $0xFFFFC000  }
0x67: {  	[spmem:s2] =	stream.indirect.scatter.add.f32 [tilespmem:s20], [sflag:$0x4], $0x80, s12, s28, $0xb8;
	[tilespmem:$0x1EDC0] =	vst v63  }
0x68: {  	_ =	swait.ge [sflag:s22], $0x4000  }
0x69: {  	s13 =	smov.u32 s16;
	s12 =	sshra.s32 s15, $0x2;
	[sflag:s22] =	ssyncset.done $0x0  }
0x6a: {  	s13 =	sadd.s32 $0x80, s12;
	[sflag:s22] =	ssyncadd.s32 $0xFFFFC000  }
0x6b: {  	[tilespmem:s20], [sflag:$0x2] =	stream.indirect.gather [hbm4b:s5+s28], $0x80, s13, s28, $0xb8;
	[tilespmem:$0x1EDC0] =	vst v63  }
0x6c: {  	_ =	swait.ge [sflag:s21], $0x4000  }
0x6d: {  	[sflag:s21] =	ssyncset.done $0x0  }
0x6e: {  	s15 =	sadd.s32 $0x1A00, s12;
	[sflag:s21] =	ssyncadd.s32 $0xFFFFC000  }
0x6f: {  	[spmem:s2] =	stream.indirect.scatter.add.f32 [tilespmem:s19], [sflag:$0x4], $0x80, s15, s28, $0xb8;
	[tilespmem:$0x1EDC0] =	vst v63  }
0x70: {  	_ =	swait.ge [sflag:s22], $0x4000  }
0x71: {  	[sflag:s22] =	ssyncset.done $0x0  }
0x72: {  	s16 =	sadd.s32 $0x100, s12;
	[sflag:s22] =	ssyncadd.s32 $0xFFFFC000  }
0x73: {  	[tilespmem:s19], [sflag:$0x1] =	stream.indirect.gather [hbm4b:s5+s28], $0x80, s16, s28, $0xb8;
	[tilespmem:$0x1EDC0] =	vst v63  }
0x74: {  	_ =	swait.ge [sflag:s24], $0x4000  }
0x75: {  	[sflag:s24] =	ssyncset.done $0x0  }
0x76: {  	s13 =	sadd.s32 $0x1A80, s12;
	[sflag:s24] =	ssyncadd.s32 $0xFFFFC000  }
0x77: {  	[spmem:s2] =	stream.indirect.scatter.add.f32 [tilespmem:s20], [sflag:$0x4], $0x80, s13, s28, $0xb8;
	[tilespmem:$0x1EDC0] =	vst v63  }
0x78: {  	_ =	swait.ge [sflag:s22], $0x4000  }
0x79: {  	[sflag:s22] =	ssyncset.done $0x0  }
0x7a: {  	[sflag:s22] =	ssyncadd.s32 $0xFFFFC000  }
0x7b: {  	[tilespmem:s20], [sflag:$0x2] =	stream.indirect.gather [hbm4b:s5+s28], $0x80, s31, s28, $0xb8;
	[tilespmem:$0x1EDC0] =	vst v63  }
0x7c: {  	_ =	swait.ge [sflag:s21], $0x4000  }
0x7d: {  	[sflag:s21] =	ssyncset.done $0x0  }
0x7e: {  	[sflag:s21] =	ssyncadd.s32 $0xFFFFC000  }
0x7f: {  	[spmem:s2] =	stream.indirect.scatter.add.f32 [tilespmem:s19], [sflag:$0x4], $0x80, s3, s28, $0xb8;
	[tilespmem:$0x1EDC0] =	vst v63  }
0x80: {  	_ =	swait.ge [sflag:s22], $0x4000  }
0x81: {  	[sflag:s22] =	ssyncset.done $0x0  }
0x82: {  	[sflag:s22] =	ssyncadd.s32 $0xFFFFC000  }
0x83: {  	_ =	swait.ge [sflag:s24], $0x4000  }
0x84: {  	[sflag:s24] =	ssyncset.done $0x0  }
0x85: {  	[sflag:s24] =	ssyncadd.s32 $0xFFFFC000  }
0x86: {  	[spmem:s2] =	stream.indirect.scatter.add.f32 [tilespmem:s20], [sflag:$0x4], $0x80, s6, s28, $0xb8;
	[tilespmem:$0x1EDC0] =	vst v63  }
0x87: {  	_ =	swait.ge [sflag:s22], $0x4000  }
0x88: {  	[sflag:s22] =	ssyncset.done $0x0  }
0x89: {  	[sflag:s22] =	ssyncadd.s32 $0xFFFFC000  }
0x8a: {  	_ =	swait.ge [sflag:s23], $0xD00  }
0x8b: {  	[sflag:s23] =	ssyncset.done $0x0  }
0x8c: {  	[sflag:s23] =	ssyncadd.s32 $0xFFFFF300  }
0x8d: {  	_ =	swait.ge [sflag:s23], $0xD00  }
0x8e: {  	[sflag:s23] =	ssyncset.done $0x0  }
0x8f: {  	s14 =	simm.s32 $0x0;
	s15 =	rddreg [dreg:$0x8];
	[sflag:s23] =	ssyncadd.s32 $0xFFFFF300  }
0x90: {  	[tilespmem:s14], [sflag:$0x3] =	stream.linear.gather [hbm4b:s15+s14], $0xD00, $0x38;
	[tilespmem:$0x1EDC0] =	vst v63  }
0x91: {  	s16 =	rddreg [dreg:$0x9]  }
0x92: {  	[tilespmem:s0], [sflag:$0x3] =	stream.linear.gather [hbm4b:s16+s14], $0xD00, $0x38;
	[tilespmem:$0x1EDC0] =	vst v63  }
0x93: {  	_ = 	snop  }
0x94: {  	[tilespmem:s19], [sflag:$0x1] =	stream.indirect.gather [hbm4b:s5+s28], $0x80, s25, s28, $0xb8;
	[tilespmem:$0x1EDC0] =	vst v63  }
0x95: {  	s13 =	simm.s32 $0xD80  }
0x96: {  	[tilespmem:s20], [sflag:$0x2] =	stream.indirect.gather [hbm4b:s5+s28], $0x80, s13, s28, $0xb8;
	[tilespmem:$0x1EDC0] =	vst v63  }
0x97: {  	_ =	swait.ge [sflag:s21], $0x4000  }
0x98: {  	[sflag:s21] =	ssyncset.done $0x0  }
0x99: {  	s14 =	simm.s32 $0x2700;
	[sflag:s21] =	ssyncadd.s32 $0xFFFFC000  }
0x9a: {  	[spmem:s2] =	stream.indirect.scatter.add.f32 [tilespmem:s19], [sflag:$0x4], $0x80, s14, s28, $0xb8;
	[tilespmem:$0x1EDC0] =	vst v63  }
0x9b: {  	_ =	swait.ge [sflag:s22], $0x4000  }
0x9c: {  	[sflag:s22] =	ssyncset.done $0x0  }
0x9d: {  	s15 =	simm.s32 $0xE00;
	[sflag:s22] =	ssyncadd.s32 $0xFFFFC000  }
0x9e: {  	[tilespmem:s19], [sflag:$0x1] =	stream.indirect.gather [hbm4b:s5+s28], $0x80, s15, s28, $0xb8;
	[tilespmem:$0x1EDC0] =	vst v63  }
0x9f: {  	_ =	swait.ge [sflag:s24], $0x4000  }
0xa0: {  	[sflag:s24] =	ssyncset.done $0x0  }
0xa1: {  	s16 =	simm.s32 $0x2780;
	[sflag:s24] =	ssyncadd.s32 $0xFFFFC000  }
0xa2: {  	[spmem:s2] =	stream.indirect.scatter.add.f32 [tilespmem:s20], [sflag:$0x4], $0x80, s16, s28, $0xb8;
	[tilespmem:$0x1EDC0] =	vst v63  }
0xa3: {  	_ =	swait.ge [sflag:s22], $0x4000  }
0xa4: {  	s12 =	simm.s32 $0x100;
	s13 =	simm.s32 $0x800;
	[sflag:s22] =	ssyncset.done $0x0  }
.LBB2_22:
0xa5: {  	s14 =	sadd.s32 $0xD80, s12  }
0xa6: {  	[sflag:s22] =	ssyncadd.s32 $0xFFFFC000;
	s15 =	smov.u32 s13;
	s16 =	sadd.s32 $0x400, s13  }
0xa7: {  	[tilespmem:s20], [sflag:$0x2] =	stream.indirect.gather [hbm4b:s5+s28], $0x80, s14, s28, $0xb8;
	[tilespmem:$0x1EDC0] =	vst v63  }
0xa8: {  	p3 =	sne.s32 s13, $0x2C00;
	_ =	swait.ge [sflag:s21], $0x4000  }
0xa9: {  	[sflag:s21] =	ssyncset.done $0x0  }
0xaa: {  	s13 =	sadd.s32 $0x2700, s12;
	[sflag:s21] =	ssyncadd.s32 $0xFFFFC000  }
0xab: {  	[spmem:s2] =	stream.indirect.scatter.add.f32 [tilespmem:s19], [sflag:$0x4], $0x80, s13, s28, $0xb8;
	[tilespmem:$0x1EDC0] =	vst v63  }
0xac: {  	_ =	swait.ge [sflag:s22], $0x4000  }
0xad: {  	[sflag:s22] =	ssyncset.done $0x0  }
0xae: {  	s13 =	sadd.s32 $0xE00, s12;
	[sflag:s22] =	ssyncadd.s32 $0xFFFFC000  }
0xaf: {  	[tilespmem:s19], [sflag:$0x1] =	stream.indirect.gather [hbm4b:s5+s28], $0x80, s13, s28, $0xb8;
	[tilespmem:$0x1EDC0] =	vst v63  }
0xb0: {  	_ =	swait.ge [sflag:s24], $0x4000  }
.Ltmp4:
0xb1: {  	[sflag:s24] =	ssyncset.done $0x0;
	(pc) =	sbr.rel @p3 .LBB2_22-.Ltmp4, $4  }
0xb2: {  	s12 =	sadd.s32 $0x2780, s12;
	[sflag:s24] =	ssyncadd.s32 $0xFFFFC000  }
0xb3: {  	[spmem:s2] =	stream.indirect.scatter.add.f32 [tilespmem:s20], [sflag:$0x4], $0x80, s12, s28, $0xb8;
	[tilespmem:$0x1EDC0] =	vst v63  }
0xb4: {  	_ =	swait.ge [sflag:s22], $0x4000  }
0xb5: {  	s13 =	smov.u32 s16;
	s12 =	sshra.s32 s15, $0x2;
	[sflag:s22] =	ssyncset.done $0x0  }
0xb6: {  	s13 =	sadd.s32 $0xD80, s12;
	[sflag:s22] =	ssyncadd.s32 $0xFFFFC000  }
0xb7: {  	[tilespmem:s20], [sflag:$0x2] =	stream.indirect.gather [hbm4b:s5+s28], $0x80, s13, s28, $0xb8;
	[tilespmem:$0x1EDC0] =	vst v63  }
0xb8: {  	_ =	swait.ge [sflag:s21], $0x4000  }
0xb9: {  	[sflag:s21] =	ssyncset.done $0x0  }
0xba: {  	s15 =	sadd.s32 $0x2700, s12;
	[sflag:s21] =	ssyncadd.s32 $0xFFFFC000  }
0xbb: {  	[spmem:s2] =	stream.indirect.scatter.add.f32 [tilespmem:s19], [sflag:$0x4], $0x80, s15, s28, $0xb8;
	[tilespmem:$0x1EDC0] =	vst v63  }
0xbc: {  	_ =	swait.ge [sflag:s22], $0x4000  }
0xbd: {  	[sflag:s22] =	ssyncset.done $0x0  }
0xbe: {  	s16 =	sadd.s32 $0xE00, s12;
	[sflag:s22] =	ssyncadd.s32 $0xFFFFC000  }
0xbf: {  	[tilespmem:s19], [sflag:$0x1] =	stream.indirect.gather [hbm4b:s5+s28], $0x80, s16, s28, $0xb8;
	[tilespmem:$0x1EDC0] =	vst v63  }
0xc0: {  	_ =	swait.ge [sflag:s24], $0x4000  }
0xc1: {  	[sflag:s24] =	ssyncset.done $0x0  }
0xc2: {  	s13 =	sadd.s32 $0x2780, s12;
	[sflag:s24] =	ssyncadd.s32 $0xFFFFC000  }
0xc3: {  	[spmem:s2] =	stream.indirect.scatter.add.f32 [tilespmem:s20], [sflag:$0x4], $0x80, s13, s28, $0xb8;
	[tilespmem:$0x1EDC0] =	vst v63  }
0xc4: {  	_ =	swait.ge [sflag:s22], $0x4000  }
0xc5: {  	[sflag:s22] =	ssyncset.done $0x0  }
0xc6: {  	[sflag:s22] =	ssyncadd.s32 $0xFFFFC000  }
0xc7: {  	[tilespmem:s20], [sflag:$0x2] =	stream.indirect.gather [hbm4b:s5+s28], $0x80, s7, s28, $0xb8;
	[tilespmem:$0x1EDC0] =	vst v63  }
0xc8: {  	_ =	swait.ge [sflag:s21], $0x4000  }
0xc9: {  	[sflag:s21] =	ssyncset.done $0x0  }
0xca: {  	[sflag:s21] =	ssyncadd.s32 $0xFFFFC000  }
0xcb: {  	[spmem:s2] =	stream.indirect.scatter.add.f32 [tilespmem:s19], [sflag:$0x4], $0x80, s9, s28, $0xb8;
	[tilespmem:$0x1EDC0] =	vst v63  }
0xcc: {  	_ =	swait.ge [sflag:s22], $0x4000  }
0xcd: {  	[sflag:s22] =	ssyncset.done $0x0  }
0xce: {  	[sflag:s22] =	ssyncadd.s32 $0xFFFFC000  }
0xcf: {  	_ =	swait.ge [sflag:s24], $0x4000  }
0xd0: {  	[sflag:s24] =	ssyncset.done $0x0  }
0xd1: {  	[sflag:s24] =	ssyncadd.s32 $0xFFFFC000  }
0xd2: {  	[spmem:s2] =	stream.indirect.scatter.add.f32 [tilespmem:s20], [sflag:$0x4], $0x80, s10, s28, $0xb8;
	[tilespmem:$0x1EDC0] =	vst v63  }
0xd3: {  	_ =	swait.ge [sflag:s22], $0x4000  }
0xd4: {  	[sflag:s22] =	ssyncset.done $0x0  }
0xd5: {  	[sflag:s22] =	ssyncadd.s32 $0xFFFFC000  }
0xd6: {  	_ =	swait.ge [sflag:s23], $0xD00  }
0xd7: {  	[sflag:s23] =	ssyncset.done $0x0  }
0xd8: {  	[sflag:s23] =	ssyncadd.s32 $0xFFFFF300  }
0xd9: {  	_ =	swait.ge [sflag:s23], $0xD00  }
0xda: {  	[sflag:s23] =	ssyncset.done $0x0  }
0xdb: {  	s14 =	simm.s32 $0x0;
	s15 =	rddreg [dreg:$0xa];
	[sflag:s23] =	ssyncadd.s32 $0xFFFFF300  }
0xdc: {  	[tilespmem:s25], [sflag:$0x3] =	stream.linear.gather [hbm4b:s15+s14], $0xD00, $0x38;
	[tilespmem:$0x1EDC0] =	vst v63  }
0xdd: {  	s16 =	rddreg [dreg:$0xb]  }
0xde: {  	[tilespmem:s26], [sflag:$0x3] =	stream.linear.gather [hbm4b:s16+s14], $0xD00, $0x38;
	[tilespmem:$0x1EDC0] =	vst v63  }
0xdf: {  	_ = 	snop  }
0xe0: {  	[tilespmem:s19], [sflag:$0x1] =	stream.indirect.gather [hbm4b:s5+s28], $0x80, s14, s28, $0xb8;
	[tilespmem:$0x1EDC0] =	vst v63  }
0xe1: {  	s13 =	simm.s32 $0x80  }
0xe2: {  	[tilespmem:s20], [sflag:$0x2] =	stream.indirect.gather [hbm4b:s5+s28], $0x80, s13, s28, $0xb8;
	[tilespmem:$0x1EDC0] =	vst v63  }
0xe3: {  	_ =	swait.ge [sflag:s21], $0x4000  }
0xe4: {  	[sflag:s21] =	ssyncset.done $0x0  }
0xe5: {  	s14 =	simm.s32 $0x1A00;
	[sflag:s21] =	ssyncadd.s32 $0xFFFFC000  }
0xe6: {  	[spmem:s2] =	stream.indirect.scatter.add.f32 [tilespmem:s19], [sflag:$0x4], $0x80, s14, s28, $0xb8;
	[tilespmem:$0x1EDC0] =	vst v63  }
0xe7: {  	_ =	swait.ge [sflag:s22], $0x4000  }
0xe8: {  	[sflag:s22] =	ssyncset.done $0x0  }
0xe9: {  	s15 =	simm.s32 $0x100;
	[sflag:s22] =	ssyncadd.s32 $0xFFFFC000  }
0xea: {  	[tilespmem:s19], [sflag:$0x1] =	stream.indirect.gather [hbm4b:s5+s28], $0x80, s15, s28, $0xb8;
	[tilespmem:$0x1EDC0] =	vst v63  }
0xeb: {  	_ =	swait.ge [sflag:s24], $0x4000  }
0xec: {  	[sflag:s24] =	ssyncset.done $0x0  }
0xed: {  	s16 =	simm.s32 $0x1A80;
	[sflag:s24] =	ssyncadd.s32 $0xFFFFC000  }
0xee: {  	[spmem:s2] =	stream.indirect.scatter.add.f32 [tilespmem:s20], [sflag:$0x4], $0x80, s16, s28, $0xb8;
	[tilespmem:$0x1EDC0] =	vst v63  }
0xef: {  	_ =	swait.ge [sflag:s22], $0x4000  }
0xf0: {  	s12 =	simm.s32 $0x100;
	s13 =	simm.s32 $0x800;
	[sflag:s22] =	ssyncset.done $0x0  }
.LBB2_24:
0xf1: {  	s14 =	sadd.s32 $0x80, s12  }
0xf2: {  	[sflag:s22] =	ssyncadd.s32 $0xFFFFC000;
	s15 =	smov.u32 s13;
	s16 =	sadd.s32 $0x400, s13  }
0xf3: {  	[tilespmem:s20], [sflag:$0x2] =	stream.indirect.gather [hbm4b:s5+s28], $0x80, s14, s28, $0xb8;
	[tilespmem:$0x1EDC0] =	vst v63  }
0xf4: {  	p3 =	sne.s32 s13, $0x2C00;
	_ =	swait.ge [sflag:s21], $0x4000  }
0xf5: {  	[sflag:s21] =	ssyncset.done $0x0  }
0xf6: {  	s13 =	sadd.s32 $0x1A00, s12;
	[sflag:s21] =	ssyncadd.s32 $0xFFFFC000  }
0xf7: {  	[spmem:s2] =	stream.indirect.scatter.add.f32 [tilespmem:s19], [sflag:$0x4], $0x80, s13, s28, $0xb8;
	[tilespmem:$0x1EDC0] =	vst v63  }
0xf8: {  	_ =	swait.ge [sflag:s22], $0x4000  }
0xf9: {  	[sflag:s22] =	ssyncset.done $0x0  }
0xfa: {  	s13 =	sadd.s32 $0x100, s12;
	[sflag:s22] =	ssyncadd.s32 $0xFFFFC000  }
0xfb: {  	[tilespmem:s19], [sflag:$0x1] =	stream.indirect.gather [hbm4b:s5+s28], $0x80, s13, s28, $0xb8;
	[tilespmem:$0x1EDC0] =	vst v63  }
0xfc: {  	_ =	swait.ge [sflag:s24], $0x4000  }
.Ltmp5:
0xfd: {  	[sflag:s24] =	ssyncset.done $0x0;
	(pc) =	sbr.rel @p3 .LBB2_24-.Ltmp5, $4  }
0xfe: {  	s12 =	sadd.s32 $0x1A80, s12;
	[sflag:s24] =	ssyncadd.s32 $0xFFFFC000  }
0xff: {  	[spmem:s2] =	stream.indirect.scatter.add.f32 [tilespmem:s20], [sflag:$0x4], $0x80, s12, s28, $0xb8;
	[tilespmem:$0x1EDC0] =	vst v63  }
0x100: {  	_ =	swait.ge [sflag:s22], $0x4000  }
0x101: {  	s13 =	smov.u32 s16;
	s12 =	sshra.s32 s15, $0x2;
	[sflag:s22] =	ssyncset.done $0x0  }
0x102: {  	s13 =	sadd.s32 $0x80, s12;
	[sflag:s22] =	ssyncadd.s32 $0xFFFFC000  }
0x103: {  	[tilespmem:s20], [sflag:$0x2] =	stream.indirect.gather [hbm4b:s5+s28], $0x80, s13, s28, $0xb8;
	[tilespmem:$0x1EDC0] =	vst v63  }
0x104: {  	_ =	swait.ge [sflag:s21], $0x4000  }
0x105: {  	[sflag:s21] =	ssyncset.done $0x0  }
0x106: {  	s15 =	sadd.s32 $0x1A00, s12;
	[sflag:s21] =	ssyncadd.s32 $0xFFFFC000  }
0x107: {  	[spmem:s2] =	stream.indirect.scatter.add.f32 [tilespmem:s19], [sflag:$0x4], $0x80, s15, s28, $0xb8;
	[tilespmem:$0x1EDC0] =	vst v63  }
0x108: {  	_ =	swait.ge [sflag:s22], $0x4000  }
0x109: {  	[sflag:s22] =	ssyncset.done $0x0  }
0x10a: {  	s16 =	sadd.s32 $0x100, s12;
	[sflag:s22] =	ssyncadd.s32 $0xFFFFC000  }
0x10b: {  	[tilespmem:s19], [sflag:$0x1] =	stream.indirect.gather [hbm4b:s5+s28], $0x80, s16, s28, $0xb8;
	[tilespmem:$0x1EDC0] =	vst v63  }
0x10c: {  	_ =	swait.ge [sflag:s24], $0x4000  }
0x10d: {  	[sflag:s24] =	ssyncset.done $0x0  }
0x10e: {  	s13 =	sadd.s32 $0x1A80, s12;
	[sflag:s24] =	ssyncadd.s32 $0xFFFFC000  }
0x10f: {  	[spmem:s2] =	stream.indirect.scatter.add.f32 [tilespmem:s20], [sflag:$0x4], $0x80, s13, s28, $0xb8;
	[tilespmem:$0x1EDC0] =	vst v63  }
0x110: {  	_ =	swait.ge [sflag:s22], $0x4000  }
0x111: {  	[sflag:s22] =	ssyncset.done $0x0  }
0x112: {  	[sflag:s22] =	ssyncadd.s32 $0xFFFFC000  }
0x113: {  	[tilespmem:s20], [sflag:$0x2] =	stream.indirect.gather [hbm4b:s5+s28], $0x80, s31, s28, $0xb8;
	[tilespmem:$0x1EDC0] =	vst v63  }
0x114: {  	_ =	swait.ge [sflag:s21], $0x4000  }
0x115: {  	[sflag:s21] =	ssyncset.done $0x0  }
0x116: {  	[sflag:s21] =	ssyncadd.s32 $0xFFFFC000  }
0x117: {  	[spmem:s2] =	stream.indirect.scatter.add.f32 [tilespmem:s19], [sflag:$0x4], $0x80, s3, s28, $0xb8;
	[tilespmem:$0x1EDC0] =	vst v63  }
0x118: {  	_ =	swait.ge [sflag:s22], $0x4000  }
0x119: {  	[sflag:s22] =	ssyncset.done $0x0  }
0x11a: {  	[sflag:s22] =	ssyncadd.s32 $0xFFFFC000  }
0x11b: {  	_ =	swait.ge [sflag:s24], $0x4000  }
0x11c: {  	[sflag:s24] =	ssyncset.done $0x0  }
0x11d: {  	[sflag:s24] =	ssyncadd.s32 $0xFFFFC000  }
0x11e: {  	[spmem:s2] =	stream.indirect.scatter.add.f32 [tilespmem:s20], [sflag:$0x4], $0x80, s6, s28, $0xb8;
	[tilespmem:$0x1EDC0] =	vst v63  }
0x11f: {  	_ =	swait.ge [sflag:s22], $0x4000  }
0x120: {  	[sflag:s22] =	ssyncset.done $0x0  }
0x121: {  	[sflag:s22] =	ssyncadd.s32 $0xFFFFC000  }
0x122: {  	_ =	swait.ge [sflag:s23], $0xD00  }
0x123: {  	[sflag:s23] =	ssyncset.done $0x0  }
0x124: {  	[sflag:s23] =	ssyncadd.s32 $0xFFFFF300  }
0x125: {  	_ =	swait.ge [sflag:s23], $0xD00  }
0x126: {  	[sflag:s23] =	ssyncset.done $0x0  }
0x127: {  	s14 =	simm.s32 $0x0;
	s15 =	rddreg [dreg:$0xc];
	[sflag:s23] =	ssyncadd.s32 $0xFFFFF300  }
0x128: {  	[tilespmem:s14], [sflag:$0x3] =	stream.linear.gather [hbm4b:s15+s14], $0xD00, $0x38;
	[tilespmem:$0x1EDC0] =	vst v63  }
0x129: {  	s16 =	rddreg [dreg:$0xd]  }
0x12a: {  	[tilespmem:s0], [sflag:$0x3] =	stream.linear.gather [hbm4b:s16+s14], $0xD00, $0x38;
	[tilespmem:$0x1EDC0] =	vst v63  }
0x12b: {  	_ = 	snop  }
0x12c: {  	[tilespmem:s19], [sflag:$0x1] =	stream.indirect.gather [hbm4b:s5+s28], $0x80, s25, s28, $0xb8;
	[tilespmem:$0x1EDC0] =	vst v63  }
0x12d: {  	s13 =	simm.s32 $0xD80  }
0x12e: {  	[tilespmem:s20], [sflag:$0x2] =	stream.indirect.gather [hbm4b:s5+s28], $0x80, s13, s28, $0xb8;
	[tilespmem:$0x1EDC0] =	vst v63  }
0x12f: {  	_ =	swait.ge [sflag:s21], $0x4000  }
0x130: {  	[sflag:s21] =	ssyncset.done $0x0  }
0x131: {  	s14 =	simm.s32 $0x2700;
	[sflag:s21] =	ssyncadd.s32 $0xFFFFC000  }
0x132: {  	[spmem:s2] =	stream.indirect.scatter.add.f32 [tilespmem:s19], [sflag:$0x4], $0x80, s14, s28, $0xb8;
	[tilespmem:$0x1EDC0] =	vst v63  }
0x133: {  	_ =	swait.ge [sflag:s22], $0x4000  }
0x134: {  	[sflag:s22] =	ssyncset.done $0x0  }
0x135: {  	s15 =	simm.s32 $0xE00;
	[sflag:s22] =	ssyncadd.s32 $0xFFFFC000  }
0x136: {  	[tilespmem:s19], [sflag:$0x1] =	stream.indirect.gather [hbm4b:s5+s28], $0x80, s15, s28, $0xb8;
	[tilespmem:$0x1EDC0] =	vst v63  }
0x137: {  	_ =	swait.ge [sflag:s24], $0x4000  }
0x138: {  	[sflag:s24] =	ssyncset.done $0x0  }
0x139: {  	s16 =	simm.s32 $0x2780;
	[sflag:s24] =	ssyncadd.s32 $0xFFFFC000  }
0x13a: {  	[spmem:s2] =	stream.indirect.scatter.add.f32 [tilespmem:s20], [sflag:$0x4], $0x80, s16, s28, $0xb8;
	[tilespmem:$0x1EDC0] =	vst v63  }
0x13b: {  	_ =	swait.ge [sflag:s22], $0x4000  }
0x13c: {  	s12 =	simm.s32 $0x100;
	s13 =	simm.s32 $0x800;
	[sflag:s22] =	ssyncset.done $0x0  }
.LBB2_26:
0x13d: {  	s14 =	sadd.s32 $0xD80, s12  }
0x13e: {  	[sflag:s22] =	ssyncadd.s32 $0xFFFFC000;
	s15 =	smov.u32 s13;
	s16 =	sadd.s32 $0x400, s13  }
0x13f: {  	[tilespmem:s20], [sflag:$0x2] =	stream.indirect.gather [hbm4b:s5+s28], $0x80, s14, s28, $0xb8;
	[tilespmem:$0x1EDC0] =	vst v63  }
0x140: {  	p3 =	sne.s32 s13, $0x2C00;
	_ =	swait.ge [sflag:s21], $0x4000  }
0x141: {  	[sflag:s21] =	ssyncset.done $0x0  }
0x142: {  	s13 =	sadd.s32 $0x2700, s12;
	[sflag:s21] =	ssyncadd.s32 $0xFFFFC000  }
0x143: {  	[spmem:s2] =	stream.indirect.scatter.add.f32 [tilespmem:s19], [sflag:$0x4], $0x80, s13, s28, $0xb8;
	[tilespmem:$0x1EDC0] =	vst v63  }
0x144: {  	_ =	swait.ge [sflag:s22], $0x4000  }
0x145: {  	[sflag:s22] =	ssyncset.done $0x0  }
0x146: {  	s13 =	sadd.s32 $0xE00, s12;
	[sflag:s22] =	ssyncadd.s32 $0xFFFFC000  }
0x147: {  	[tilespmem:s19], [sflag:$0x1] =	stream.indirect.gather [hbm4b:s5+s28], $0x80, s13, s28, $0xb8;
	[tilespmem:$0x1EDC0] =	vst v63  }
0x148: {  	_ =	swait.ge [sflag:s24], $0x4000  }
.Ltmp6:
0x149: {  	[sflag:s24] =	ssyncset.done $0x0;
	(pc) =	sbr.rel @p3 .LBB2_26-.Ltmp6, $4  }
0x14a: {  	s12 =	sadd.s32 $0x2780, s12;
	[sflag:s24] =	ssyncadd.s32 $0xFFFFC000  }
0x14b: {  	[spmem:s2] =	stream.indirect.scatter.add.f32 [tilespmem:s20], [sflag:$0x4], $0x80, s12, s28, $0xb8;
	[tilespmem:$0x1EDC0] =	vst v63  }
0x14c: {  	_ =	swait.ge [sflag:s22], $0x4000  }
0x14d: {  	s13 =	smov.u32 s16;
	s12 =	sshra.s32 s15, $0x2;
	[sflag:s22] =	ssyncset.done $0x0  }
0x14e: {  	s13 =	sadd.s32 $0xD80, s12;
	[sflag:s22] =	ssyncadd.s32 $0xFFFFC000  }
0x14f: {  	[tilespmem:s20], [sflag:$0x2] =	stream.indirect.gather [hbm4b:s5+s28], $0x80, s13, s28, $0xb8;
	[tilespmem:$0x1EDC0] =	vst v63  }
0x150: {  	_ =	swait.ge [sflag:s21], $0x4000  }
0x151: {  	[sflag:s21] =	ssyncset.done $0x0  }
0x152: {  	s16 =	sadd.s32 $0x2700, s12;
	[sflag:s21] =	ssyncadd.s32 $0xFFFFC000  }
0x153: {  	[spmem:s2] =	stream.indirect.scatter.add.f32 [tilespmem:s19], [sflag:$0x4], $0x80, s16, s28, $0xb8;
	[tilespmem:$0x1EDC0] =	vst v63  }
0x154: {  	_ =	swait.ge [sflag:s22], $0x4000  }
0x155: {  	[sflag:s22] =	ssyncset.done $0x0  }
0x156: {  	s14 =	sadd.s32 $0xE00, s12;
	[sflag:s22] =	ssyncadd.s32 $0xFFFFC000  }
0x157: {  	[tilespmem:s19], [sflag:$0x1] =	stream.indirect.gather [hbm4b:s5+s28], $0x80, s14, s28, $0xb8;
	[tilespmem:$0x1EDC0] =	vst v63  }
0x158: {  	_ =	swait.ge [sflag:s24], $0x4000  }
0x159: {  	[sflag:s24] =	ssyncset.done $0x0  }
0x15a: {  	s15 =	sadd.s32 $0x2780, s12;
	[sflag:s24] =	ssyncadd.s32 $0xFFFFC000  }
0x15b: {  	[spmem:s2] =	stream.indirect.scatter.add.f32 [tilespmem:s20], [sflag:$0x4], $0x80, s15, s28, $0xb8;
	[tilespmem:$0x1EDC0] =	vst v63  }
0x15c: {  	_ =	swait.ge [sflag:s22], $0x4000  }
0x15d: {  	[sflag:s22] =	ssyncset.done $0x0  }
0x15e: {  	[sflag:s22] =	ssyncadd.s32 $0xFFFFC000  }
0x15f: {  	[tilespmem:s20], [sflag:$0x2] =	stream.indirect.gather [hbm4b:s5+s28], $0x80, s7, s28, $0xb8;
	[tilespmem:$0x1EDC0] =	vst v63  }
0x160: {  	_ =	swait.ge [sflag:s21], $0x4000  }
0x161: {  	[sflag:s21] =	ssyncset.done $0x0  }
0x162: {  	[sflag:s21] =	ssyncadd.s32 $0xFFFFC000  }
0x163: {  	[spmem:s2] =	stream.indirect.scatter.add.f32 [tilespmem:s19], [sflag:$0x4], $0x80, s9, s28, $0xb8;
	[tilespmem:$0x1EDC0] =	vst v63  }
0x164: {  	_ =	swait.ge [sflag:s22], $0x4000  }
0x165: {  	[sflag:s22] =	ssyncset.done $0x0  }
0x166: {  	[sflag:s22] =	ssyncadd.s32 $0xFFFFC000  }
0x167: {  	_ =	swait.ge [sflag:s24], $0x4000  }
0x168: {  	[sflag:s24] =	ssyncset.done $0x0  }
0x169: {  	[sflag:s24] =	ssyncadd.s32 $0xFFFFC000  }
0x16a: {  	[spmem:s2] =	stream.indirect.scatter.add.f32 [tilespmem:s20], [sflag:$0x4], $0x80, s10, s28, $0xb8;
	[tilespmem:$0x1EDC0] =	vst v63  }
0x16b: {  	_ =	swait.ge [sflag:s22], $0x4000  }
0x16c: {  	[sflag:s22] =	ssyncset.done $0x0  }
0x16d: {  	[sflag:s22] =	ssyncadd.s32 $0xFFFFC000  }
0x16e: {  	_ =	swait.ge [sflag:s23], $0xD00  }
0x16f: {  	[sflag:s23] =	ssyncset.done $0x0  }
0x170: {  	[sflag:s23] =	ssyncadd.s32 $0xFFFFF300  }
0x171: {  	_ =	swait.ge [sflag:s23], $0xD00  }
0x172: {  	[sflag:s23] =	ssyncset.done $0x0  }
0x173: {  	s16 =	simm.s32 $0x0;
	[sflag:s23] =	ssyncadd.s32 $0xFFFFF300  }
0x174: {  	[tilespmem:s25], [sflag:$0x3] =	stream.linear.gather [hbm4b:s17+s16], $0xD00, $0x38;
	[tilespmem:$0x1EDC0] =	vst v63  }
0x175: {  	_ = 	snop  }
0x176: {  	[tilespmem:s26], [sflag:$0x3] =	stream.linear.gather [hbm4b:s18+s16], $0xD00, $0x38;
	[tilespmem:$0x1EDC0] =	vst v63  }
0x177: {  	_ = 	snop  }
0x178: {  	[tilespmem:s19], [sflag:$0x1] =	stream.indirect.gather [hbm4b:s5+s28], $0x80, s16, s28, $0xb8;
	[tilespmem:$0x1EDC0] =	vst v63  }
0x179: {  	s13 =	simm.s32 $0x80  }
0x17a: {  	[tilespmem:s20], [sflag:$0x2] =	stream.indirect.gather [hbm4b:s5+s28], $0x80, s13, s28, $0xb8;
	[tilespmem:$0x1EDC0] =	vst v63  }
0x17b: {  	_ =	swait.ge [sflag:s21], $0x4000  }
0x17c: {  	[sflag:s21] =	ssyncset.done $0x0  }
0x17d: {  	s14 =	simm.s32 $0x1A00;
	[sflag:s21] =	ssyncadd.s32 $0xFFFFC000  }
0x17e: {  	[spmem:s2] =	stream.indirect.scatter.add.f32 [tilespmem:s19], [sflag:$0x4], $0x80, s14, s28, $0xb8;
	[tilespmem:$0x1EDC0] =	vst v63  }
0x17f: {  	_ =	swait.ge [sflag:s22], $0x4000  }
0x180: {  	[sflag:s22] =	ssyncset.done $0x0  }
0x181: {  	s15 =	simm.s32 $0x100;
	[sflag:s22] =	ssyncadd.s32 $0xFFFFC000  }
0x182: {  	[tilespmem:s19], [sflag:$0x1] =	stream.indirect.gather [hbm4b:s5+s28], $0x80, s15, s28, $0xb8;
	[tilespmem:$0x1EDC0] =	vst v63  }
0x183: {  	_ =	swait.ge [sflag:s24], $0x4000  }
0x184: {  	[sflag:s24] =	ssyncset.done $0x0  }
0x185: {  	s16 =	simm.s32 $0x1A80;
	[sflag:s24] =	ssyncadd.s32 $0xFFFFC000  }
0x186: {  	[spmem:s2] =	stream.indirect.scatter.add.f32 [tilespmem:s20], [sflag:$0x4], $0x80, s16, s28, $0xb8;
	[tilespmem:$0x1EDC0] =	vst v63  }
0x187: {  	_ =	swait.ge [sflag:s22], $0x4000  }
0x188: {  	s12 =	simm.s32 $0x100;
	s13 =	simm.s32 $0x800;
	[sflag:s22] =	ssyncset.done $0x0  }
.LBB2_28:
0x189: {  	s14 =	sadd.s32 $0x80, s12  }
0x18a: {  	[sflag:s22] =	ssyncadd.s32 $0xFFFFC000;
	s15 =	smov.u32 s13;
	s16 =	sadd.s32 $0x400, s13  }
0x18b: {  	[tilespmem:s20], [sflag:$0x2] =	stream.indirect.gather [hbm4b:s5+s28], $0x80, s14, s28, $0xb8;
	[tilespmem:$0x1EDC0] =	vst v63  }
0x18c: {  	p3 =	sne.s32 s13, $0x2C00;
	_ =	swait.ge [sflag:s21], $0x4000  }
0x18d: {  	[sflag:s21] =	ssyncset.done $0x0  }
0x18e: {  	s13 =	sadd.s32 $0x1A00, s12;
	[sflag:s21] =	ssyncadd.s32 $0xFFFFC000  }
0x18f: {  	[spmem:s2] =	stream.indirect.scatter.add.f32 [tilespmem:s19], [sflag:$0x4], $0x80, s13, s28, $0xb8;
	[tilespmem:$0x1EDC0] =	vst v63  }
0x190: {  	_ =	swait.ge [sflag:s22], $0x4000  }
0x191: {  	[sflag:s22] =	ssyncset.done $0x0  }
0x192: {  	s13 =	sadd.s32 $0x100, s12;
	[sflag:s22] =	ssyncadd.s32 $0xFFFFC000  }
0x193: {  	[tilespmem:s19], [sflag:$0x1] =	stream.indirect.gather [hbm4b:s5+s28], $0x80, s13, s28, $0xb8;
	[tilespmem:$0x1EDC0] =	vst v63  }
0x194: {  	_ =	swait.ge [sflag:s24], $0x4000  }
.Ltmp7:
0x195: {  	[sflag:s24] =	ssyncset.done $0x0;
	(pc) =	sbr.rel @p3 .LBB2_28-.Ltmp7, $4  }
0x196: {  	s12 =	sadd.s32 $0x1A80, s12;
	[sflag:s24] =	ssyncadd.s32 $0xFFFFC000  }
0x197: {  	[spmem:s2] =	stream.indirect.scatter.add.f32 [tilespmem:s20], [sflag:$0x4], $0x80, s12, s28, $0xb8;
	[tilespmem:$0x1EDC0] =	vst v63  }
0x198: {  	_ =	swait.ge [sflag:s22], $0x4000  }
0x199: {  	s13 =	smov.u32 s16;
	s12 =	sshra.s32 s15, $0x2;
	[sflag:s22] =	ssyncset.done $0x0  }
0x19a: {  	s13 =	sadd.s32 $0x80, s12;
	[sflag:s22] =	ssyncadd.s32 $0xFFFFC000  }
0x19b: {  	[tilespmem:s20], [sflag:$0x2] =	stream.indirect.gather [hbm4b:s5+s28], $0x80, s13, s28, $0xb8;
	[tilespmem:$0x1EDC0] =	vst v63  }
0x19c: {  	_ =	swait.ge [sflag:s21], $0x4000  }
0x19d: {  	[sflag:s21] =	ssyncset.done $0x0  }
0x19e: {  	s14 =	sadd.s32 $0x1A00, s12;
	[sflag:s21] =	ssyncadd.s32 $0xFFFFC000  }
0x19f: {  	[spmem:s2] =	stream.indirect.scatter.add.f32 [tilespmem:s19], [sflag:$0x4], $0x80, s14, s28, $0xb8;
	[tilespmem:$0x1EDC0] =	vst v63  }
0x1a0: {  	_ =	swait.ge [sflag:s22], $0x4000  }
0x1a1: {  	[sflag:s22] =	ssyncset.done $0x0  }
0x1a2: {  	s15 =	sadd.s32 $0x100, s12;
	[sflag:s22] =	ssyncadd.s32 $0xFFFFC000  }
0x1a3: {  	[tilespmem:s19], [sflag:$0x1] =	stream.indirect.gather [hbm4b:s5+s28], $0x80, s15, s28, $0xb8;
	[tilespmem:$0x1EDC0] =	vst v63  }
0x1a4: {  	_ =	swait.ge [sflag:s24], $0x4000  }
0x1a5: {  	[sflag:s24] =	ssyncset.done $0x0  }
0x1a6: {  	s16 =	sadd.s32 $0x1A80, s12;
	[sflag:s24] =	ssyncadd.s32 $0xFFFFC000  }
0x1a7: {  	[spmem:s2] =	stream.indirect.scatter.add.f32 [tilespmem:s20], [sflag:$0x4], $0x80, s16, s28, $0xb8;
	[tilespmem:$0x1EDC0] =	vst v63  }
0x1a8: {  	_ =	swait.ge [sflag:s22], $0x4000  }
0x1a9: {  	[sflag:s22] =	ssyncset.done $0x0  }
0x1aa: {  	[sflag:s22] =	ssyncadd.s32 $0xFFFFC000  }
0x1ab: {  	[tilespmem:s20], [sflag:$0x2] =	stream.indirect.gather [hbm4b:s5+s28], $0x80, s31, s28, $0xb8;
	[tilespmem:$0x1EDC0] =	vst v63  }
0x1ac: {  	_ =	swait.ge [sflag:s21], $0x4000  }
0x1ad: {  	[sflag:s21] =	ssyncset.done $0x0  }
0x1ae: {  	[sflag:s21] =	ssyncadd.s32 $0xFFFFC000  }
0x1af: {  	[spmem:s2] =	stream.indirect.scatter.add.f32 [tilespmem:s19], [sflag:$0x4], $0x80, s3, s28, $0xb8;
	[tilespmem:$0x1EDC0] =	vst v63  }
0x1b0: {  	_ =	swait.ge [sflag:s22], $0x4000  }
0x1b1: {  	[sflag:s22] =	ssyncset.done $0x0  }
0x1b2: {  	[sflag:s22] =	ssyncadd.s32 $0xFFFFC000  }
0x1b3: {  	_ =	swait.ge [sflag:s24], $0x4000  }
0x1b4: {  	[sflag:s24] =	ssyncset.done $0x0  }
0x1b5: {  	[sflag:s24] =	ssyncadd.s32 $0xFFFFC000  }
0x1b6: {  	[spmem:s2] =	stream.indirect.scatter.add.f32 [tilespmem:s20], [sflag:$0x4], $0x80, s6, s28, $0xb8;
	[tilespmem:$0x1EDC0] =	vst v63  }
0x1b7: {  	_ =	swait.ge [sflag:s22], $0x4000  }
0x1b8: {  	[sflag:s22] =	ssyncset.done $0x0  }
0x1b9: {  	[sflag:s22] =	ssyncadd.s32 $0xFFFFC000  }
0x1ba: {  	_ =	swait.ge [sflag:s23], $0xD00  }
0x1bb: {  	[sflag:s23] =	ssyncset.done $0x0  }
0x1bc: {  	[sflag:s23] =	ssyncadd.s32 $0xFFFFF300  }
0x1bd: {  	_ =	swait.ge [sflag:s23], $0xD00  }
0x1be: {  	[sflag:s23] =	ssyncset.done $0x0  }
0x1bf: {  	[sflag:s23] =	ssyncadd.s32 $0xFFFFF300  }
0x1c0: {  	[tilespmem:s19], [sflag:$0x1] =	stream.indirect.gather [hbm4b:s5+s28], $0x80, s25, s28, $0xb8;
	[tilespmem:$0x1EDC0] =	vst v63  }
0x1c1: {  	s13 =	simm.s32 $0xD80  }
0x1c2: {  	[tilespmem:s20], [sflag:$0x2] =	stream.indirect.gather [hbm4b:s5+s28], $0x80, s13, s28, $0xb8;
	[tilespmem:$0x1EDC0] =	vst v63  }
0x1c3: {  	_ =	swait.ge [sflag:s21], $0x4000  }
0x1c4: {  	[sflag:s21] =	ssyncset.done $0x0  }
0x1c5: {  	s14 =	simm.s32 $0x2700;
	[sflag:s21] =	ssyncadd.s32 $0xFFFFC000  }
0x1c6: {  	[spmem:s2] =	stream.indirect.scatter.add.f32 [tilespmem:s19], [sflag:$0x4], $0x80, s14, s28, $0xb8;
	[tilespmem:$0x1EDC0] =	vst v63  }
0x1c7: {  	_ =	swait.ge [sflag:s22], $0x4000  }
0x1c8: {  	[sflag:s22] =	ssyncset.done $0x0  }
0x1c9: {  	s15 =	simm.s32 $0xE00;
	[sflag:s22] =	ssyncadd.s32 $0xFFFFC000  }
0x1ca: {  	[tilespmem:s19], [sflag:$0x1] =	stream.indirect.gather [hbm4b:s5+s28], $0x80, s15, s28, $0xb8;
	[tilespmem:$0x1EDC0] =	vst v63  }
0x1cb: {  	_ =	swait.ge [sflag:s24], $0x4000  }
0x1cc: {  	[sflag:s24] =	ssyncset.done $0x0  }
0x1cd: {  	s16 =	simm.s32 $0x2780;
	[sflag:s24] =	ssyncadd.s32 $0xFFFFC000  }
0x1ce: {  	[spmem:s2] =	stream.indirect.scatter.add.f32 [tilespmem:s20], [sflag:$0x4], $0x80, s16, s28, $0xb8;
	[tilespmem:$0x1EDC0] =	vst v63  }
0x1cf: {  	_ =	swait.ge [sflag:s22], $0x4000  }
0x1d0: {  	s12 =	simm.s32 $0x100;
	s13 =	simm.s32 $0x800;
	[sflag:s22] =	ssyncset.done $0x0  }
.LBB2_30:
0x1d1: {  	s14 =	sadd.s32 $0xD80, s12  }
0x1d2: {  	[sflag:s22] =	ssyncadd.s32 $0xFFFFC000;
	s15 =	smov.u32 s13;
	s16 =	sadd.s32 $0x400, s13  }
0x1d3: {  	[tilespmem:s20], [sflag:$0x2] =	stream.indirect.gather [hbm4b:s5+s28], $0x80, s14, s28, $0xb8;
	[tilespmem:$0x1EDC0] =	vst v63  }
0x1d4: {  	p3 =	sne.s32 s13, $0x2C00;
	_ =	swait.ge [sflag:s21], $0x4000  }
0x1d5: {  	[sflag:s21] =	ssyncset.done $0x0  }
0x1d6: {  	s13 =	sadd.s32 $0x2700, s12;
	[sflag:s21] =	ssyncadd.s32 $0xFFFFC000  }
0x1d7: {  	[spmem:s2] =	stream.indirect.scatter.add.f32 [tilespmem:s19], [sflag:$0x4], $0x80, s13, s28, $0xb8;
	[tilespmem:$0x1EDC0] =	vst v63  }
0x1d8: {  	_ =	swait.ge [sflag:s22], $0x4000  }
0x1d9: {  	[sflag:s22] =	ssyncset.done $0x0  }
0x1da: {  	s13 =	sadd.s32 $0xE00, s12;
	[sflag:s22] =	ssyncadd.s32 $0xFFFFC000  }
0x1db: {  	[tilespmem:s19], [sflag:$0x1] =	stream.indirect.gather [hbm4b:s5+s28], $0x80, s13, s28, $0xb8;
	[tilespmem:$0x1EDC0] =	vst v63  }
0x1dc: {  	_ =	swait.ge [sflag:s24], $0x4000  }
.Ltmp8:
0x1dd: {  	[sflag:s24] =	ssyncset.done $0x0;
	(pc) =	sbr.rel @p3 .LBB2_30-.Ltmp8, $4  }
0x1de: {  	s12 =	sadd.s32 $0x2780, s12;
	[sflag:s24] =	ssyncadd.s32 $0xFFFFC000  }
0x1df: {  	[spmem:s2] =	stream.indirect.scatter.add.f32 [tilespmem:s20], [sflag:$0x4], $0x80, s12, s28, $0xb8;
	[tilespmem:$0x1EDC0] =	vst v63  }
0x1e0: {  	_ =	swait.ge [sflag:s22], $0x4000  }
0x1e1: {  	s13 =	smov.u32 s16;
	s12 =	sshra.s32 s15, $0x2;
	[sflag:s22] =	ssyncset.done $0x0  }
0x1e2: {  	s13 =	sadd.s32 $0xD80, s12;
	[sflag:s22] =	ssyncadd.s32 $0xFFFFC000  }
0x1e3: {  	[tilespmem:s20], [sflag:$0x2] =	stream.indirect.gather [hbm4b:s5+s28], $0x80, s13, s28, $0xb8;
	[tilespmem:$0x1EDC0] =	vst v63  }
0x1e4: {  	_ =	swait.ge [sflag:s21], $0x4000  }
0x1e5: {  	[sflag:s21] =	ssyncset.done $0x0  }
0x1e6: {  	s14 =	sadd.s32 $0x2700, s12;
	[sflag:s21] =	ssyncadd.s32 $0xFFFFC000  }
0x1e7: {  	[spmem:s2] =	stream.indirect.scatter.add.f32 [tilespmem:s19], [sflag:$0x4], $0x80, s14, s28, $0xb8;
	[tilespmem:$0x1EDC0] =	vst v63  }
0x1e8: {  	_ =	swait.ge [sflag:s22], $0x4000  }
0x1e9: {  	[sflag:s22] =	ssyncset.done $0x0  }
0x1ea: {  	s15 =	sadd.s32 $0xE00, s12;
	[sflag:s22] =	ssyncadd.s32 $0xFFFFC000  }
0x1eb: {  	[tilespmem:s19], [sflag:$0x1] =	stream.indirect.gather [hbm4b:s5+s28], $0x80, s15, s28, $0xb8;
	[tilespmem:$0x1EDC0] =	vst v63  }
0x1ec: {  	_ =	swait.ge [sflag:s24], $0x4000  }
0x1ed: {  	[sflag:s24] =	ssyncset.done $0x0  }
0x1ee: {  	s16 =	sadd.s32 $0x2780, s12;
	[sflag:s24] =	ssyncadd.s32 $0xFFFFC000  }
0x1ef: {  	[spmem:s2] =	stream.indirect.scatter.add.f32 [tilespmem:s20], [sflag:$0x4], $0x80, s16, s28, $0xb8;
	[tilespmem:$0x1EDC0] =	vst v63  }
0x1f0: {  	_ =	swait.ge [sflag:s22], $0x4000  }
0x1f1: {  	[sflag:s22] =	ssyncset.done $0x0  }
0x1f2: {  	[sflag:s22] =	ssyncadd.s32 $0xFFFFC000  }
0x1f3: {  	[tilespmem:s20], [sflag:$0x2] =	stream.indirect.gather [hbm4b:s5+s28], $0x80, s7, s28, $0xb8;
	[tilespmem:$0x1EDC0] =	vst v63  }
0x1f4: {  	_ =	swait.ge [sflag:s21], $0x4000  }
0x1f5: {  	[sflag:s21] =	ssyncset.done $0x0  }
0x1f6: {  	[sflag:s21] =	ssyncadd.s32 $0xFFFFC000  }
0x1f7: {  	[spmem:s2] =	stream.indirect.scatter.add.f32 [tilespmem:s19], [sflag:$0x4], $0x80, s9, s28, $0xb8;
	[tilespmem:$0x1EDC0] =	vst v63  }
0x1f8: {  	_ =	swait.ge [sflag:s22], $0x4000  }
0x1f9: {  	[sflag:s22] =	ssyncset.done $0x0  }
0x1fa: {  	[sflag:s22] =	ssyncadd.s32 $0xFFFFC000  }
0x1fb: {  	_ =	swait.ge [sflag:s24], $0x4000  }
0x1fc: {  	[sflag:s24] =	ssyncset.done $0x0  }
.Ltmp9:
0x1fd: {  	[sflag:s24] =	ssyncadd.s32 $0xFFFFC000;
	(pc) =	sbr.rel @p2 .LBB2_33-.Ltmp9, $4  }
0x1fe: {  	[spmem:s2] =	stream.indirect.scatter.add.f32 [tilespmem:s20], [sflag:$0x4], $0x80, s10, s28, $0xb8;
	[tilespmem:$0x1EDC0] =	vst v63  }
0x1ff: {  	_ =	swait.ge [sflag:s22], $0x4000  }
0x200: {  	[sflag:s22] =	ssyncset.done $0x0  }
0x201: {  	[sflag:s22] =	ssyncadd.s32 $0xFFFFC000  }
0x202: {  	s12 =	rddreg [dreg:$0xe];
	s13 =	simm.s32 $0x3400  }
0x203: {  	[tilespmem:s13], [sflag:$0x4] =	stream.linear.gather [hbm4b:s12+s4], $0x80, $0x38;
	[tilespmem:$0x1EDC0] =	vst v63  }
0x204: {  	_ =	swait.ge [sflag:s22], $0x80  }
0x205: {  	[sflag:s22] =	ssyncset.done $0x0  }
0x206: {  	s14 =	simm.s32 $0x3480;
	s16 =	rddreg [dreg:$0xf];
	[sflag:s22] =	ssyncadd.s32 $0xFFFFFF80  }
0x207: {  	[tilespmem:s14], [sflag:$0x4] =	stream.linear.gather [hbm4b:s16+s4], $0x80, $0x38;
	[tilespmem:$0x1EDC0] =	vst v63  }
0x208: {  	_ =	swait.ge [sflag:s22], $0x80  }
0x209: {  	[sflag:s22] =	ssyncset.done $0x0  }
0x20a: {  	[sflag:s22] =	ssyncadd.s32 $0xFFFFFF80  }
0x20b: {  	[tilespmem:s19], [sflag:$0x1] =	stream.indirect.gather [hbm4b:s5+s28], $0x80, s13, s28, $0xb8;
	[tilespmem:$0x1EDC0] =	vst v63  }
0x20c: {  	_ =	swait.ge [sflag:s21], $0x4000  }
0x20d: {  	[sflag:s21] =	ssyncset.done $0x0  }
0x20e: {  	[sflag:s21] =	ssyncadd.s32 $0xFFFFC000  }
0x20f: {  	[spmem:s2] =	stream.indirect.scatter.add.f32 [tilespmem:s19], [sflag:$0x4], $0x80, s14, s28, $0xb8;
	[tilespmem:$0x1EDC0] =	vst v63  }
.Ltmp10:
0x210: {  	_ =	swait.ge [sflag:s22], $0x4000;
	(pc) =	sbr.rel .LBB2_34-.Ltmp10, $3  }
0x211: {  	[sflag:s22] =	ssyncset.done $0x0  }
0x212: {  	[sflag:s22] =	ssyncadd.s32 $0xFFFFC000  }
0x213: {  	[bflag:$0x0] =	sbarrier.arrive $0xFFFF;
	_ =	sdelay $0x1  }
.LBB2_2:
0x214: {  	s15 =	simm.s32 @p1 $0x1FC4;
	s16 =	rddreg [dreg:$0x17]  }
0x215: {  	[spmem:s14], [sflag:s15] =	dma.local @p1 [hbm:s16], $0x1900  }
0x216: {  	s14 =	simm.s32 @p1 $0x4  }
0x217: {  	_ =	swait.ge @p1 [sflag:s14], $0x1900  }
0x218: {  	[sflag:s14] =	ssyncset.done @p1 $0x0  }
0x219: {  	[sflag:s14] =	ssyncadd.s32 @p1 $0xFFFFE700;
	s14 =	rddreg [dreg:$0x10]  }
0x21a: {  	[spmem:s12], [sflag:s13] =	dma.local @!p1 [hbm:s14], $0x2800  }
0x21b: {  	s12 =	simm.s32 @!p1 $0x4  }
0x21c: {  	_ =	swait.ge @!p1 [sflag:s12], $0x2800  }
0x21d: {  	[sflag:s12] =	ssyncset.done @!p1 $0x0  }
0x21e: {  	[sflag:s12] =	ssyncadd.s32 @!p1 $0xFFFFD800  }
0x21f: {  	[bflag:$0x0] =	sbarrier.arrive $0xFFFF  }
0x220: {  	_ =	swait.ge [sflag:s23], $0xD00  }
0x221: {  	[sflag:s23] =	ssyncset.done $0x0  }
0x222: {  	[sflag:s23] =	ssyncadd.s32 $0xFFFFF300  }
0x223: {  	_ =	swait.ge [sflag:s23], $0xD00  }
0x224: {  	[sflag:s23] =	ssyncset.done $0x0  }
0x225: {  	s14 =	simm.s32 $0x0;
	s15 =	rddreg [dreg:$0x6];
	[sflag:s23] =	ssyncadd.s32 $0xFFFFF300  }
0x226: {  	[tilespmem:s25], [sflag:$0x3] =	stream.linear.gather [hbm4b:s15+s14], $0xD00, $0x38;
	[tilespmem:$0x1EDC0] =	vst v63  }
0x227: {  	s16 =	rddreg [dreg:$0x7]  }
0x228: {  	[tilespmem:s26], [sflag:$0x3] =	stream.linear.gather [hbm4b:s16+s14], $0xD00, $0x38;
	[tilespmem:$0x1EDC0] =	vst v63  }
0x229: {  	_ = 	snop  }
0x22a: {  	[tilespmem:s19], [sflag:$0x1] =	stream.indirect.gather [hbm4b:s1+s28], $0x80, s14, s28, $0xb8;
	[tilespmem:$0x1EDC0] =	vst v63  }
0x22b: {  	s13 =	simm.s32 $0x80  }
0x22c: {  	[tilespmem:s20], [sflag:$0x2] =	stream.indirect.gather [hbm4b:s1+s28], $0x80, s13, s28, $0xb8;
	[tilespmem:$0x1EDC0] =	vst v63  }
0x22d: {  	_ =	swait.ge [sflag:s21], $0x4000  }
0x22e: {  	[sflag:s21] =	ssyncset.done $0x0  }
0x22f: {  	s14 =	simm.s32 $0x1A00;
	[sflag:s21] =	ssyncadd.s32 $0xFFFFC000  }
0x230: {  	[spmem:s2] =	stream.indirect.scatter.add.f32 [tilespmem:s19], [sflag:$0x4], $0x80, s14, s28, $0xb8;
	[tilespmem:$0x1EDC0] =	vst v63  }
0x231: {  	_ =	swait.ge [sflag:s22], $0x4000  }
0x232: {  	[sflag:s22] =	ssyncset.done $0x0  }
0x233: {  	s15 =	simm.s32 $0x100;
	[sflag:s22] =	ssyncadd.s32 $0xFFFFC000  }
0x234: {  	[tilespmem:s19], [sflag:$0x1] =	stream.indirect.gather [hbm4b:s1+s28], $0x80, s15, s28, $0xb8;
	[tilespmem:$0x1EDC0] =	vst v63  }
0x235: {  	_ =	swait.ge [sflag:s24], $0x4000  }
0x236: {  	[sflag:s24] =	ssyncset.done $0x0  }
0x237: {  	s16 =	simm.s32 $0x1A80;
	[sflag:s24] =	ssyncadd.s32 $0xFFFFC000  }
0x238: {  	[spmem:s2] =	stream.indirect.scatter.add.f32 [tilespmem:s20], [sflag:$0x4], $0x80, s16, s28, $0xb8;
	[tilespmem:$0x1EDC0] =	vst v63  }
0x239: {  	_ =	swait.ge [sflag:s22], $0x4000  }
0x23a: {  	s12 =	simm.s32 $0x100;
	s13 =	simm.s32 $0x800;
	[sflag:s22] =	ssyncset.done $0x0  }
.LBB2_3:
0x23b: {  	s14 =	sadd.s32 $0x80, s12  }
0x23c: {  	[sflag:s22] =	ssyncadd.s32 $0xFFFFC000;
	s15 =	smov.u32 s13;
	s16 =	sadd.s32 $0x400, s13  }
0x23d: {  	[tilespmem:s20], [sflag:$0x2] =	stream.indirect.gather [hbm4b:s1+s28], $0x80, s14, s28, $0xb8;
	[tilespmem:$0x1EDC0] =	vst v63  }
0x23e: {  	p3 =	sne.s32 s13, $0x2C00;
	_ =	swait.ge [sflag:s21], $0x4000  }
0x23f: {  	[sflag:s21] =	ssyncset.done $0x0  }
0x240: {  	s13 =	sadd.s32 $0x1A00, s12;
	[sflag:s21] =	ssyncadd.s32 $0xFFFFC000  }
0x241: {  	[spmem:s2] =	stream.indirect.scatter.add.f32 [tilespmem:s19], [sflag:$0x4], $0x80, s13, s28, $0xb8;
	[tilespmem:$0x1EDC0] =	vst v63  }
0x242: {  	_ =	swait.ge [sflag:s22], $0x4000  }
0x243: {  	[sflag:s22] =	ssyncset.done $0x0  }
0x244: {  	s13 =	sadd.s32 $0x100, s12;
	[sflag:s22] =	ssyncadd.s32 $0xFFFFC000  }
0x245: {  	[tilespmem:s19], [sflag:$0x1] =	stream.indirect.gather [hbm4b:s1+s28], $0x80, s13, s28, $0xb8;
	[tilespmem:$0x1EDC0] =	vst v63  }
0x246: {  	_ =	swait.ge [sflag:s24], $0x4000  }
.Ltmp11:
0x247: {  	[sflag:s24] =	ssyncset.done $0x0;
	(pc) =	sbr.rel @p3 .LBB2_3-.Ltmp11, $4  }
0x248: {  	s12 =	sadd.s32 $0x1A80, s12;
	[sflag:s24] =	ssyncadd.s32 $0xFFFFC000  }
0x249: {  	[spmem:s2] =	stream.indirect.scatter.add.f32 [tilespmem:s20], [sflag:$0x4], $0x80, s12, s28, $0xb8;
	[tilespmem:$0x1EDC0] =	vst v63  }
0x24a: {  	_ =	swait.ge [sflag:s22], $0x4000  }
0x24b: {  	s13 =	smov.u32 s16;
	s12 =	sshra.s32 s15, $0x2;
	[sflag:s22] =	ssyncset.done $0x0  }
0x24c: {  	s13 =	sadd.s32 $0x80, s12;
	[sflag:s22] =	ssyncadd.s32 $0xFFFFC000  }
0x24d: {  	[tilespmem:s20], [sflag:$0x2] =	stream.indirect.gather [hbm4b:s1+s28], $0x80, s13, s28, $0xb8;
	[tilespmem:$0x1EDC0] =	vst v63  }
0x24e: {  	_ =	swait.ge [sflag:s21], $0x4000  }
0x24f: {  	[sflag:s21] =	ssyncset.done $0x0  }
0x250: {  	s15 =	sadd.s32 $0x1A00, s12;
	[sflag:s21] =	ssyncadd.s32 $0xFFFFC000  }
0x251: {  	[spmem:s2] =	stream.indirect.scatter.add.f32 [tilespmem:s19], [sflag:$0x4], $0x80, s15, s28, $0xb8;
	[tilespmem:$0x1EDC0] =	vst v63  }
0x252: {  	_ =	swait.ge [sflag:s22], $0x4000  }
0x253: {  	[sflag:s22] =	ssyncset.done $0x0  }
0x254: {  	s16 =	sadd.s32 $0x100, s12;
	[sflag:s22] =	ssyncadd.s32 $0xFFFFC000  }
0x255: {  	[tilespmem:s19], [sflag:$0x1] =	stream.indirect.gather [hbm4b:s1+s28], $0x80, s16, s28, $0xb8;
	[tilespmem:$0x1EDC0] =	vst v63  }
0x256: {  	_ =	swait.ge [sflag:s24], $0x4000  }
0x257: {  	[sflag:s24] =	ssyncset.done $0x0  }
0x258: {  	s13 =	sadd.s32 $0x1A80, s12;
	[sflag:s24] =	ssyncadd.s32 $0xFFFFC000  }
0x259: {  	[spmem:s2] =	stream.indirect.scatter.add.f32 [tilespmem:s20], [sflag:$0x4], $0x80, s13, s28, $0xb8;
	[tilespmem:$0x1EDC0] =	vst v63  }
0x25a: {  	_ =	swait.ge [sflag:s22], $0x4000  }
0x25b: {  	[sflag:s22] =	ssyncset.done $0x0  }
0x25c: {  	[sflag:s22] =	ssyncadd.s32 $0xFFFFC000  }
0x25d: {  	[tilespmem:s20], [sflag:$0x2] =	stream.indirect.gather [hbm4b:s1+s28], $0x80, s31, s28, $0xb8;
	[tilespmem:$0x1EDC0] =	vst v63  }
0x25e: {  	_ =	swait.ge [sflag:s21], $0x4000  }
0x25f: {  	[sflag:s21] =	ssyncset.done $0x0  }
0x260: {  	[sflag:s21] =	ssyncadd.s32 $0xFFFFC000  }
0x261: {  	[spmem:s2] =	stream.indirect.scatter.add.f32 [tilespmem:s19], [sflag:$0x4], $0x80, s3, s28, $0xb8;
	[tilespmem:$0x1EDC0] =	vst v63  }
0x262: {  	_ =	swait.ge [sflag:s22], $0x4000  }
0x263: {  	[sflag:s22] =	ssyncset.done $0x0  }
0x264: {  	[sflag:s22] =	ssyncadd.s32 $0xFFFFC000  }
0x265: {  	_ =	swait.ge [sflag:s24], $0x4000  }
0x266: {  	[sflag:s24] =	ssyncset.done $0x0  }
0x267: {  	[sflag:s24] =	ssyncadd.s32 $0xFFFFC000  }
0x268: {  	[spmem:s2] =	stream.indirect.scatter.add.f32 [tilespmem:s20], [sflag:$0x4], $0x80, s6, s28, $0xb8;
	[tilespmem:$0x1EDC0] =	vst v63  }
0x269: {  	_ =	swait.ge [sflag:s22], $0x4000  }
0x26a: {  	[sflag:s22] =	ssyncset.done $0x0  }
0x26b: {  	[sflag:s22] =	ssyncadd.s32 $0xFFFFC000  }
0x26c: {  	_ =	swait.ge [sflag:s23], $0xD00  }
0x26d: {  	[sflag:s23] =	ssyncset.done $0x0  }
0x26e: {  	[sflag:s23] =	ssyncadd.s32 $0xFFFFF300  }
0x26f: {  	_ =	swait.ge [sflag:s23], $0xD00  }
0x270: {  	[sflag:s23] =	ssyncset.done $0x0  }
0x271: {  	s14 =	simm.s32 $0x0;
	s15 =	rddreg [dreg:$0x8];
	[sflag:s23] =	ssyncadd.s32 $0xFFFFF300  }
0x272: {  	[tilespmem:s14], [sflag:$0x3] =	stream.linear.gather [hbm4b:s15+s14], $0xD00, $0x38;
	[tilespmem:$0x1EDC0] =	vst v63  }
0x273: {  	s16 =	rddreg [dreg:$0x9]  }
0x274: {  	[tilespmem:s0], [sflag:$0x3] =	stream.linear.gather [hbm4b:s16+s14], $0xD00, $0x38;
	[tilespmem:$0x1EDC0] =	vst v63  }
0x275: {  	_ = 	snop  }
0x276: {  	[tilespmem:s19], [sflag:$0x1] =	stream.indirect.gather [hbm4b:s1+s28], $0x80, s25, s28, $0xb8;
	[tilespmem:$0x1EDC0] =	vst v63  }
0x277: {  	s13 =	simm.s32 $0xD80  }
0x278: {  	[tilespmem:s20], [sflag:$0x2] =	stream.indirect.gather [hbm4b:s1+s28], $0x80, s13, s28, $0xb8;
	[tilespmem:$0x1EDC0] =	vst v63  }
0x279: {  	_ =	swait.ge [sflag:s21], $0x4000  }
0x27a: {  	[sflag:s21] =	ssyncset.done $0x0  }
0x27b: {  	s14 =	simm.s32 $0x2700;
	[sflag:s21] =	ssyncadd.s32 $0xFFFFC000  }
0x27c: {  	[spmem:s2] =	stream.indirect.scatter.add.f32 [tilespmem:s19], [sflag:$0x4], $0x80, s14, s28, $0xb8;
	[tilespmem:$0x1EDC0] =	vst v63  }
0x27d: {  	_ =	swait.ge [sflag:s22], $0x4000  }
0x27e: {  	[sflag:s22] =	ssyncset.done $0x0  }
0x27f: {  	s15 =	simm.s32 $0xE00;
	[sflag:s22] =	ssyncadd.s32 $0xFFFFC000  }
0x280: {  	[tilespmem:s19], [sflag:$0x1] =	stream.indirect.gather [hbm4b:s1+s28], $0x80, s15, s28, $0xb8;
	[tilespmem:$0x1EDC0] =	vst v63  }
0x281: {  	_ =	swait.ge [sflag:s24], $0x4000  }
0x282: {  	[sflag:s24] =	ssyncset.done $0x0  }
0x283: {  	s16 =	simm.s32 $0x2780;
	[sflag:s24] =	ssyncadd.s32 $0xFFFFC000  }
0x284: {  	[spmem:s2] =	stream.indirect.scatter.add.f32 [tilespmem:s20], [sflag:$0x4], $0x80, s16, s28, $0xb8;
	[tilespmem:$0x1EDC0] =	vst v63  }
0x285: {  	_ =	swait.ge [sflag:s22], $0x4000  }
0x286: {  	s12 =	simm.s32 $0x100;
	s13 =	simm.s32 $0x800;
	[sflag:s22] =	ssyncset.done $0x0  }
.LBB2_5:
0x287: {  	s14 =	sadd.s32 $0xD80, s12  }
0x288: {  	[sflag:s22] =	ssyncadd.s32 $0xFFFFC000;
	s15 =	smov.u32 s13;
	s16 =	sadd.s32 $0x400, s13  }
0x289: {  	[tilespmem:s20], [sflag:$0x2] =	stream.indirect.gather [hbm4b:s1+s28], $0x80, s14, s28, $0xb8;
	[tilespmem:$0x1EDC0] =	vst v63  }
0x28a: {  	p3 =	sne.s32 s13, $0x2C00;
	_ =	swait.ge [sflag:s21], $0x4000  }
0x28b: {  	[sflag:s21] =	ssyncset.done $0x0  }
0x28c: {  	s13 =	sadd.s32 $0x2700, s12;
	[sflag:s21] =	ssyncadd.s32 $0xFFFFC000  }
0x28d: {  	[spmem:s2] =	stream.indirect.scatter.add.f32 [tilespmem:s19], [sflag:$0x4], $0x80, s13, s28, $0xb8;
	[tilespmem:$0x1EDC0] =	vst v63  }
0x28e: {  	_ =	swait.ge [sflag:s22], $0x4000  }
0x28f: {  	[sflag:s22] =	ssyncset.done $0x0  }
0x290: {  	s13 =	sadd.s32 $0xE00, s12;
	[sflag:s22] =	ssyncadd.s32 $0xFFFFC000  }
0x291: {  	[tilespmem:s19], [sflag:$0x1] =	stream.indirect.gather [hbm4b:s1+s28], $0x80, s13, s28, $0xb8;
	[tilespmem:$0x1EDC0] =	vst v63  }
0x292: {  	_ =	swait.ge [sflag:s24], $0x4000  }
.Ltmp12:
0x293: {  	[sflag:s24] =	ssyncset.done $0x0;
	(pc) =	sbr.rel @p3 .LBB2_5-.Ltmp12, $4  }
0x294: {  	s12 =	sadd.s32 $0x2780, s12;
	[sflag:s24] =	ssyncadd.s32 $0xFFFFC000  }
0x295: {  	[spmem:s2] =	stream.indirect.scatter.add.f32 [tilespmem:s20], [sflag:$0x4], $0x80, s12, s28, $0xb8;
	[tilespmem:$0x1EDC0] =	vst v63  }
0x296: {  	_ =	swait.ge [sflag:s22], $0x4000  }
0x297: {  	s13 =	smov.u32 s16;
	s12 =	sshra.s32 s15, $0x2;
	[sflag:s22] =	ssyncset.done $0x0  }
0x298: {  	s13 =	sadd.s32 $0xD80, s12;
	[sflag:s22] =	ssyncadd.s32 $0xFFFFC000  }
0x299: {  	[tilespmem:s20], [sflag:$0x2] =	stream.indirect.gather [hbm4b:s1+s28], $0x80, s13, s28, $0xb8;
	[tilespmem:$0x1EDC0] =	vst v63  }
0x29a: {  	_ =	swait.ge [sflag:s21], $0x4000  }
0x29b: {  	[sflag:s21] =	ssyncset.done $0x0  }
0x29c: {  	s15 =	sadd.s32 $0x2700, s12;
	[sflag:s21] =	ssyncadd.s32 $0xFFFFC000  }
0x29d: {  	[spmem:s2] =	stream.indirect.scatter.add.f32 [tilespmem:s19], [sflag:$0x4], $0x80, s15, s28, $0xb8;
	[tilespmem:$0x1EDC0] =	vst v63  }
0x29e: {  	_ =	swait.ge [sflag:s22], $0x4000  }
0x29f: {  	[sflag:s22] =	ssyncset.done $0x0  }
0x2a0: {  	s16 =	sadd.s32 $0xE00, s12;
	[sflag:s22] =	ssyncadd.s32 $0xFFFFC000  }
0x2a1: {  	[tilespmem:s19], [sflag:$0x1] =	stream.indirect.gather [hbm4b:s1+s28], $0x80, s16, s28, $0xb8;
	[tilespmem:$0x1EDC0] =	vst v63  }
0x2a2: {  	_ =	swait.ge [sflag:s24], $0x4000  }
0x2a3: {  	[sflag:s24] =	ssyncset.done $0x0  }
0x2a4: {  	s13 =	sadd.s32 $0x2780, s12;
	[sflag:s24] =	ssyncadd.s32 $0xFFFFC000  }
0x2a5: {  	[spmem:s2] =	stream.indirect.scatter.add.f32 [tilespmem:s20], [sflag:$0x4], $0x80, s13, s28, $0xb8;
	[tilespmem:$0x1EDC0] =	vst v63  }
0x2a6: {  	_ =	swait.ge [sflag:s22], $0x4000  }
0x2a7: {  	[sflag:s22] =	ssyncset.done $0x0  }
0x2a8: {  	[sflag:s22] =	ssyncadd.s32 $0xFFFFC000  }
0x2a9: {  	[tilespmem:s20], [sflag:$0x2] =	stream.indirect.gather [hbm4b:s1+s28], $0x80, s7, s28, $0xb8;
	[tilespmem:$0x1EDC0] =	vst v63  }
0x2aa: {  	_ =	swait.ge [sflag:s21], $0x4000  }
0x2ab: {  	[sflag:s21] =	ssyncset.done $0x0  }
0x2ac: {  	[sflag:s21] =	ssyncadd.s32 $0xFFFFC000  }
0x2ad: {  	[spmem:s2] =	stream.indirect.scatter.add.f32 [tilespmem:s19], [sflag:$0x4], $0x80, s9, s28, $0xb8;
	[tilespmem:$0x1EDC0] =	vst v63  }
0x2ae: {  	_ =	swait.ge [sflag:s22], $0x4000  }
0x2af: {  	[sflag:s22] =	ssyncset.done $0x0  }
0x2b0: {  	[sflag:s22] =	ssyncadd.s32 $0xFFFFC000  }
0x2b1: {  	_ =	swait.ge [sflag:s24], $0x4000  }
0x2b2: {  	[sflag:s24] =	ssyncset.done $0x0  }
0x2b3: {  	[sflag:s24] =	ssyncadd.s32 $0xFFFFC000  }
0x2b4: {  	[spmem:s2] =	stream.indirect.scatter.add.f32 [tilespmem:s20], [sflag:$0x4], $0x80, s10, s28, $0xb8;
	[tilespmem:$0x1EDC0] =	vst v63  }
0x2b5: {  	_ =	swait.ge [sflag:s22], $0x4000  }
0x2b6: {  	[sflag:s22] =	ssyncset.done $0x0  }
0x2b7: {  	[sflag:s22] =	ssyncadd.s32 $0xFFFFC000  }
0x2b8: {  	_ =	swait.ge [sflag:s23], $0xD00  }
0x2b9: {  	[sflag:s23] =	ssyncset.done $0x0  }
0x2ba: {  	[sflag:s23] =	ssyncadd.s32 $0xFFFFF300  }
0x2bb: {  	_ =	swait.ge [sflag:s23], $0xD00  }
0x2bc: {  	[sflag:s23] =	ssyncset.done $0x0  }
0x2bd: {  	s14 =	simm.s32 $0x0;
	s15 =	rddreg [dreg:$0xa];
	[sflag:s23] =	ssyncadd.s32 $0xFFFFF300  }
0x2be: {  	[tilespmem:s25], [sflag:$0x3] =	stream.linear.gather [hbm4b:s15+s14], $0xD00, $0x38;
	[tilespmem:$0x1EDC0] =	vst v63  }
0x2bf: {  	s16 =	rddreg [dreg:$0xb]  }
0x2c0: {  	[tilespmem:s26], [sflag:$0x3] =	stream.linear.gather [hbm4b:s16+s14], $0xD00, $0x38;
	[tilespmem:$0x1EDC0] =	vst v63  }
0x2c1: {  	_ = 	snop  }
0x2c2: {  	[tilespmem:s19], [sflag:$0x1] =	stream.indirect.gather [hbm4b:s1+s28], $0x80, s14, s28, $0xb8;
	[tilespmem:$0x1EDC0] =	vst v63  }
0x2c3: {  	s13 =	simm.s32 $0x80  }
0x2c4: {  	[tilespmem:s20], [sflag:$0x2] =	stream.indirect.gather [hbm4b:s1+s28], $0x80, s13, s28, $0xb8;
	[tilespmem:$0x1EDC0] =	vst v63  }
0x2c5: {  	_ =	swait.ge [sflag:s21], $0x4000  }
0x2c6: {  	[sflag:s21] =	ssyncset.done $0x0  }
0x2c7: {  	s14 =	simm.s32 $0x1A00;
	[sflag:s21] =	ssyncadd.s32 $0xFFFFC000  }
0x2c8: {  	[spmem:s2] =	stream.indirect.scatter.add.f32 [tilespmem:s19], [sflag:$0x4], $0x80, s14, s28, $0xb8;
	[tilespmem:$0x1EDC0] =	vst v63  }
0x2c9: {  	_ =	swait.ge [sflag:s22], $0x4000  }
0x2ca: {  	[sflag:s22] =	ssyncset.done $0x0  }
0x2cb: {  	s15 =	simm.s32 $0x100;
	[sflag:s22] =	ssyncadd.s32 $0xFFFFC000  }
0x2cc: {  	[tilespmem:s19], [sflag:$0x1] =	stream.indirect.gather [hbm4b:s1+s28], $0x80, s15, s28, $0xb8;
	[tilespmem:$0x1EDC0] =	vst v63  }
0x2cd: {  	_ =	swait.ge [sflag:s24], $0x4000  }
0x2ce: {  	[sflag:s24] =	ssyncset.done $0x0  }
0x2cf: {  	s16 =	simm.s32 $0x1A80;
	[sflag:s24] =	ssyncadd.s32 $0xFFFFC000  }
0x2d0: {  	[spmem:s2] =	stream.indirect.scatter.add.f32 [tilespmem:s20], [sflag:$0x4], $0x80, s16, s28, $0xb8;
	[tilespmem:$0x1EDC0] =	vst v63  }
0x2d1: {  	_ =	swait.ge [sflag:s22], $0x4000  }
0x2d2: {  	s12 =	simm.s32 $0x100;
	s13 =	simm.s32 $0x800;
	[sflag:s22] =	ssyncset.done $0x0  }
.LBB2_7:
0x2d3: {  	s14 =	sadd.s32 $0x80, s12  }
0x2d4: {  	[sflag:s22] =	ssyncadd.s32 $0xFFFFC000;
	s15 =	smov.u32 s13;
	s16 =	sadd.s32 $0x400, s13  }
0x2d5: {  	[tilespmem:s20], [sflag:$0x2] =	stream.indirect.gather [hbm4b:s1+s28], $0x80, s14, s28, $0xb8;
	[tilespmem:$0x1EDC0] =	vst v63  }
0x2d6: {  	p3 =	sne.s32 s13, $0x2C00;
	_ =	swait.ge [sflag:s21], $0x4000  }
0x2d7: {  	[sflag:s21] =	ssyncset.done $0x0  }
0x2d8: {  	s13 =	sadd.s32 $0x1A00, s12;
	[sflag:s21] =	ssyncadd.s32 $0xFFFFC000  }
0x2d9: {  	[spmem:s2] =	stream.indirect.scatter.add.f32 [tilespmem:s19], [sflag:$0x4], $0x80, s13, s28, $0xb8;
	[tilespmem:$0x1EDC0] =	vst v63  }
0x2da: {  	_ =	swait.ge [sflag:s22], $0x4000  }
0x2db: {  	[sflag:s22] =	ssyncset.done $0x0  }
0x2dc: {  	s13 =	sadd.s32 $0x100, s12;
	[sflag:s22] =	ssyncadd.s32 $0xFFFFC000  }
0x2dd: {  	[tilespmem:s19], [sflag:$0x1] =	stream.indirect.gather [hbm4b:s1+s28], $0x80, s13, s28, $0xb8;
	[tilespmem:$0x1EDC0] =	vst v63  }
0x2de: {  	_ =	swait.ge [sflag:s24], $0x4000  }
.Ltmp13:
0x2df: {  	[sflag:s24] =	ssyncset.done $0x0;
	(pc) =	sbr.rel @p3 .LBB2_7-.Ltmp13, $4  }
0x2e0: {  	s12 =	sadd.s32 $0x1A80, s12;
	[sflag:s24] =	ssyncadd.s32 $0xFFFFC000  }
0x2e1: {  	[spmem:s2] =	stream.indirect.scatter.add.f32 [tilespmem:s20], [sflag:$0x4], $0x80, s12, s28, $0xb8;
	[tilespmem:$0x1EDC0] =	vst v63  }
0x2e2: {  	_ =	swait.ge [sflag:s22], $0x4000  }
0x2e3: {  	s13 =	smov.u32 s16;
	s12 =	sshra.s32 s15, $0x2;
	[sflag:s22] =	ssyncset.done $0x0  }
0x2e4: {  	s13 =	sadd.s32 $0x80, s12;
	[sflag:s22] =	ssyncadd.s32 $0xFFFFC000  }
0x2e5: {  	[tilespmem:s20], [sflag:$0x2] =	stream.indirect.gather [hbm4b:s1+s28], $0x80, s13, s28, $0xb8;
	[tilespmem:$0x1EDC0] =	vst v63  }
0x2e6: {  	_ =	swait.ge [sflag:s21], $0x4000  }
0x2e7: {  	[sflag:s21] =	ssyncset.done $0x0  }
0x2e8: {  	s15 =	sadd.s32 $0x1A00, s12;
	[sflag:s21] =	ssyncadd.s32 $0xFFFFC000  }
0x2e9: {  	[spmem:s2] =	stream.indirect.scatter.add.f32 [tilespmem:s19], [sflag:$0x4], $0x80, s15, s28, $0xb8;
	[tilespmem:$0x1EDC0] =	vst v63  }
0x2ea: {  	_ =	swait.ge [sflag:s22], $0x4000  }
0x2eb: {  	[sflag:s22] =	ssyncset.done $0x0  }
0x2ec: {  	s16 =	sadd.s32 $0x100, s12;
	[sflag:s22] =	ssyncadd.s32 $0xFFFFC000  }
0x2ed: {  	[tilespmem:s19], [sflag:$0x1] =	stream.indirect.gather [hbm4b:s1+s28], $0x80, s16, s28, $0xb8;
	[tilespmem:$0x1EDC0] =	vst v63  }
0x2ee: {  	_ =	swait.ge [sflag:s24], $0x4000  }
0x2ef: {  	[sflag:s24] =	ssyncset.done $0x0  }
0x2f0: {  	s13 =	sadd.s32 $0x1A80, s12;
	[sflag:s24] =	ssyncadd.s32 $0xFFFFC000  }
0x2f1: {  	[spmem:s2] =	stream.indirect.scatter.add.f32 [tilespmem:s20], [sflag:$0x4], $0x80, s13, s28, $0xb8;
	[tilespmem:$0x1EDC0] =	vst v63  }
0x2f2: {  	_ =	swait.ge [sflag:s22], $0x4000  }
0x2f3: {  	[sflag:s22] =	ssyncset.done $0x0  }
0x2f4: {  	[sflag:s22] =	ssyncadd.s32 $0xFFFFC000  }
0x2f5: {  	[tilespmem:s20], [sflag:$0x2] =	stream.indirect.gather [hbm4b:s1+s28], $0x80, s31, s28, $0xb8;
	[tilespmem:$0x1EDC0] =	vst v63  }
0x2f6: {  	_ =	swait.ge [sflag:s21], $0x4000  }
0x2f7: {  	[sflag:s21] =	ssyncset.done $0x0  }
0x2f8: {  	[sflag:s21] =	ssyncadd.s32 $0xFFFFC000  }
0x2f9: {  	[spmem:s2] =	stream.indirect.scatter.add.f32 [tilespmem:s19], [sflag:$0x4], $0x80, s3, s28, $0xb8;
	[tilespmem:$0x1EDC0] =	vst v63  }
0x2fa: {  	_ =	swait.ge [sflag:s22], $0x4000  }
0x2fb: {  	[sflag:s22] =	ssyncset.done $0x0  }
0x2fc: {  	[sflag:s22] =	ssyncadd.s32 $0xFFFFC000  }
0x2fd: {  	_ =	swait.ge [sflag:s24], $0x4000  }
0x2fe: {  	[sflag:s24] =	ssyncset.done $0x0  }
0x2ff: {  	[sflag:s24] =	ssyncadd.s32 $0xFFFFC000  }
0x300: {  	[spmem:s2] =	stream.indirect.scatter.add.f32 [tilespmem:s20], [sflag:$0x4], $0x80, s6, s28, $0xb8;
	[tilespmem:$0x1EDC0] =	vst v63  }
0x301: {  	_ =	swait.ge [sflag:s22], $0x4000  }
0x302: {  	[sflag:s22] =	ssyncset.done $0x0  }
0x303: {  	[sflag:s22] =	ssyncadd.s32 $0xFFFFC000  }
0x304: {  	_ =	swait.ge [sflag:s23], $0xD00  }
0x305: {  	[sflag:s23] =	ssyncset.done $0x0  }
0x306: {  	[sflag:s23] =	ssyncadd.s32 $0xFFFFF300  }
0x307: {  	_ =	swait.ge [sflag:s23], $0xD00  }
0x308: {  	[sflag:s23] =	ssyncset.done $0x0  }
0x309: {  	s14 =	simm.s32 $0x0;
	s15 =	rddreg [dreg:$0xc];
	[sflag:s23] =	ssyncadd.s32 $0xFFFFF300  }
0x30a: {  	[tilespmem:s14], [sflag:$0x3] =	stream.linear.gather [hbm4b:s15+s14], $0xD00, $0x38;
	[tilespmem:$0x1EDC0] =	vst v63  }
0x30b: {  	s16 =	rddreg [dreg:$0xd]  }
0x30c: {  	[tilespmem:s0], [sflag:$0x3] =	stream.linear.gather [hbm4b:s16+s14], $0xD00, $0x38;
	[tilespmem:$0x1EDC0] =	vst v63  }
0x30d: {  	_ = 	snop  }
0x30e: {  	[tilespmem:s19], [sflag:$0x1] =	stream.indirect.gather [hbm4b:s1+s28], $0x80, s25, s28, $0xb8;
	[tilespmem:$0x1EDC0] =	vst v63  }
0x30f: {  	s13 =	simm.s32 $0xD80  }
0x310: {  	[tilespmem:s20], [sflag:$0x2] =	stream.indirect.gather [hbm4b:s1+s28], $0x80, s13, s28, $0xb8;
	[tilespmem:$0x1EDC0] =	vst v63  }
0x311: {  	_ =	swait.ge [sflag:s21], $0x4000  }
0x312: {  	[sflag:s21] =	ssyncset.done $0x0  }
0x313: {  	s14 =	simm.s32 $0x2700;
	[sflag:s21] =	ssyncadd.s32 $0xFFFFC000  }
0x314: {  	[spmem:s2] =	stream.indirect.scatter.add.f32 [tilespmem:s19], [sflag:$0x4], $0x80, s14, s28, $0xb8;
	[tilespmem:$0x1EDC0] =	vst v63  }
0x315: {  	_ =	swait.ge [sflag:s22], $0x4000  }
0x316: {  	[sflag:s22] =	ssyncset.done $0x0  }
0x317: {  	s15 =	simm.s32 $0xE00;
	[sflag:s22] =	ssyncadd.s32 $0xFFFFC000  }
0x318: {  	[tilespmem:s19], [sflag:$0x1] =	stream.indirect.gather [hbm4b:s1+s28], $0x80, s15, s28, $0xb8;
	[tilespmem:$0x1EDC0] =	vst v63  }
0x319: {  	_ =	swait.ge [sflag:s24], $0x4000  }
0x31a: {  	[sflag:s24] =	ssyncset.done $0x0  }
0x31b: {  	s16 =	simm.s32 $0x2780;
	[sflag:s24] =	ssyncadd.s32 $0xFFFFC000  }
0x31c: {  	[spmem:s2] =	stream.indirect.scatter.add.f32 [tilespmem:s20], [sflag:$0x4], $0x80, s16, s28, $0xb8;
	[tilespmem:$0x1EDC0] =	vst v63  }
0x31d: {  	_ =	swait.ge [sflag:s22], $0x4000  }
0x31e: {  	s12 =	simm.s32 $0x100;
	s13 =	simm.s32 $0x800;
	[sflag:s22] =	ssyncset.done $0x0  }
.LBB2_9:
0x31f: {  	s14 =	sadd.s32 $0xD80, s12  }
0x320: {  	[sflag:s22] =	ssyncadd.s32 $0xFFFFC000;
	s15 =	smov.u32 s13;
	s16 =	sadd.s32 $0x400, s13  }
0x321: {  	[tilespmem:s20], [sflag:$0x2] =	stream.indirect.gather [hbm4b:s1+s28], $0x80, s14, s28, $0xb8;
	[tilespmem:$0x1EDC0] =	vst v63  }
0x322: {  	p3 =	sne.s32 s13, $0x2C00;
	_ =	swait.ge [sflag:s21], $0x4000  }
0x323: {  	[sflag:s21] =	ssyncset.done $0x0  }
0x324: {  	s13 =	sadd.s32 $0x2700, s12;
	[sflag:s21] =	ssyncadd.s32 $0xFFFFC000  }
0x325: {  	[spmem:s2] =	stream.indirect.scatter.add.f32 [tilespmem:s19], [sflag:$0x4], $0x80, s13, s28, $0xb8;
	[tilespmem:$0x1EDC0] =	vst v63  }
0x326: {  	_ =	swait.ge [sflag:s22], $0x4000  }
0x327: {  	[sflag:s22] =	ssyncset.done $0x0  }
0x328: {  	s13 =	sadd.s32 $0xE00, s12;
	[sflag:s22] =	ssyncadd.s32 $0xFFFFC000  }
0x329: {  	[tilespmem:s19], [sflag:$0x1] =	stream.indirect.gather [hbm4b:s1+s28], $0x80, s13, s28, $0xb8;
	[tilespmem:$0x1EDC0] =	vst v63  }
0x32a: {  	_ =	swait.ge [sflag:s24], $0x4000  }
.Ltmp14:
0x32b: {  	[sflag:s24] =	ssyncset.done $0x0;
	(pc) =	sbr.rel @p3 .LBB2_9-.Ltmp14, $4  }
0x32c: {  	s12 =	sadd.s32 $0x2780, s12;
	[sflag:s24] =	ssyncadd.s32 $0xFFFFC000  }
0x32d: {  	[spmem:s2] =	stream.indirect.scatter.add.f32 [tilespmem:s20], [sflag:$0x4], $0x80, s12, s28, $0xb8;
	[tilespmem:$0x1EDC0] =	vst v63  }
0x32e: {  	_ =	swait.ge [sflag:s22], $0x4000  }
0x32f: {  	s13 =	smov.u32 s16;
	s12 =	sshra.s32 s15, $0x2;
	[sflag:s22] =	ssyncset.done $0x0  }
0x330: {  	s13 =	sadd.s32 $0xD80, s12;
	[sflag:s22] =	ssyncadd.s32 $0xFFFFC000  }
0x331: {  	[tilespmem:s20], [sflag:$0x2] =	stream.indirect.gather [hbm4b:s1+s28], $0x80, s13, s28, $0xb8;
	[tilespmem:$0x1EDC0] =	vst v63  }
0x332: {  	_ =	swait.ge [sflag:s21], $0x4000  }
0x333: {  	[sflag:s21] =	ssyncset.done $0x0  }
0x334: {  	s16 =	sadd.s32 $0x2700, s12;
	[sflag:s21] =	ssyncadd.s32 $0xFFFFC000  }
0x335: {  	[spmem:s2] =	stream.indirect.scatter.add.f32 [tilespmem:s19], [sflag:$0x4], $0x80, s16, s28, $0xb8;
	[tilespmem:$0x1EDC0] =	vst v63  }
0x336: {  	_ =	swait.ge [sflag:s22], $0x4000  }
0x337: {  	[sflag:s22] =	ssyncset.done $0x0  }
0x338: {  	s14 =	sadd.s32 $0xE00, s12;
	[sflag:s22] =	ssyncadd.s32 $0xFFFFC000  }
0x339: {  	[tilespmem:s19], [sflag:$0x1] =	stream.indirect.gather [hbm4b:s1+s28], $0x80, s14, s28, $0xb8;
	[tilespmem:$0x1EDC0] =	vst v63  }
0x33a: {  	_ =	swait.ge [sflag:s24], $0x4000  }
0x33b: {  	[sflag:s24] =	ssyncset.done $0x0  }
0x33c: {  	s15 =	sadd.s32 $0x2780, s12;
	[sflag:s24] =	ssyncadd.s32 $0xFFFFC000  }
0x33d: {  	[spmem:s2] =	stream.indirect.scatter.add.f32 [tilespmem:s20], [sflag:$0x4], $0x80, s15, s28, $0xb8;
	[tilespmem:$0x1EDC0] =	vst v63  }
0x33e: {  	_ =	swait.ge [sflag:s22], $0x4000  }
0x33f: {  	[sflag:s22] =	ssyncset.done $0x0  }
0x340: {  	[sflag:s22] =	ssyncadd.s32 $0xFFFFC000  }
0x341: {  	[tilespmem:s20], [sflag:$0x2] =	stream.indirect.gather [hbm4b:s1+s28], $0x80, s7, s28, $0xb8;
	[tilespmem:$0x1EDC0] =	vst v63  }
0x342: {  	_ =	swait.ge [sflag:s21], $0x4000  }
0x343: {  	[sflag:s21] =	ssyncset.done $0x0  }
0x344: {  	[sflag:s21] =	ssyncadd.s32 $0xFFFFC000  }
0x345: {  	[spmem:s2] =	stream.indirect.scatter.add.f32 [tilespmem:s19], [sflag:$0x4], $0x80, s9, s28, $0xb8;
	[tilespmem:$0x1EDC0] =	vst v63  }
0x346: {  	_ =	swait.ge [sflag:s22], $0x4000  }
0x347: {  	[sflag:s22] =	ssyncset.done $0x0  }
0x348: {  	[sflag:s22] =	ssyncadd.s32 $0xFFFFC000  }
0x349: {  	_ =	swait.ge [sflag:s24], $0x4000  }
0x34a: {  	[sflag:s24] =	ssyncset.done $0x0  }
0x34b: {  	[sflag:s24] =	ssyncadd.s32 $0xFFFFC000  }
0x34c: {  	[spmem:s2] =	stream.indirect.scatter.add.f32 [tilespmem:s20], [sflag:$0x4], $0x80, s10, s28, $0xb8;
	[tilespmem:$0x1EDC0] =	vst v63  }
0x34d: {  	_ =	swait.ge [sflag:s22], $0x4000  }
0x34e: {  	[sflag:s22] =	ssyncset.done $0x0  }
0x34f: {  	[sflag:s22] =	ssyncadd.s32 $0xFFFFC000  }
0x350: {  	_ =	swait.ge [sflag:s23], $0xD00  }
0x351: {  	[sflag:s23] =	ssyncset.done $0x0  }
0x352: {  	[sflag:s23] =	ssyncadd.s32 $0xFFFFF300  }
0x353: {  	_ =	swait.ge [sflag:s23], $0xD00  }
0x354: {  	[sflag:s23] =	ssyncset.done $0x0  }
0x355: {  	s16 =	simm.s32 $0x0;
	[sflag:s23] =	ssyncadd.s32 $0xFFFFF300  }
0x356: {  	[tilespmem:s25], [sflag:$0x3] =	stream.linear.gather [hbm4b:s17+s16], $0xD00, $0x38;
	[tilespmem:$0x1EDC0] =	vst v63  }
0x357: {  	_ = 	snop  }
0x358: {  	[tilespmem:s26], [sflag:$0x3] =	stream.linear.gather [hbm4b:s18+s16], $0xD00, $0x38;
	[tilespmem:$0x1EDC0] =	vst v63  }
0x359: {  	_ = 	snop  }
0x35a: {  	[tilespmem:s19], [sflag:$0x1] =	stream.indirect.gather [hbm4b:s1+s28], $0x80, s16, s28, $0xb8;
	[tilespmem:$0x1EDC0] =	vst v63  }
0x35b: {  	s13 =	simm.s32 $0x80  }
0x35c: {  	[tilespmem:s20], [sflag:$0x2] =	stream.indirect.gather [hbm4b:s1+s28], $0x80, s13, s28, $0xb8;
	[tilespmem:$0x1EDC0] =	vst v63  }
0x35d: {  	_ =	swait.ge [sflag:s21], $0x4000  }
0x35e: {  	[sflag:s21] =	ssyncset.done $0x0  }
0x35f: {  	s14 =	simm.s32 $0x1A00;
	[sflag:s21] =	ssyncadd.s32 $0xFFFFC000  }
0x360: {  	[spmem:s2] =	stream.indirect.scatter.add.f32 [tilespmem:s19], [sflag:$0x4], $0x80, s14, s28, $0xb8;
	[tilespmem:$0x1EDC0] =	vst v63  }
0x361: {  	_ =	swait.ge [sflag:s22], $0x4000  }
0x362: {  	[sflag:s22] =	ssyncset.done $0x0  }
0x363: {  	s15 =	simm.s32 $0x100;
	[sflag:s22] =	ssyncadd.s32 $0xFFFFC000  }
0x364: {  	[tilespmem:s19], [sflag:$0x1] =	stream.indirect.gather [hbm4b:s1+s28], $0x80, s15, s28, $0xb8;
	[tilespmem:$0x1EDC0] =	vst v63  }
0x365: {  	_ =	swait.ge [sflag:s24], $0x4000  }
0x366: {  	[sflag:s24] =	ssyncset.done $0x0  }
0x367: {  	s16 =	simm.s32 $0x1A80;
	[sflag:s24] =	ssyncadd.s32 $0xFFFFC000  }
0x368: {  	[spmem:s2] =	stream.indirect.scatter.add.f32 [tilespmem:s20], [sflag:$0x4], $0x80, s16, s28, $0xb8;
	[tilespmem:$0x1EDC0] =	vst v63  }
0x369: {  	_ =	swait.ge [sflag:s22], $0x4000  }
0x36a: {  	s12 =	simm.s32 $0x100;
	s13 =	simm.s32 $0x800;
	[sflag:s22] =	ssyncset.done $0x0  }
.LBB2_11:
0x36b: {  	s14 =	sadd.s32 $0x80, s12  }
0x36c: {  	[sflag:s22] =	ssyncadd.s32 $0xFFFFC000;
	s15 =	smov.u32 s13;
	s16 =	sadd.s32 $0x400, s13  }
0x36d: {  	[tilespmem:s20], [sflag:$0x2] =	stream.indirect.gather [hbm4b:s1+s28], $0x80, s14, s28, $0xb8;
	[tilespmem:$0x1EDC0] =	vst v63  }
0x36e: {  	p3 =	sne.s32 s13, $0x2C00;
	_ =	swait.ge [sflag:s21], $0x4000  }
0x36f: {  	[sflag:s21] =	ssyncset.done $0x0  }
0x370: {  	s13 =	sadd.s32 $0x1A00, s12;
	[sflag:s21] =	ssyncadd.s32 $0xFFFFC000  }
0x371: {  	[spmem:s2] =	stream.indirect.scatter.add.f32 [tilespmem:s19], [sflag:$0x4], $0x80, s13, s28, $0xb8;
	[tilespmem:$0x1EDC0] =	vst v63  }
0x372: {  	_ =	swait.ge [sflag:s22], $0x4000  }
0x373: {  	[sflag:s22] =	ssyncset.done $0x0  }
0x374: {  	s13 =	sadd.s32 $0x100, s12;
	[sflag:s22] =	ssyncadd.s32 $0xFFFFC000  }
0x375: {  	[tilespmem:s19], [sflag:$0x1] =	stream.indirect.gather [hbm4b:s1+s28], $0x80, s13, s28, $0xb8;
	[tilespmem:$0x1EDC0] =	vst v63  }
0x376: {  	_ =	swait.ge [sflag:s24], $0x4000  }
.Ltmp15:
0x377: {  	[sflag:s24] =	ssyncset.done $0x0;
	(pc) =	sbr.rel @p3 .LBB2_11-.Ltmp15, $4  }
0x378: {  	s12 =	sadd.s32 $0x1A80, s12;
	[sflag:s24] =	ssyncadd.s32 $0xFFFFC000  }
0x379: {  	[spmem:s2] =	stream.indirect.scatter.add.f32 [tilespmem:s20], [sflag:$0x4], $0x80, s12, s28, $0xb8;
	[tilespmem:$0x1EDC0] =	vst v63  }
0x37a: {  	_ =	swait.ge [sflag:s22], $0x4000  }
0x37b: {  	s13 =	smov.u32 s16;
	s12 =	sshra.s32 s15, $0x2;
	[sflag:s22] =	ssyncset.done $0x0  }
0x37c: {  	s13 =	sadd.s32 $0x80, s12;
	[sflag:s22] =	ssyncadd.s32 $0xFFFFC000  }
0x37d: {  	[tilespmem:s20], [sflag:$0x2] =	stream.indirect.gather [hbm4b:s1+s28], $0x80, s13, s28, $0xb8;
	[tilespmem:$0x1EDC0] =	vst v63  }
0x37e: {  	_ =	swait.ge [sflag:s21], $0x4000  }
0x37f: {  	[sflag:s21] =	ssyncset.done $0x0  }
0x380: {  	s14 =	sadd.s32 $0x1A00, s12;
	[sflag:s21] =	ssyncadd.s32 $0xFFFFC000  }
0x381: {  	[spmem:s2] =	stream.indirect.scatter.add.f32 [tilespmem:s19], [sflag:$0x4], $0x80, s14, s28, $0xb8;
	[tilespmem:$0x1EDC0] =	vst v63  }
0x382: {  	_ =	swait.ge [sflag:s22], $0x4000  }
0x383: {  	[sflag:s22] =	ssyncset.done $0x0  }
0x384: {  	s15 =	sadd.s32 $0x100, s12;
	[sflag:s22] =	ssyncadd.s32 $0xFFFFC000  }
0x385: {  	[tilespmem:s19], [sflag:$0x1] =	stream.indirect.gather [hbm4b:s1+s28], $0x80, s15, s28, $0xb8;
	[tilespmem:$0x1EDC0] =	vst v63  }
0x386: {  	_ =	swait.ge [sflag:s24], $0x4000  }
0x387: {  	[sflag:s24] =	ssyncset.done $0x0  }
0x388: {  	s16 =	sadd.s32 $0x1A80, s12;
	[sflag:s24] =	ssyncadd.s32 $0xFFFFC000  }
0x389: {  	[spmem:s2] =	stream.indirect.scatter.add.f32 [tilespmem:s20], [sflag:$0x4], $0x80, s16, s28, $0xb8;
	[tilespmem:$0x1EDC0] =	vst v63  }
0x38a: {  	_ =	swait.ge [sflag:s22], $0x4000  }
0x38b: {  	[sflag:s22] =	ssyncset.done $0x0  }
0x38c: {  	[sflag:s22] =	ssyncadd.s32 $0xFFFFC000  }
0x38d: {  	[tilespmem:s20], [sflag:$0x2] =	stream.indirect.gather [hbm4b:s1+s28], $0x80, s31, s28, $0xb8;
	[tilespmem:$0x1EDC0] =	vst v63  }
0x38e: {  	_ =	swait.ge [sflag:s21], $0x4000  }
0x38f: {  	[sflag:s21] =	ssyncset.done $0x0  }
0x390: {  	[sflag:s21] =	ssyncadd.s32 $0xFFFFC000  }
0x391: {  	[spmem:s2] =	stream.indirect.scatter.add.f32 [tilespmem:s19], [sflag:$0x4], $0x80, s3, s28, $0xb8;
	[tilespmem:$0x1EDC0] =	vst v63  }
0x392: {  	_ =	swait.ge [sflag:s22], $0x4000  }
0x393: {  	[sflag:s22] =	ssyncset.done $0x0  }
0x394: {  	[sflag:s22] =	ssyncadd.s32 $0xFFFFC000  }
0x395: {  	_ =	swait.ge [sflag:s24], $0x4000  }
0x396: {  	[sflag:s24] =	ssyncset.done $0x0  }
0x397: {  	[sflag:s24] =	ssyncadd.s32 $0xFFFFC000  }
0x398: {  	[spmem:s2] =	stream.indirect.scatter.add.f32 [tilespmem:s20], [sflag:$0x4], $0x80, s6, s28, $0xb8;
	[tilespmem:$0x1EDC0] =	vst v63  }
0x399: {  	_ =	swait.ge [sflag:s22], $0x4000  }
0x39a: {  	[sflag:s22] =	ssyncset.done $0x0  }
0x39b: {  	[sflag:s22] =	ssyncadd.s32 $0xFFFFC000  }
0x39c: {  	_ =	swait.ge [sflag:s23], $0xD00  }
0x39d: {  	[sflag:s23] =	ssyncset.done $0x0  }
0x39e: {  	[sflag:s23] =	ssyncadd.s32 $0xFFFFF300  }
0x39f: {  	_ =	swait.ge [sflag:s23], $0xD00  }
0x3a0: {  	[sflag:s23] =	ssyncset.done $0x0  }
0x3a1: {  	[sflag:s23] =	ssyncadd.s32 $0xFFFFF300  }
0x3a2: {  	[tilespmem:s19], [sflag:$0x1] =	stream.indirect.gather [hbm4b:s1+s28], $0x80, s25, s28, $0xb8;
	[tilespmem:$0x1EDC0] =	vst v63  }
0x3a3: {  	s13 =	simm.s32 $0xD80  }
0x3a4: {  	[tilespmem:s20], [sflag:$0x2] =	stream.indirect.gather [hbm4b:s1+s28], $0x80, s13, s28, $0xb8;
	[tilespmem:$0x1EDC0] =	vst v63  }
0x3a5: {  	_ =	swait.ge [sflag:s21], $0x4000  }
0x3a6: {  	[sflag:s21] =	ssyncset.done $0x0  }
0x3a7: {  	s14 =	simm.s32 $0x2700;
	[sflag:s21] =	ssyncadd.s32 $0xFFFFC000  }
0x3a8: {  	[spmem:s2] =	stream.indirect.scatter.add.f32 [tilespmem:s19], [sflag:$0x4], $0x80, s14, s28, $0xb8;
	[tilespmem:$0x1EDC0] =	vst v63  }
0x3a9: {  	_ =	swait.ge [sflag:s22], $0x4000  }
0x3aa: {  	[sflag:s22] =	ssyncset.done $0x0  }
0x3ab: {  	s15 =	simm.s32 $0xE00;
	[sflag:s22] =	ssyncadd.s32 $0xFFFFC000  }
0x3ac: {  	[tilespmem:s19], [sflag:$0x1] =	stream.indirect.gather [hbm4b:s1+s28], $0x80, s15, s28, $0xb8;
	[tilespmem:$0x1EDC0] =	vst v63  }
0x3ad: {  	_ =	swait.ge [sflag:s24], $0x4000  }
0x3ae: {  	[sflag:s24] =	ssyncset.done $0x0  }
0x3af: {  	s16 =	simm.s32 $0x2780;
	[sflag:s24] =	ssyncadd.s32 $0xFFFFC000  }
0x3b0: {  	[spmem:s2] =	stream.indirect.scatter.add.f32 [tilespmem:s20], [sflag:$0x4], $0x80, s16, s28, $0xb8;
	[tilespmem:$0x1EDC0] =	vst v63  }
0x3b1: {  	_ =	swait.ge [sflag:s22], $0x4000  }
0x3b2: {  	s12 =	simm.s32 $0x100;
	s13 =	simm.s32 $0x800;
	[sflag:s22] =	ssyncset.done $0x0  }
.LBB2_13:
0x3b3: {  	s14 =	sadd.s32 $0xD80, s12  }
0x3b4: {  	[sflag:s22] =	ssyncadd.s32 $0xFFFFC000;
	s15 =	smov.u32 s13;
	s16 =	sadd.s32 $0x400, s13  }
0x3b5: {  	[tilespmem:s20], [sflag:$0x2] =	stream.indirect.gather [hbm4b:s1+s28], $0x80, s14, s28, $0xb8;
	[tilespmem:$0x1EDC0] =	vst v63  }
0x3b6: {  	p3 =	sne.s32 s13, $0x2C00;
	_ =	swait.ge [sflag:s21], $0x4000  }
0x3b7: {  	[sflag:s21] =	ssyncset.done $0x0  }
0x3b8: {  	s13 =	sadd.s32 $0x2700, s12;
	[sflag:s21] =	ssyncadd.s32 $0xFFFFC000  }
0x3b9: {  	[spmem:s2] =	stream.indirect.scatter.add.f32 [tilespmem:s19], [sflag:$0x4], $0x80, s13, s28, $0xb8;
	[tilespmem:$0x1EDC0] =	vst v63  }
0x3ba: {  	_ =	swait.ge [sflag:s22], $0x4000  }
0x3bb: {  	[sflag:s22] =	ssyncset.done $0x0  }
0x3bc: {  	s13 =	sadd.s32 $0xE00, s12;
	[sflag:s22] =	ssyncadd.s32 $0xFFFFC000  }
0x3bd: {  	[tilespmem:s19], [sflag:$0x1] =	stream.indirect.gather [hbm4b:s1+s28], $0x80, s13, s28, $0xb8;
	[tilespmem:$0x1EDC0] =	vst v63  }
0x3be: {  	_ =	swait.ge [sflag:s24], $0x4000  }
.Ltmp16:
0x3bf: {  	[sflag:s24] =	ssyncset.done $0x0;
	(pc) =	sbr.rel @p3 .LBB2_13-.Ltmp16, $4  }
0x3c0: {  	s12 =	sadd.s32 $0x2780, s12;
	[sflag:s24] =	ssyncadd.s32 $0xFFFFC000  }
0x3c1: {  	[spmem:s2] =	stream.indirect.scatter.add.f32 [tilespmem:s20], [sflag:$0x4], $0x80, s12, s28, $0xb8;
	[tilespmem:$0x1EDC0] =	vst v63  }
0x3c2: {  	_ =	swait.ge [sflag:s22], $0x4000  }
0x3c3: {  	s13 =	smov.u32 s16;
	s12 =	sshra.s32 s15, $0x2;
	[sflag:s22] =	ssyncset.done $0x0  }
0x3c4: {  	s13 =	sadd.s32 $0xD80, s12;
	[sflag:s22] =	ssyncadd.s32 $0xFFFFC000  }
0x3c5: {  	[tilespmem:s20], [sflag:$0x2] =	stream.indirect.gather [hbm4b:s1+s28], $0x80, s13, s28, $0xb8;
	[tilespmem:$0x1EDC0] =	vst v63  }
0x3c6: {  	_ =	swait.ge [sflag:s21], $0x4000  }
0x3c7: {  	[sflag:s21] =	ssyncset.done $0x0  }
0x3c8: {  	s14 =	sadd.s32 $0x2700, s12;
	[sflag:s21] =	ssyncadd.s32 $0xFFFFC000  }
0x3c9: {  	[spmem:s2] =	stream.indirect.scatter.add.f32 [tilespmem:s19], [sflag:$0x4], $0x80, s14, s28, $0xb8;
	[tilespmem:$0x1EDC0] =	vst v63  }
0x3ca: {  	_ =	swait.ge [sflag:s22], $0x4000  }
0x3cb: {  	[sflag:s22] =	ssyncset.done $0x0  }
0x3cc: {  	s15 =	sadd.s32 $0xE00, s12;
	[sflag:s22] =	ssyncadd.s32 $0xFFFFC000  }
0x3cd: {  	[tilespmem:s19], [sflag:$0x1] =	stream.indirect.gather [hbm4b:s1+s28], $0x80, s15, s28, $0xb8;
	[tilespmem:$0x1EDC0] =	vst v63  }
0x3ce: {  	_ =	swait.ge [sflag:s24], $0x4000  }
0x3cf: {  	[sflag:s24] =	ssyncset.done $0x0  }
0x3d0: {  	s16 =	sadd.s32 $0x2780, s12;
	[sflag:s24] =	ssyncadd.s32 $0xFFFFC000  }
0x3d1: {  	[spmem:s2] =	stream.indirect.scatter.add.f32 [tilespmem:s20], [sflag:$0x4], $0x80, s16, s28, $0xb8;
	[tilespmem:$0x1EDC0] =	vst v63  }
0x3d2: {  	_ =	swait.ge [sflag:s22], $0x4000  }
0x3d3: {  	[sflag:s22] =	ssyncset.done $0x0  }
0x3d4: {  	[sflag:s22] =	ssyncadd.s32 $0xFFFFC000  }
0x3d5: {  	[tilespmem:s20], [sflag:$0x2] =	stream.indirect.gather [hbm4b:s1+s28], $0x80, s7, s28, $0xb8;
	[tilespmem:$0x1EDC0] =	vst v63  }
0x3d6: {  	_ =	swait.ge [sflag:s21], $0x4000  }
0x3d7: {  	[sflag:s21] =	ssyncset.done $0x0  }
0x3d8: {  	[sflag:s21] =	ssyncadd.s32 $0xFFFFC000  }
0x3d9: {  	[spmem:s2] =	stream.indirect.scatter.add.f32 [tilespmem:s19], [sflag:$0x4], $0x80, s9, s28, $0xb8;
	[tilespmem:$0x1EDC0] =	vst v63  }
0x3da: {  	_ =	swait.ge [sflag:s22], $0x4000  }
0x3db: {  	[sflag:s22] =	ssyncset.done $0x0  }
0x3dc: {  	[sflag:s22] =	ssyncadd.s32 $0xFFFFC000  }
0x3dd: {  	_ =	swait.ge [sflag:s24], $0x4000  }
0x3de: {  	[sflag:s24] =	ssyncset.done $0x0  }
.Ltmp17:
0x3df: {  	[sflag:s24] =	ssyncadd.s32 $0xFFFFC000;
	(pc) =	sbr.rel @p2 .LBB2_16-.Ltmp17, $4  }
0x3e0: {  	[spmem:s2] =	stream.indirect.scatter.add.f32 [tilespmem:s20], [sflag:$0x4], $0x80, s10, s28, $0xb8;
	[tilespmem:$0x1EDC0] =	vst v63  }
0x3e1: {  	_ =	swait.ge [sflag:s22], $0x4000  }
0x3e2: {  	[sflag:s22] =	ssyncset.done $0x0  }
0x3e3: {  	[sflag:s22] =	ssyncadd.s32 $0xFFFFC000  }
0x3e4: {  	s12 =	rddreg [dreg:$0xe];
	s13 =	simm.s32 $0x3400  }
0x3e5: {  	[tilespmem:s13], [sflag:$0x4] =	stream.linear.gather [hbm4b:s12+s4], $0x80, $0x38;
	[tilespmem:$0x1EDC0] =	vst v63  }
0x3e6: {  	_ =	swait.ge [sflag:s22], $0x80  }
0x3e7: {  	[sflag:s22] =	ssyncset.done $0x0  }
0x3e8: {  	s14 =	simm.s32 $0x3480;
	s16 =	rddreg [dreg:$0xf];
	[sflag:s22] =	ssyncadd.s32 $0xFFFFFF80  }
0x3e9: {  	[tilespmem:s14], [sflag:$0x4] =	stream.linear.gather [hbm4b:s16+s4], $0x80, $0x38;
	[tilespmem:$0x1EDC0] =	vst v63  }
0x3ea: {  	_ =	swait.ge [sflag:s22], $0x80  }
0x3eb: {  	[sflag:s22] =	ssyncset.done $0x0  }
0x3ec: {  	[sflag:s22] =	ssyncadd.s32 $0xFFFFFF80  }
0x3ed: {  	[tilespmem:s19], [sflag:$0x1] =	stream.indirect.gather [hbm4b:s1+s28], $0x80, s13, s28, $0xb8;
	[tilespmem:$0x1EDC0] =	vst v63  }
0x3ee: {  	_ =	swait.ge [sflag:s21], $0x4000  }
0x3ef: {  	[sflag:s21] =	ssyncset.done $0x0  }
0x3f0: {  	[sflag:s21] =	ssyncadd.s32 $0xFFFFC000  }
0x3f1: {  	[spmem:s2] =	stream.indirect.scatter.add.f32 [tilespmem:s19], [sflag:$0x4], $0x80, s14, s28, $0xb8;
	[tilespmem:$0x1EDC0] =	vst v63  }
.Ltmp18:
0x3f2: {  	_ =	swait.ge [sflag:s22], $0x4000;
	(pc) =	sbr.rel .LBB2_17-.Ltmp18, $3  }
0x3f3: {  	[sflag:s22] =	ssyncset.done $0x0  }
0x3f4: {  	[sflag:s22] =	ssyncadd.s32 $0xFFFFC000  }
0x3f5: {  	[bflag:$0x0] =	sbarrier.arrive $0xFFFF;
	_ =	sdelay $0x1  }
.LBB2_33:
.Ltmp19:
0x3f6: {  	(pc) =	sbr.rel @p1 .LBB2_35-.Ltmp19, $2  }
0x3f7: {  	_ =	sdelay $0x1  }
0x3f8: {  	[bflag:$0x0] =	sbarrier.arrive $0xFFFF;
	_ =	sdelay $0x1  }
.LBB2_34:
0x3f9: {  	s12 =	stileid.u32  }
0x3fa: {  	s13 =	sshrl.u32 s8, $0x3;
	s12 =	sshll.u32 s12, $0x6  }
.Ltmp20:
0x3fb: {  	s14 =	rddreg [dreg:$0x16];
	s12 =	sor.u32 $0x1C04, s12;
	(pc) =	sbr.rel .LBB2_36-.Ltmp20, $4  }
0x3fc: {  	[hbm:s14], [sflag:s12] =	dma.local [spmem:s13], $0x2800  }
0x3fd: {  	_ =	swait.ge [sflag:s22], $0x2800  }
0x3fe: {  	[sflag:s22] =	ssyncset.done $0x0  }
0x3ff: {  	[sflag:s22] =	ssyncadd.s32 $0xFFFFD800  }
.LBB2_16:
.Ltmp21:
0x400: {  	(pc) =	sbr.rel @!p1 .LBB2_17-.Ltmp21, $2  }
0x401: {  	_ =	sdelay $0x1  }
0x402: {  	[bflag:$0x0] =	sbarrier.arrive $0xFFFF;
	_ =	sdelay $0x1  }
0x403: {  	s12 =	sshrl.u32 s30, $0x3  }
.Ltmp22:
0x404: {  	s13 =	rddreg [dreg:$0x12];
	s14 =	simm.s32 $0x1FC4;
	(pc) =	sbr.rel .LBB2_36-.Ltmp22, $4  }
0x405: {  	[hbm:s13], [sflag:s14] =	dma.local [spmem:s12], $0x1900  }
0x406: {  	_ =	swait.ge [sflag:s22], $0x1900  }
0x407: {  	[sflag:s22] =	ssyncset.done $0x0  }
0x408: {  	[sflag:s22] =	ssyncadd.s32 $0xFFFFE700  }
.LBB2_17:
0x409: {  	s12 =	stileid.u32  }
0x40a: {  	s13 =	sshrl.u32 s8, $0x3;
	s12 =	sshll.u32 s12, $0x6  }
.Ltmp23:
0x40b: {  	s14 =	rddreg [dreg:$0x15];
	s12 =	sor.u32 $0x1C04, s12;
	(pc) =	sbr.rel .LBB2_36-.Ltmp23, $4  }
0x40c: {  	[hbm:s14], [sflag:s12] =	dma.local [spmem:s13], $0x2800  }
0x40d: {  	_ =	swait.ge [sflag:s22], $0x2800  }
0x40e: {  	[sflag:s22] =	ssyncset.done $0x0  }
0x40f: {  	[sflag:s22] =	ssyncadd.s32 $0xFFFFD800  }
.LBB2_37:
0x410: {  	_ =	sfence.sel $0x180000  }
0x411: {  	[bflag:$0x0] =	sbarrier.arrive $0xFFFF  }
0x412: {  	_ =	strace $0x9000004A  }
0x413: {  	s0 =	stileid.u32;
	[bflag:$0x2] =	sbarrier.arrive $0xFFFF  }
0x414: {  	p0 =	sne.s32 s0, $0x0;
	s0 =	rddreg [dreg:$0x3]  }
0x415: {  	s0 =	sadd.s32 @!p0 $0x100000, s0  }
0x416: {  	[sflag:s0] =	ssyncadd.tile.s32 @!p0 $0x1;
	_ =	shalt  }
.Lfunc_end2:
_tile_overlayer_lowered:
.L_overlay_start_2:
0x417: {  	(tag) =	ssettag $0x2  }
0x418: {  	s0 =	rddreg [dreg:$0x0];
	s2 =	stileid.u32  }
0x419: {  	s1 =	rddreg [dreg:$0x1];
	p0 =	sne.s32 s2, $0x0  }
0x41a: {  	s3 =	rddreg [dreg:$0x2];
	[bflag:$0x3] =	sbarrier.arrive $0xFFFF;
	s2 =	simm.s32 @!p0 $0x1C04  }
0x41b: {  	[timem:s3], [sflag:s2] =	dma.local @!p0 [hbm:s0], s1  }
0x41c: {  	s0 =	simm.s32 @!p0 $0x4  }
0x41d: {  	_ =	swait.ge @!p0 [sflag:s0], s1  }
0x41e: {  	s1 =	ssub.s32 @!p0 $0x0, s1;
	[sflag:s0] =	ssyncset.done @!p0 $0x0  }
0x41f: {  	[sflag:s0] =	ssyncadd.s32 @!p0 s1  }
0x420: {  	[bflag:$0x3] =	sbarrier.arrive $0xFFFF  }
0x421: {  	_ =	shalt  }

// kernel: kernel.15.cloned.1.call-start
scs
__scs_entry_jumppad:
0x0: {  	(pc) =	sbr.rel $0x88, $3  }
0x1: {  	(tag) =	ssettag $0x0;
	lr =	simm.s32 $0x1  }
0x2: {  	[smem:$0x3F9B] =	sst lr;
	_ =	strace $0xD0000000  }
0x3: {  	_ = 	snop  }
0x4: {  	_ = 	snop  }
0x5: {  	_ = 	snop  }
0x6: {  	_ = 	snop  }
0x7: {  	_ = 	snop  }
__scs_overlays_trampoline_lowered:
0x8: {  	[smem:$0x3FAA] =	sst s0  }
0x9: {  	[smem:$0x3FAB] =	sst s1  }
0xa: {  	[smem:$0x3FAC] =	sst s2  }
0xb: {  	[smem:$0x3FAD] =	sst s3  }
0xc: {  	[smem:$0x3FAE] =	sst s4  }
0xd: {  	[smem:$0x3FAF] =	sst s5  }
0xe: {  	[smem:$0x3FB0] =	sst s6  }
0xf: {  	[smem:$0x3FB1] =	sst s7  }
0x10: {  	[smem:$0x3FB2] =	sst s8  }
0x11: {  	[smem:$0x3FB3] =	sst s9;
	s0 =	simm.s32 @!p0 $0x0  }
0x12: {  	s1 =	sld [smem:$0x3F99];
	s0 =	simm.s32 @p0 $0x1  }
0x13: {  	[smem:$0x3FB4] =	sst s0;
	s0 =	simm.s32 @!p1 $0x0  }
0x14: {  	s2 =	sld [smem:$0x3F98];
	s0 =	simm.s32 @p1 $0x1  }
0x15: {  	[smem:$0x3FB5] =	sst s0;
	s0 =	simm.s32 @!p2 $0x0  }
0x16: {  	s3 =	sld [smem:$0x3FDB];
	s0 =	simm.s32 @p2 $0x1  }
0x17: {  	s4 =	simm.s32 $0x1BF5;
	[smem:$0x3FB7] =	sst s0  }
0x18: {  	s0 =	sld [smem:$0x3F9A];
	_ =	swait.ge [sflag:s4], $0x0  }
0x19: {  	s7 =	sld [smem:$0x3F9B]  }
0x1a: {  	s8 =	sadd.s32 $0xFFFFE003, lr  }
0x1b: {  	s9 =	sadd.s32 $0xFFFFFEF7, lr;
	s5 =	simm.s32 $0xFFFFFFFF;
	p2 =	slt.u32 s8, $0xFFFFF086  }
0x1c: {  	p1 =	slt.u32 s9, $0xF7A;
	s5 =	simm.s32 @!p2 $0x0  }
0x1d: {  	s5 =	simm.s32 @p1 $0x1;
	p0 =	seq.s32 s7, s2  }
0x1e: {  	s7 =	smul.u32 @!p0 $0xF7A, s2;
	p2 =	seq.s32 @!p0 s5, $0x0  }
0x1f: {  	s9 =	smul.u32 $0xF7A, s1;
	s8 =	simm.s32 @!p0 $0x1BF5;
	p2 =	por !p2, p0  }
0x20: {  	[sflag:s8] =	ssyncset.s32 @!p0 $0xFFFFF086;
	s6 =	sadd.s32 @!p0 s3, s7;
	s7 =	simm.s32 @!p0 $0x108  }
0x21: {  	s3 =	sadd.s32 s3, s9;
	s6 =	sadd.s32 @!p0 $0x88, s6;
	s7 =	simm.s32 @p2 $0x1082  }
0x22: {  	[simem:s7], [sflag:s8] =	dma.local @!p0 [hbm:s6], $0xF7A  }
0x23: {  	s9 =	sor.u32 $0xD0000000, s2;
	s6 =	simm.s32 $0x108;
	_ =	swait.ge @!p0 [sflag:s8], $0x0  }
0x24: {  	s3 =	sadd.s32 $0x88, s3;
	s6 =	simm.s32 @!p1 $0x1082;
	[sflag:s4] =	ssyncset.s32 $0xFFFFF086  }
0x25: {  	[simem:s6], [sflag:s4] =	dma.local [hbm:s3], $0xF7A  }
0x26: {  	[smem:$0x3F9B] =	sst s1;
	(tag) =	ssettag s2;
	_ =	strace s9  }
0x27: {  	s1 =	sld [smem:$0x3FAB]  }
0x28: {  	s2 =	sld [smem:$0x3FAC]  }
0x29: {  	s4 =	sld [smem:$0x3FAE]  }
0x2a: {  	p0 =	seq.s32 s5, $0x0;
	s5 =	sld [smem:$0x3FAF]  }
0x2b: {  	s6 =	sld [smem:$0x3FB0]  }
0x2c: {  	s7 =	sld [smem:$0x3FB1]  }
0x2d: {  	s3 =	simm.s32 $0x108;
	s8 =	sld [smem:$0x3FB2]  }
0x2e: {  	s3 =	simm.s32 @!p0 $0x1082;
	s9 =	sld [smem:$0x3FB3]  }
0x2f: {  	lr =	sadd.s32 s0, s3;
	s0 =	sld [smem:$0x3FAA]  }
0x30: {  	s3 =	sld [smem:$0x3FAD]  }
0x31: {  	[smem:$0x3FB6] =	sst s10  }
0x32: {  	s10 =	sld [smem:$0x3FB4];
	_ =	sdelay $0x3  }
0x33: {  	p0 =	seq.s32 s10, $0x1;
	s10 =	sld [smem:$0x3FB6];
	_ =	sdelay $0x3  }
0x34: {  	[smem:$0x3FB6] =	sst s10  }
0x35: {  	s10 =	sld [smem:$0x3FB5];
	_ =	sdelay $0x3  }
0x36: {  	p1 =	seq.s32 s10, $0x1;
	s10 =	sld [smem:$0x3FB6];
	_ =	sdelay $0x3  }
0x37: {  	[smem:$0x3FB6] =	sst s10  }
0x38: {  	s10 =	sld [smem:$0x3FB7]  }
0x39: {  	_ = 	snop;
	(pc) =	sbr.ind lr, $3  }
0x3a: {  	_ = 	snop  }
0x3b: {  	_ = 	snop  }
0x3c: {  	p2 =	seq.s32 s10, $0x1;
	s10 =	sld [smem:$0x3FB6]  }
0x3d: {  	_ =	shalt  }
0x3e: {  	_ =	shalt  }
0x3f: {  	_ =	shalt  }
0x40: {  	_ =	shalt  }
0x41: {  	_ =	shalt  }
0x42: {  	_ =	shalt  }
0x43: {  	_ =	shalt  }
0x44: {  	_ =	shalt  }
0x45: {  	_ =	shalt  }
0x46: {  	_ =	shalt  }
0x47: {  	_ =	shalt  }
0x48: {  	_ =	shalt  }
0x49: {  	_ =	shalt  }
0x4a: {  	_ =	shalt  }
0x4b: {  	_ =	shalt  }
0x4c: {  	_ =	shalt  }
0x4d: {  	_ =	shalt  }
0x4e: {  	_ =	shalt  }
0x4f: {  	_ =	shalt  }
0x50: {  	_ =	shalt  }
0x51: {  	_ =	shalt  }
0x52: {  	_ =	shalt  }
0x53: {  	_ =	shalt  }
0x54: {  	_ =	shalt  }
0x55: {  	_ =	shalt  }
0x56: {  	_ =	shalt  }
0x57: {  	_ =	shalt  }
0x58: {  	_ =	shalt  }
0x59: {  	_ =	shalt  }
0x5a: {  	_ =	shalt  }
0x5b: {  	_ =	shalt  }
0x5c: {  	_ =	shalt  }
0x5d: {  	_ =	shalt  }
0x5e: {  	_ =	shalt  }
0x5f: {  	_ =	shalt  }
0x60: {  	_ =	shalt  }
0x61: {  	_ =	shalt  }
0x62: {  	_ =	shalt  }
0x63: {  	_ =	shalt  }
0x64: {  	_ =	shalt  }
0x65: {  	_ =	shalt  }
0x66: {  	_ =	shalt  }
0x67: {  	_ =	shalt  }
0x68: {  	_ =	shalt  }
0x69: {  	_ =	shalt  }
0x6a: {  	_ =	shalt  }
0x6b: {  	_ =	shalt  }
0x6c: {  	_ =	shalt  }
0x6d: {  	_ =	shalt  }
0x6e: {  	_ =	shalt  }
0x6f: {  	_ =	shalt  }
0x70: {  	_ =	shalt  }
0x71: {  	_ =	shalt  }
0x72: {  	_ =	shalt  }
0x73: {  	_ =	shalt  }
0x74: {  	_ =	shalt  }
0x75: {  	_ =	shalt  }
0x76: {  	_ =	shalt  }
0x77: {  	_ =	shalt  }
0x78: {  	_ =	shalt  }
0x79: {  	_ =	shalt  }
0x7a: {  	_ =	shalt  }
0x7b: {  	_ =	shalt  }
0x7c: {  	_ =	shalt  }
0x7d: {  	_ =	shalt  }
0x7e: {  	_ =	shalt  }
0x7f: {  	_ =	shalt  }
0x80: {  	_ =	shalt  }
0x81: {  	_ =	shalt  }
0x82: {  	_ =	shalt  }
0x83: {  	_ =	shalt  }
0x84: {  	_ =	shalt  }
0x85: {  	_ =	shalt  }
0x86: {  	_ =	shalt  }
0x87: {  	_ =	shalt  }
.Lfunc_end0:
.L_simem_size_0:
called_computation.2_lowered:
.L_overlay_start_0:
0x88: {  	s2 =	sld [smem:$0x3FD9]  }
0x89: {  	s3 =	sld [smem:$0x3FFE];
	_ =	sdelay $0x1  }
0x8a: {  	s1 =	srdreg.scid  }
0x8b: {  	s0 =	sand.u32 $0x1, s1  }
0x8c: {  	s17 =	sshll.u32 s0, $0xA;
	s2 =	sadd.s32 s3, s2  }
0x8d: {  	s2 =	sadd.s32 s2, s17  }
0x8e: {  	[smem:$0x3FC2] =	sst s2  }
0x8f: {  	_ = 	snop  }
0x90: {  	s2 =	sld [smem:$0x3FD0];
	(tm) =	ssettm $0x1  }
0x91: {  	s18 =	sld [smem:$0x3FFB];
	_ =	sdelay $0x3  }
0x92: {  	_ =	strace s18  }
0x93: {  	s3 =	sld [smem:$0x3FFC];
	_ =	sdelay $0x3  }
0x94: {  	_ =	strace s3  }
0x95: {  	s3 =	sld [smem:$0x3FFD];
	_ =	sdelay $0x3  }
0x96: {  	_ =	strace s3  }
0x97: {  	_ =	strace $0x8FFFFFFF  }
0x98: {  	s19 =	sld [smem:$0x3FDB];
	_ =	sdelay $0x1  }
0x99: {  	s4 =	simm.s32 $_scs_section_size  }
0x9a: {  	s5 =	simm.s32 $_size__tile_overlayer_lowered;
	s6 =	simm.s32 $_tile_overlayer_lowered  }
0x9b: {  	s22 =	simm.s32 $0x1BFF;
	s21 =	sshll.u32 s6, $0x1;
	s3 =	sadd.s32 s4, s19  }
0x9c: {  	s7 =	simm.s32 $0x0;
	s20 =	sshll.u32 s5, $0x1;
	s5 =	sadd.s32 s21, s3  }
0x9d: {  	[timem:s7], [sflag:s22] =	dma.local [hbm:s5], s20  }
0x9e: {  	_ =	swait.ge [sflag:s22], s20  }
0x9f: {  	s4 =	ssub.s32 $0x0, s20;
	[sflag:s22] =	ssyncset.done $0x0  }
0xa0: {  	[sflag:s22] =	ssyncadd.s32 s4;
	_ =	sdelay $0x1  }
0xa1: {  	s23 =	simm.s32 $0x1B8B  }
0xa2: {  	_ =	swait.ge [sflag:s23], $0x1  }
0xa3: {  	[sflag:s23] =	ssyncset.done $0x0  }
0xa4: {  	s25 =	simm.s32 $0x1B8E;
	s24 =	sld [smem:$0x3FFE];
	[sflag:s23] =	ssyncadd.s32 $0xFFFFFFFF  }
0xa5: {  	s26 =	simm.s32 $execute0_lowered;
	[smem:$0x3FD2] =	sst s25  }
0xa6: {  	s5 =	sshll.u32 s26, $0x1;
	_ =	strace $0x8000004C;
	[dreg:$0x1] =	wrdreg $0xFFFFFFFF  }
0xa7: {  	s28 =	simm.s32 $_size_execute0_lowered;
	s3 =	sadd.s32 s3, s5;
	[dreg:$0x0] =	wrdreg $0x0  }
0xa8: {  	s5 =	sshll.u32 s28, $0x1;
	[dreg:$0x2] =	wrdreg s3  }
0xa9: {  	[dreg:$0x3] =	wrdreg s5  }
0xaa: {  	[dreg:$0x4] =	wrdreg $0xC0  }
0xab: {  	_ =	task [dreg:s7], $0x5FFFF  }
0xac: {  	[dreg:$0x1] =	wrdreg $0xFFFFFFFF  }
0xad: {  	[dreg:$0x0] =	wrdreg $0x60  }
0xae: {  	[dreg:$0x2] =	wrdreg s2  }
0xaf: {  	[dreg:$0x3] =	wrdreg s24  }
0xb0: {  	[dreg:$0x4] =	wrdreg $0xB5000  }
0xb1: {  	[dreg:$0x5] =	wrdreg $0x9  }
0xb2: {  	_ =	task.clear_ibuf [dreg:s7], $0x6FFFF;
	_ =	strace $0x9000004C  }
0xb3: {  	s29 =	simm.s32 $0x9;
	_ =	strace $0x8000004E  }
0xb4: {  	_ =	swait.ge [sflag:s29], $0x1  }
0xb5: {  	[sflag:s29] =	ssyncadd.s32 $0xFFFFFFFF  }
0xb6: {  	_ =	strace $0x9000004E  }
0xb7: {  	_ =	sfence  }
0xb8: {  	s30 =	sld [smem:$0x0];
	_ =	sdelay $0x2  }
0xb9: {  	s31 =	sshll.u32 s1, $0xD;
	s1 =	sshrl.u32 s1, $0x2  }
0xba: {  	s3 =	sand.u32 $0x4000, s31;
	s1 =	sadd.s32 s1, s30  }
0xbb: {  	s0 =	sor.u32 s3, s0;
	s1 =	sshll.u32 s1, $0x11  }
0xbc: {  	s0 =	sor.u32 s1, s0  }
0xbd: {  	s0 =	sadd.s32 $0x8F2B, s0  }
0xbe: {  	[sflag:s0] =	ssyncadd.remote.s32 $0x1  }
0xbf: {  	_ =	sfence.sel $0xFFFF  }
0xc0: {  	[dreg:$0x0] =	wrdreg $0xFFFFFFFF;
	(pc) =	sbr.abs _section_cstart, $3  }
0xc1: {  	[dreg:$0x1] =	wrdreg $0xFFFFFFFF  }
0xc2: {  	_ =	task.clear_ibuf [dreg:s7], $0x2FFFF;
	_ =	strace $0x9FFFFFFF  }
0xc3: {  	(tm) =	ssettm $0x7FFFFFFF  }
tec
execute0_lowered:
.L_overlay_start_1:
0x0: {  	(tag) =	ssettag $0x1  }
0x1: {  	s2 =	rddreg [dreg:$0x0]  }
0x2: {  	s0 =	rddreg [dreg:$0x1]  }
0x3: {  	s3 =	rddreg [dreg:$0x2]  }
0x4: {  	s1 =	stileid.u32;
	s5 =	srdreg.scid  }
0x5: {  	s4 =	simm.s32 $0x0;
	s28 =	simm.s32 $0x3500;
	s29 =	simm.s32 $0x7500  }
0x6: {  	s30 =	simm.s32 $0x1;
	s31 =	simm.s32 $0x4;
	s6 =	smul.u32 $0x2800, s1  }
0x7: {  	s5 =	sand.u32 $0x1, s5;
	[smem:$0x7FF] =	sst s4;
	s9 =	smul.u32 $0x4E, s1  }
0x8: {  	s8 =	sadd.s32 $0x3800, s0;
	s10 =	sadd.s32 $0xE200, s0;
	s14 =	smul.u32 $0x50000, s1  }
0x9: {  	s20 =	sadd.s32 $0x25800, s2;
	p0 =	seq.s32 s1, $0xF;
	p1 =	sgt.u32 s1, $0x1  }
0xa: {  	s7 =	smul.u32 $0x4E2, s5;
	_ =	strace $0x8000004D;
	s12 =	ssub.s32 $0x2, s5  }
0xb: {  	[dreg:$0x7] =	wrdreg s20;
	p5 =	seq.s32 s5, $0x1;
	s20 =	sadd.s32 $0x64A00, s0  }
0xc: {  	s5 =	simm.s32 $0x2600;
	s11 =	sadd.s32 s6, s0;
	s13 =	sshrl.u32 s12, $0x1  }
0xd: {  	s19 =	sshrl.u32 s14, $0x2;
	s6 =	sadd.s32 s2, s6;
	p3 =	seq.s32 @p5 s1, $0xF  }
0xe: {  	p6 =	seq.s32 @!p5 s1, $0xF;
	s9 =	sadd.s32 s9, s7;
	s21 =	ssub.s32 s12, s13  }
0xf: {  	s7 =	sadd.s32 s1, s7;
	[dreg:$0x6] =	wrdreg s6;
	p2 =	por !p3, !p5  }
0x10: {  	p3 =	por p3, !p5;
	p4 =	por !p6, p5;
	p5 =	por p6, p5  }
0x11: {  	s17 =	sshll.u32 s9, $0x4;
	s15 =	sshll.u32 s7, $0x4;
	s7 =	sadd.s32 s19, s3  }
0x12: {  	s19 =	sadd.s32 $0x3F200, s11;
	s21 =	smax.u32 s21, $0x1;
	s18 =	sadd.s32 s8, s17  }
0x13: {  	s9 =	sadd.s32 s10, s17;
	s22 =	sadd.s32 $0x1A0, s17;
	s24 =	sadd.s32 $0x340, s17  }
0x14: {  	s26 =	sadd.s32 $0x4E00, s15;
	s17 =	sadd.s32 $0x18000, s11;
	[dreg:$0x4] =	wrdreg s18  }
0x15: {  	[dreg:$0x5] =	wrdreg s9;
	s9 =	sadd.s32 $0x12C000, s3;
	s23 =	sadd.s32 s8, s22  }
0x16: {  	s6 =	sadd.s32 s10, s22;
	s25 =	sadd.s32 s8, s24;
	s15 =	sadd.s32 s8, s26  }
0x17: {  	s16 =	sadd.s32 s10, s26;
	s18 =	sadd.s32 $0x3D800, s0;
	[dreg:$0x8] =	wrdreg s23  }
0x18: {  	s22 =	simm.s32 $0x1A00;
	s26 =	simm.s32 $0x80;
	[dreg:$0x9] =	wrdreg s6  }
0x19: {  	s0 =	simm.s32 $0x2;
	s8 =	simm.s32 $0x0;
	[dreg:$0xa] =	wrdreg s25  }
0x1a: {  	s6 =	sadd.s32 s10, s24;
	s23 =	simm.s32 $0x3;
	s24 =	simm.s32 $0xD00  }
0x1b: {  	s25 =	simm.s32 $0xC80;
	[dreg:$0xb] =	wrdreg s6;
	s6 =	simm.s32 $0x2680  }
.LBB2_1:
0x1c: {  	s10 =	rddreg [dreg:$0x4]  }
0x1d: {  	[tilespmem:s4], [sflag:$0x3] =	stream.linear.gather [hbm4b:s10+s4], $0xD00, $0x38;
	[tilespmem:$0x1EDC0] =	vst v63  }
0x1e: {  	s11 =	rddreg [dreg:$0x5]  }
0x1f: {  	[tilespmem:s22], [sflag:$0x3] =	stream.linear.gather [hbm4b:s11+s4], $0xD00, $0x38;
	[tilespmem:$0x1EDC0] =	vst v63  }
0x20: {  	s12 =	rddreg [dreg:$0x7];
	s10 =	sshrl.u32 @p0 s9, $0x3;
	s11 =	simm.s32 @p0 $0x1FC4  }
0x21: {  	[spmem:s10], [sflag:s11] =	dma.local @p0 [hbm:s12], $0x1900  }
0x22: {  	s10 =	simm.s32 @p0 $0x4  }
0x23: {  	_ =	swait.ge @p0 [sflag:s10], $0x1900  }
0x24: {  	s11 =	sshll.u32 @!p0 s1, $0x6;
	[sflag:s10] =	ssyncset.done @p0 $0x0;
	s12 =	rddreg [dreg:$0x6]  }
0x25: {  	[sflag:s10] =	ssyncadd.s32 @p0 $0xFFFFE700;
	s10 =	sor.u32 @!p0 $0x1C04, s11;
	s11 =	sshrl.u32 @!p0 s7, $0x3  }
0x26: {  	[spmem:s11], [sflag:s10] =	dma.local @!p0 [hbm:s12], $0x2800  }
0x27: {  	s10 =	simm.s32 @!p0 $0x4  }
0x28: {  	_ =	swait.ge @!p0 [sflag:s10], $0x2800  }
0x29: {  	[sflag:s10] =	ssyncset.done @!p0 $0x0  }
0x2a: {  	[sflag:s10] =	ssyncadd.s32 @!p0 $0xFFFFD800  }
0x2b: {  	[bflag:$0x0] =	sbarrier.arrive $0xFFFF  }
0x2c: {  	_ =	swait.ge [sflag:s23], $0xD00  }
0x2d: {  	[sflag:s23] =	ssyncset.done $0x0  }
0x2e: {  	[sflag:s23] =	ssyncadd.s32 $0xFFFFF300  }
0x2f: {  	_ =	swait.ge [sflag:s23], $0xD00  }
0x30: {  	[sflag:s23] =	ssyncset.done $0x0  }
0x31: {  	s12 =	rddreg [dreg:$0x8];
	[sflag:s23] =	ssyncadd.s32 $0xFFFFF300  }
0x32: {  	[tilespmem:s24], [sflag:$0x3] =	stream.linear.gather [hbm4b:s12+s4], $0xD00, $0x38;
	[tilespmem:$0x1EDC0] =	vst v63  }
0x33: {  	s14 =	simm.s32 $0x2700;
	s13 =	rddreg [dreg:$0x9]  }
0x34: {  	[tilespmem:s14], [sflag:$0x3] =	stream.linear.gather [hbm4b:s13+s4], $0xD00, $0x38;
	[tilespmem:$0x1EDC0] =	vst v63  }
0x35: {  	_ = 	snop  }
0x36: {  	[tilespmem:s28], [sflag:$0x1] =	stream.indirect.gather [hbm4b:s2+s26], $0x80, s4, s26, $0xb8;
	[tilespmem:$0x1EDC0] =	vst v63  }
0x37: {  	s11 =	simm.s32 $0x80  }
0x38: {  	[tilespmem:s29], [sflag:$0x2] =	stream.indirect.gather [hbm4b:s2+s26], $0x80, s11, s26, $0xb8;
	[tilespmem:$0x1EDC0] =	vst v63  }
0x39: {  	_ =	swait.ge [sflag:s30], $0x4000  }
0x3a: {  	[sflag:s30] =	ssyncset.done $0x0  }
0x3b: {  	s12 =	simm.s32 $0x1A00;
	[sflag:s30] =	ssyncadd.s32 $0xFFFFC000  }
0x3c: {  	[spmem:s3] =	stream.indirect.scatter.add.f32 [tilespmem:s28], [sflag:$0x4], $0x80, s12, s26, $0xb8;
	[tilespmem:$0x1EDC0] =	vst v63  }
0x3d: {  	_ =	swait.ge [sflag:s31], $0x4000  }
0x3e: {  	[sflag:s31] =	ssyncset.done $0x0  }
0x3f: {  	s13 =	simm.s32 $0x100;
	[sflag:s31] =	ssyncadd.s32 $0xFFFFC000  }
0x40: {  	[tilespmem:s28], [sflag:$0x1] =	stream.indirect.gather [hbm4b:s2+s26], $0x80, s13, s26, $0xb8;
	[tilespmem:$0x1EDC0] =	vst v63  }
0x41: {  	_ =	swait.ge [sflag:s0], $0x4000  }
0x42: {  	[sflag:s0] =	ssyncset.done $0x0  }
0x43: {  	s14 =	simm.s32 $0x1A80;
	[sflag:s0] =	ssyncadd.s32 $0xFFFFC000  }
0x44: {  	[spmem:s3] =	stream.indirect.scatter.add.f32 [tilespmem:s29], [sflag:$0x4], $0x80, s14, s26, $0xb8;
	[tilespmem:$0x1EDC0] =	vst v63  }
0x45: {  	_ =	swait.ge [sflag:s31], $0x4000  }
0x46: {  	s10 =	simm.s32 $0x100;
	s11 =	simm.s32 $0x800;
	[sflag:s31] =	ssyncset.done $0x0  }
.LBB2_2:
0x47: {  	s12 =	sadd.s32 $0x80, s10  }
0x48: {  	[sflag:s31] =	ssyncadd.s32 $0xFFFFC000;
	s13 =	smov.u32 s11;
	s14 =	sadd.s32 $0x400, s11  }
0x49: {  	[tilespmem:s29], [sflag:$0x2] =	stream.indirect.gather [hbm4b:s2+s26], $0x80, s12, s26, $0xb8;
	[tilespmem:$0x1EDC0] =	vst v63  }
0x4a: {  	p6 =	sne.s32 s11, $0x2C00;
	_ =	swait.ge [sflag:s30], $0x4000  }
0x4b: {  	[sflag:s30] =	ssyncset.done $0x0  }
0x4c: {  	s11 =	sadd.s32 $0x1A00, s10;
	[sflag:s30] =	ssyncadd.s32 $0xFFFFC000  }
0x4d: {  	[spmem:s3] =	stream.indirect.scatter.add.f32 [tilespmem:s28], [sflag:$0x4], $0x80, s11, s26, $0xb8;
	[tilespmem:$0x1EDC0] =	vst v63  }
0x4e: {  	_ =	swait.ge [sflag:s31], $0x4000  }
0x4f: {  	[sflag:s31] =	ssyncset.done $0x0  }
0x50: {  	s11 =	sadd.s32 $0x100, s10;
	[sflag:s31] =	ssyncadd.s32 $0xFFFFC000  }
0x51: {  	[tilespmem:s28], [sflag:$0x1] =	stream.indirect.gather [hbm4b:s2+s26], $0x80, s11, s26, $0xb8;
	[tilespmem:$0x1EDC0] =	vst v63  }
0x52: {  	_ =	swait.ge [sflag:s0], $0x4000  }
.Ltmp0:
0x53: {  	[sflag:s0] =	ssyncset.done $0x0;
	(pc) =	sbr.rel @p6 .LBB2_2-.Ltmp0, $4  }
0x54: {  	s10 =	sadd.s32 $0x1A80, s10;
	[sflag:s0] =	ssyncadd.s32 $0xFFFFC000  }
0x55: {  	[spmem:s3] =	stream.indirect.scatter.add.f32 [tilespmem:s29], [sflag:$0x4], $0x80, s10, s26, $0xb8;
	[tilespmem:$0x1EDC0] =	vst v63  }
0x56: {  	_ =	swait.ge [sflag:s31], $0x4000  }
0x57: {  	s11 =	smov.u32 s14;
	s10 =	sshra.s32 s13, $0x2;
	[sflag:s31] =	ssyncset.done $0x0  }
0x58: {  	s11 =	sadd.s32 $0x80, s10;
	[sflag:s31] =	ssyncadd.s32 $0xFFFFC000  }
0x59: {  	[tilespmem:s29], [sflag:$0x2] =	stream.indirect.gather [hbm4b:s2+s26], $0x80, s11, s26, $0xb8;
	[tilespmem:$0x1EDC0] =	vst v63  }
0x5a: {  	_ =	swait.ge [sflag:s30], $0x4000  }
0x5b: {  	[sflag:s30] =	ssyncset.done $0x0  }
0x5c: {  	s13 =	sadd.s32 $0x1A00, s10;
	[sflag:s30] =	ssyncadd.s32 $0xFFFFC000  }
0x5d: {  	[spmem:s3] =	stream.indirect.scatter.add.f32 [tilespmem:s28], [sflag:$0x4], $0x80, s13, s26, $0xb8;
	[tilespmem:$0x1EDC0] =	vst v63  }
0x5e: {  	_ =	swait.ge [sflag:s31], $0x4000  }
0x5f: {  	[sflag:s31] =	ssyncset.done $0x0  }
0x60: {  	s14 =	sadd.s32 $0x100, s10;
	[sflag:s31] =	ssyncadd.s32 $0xFFFFC000  }
0x61: {  	[tilespmem:s28], [sflag:$0x1] =	stream.indirect.gather [hbm4b:s2+s26], $0x80, s14, s26, $0xb8;
	[tilespmem:$0x1EDC0] =	vst v63  }
0x62: {  	_ =	swait.ge [sflag:s0], $0x4000  }
0x63: {  	[sflag:s0] =	ssyncset.done $0x0  }
0x64: {  	s11 =	sadd.s32 $0x1A80, s10;
	[sflag:s0] =	ssyncadd.s32 $0xFFFFC000  }
0x65: {  	[spmem:s3] =	stream.indirect.scatter.add.f32 [tilespmem:s29], [sflag:$0x4], $0x80, s11, s26, $0xb8;
	[tilespmem:$0x1EDC0] =	vst v63  }
0x66: {  	_ =	swait.ge [sflag:s31], $0x4000  }
0x67: {  	[sflag:s31] =	ssyncset.done $0x0  }
0x68: {  	[sflag:s31] =	ssyncadd.s32 $0xFFFFC000  }
0x69: {  	[tilespmem:s29], [sflag:$0x2] =	stream.indirect.gather [hbm4b:s2+s26], $0x80, s25, s26, $0xb8;
	[tilespmem:$0x1EDC0] =	vst v63  }
0x6a: {  	_ =	swait.ge [sflag:s30], $0x4000  }
0x6b: {  	[sflag:s30] =	ssyncset.done $0x0  }
0x6c: {  	[sflag:s30] =	ssyncadd.s32 $0xFFFFC000  }
0x6d: {  	[spmem:s3] =	stream.indirect.scatter.add.f32 [tilespmem:s28], [sflag:$0x4], $0x80, s5, s26, $0xb8;
	[tilespmem:$0x1EDC0] =	vst v63  }
0x6e: {  	_ =	swait.ge [sflag:s31], $0x4000  }
0x6f: {  	[sflag:s31] =	ssyncset.done $0x0  }
0x70: {  	[sflag:s31] =	ssyncadd.s32 $0xFFFFC000  }
0x71: {  	_ =	swait.ge [sflag:s0], $0x4000  }
0x72: {  	[sflag:s0] =	ssyncset.done $0x0  }
0x73: {  	[sflag:s0] =	ssyncadd.s32 $0xFFFFC000  }
0x74: {  	[spmem:s3] =	stream.indirect.scatter.add.f32 [tilespmem:s29], [sflag:$0x4], $0x80, s6, s26, $0xb8;
	[tilespmem:$0x1EDC0] =	vst v63  }
0x75: {  	_ =	swait.ge [sflag:s31], $0x4000  }
0x76: {  	[sflag:s31] =	ssyncset.done $0x0  }
0x77: {  	[sflag:s31] =	ssyncadd.s32 $0xFFFFC000  }
0x78: {  	_ =	swait.ge [sflag:s23], $0xD00  }
0x79: {  	[sflag:s23] =	ssyncset.done $0x0  }
0x7a: {  	[sflag:s23] =	ssyncadd.s32 $0xFFFFF300  }
0x7b: {  	_ =	swait.ge [sflag:s23], $0xD00  }
0x7c: {  	[sflag:s23] =	ssyncset.done $0x0  }
0x7d: {  	s12 =	simm.s32 $0x0;
	s13 =	rddreg [dreg:$0xa];
	[sflag:s23] =	ssyncadd.s32 $0xFFFFF300  }
0x7e: {  	[tilespmem:s12], [sflag:$0x3] =	stream.linear.gather [hbm4b:s13+s12], $0xD00, $0x38;
	[tilespmem:$0x1EDC0] =	vst v63  }
0x7f: {  	s14 =	rddreg [dreg:$0xb]  }
0x80: {  	[tilespmem:s22], [sflag:$0x3] =	stream.linear.gather [hbm4b:s14+s12], $0xD00, $0x38;
	[tilespmem:$0x1EDC0] =	vst v63  }
0x81: {  	_ = 	snop  }
0x82: {  	[tilespmem:s28], [sflag:$0x1] =	stream.indirect.gather [hbm4b:s2+s26], $0x80, s24, s26, $0xb8;
	[tilespmem:$0x1EDC0] =	vst v63  }
0x83: {  	s11 =	simm.s32 $0xD80  }
0x84: {  	[tilespmem:s29], [sflag:$0x2] =	stream.indirect.gather [hbm4b:s2+s26], $0x80, s11, s26, $0xb8;
	[tilespmem:$0x1EDC0] =	vst v63  }
0x85: {  	_ =	swait.ge [sflag:s30], $0x4000  }
0x86: {  	[sflag:s30] =	ssyncset.done $0x0  }
0x87: {  	s12 =	simm.s32 $0x2700;
	[sflag:s30] =	ssyncadd.s32 $0xFFFFC000  }
0x88: {  	[spmem:s3] =	stream.indirect.scatter.add.f32 [tilespmem:s28], [sflag:$0x4], $0x80, s12, s26, $0xb8;
	[tilespmem:$0x1EDC0] =	vst v63  }
0x89: {  	_ =	swait.ge [sflag:s31], $0x4000  }
0x8a: {  	[sflag:s31] =	ssyncset.done $0x0  }
0x8b: {  	s13 =	simm.s32 $0xE00;
	[sflag:s31] =	ssyncadd.s32 $0xFFFFC000  }
0x8c: {  	[tilespmem:s28], [sflag:$0x1] =	stream.indirect.gather [hbm4b:s2+s26], $0x80, s13, s26, $0xb8;
	[tilespmem:$0x1EDC0] =	vst v63  }
0x8d: {  	_ =	swait.ge [sflag:s0], $0x4000  }
0x8e: {  	[sflag:s0] =	ssyncset.done $0x0  }
0x8f: {  	s14 =	simm.s32 $0x2780;
	[sflag:s0] =	ssyncadd.s32 $0xFFFFC000  }
0x90: {  	[spmem:s3] =	stream.indirect.scatter.add.f32 [tilespmem:s29], [sflag:$0x4], $0x80, s14, s26, $0xb8;
	[tilespmem:$0x1EDC0] =	vst v63  }
0x91: {  	_ =	swait.ge [sflag:s31], $0x4000  }
0x92: {  	s10 =	simm.s32 $0x100;
	s11 =	simm.s32 $0x800;
	[sflag:s31] =	ssyncset.done $0x0  }
.LBB2_4:
0x93: {  	s12 =	sadd.s32 $0xD80, s10  }
0x94: {  	[sflag:s31] =	ssyncadd.s32 $0xFFFFC000;
	s13 =	smov.u32 s11;
	s14 =	sadd.s32 $0x400, s11  }
0x95: {  	[tilespmem:s29], [sflag:$0x2] =	stream.indirect.gather [hbm4b:s2+s26], $0x80, s12, s26, $0xb8;
	[tilespmem:$0x1EDC0] =	vst v63  }
0x96: {  	p6 =	sne.s32 s11, $0x2C00;
	_ =	swait.ge [sflag:s30], $0x4000  }
0x97: {  	[sflag:s30] =	ssyncset.done $0x0  }
0x98: {  	s11 =	sadd.s32 $0x2700, s10;
	[sflag:s30] =	ssyncadd.s32 $0xFFFFC000  }
0x99: {  	[spmem:s3] =	stream.indirect.scatter.add.f32 [tilespmem:s28], [sflag:$0x4], $0x80, s11, s26, $0xb8;
	[tilespmem:$0x1EDC0] =	vst v63  }
0x9a: {  	_ =	swait.ge [sflag:s31], $0x4000  }
0x9b: {  	[sflag:s31] =	ssyncset.done $0x0  }
0x9c: {  	s11 =	sadd.s32 $0xE00, s10;
	[sflag:s31] =	ssyncadd.s32 $0xFFFFC000  }
0x9d: {  	[tilespmem:s28], [sflag:$0x1] =	stream.indirect.gather [hbm4b:s2+s26], $0x80, s11, s26, $0xb8;
	[tilespmem:$0x1EDC0] =	vst v63  }
0x9e: {  	_ =	swait.ge [sflag:s0], $0x4000  }
.Ltmp1:
0x9f: {  	[sflag:s0] =	ssyncset.done $0x0;
	(pc) =	sbr.rel @p6 .LBB2_4-.Ltmp1, $4  }
0xa0: {  	s10 =	sadd.s32 $0x2780, s10;
	[sflag:s0] =	ssyncadd.s32 $0xFFFFC000  }
0xa1: {  	[spmem:s3] =	stream.indirect.scatter.add.f32 [tilespmem:s29], [sflag:$0x4], $0x80, s10, s26, $0xb8;
	[tilespmem:$0x1EDC0] =	vst v63  }
0xa2: {  	_ =	swait.ge [sflag:s31], $0x4000  }
0xa3: {  	s11 =	smov.u32 s14;
	s10 =	sshra.s32 s13, $0x2;
	[sflag:s31] =	ssyncset.done $0x0  }
0xa4: {  	s11 =	sadd.s32 $0xD80, s10;
	[sflag:s31] =	ssyncadd.s32 $0xFFFFC000  }
0xa5: {  	[tilespmem:s29], [sflag:$0x2] =	stream.indirect.gather [hbm4b:s2+s26], $0x80, s11, s26, $0xb8;
	[tilespmem:$0x1EDC0] =	vst v63  }
0xa6: {  	_ =	swait.ge [sflag:s30], $0x4000  }
0xa7: {  	[sflag:s30] =	ssyncset.done $0x0  }
0xa8: {  	s12 =	sadd.s32 $0x2700, s10;
	[sflag:s30] =	ssyncadd.s32 $0xFFFFC000  }
0xa9: {  	[spmem:s3] =	stream.indirect.scatter.add.f32 [tilespmem:s28], [sflag:$0x4], $0x80, s12, s26, $0xb8;
	[tilespmem:$0x1EDC0] =	vst v63  }
0xaa: {  	_ =	swait.ge [sflag:s31], $0x4000  }
0xab: {  	[sflag:s31] =	ssyncset.done $0x0  }
0xac: {  	s13 =	sadd.s32 $0xE00, s10;
	[sflag:s31] =	ssyncadd.s32 $0xFFFFC000  }
0xad: {  	[tilespmem:s28], [sflag:$0x1] =	stream.indirect.gather [hbm4b:s2+s26], $0x80, s13, s26, $0xb8;
	[tilespmem:$0x1EDC0] =	vst v63  }
0xae: {  	_ =	swait.ge [sflag:s0], $0x4000  }
0xaf: {  	[sflag:s0] =	ssyncset.done $0x0  }
0xb0: {  	s14 =	sadd.s32 $0x2780, s10;
	[sflag:s0] =	ssyncadd.s32 $0xFFFFC000  }
0xb1: {  	[spmem:s3] =	stream.indirect.scatter.add.f32 [tilespmem:s29], [sflag:$0x4], $0x80, s14, s26, $0xb8;
	[tilespmem:$0x1EDC0] =	vst v63  }
0xb2: {  	_ =	swait.ge [sflag:s31], $0x4000  }
0xb3: {  	[sflag:s31] =	ssyncset.done $0x0  }
0xb4: {  	s11 =	simm.s32 $0x1980;
	[sflag:s31] =	ssyncadd.s32 $0xFFFFC000  }
0xb5: {  	[tilespmem:s29], [sflag:$0x2] =	stream.indirect.gather [hbm4b:s2+s26], $0x80, s11, s26, $0xb8;
	[tilespmem:$0x1EDC0] =	vst v63  }
0xb6: {  	_ =	swait.ge [sflag:s30], $0x4000  }
0xb7: {  	[sflag:s30] =	ssyncset.done $0x0  }
0xb8: {  	s12 =	simm.s32 $0x3300;
	[sflag:s30] =	ssyncadd.s32 $0xFFFFC000  }
0xb9: {  	[spmem:s3] =	stream.indirect.scatter.add.f32 [tilespmem:s28], [sflag:$0x4], $0x80, s12, s26, $0xb8;
	[tilespmem:$0x1EDC0] =	vst v63  }
0xba: {  	_ =	swait.ge [sflag:s31], $0x4000  }
0xbb: {  	[sflag:s31] =	ssyncset.done $0x0  }
0xbc: {  	[sflag:s31] =	ssyncadd.s32 $0xFFFFC000  }
0xbd: {  	_ =	swait.ge [sflag:s0], $0x4000  }
0xbe: {  	[sflag:s0] =	ssyncset.done $0x0  }
0xbf: {  	s13 =	simm.s32 $0x3380;
	[sflag:s0] =	ssyncadd.s32 $0xFFFFC000  }
0xc0: {  	[spmem:s3] =	stream.indirect.scatter.add.f32 [tilespmem:s29], [sflag:$0x4], $0x80, s13, s26, $0xb8;
	[tilespmem:$0x1EDC0] =	vst v63  }
0xc1: {  	_ =	swait.ge [sflag:s31], $0x4000  }
0xc2: {  	[sflag:s31] =	ssyncset.done $0x0  }
0xc3: {  	[sflag:s31] =	ssyncadd.s32 $0xFFFFC000  }
0xc4: {  	_ =	swait.ge [sflag:s23], $0xD00  }
0xc5: {  	[sflag:s23] =	ssyncset.done $0x0  }
0xc6: {  	[sflag:s23] =	ssyncadd.s32 $0xFFFFF300  }
0xc7: {  	_ =	swait.ge [sflag:s23], $0xD00  }
0xc8: {  	[sflag:s23] =	ssyncset.done $0x0  }
0xc9: {  	s14 =	simm.s32 $0x0;
	[sflag:s23] =	ssyncadd.s32 $0xFFFFF300  }
0xca: {  	[tilespmem:s28], [sflag:$0x1] =	stream.indirect.gather [hbm4b:s2+s26], $0x80, s14, s26, $0xb8;
	[tilespmem:$0x1EDC0] =	vst v63  }
0xcb: {  	s11 =	simm.s32 $0x80  }
0xcc: {  	[tilespmem:s29], [sflag:$0x2] =	stream.indirect.gather [hbm4b:s2+s26], $0x80, s11, s26, $0xb8;
	[tilespmem:$0x1EDC0] =	vst v63  }
0xcd: {  	_ =	swait.ge [sflag:s30], $0x4000  }
0xce: {  	[sflag:s30] =	ssyncset.done $0x0  }
0xcf: {  	s12 =	simm.s32 $0x1A00;
	[sflag:s30] =	ssyncadd.s32 $0xFFFFC000  }
0xd0: {  	[spmem:s3] =	stream.indirect.scatter.add.f32 [tilespmem:s28], [sflag:$0x4], $0x80, s12, s26, $0xb8;
	[tilespmem:$0x1EDC0] =	vst v63  }
0xd1: {  	_ =	swait.ge [sflag:s31], $0x4000  }
0xd2: {  	[sflag:s31] =	ssyncset.done $0x0  }
0xd3: {  	s13 =	simm.s32 $0x100;
	[sflag:s31] =	ssyncadd.s32 $0xFFFFC000  }
0xd4: {  	[tilespmem:s28], [sflag:$0x1] =	stream.indirect.gather [hbm4b:s2+s26], $0x80, s13, s26, $0xb8;
	[tilespmem:$0x1EDC0] =	vst v63  }
0xd5: {  	_ =	swait.ge [sflag:s0], $0x4000  }
0xd6: {  	[sflag:s0] =	ssyncset.done $0x0  }
0xd7: {  	s14 =	simm.s32 $0x1A80;
	[sflag:s0] =	ssyncadd.s32 $0xFFFFC000  }
0xd8: {  	[spmem:s3] =	stream.indirect.scatter.add.f32 [tilespmem:s29], [sflag:$0x4], $0x80, s14, s26, $0xb8;
	[tilespmem:$0x1EDC0] =	vst v63  }
0xd9: {  	_ =	swait.ge [sflag:s31], $0x4000  }
0xda: {  	s10 =	simm.s32 $0x100;
	s11 =	simm.s32 $0x800;
	[sflag:s31] =	ssyncset.done $0x0  }
.LBB2_6:
0xdb: {  	s12 =	sadd.s32 $0x80, s10  }
0xdc: {  	[sflag:s31] =	ssyncadd.s32 $0xFFFFC000;
	s13 =	smov.u32 s11;
	s14 =	sadd.s32 $0x400, s11  }
0xdd: {  	[tilespmem:s29], [sflag:$0x2] =	stream.indirect.gather [hbm4b:s2+s26], $0x80, s12, s26, $0xb8;
	[tilespmem:$0x1EDC0] =	vst v63  }
0xde: {  	p6 =	sne.s32 s11, $0x2C00;
	_ =	swait.ge [sflag:s30], $0x4000  }
0xdf: {  	[sflag:s30] =	ssyncset.done $0x0  }
0xe0: {  	s11 =	sadd.s32 $0x1A00, s10;
	[sflag:s30] =	ssyncadd.s32 $0xFFFFC000  }
0xe1: {  	[spmem:s3] =	stream.indirect.scatter.add.f32 [tilespmem:s28], [sflag:$0x4], $0x80, s11, s26, $0xb8;
	[tilespmem:$0x1EDC0] =	vst v63  }
0xe2: {  	_ =	swait.ge [sflag:s31], $0x4000  }
0xe3: {  	[sflag:s31] =	ssyncset.done $0x0  }
0xe4: {  	s11 =	sadd.s32 $0x100, s10;
	[sflag:s31] =	ssyncadd.s32 $0xFFFFC000  }
0xe5: {  	[tilespmem:s28], [sflag:$0x1] =	stream.indirect.gather [hbm4b:s2+s26], $0x80, s11, s26, $0xb8;
	[tilespmem:$0x1EDC0] =	vst v63  }
0xe6: {  	_ =	swait.ge [sflag:s0], $0x4000  }
.Ltmp2:
0xe7: {  	[sflag:s0] =	ssyncset.done $0x0;
	(pc) =	sbr.rel @p6 .LBB2_6-.Ltmp2, $4  }
0xe8: {  	s10 =	sadd.s32 $0x1A80, s10;
	[sflag:s0] =	ssyncadd.s32 $0xFFFFC000  }
0xe9: {  	[spmem:s3] =	stream.indirect.scatter.add.f32 [tilespmem:s29], [sflag:$0x4], $0x80, s10, s26, $0xb8;
	[tilespmem:$0x1EDC0] =	vst v63  }
0xea: {  	_ =	swait.ge [sflag:s31], $0x4000  }
0xeb: {  	s11 =	smov.u32 s14;
	s10 =	sshra.s32 s13, $0x2;
	[sflag:s31] =	ssyncset.done $0x0  }
0xec: {  	s11 =	sadd.s32 $0x80, s10;
	[sflag:s31] =	ssyncadd.s32 $0xFFFFC000  }
0xed: {  	[tilespmem:s29], [sflag:$0x2] =	stream.indirect.gather [hbm4b:s2+s26], $0x80, s11, s26, $0xb8;
	[tilespmem:$0x1EDC0] =	vst v63  }
0xee: {  	_ =	swait.ge [sflag:s30], $0x4000  }
0xef: {  	[sflag:s30] =	ssyncset.done $0x0  }
0xf0: {  	s12 =	sadd.s32 $0x1A00, s10;
	[sflag:s30] =	ssyncadd.s32 $0xFFFFC000  }
0xf1: {  	[spmem:s3] =	stream.indirect.scatter.add.f32 [tilespmem:s28], [sflag:$0x4], $0x80, s12, s26, $0xb8;
	[tilespmem:$0x1EDC0] =	vst v63  }
0xf2: {  	_ =	swait.ge [sflag:s31], $0x4000  }
0xf3: {  	[sflag:s31] =	ssyncset.done $0x0  }
0xf4: {  	s13 =	sadd.s32 $0x100, s10;
	[sflag:s31] =	ssyncadd.s32 $0xFFFFC000  }
0xf5: {  	[tilespmem:s28], [sflag:$0x1] =	stream.indirect.gather [hbm4b:s2+s26], $0x80, s13, s26, $0xb8;
	[tilespmem:$0x1EDC0] =	vst v63  }
0xf6: {  	_ =	swait.ge [sflag:s0], $0x4000  }
0xf7: {  	[sflag:s0] =	ssyncset.done $0x0  }
0xf8: {  	s14 =	sadd.s32 $0x1A80, s10;
	[sflag:s0] =	ssyncadd.s32 $0xFFFFC000  }
0xf9: {  	[spmem:s3] =	stream.indirect.scatter.add.f32 [tilespmem:s29], [sflag:$0x4], $0x80, s14, s26, $0xb8;
	[tilespmem:$0x1EDC0] =	vst v63  }
0xfa: {  	_ =	swait.ge [sflag:s31], $0x4000  }
0xfb: {  	[sflag:s31] =	ssyncset.done $0x0  }
0xfc: {  	[sflag:s31] =	ssyncadd.s32 $0xFFFFC000  }
0xfd: {  	[tilespmem:s29], [sflag:$0x2] =	stream.indirect.gather [hbm4b:s2+s26], $0x80, s25, s26, $0xb8;
	[tilespmem:$0x1EDC0] =	vst v63  }
0xfe: {  	_ =	swait.ge [sflag:s30], $0x4000  }
0xff: {  	[sflag:s30] =	ssyncset.done $0x0  }
0x100: {  	[sflag:s30] =	ssyncadd.s32 $0xFFFFC000  }
0x101: {  	[spmem:s3] =	stream.indirect.scatter.add.f32 [tilespmem:s28], [sflag:$0x4], $0x80, s5, s26, $0xb8;
	[tilespmem:$0x1EDC0] =	vst v63  }
0x102: {  	_ =	swait.ge [sflag:s31], $0x4000  }
0x103: {  	[sflag:s31] =	ssyncset.done $0x0  }
0x104: {  	[sflag:s31] =	ssyncadd.s32 $0xFFFFC000  }
0x105: {  	_ =	swait.ge [sflag:s0], $0x4000  }
0x106: {  	[sflag:s0] =	ssyncset.done $0x0  }
0x107: {  	[sflag:s0] =	ssyncadd.s32 $0xFFFFC000  }
0x108: {  	[spmem:s3] =	stream.indirect.scatter.add.f32 [tilespmem:s29], [sflag:$0x4], $0x80, s6, s26, $0xb8;
	[tilespmem:$0x1EDC0] =	vst v63  }
0x109: {  	_ =	swait.ge [sflag:s31], $0x4000  }
0x10a: {  	s10 =	simm.s32 @!p1 $0x0;
	[sflag:s31] =	ssyncset.done $0x0  }
0x10b: {  	s11 =	simm.s32 @!p1 $0x3400;
	s12 =	simm.s32 @!p1 $0x4;
	[sflag:s31] =	ssyncadd.s32 $0xFFFFC000  }
0x10c: {  	[tilespmem:s11], [sflag:$0x4] =	stream.linear.gather @!p1 [hbm4b:s15+s10], $0x80, $0x38;
	[tilespmem:$0x1EDC0] =	vst v63  }
0x10d: {  	_ =	swait.ge @!p1 [sflag:s12], $0x80  }
0x10e: {  	[sflag:s12] =	ssyncset.done @!p1 $0x0  }
0x10f: {  	s13 =	simm.s32 @!p1 $0x3480;
	[sflag:s12] =	ssyncadd.s32 @!p1 $0xFFFFFF80  }
0x110: {  	[tilespmem:s13], [sflag:$0x4] =	stream.linear.gather @!p1 [hbm4b:s16+s10], $0x80, $0x38;
	[tilespmem:$0x1EDC0] =	vst v63  }
0x111: {  	_ =	swait.ge @!p1 [sflag:s12], $0x80  }
0x112: {  	[sflag:s12] =	ssyncset.done @!p1 $0x0  }
0x113: {  	s14 =	simm.s32 @!p1 $0x3500;
	s10 =	simm.s32 @!p1 $0x80;
	[sflag:s12] =	ssyncadd.s32 @!p1 $0xFFFFFF80  }
0x114: {  	[tilespmem:s14], [sflag:$0x1] =	stream.indirect.gather @!p1 [hbm4b:s2+s10], $0x80, s11, s10, $0xb8;
	[tilespmem:$0x1EDC0] =	vst v63  }
0x115: {  	s11 =	simm.s32 @!p1 $0x1  }
0x116: {  	_ =	swait.ge @!p1 [sflag:s11], $0x4000  }
0x117: {  	[sflag:s11] =	ssyncset.done @!p1 $0x0  }
0x118: {  	[sflag:s11] =	ssyncadd.s32 @!p1 $0xFFFFC000  }
0x119: {  	[spmem:s3] =	stream.indirect.scatter.add.f32 @!p1 [tilespmem:s14], [sflag:$0x4], $0x80, s13, s10, $0xb8;
	[tilespmem:$0x1EDC0] =	vst v63  }
0x11a: {  	_ =	swait.ge @!p1 [sflag:s12], $0x4000  }
0x11b: {  	[sflag:s12] =	ssyncset.done @!p1 $0x0  }
0x11c: {  	[sflag:s12] =	ssyncadd.s32 @!p1 $0xFFFFC000  }
0x11d: {  	s11 =	simm.s32 @!p2 $0x1FC4;
	s10 =	sshrl.u32 @!p2 s9, $0x3;
	[bflag:$0x0] =	sbarrier.arrive $0xFFFF  }
0x11e: {  	[hbm:s20], [sflag:s11] =	dma.local @!p2 [spmem:s10], $0x1900  }
0x11f: {  	s10 =	simm.s32 @!p2 $0x4  }
0x120: {  	_ =	swait.ge @!p2 [sflag:s10], $0x1900  }
0x121: {  	s11 =	sshll.u32 @!p3 s1, $0x6;
	[sflag:s10] =	ssyncset.done @!p2 $0x0  }
0x122: {  	[sflag:s10] =	ssyncadd.s32 @!p2 $0xFFFFE700;
	s10 =	sor.u32 @!p3 $0x1C04, s11;
	s11 =	sshrl.u32 @!p3 s7, $0x3  }
0x123: {  	[hbm:s19], [sflag:s10] =	dma.local @!p3 [spmem:s11], $0x2800  }
0x124: {  	s10 =	simm.s32 @!p3 $0x4  }
0x125: {  	_ =	swait.ge @!p3 [sflag:s10], $0x2800  }
0x126: {  	[sflag:s10] =	ssyncset.done @!p3 $0x0  }
0x127: {  	s11 =	simm.s32 @!p4 $0x1FC4;
	[sflag:s10] =	ssyncadd.s32 @!p3 $0xFFFFD800;
	s10 =	sshrl.u32 @!p4 s9, $0x3  }
0x128: {  	[hbm:s18], [sflag:s11] =	dma.local @!p4 [spmem:s10], $0x1900  }
0x129: {  	s10 =	simm.s32 @!p4 $0x4  }
0x12a: {  	s8 =	sadd.s32 $0x1, s8;
	_ =	swait.ge @!p4 [sflag:s10], $0x1900  }
0x12b: {  	p6 =	sne.s32 s8, s21;
	s11 =	sshll.u32 @!p5 s1, $0x6;
	[sflag:s10] =	ssyncset.done @!p4 $0x0  }
0x12c: {  	[sflag:s10] =	ssyncadd.s32 @!p4 $0xFFFFE700;
	s10 =	sor.u32 @!p5 $0x1C04, s11;
	s11 =	sshrl.u32 @!p5 s7, $0x3  }
0x12d: {  	[hbm:s17], [sflag:s10] =	dma.local @!p5 [spmem:s11], $0x2800  }
.Ltmp3:
0x12e: {  	_ = 	snop;
	(pc) =	sbr.rel @p6 .LBB2_1-.Ltmp3, $4  }
0x12f: {  	s10 =	simm.s32 @!p5 $0x4  }
0x130: {  	_ =	swait.ge @!p5 [sflag:s10], $0x2800  }
0x131: {  	[sflag:s10] =	ssyncset.done @!p5 $0x0  }
0x132: {  	[sflag:s10] =	ssyncadd.s32 @!p5 $0xFFFFD800  }
0x133: {  	_ =	sfence.sel $0x180000  }
0x134: {  	[bflag:$0x0] =	sbarrier.arrive $0xFFFF  }
0x135: {  	_ =	strace $0x9000004D  }
0x136: {  	[bflag:$0x2] =	sbarrier.arrive $0xFFFF  }
0x137: {  	p0 =	sne.s32 s1, $0x0;
	s0 =	rddreg [dreg:$0x3]  }
0x138: {  	s0 =	sadd.s32 @!p0 $0x100000, s0  }
0x139: {  	[sflag:s0] =	ssyncadd.tile.s32 @!p0 $0x1;
	_ =	shalt  }
.Lfunc_end2:
_tile_overlayer_lowered:
.L_overlay_start_2:
0x13a: {  	(tag) =	ssettag $0x2  }
0x13b: {  	s0 =	rddreg [dreg:$0x0];
	s2 =	stileid.u32  }
0x13c: {  	s1 =	rddreg [dreg:$0x1];
	p0 =	sne.s32 s2, $0x0  }
0x13d: {  	s3 =	rddreg [dreg:$0x2];
	[bflag:$0x3] =	sbarrier.arrive $0xFFFF;
	s2 =	simm.s32 @!p0 $0x1C04  }
0x13e: {  	[timem:s3], [sflag:s2] =	dma.local @!p0 [hbm:s0], s1  }
0x13f: {  	s0 =	simm.s32 @!p0 $0x4  }
0x140: {  	_ =	swait.ge @!p0 [sflag:s0], s1  }
0x141: {  	s1 =	ssub.s32 @!p0 $0x0, s1;
	[sflag:s0] =	ssyncset.done @!p0 $0x0  }
0x142: {  	[sflag:s0] =	ssyncadd.s32 @!p0 s1  }
0x143: {  	[bflag:$0x3] =	sbarrier.arrive $0xFFFF  }
0x144: {  	_ =	shalt  }

// kernel: kernel.9.cloned.1.call-start
scs
__scs_entry_jumppad:
0x0: {  	(pc) =	sbr.rel $0x88, $3  }
0x1: {  	(tag) =	ssettag $0x0;
	lr =	simm.s32 $0x1  }
0x2: {  	[smem:$0x3F9B] =	sst lr;
	_ =	strace $0xD0000000  }
0x3: {  	_ = 	snop  }
0x4: {  	_ = 	snop  }
0x5: {  	_ = 	snop  }
0x6: {  	_ = 	snop  }
0x7: {  	_ = 	snop  }
__scs_overlays_trampoline_lowered:
0x8: {  	[smem:$0x3FAA] =	sst s0  }
0x9: {  	[smem:$0x3FAB] =	sst s1  }
0xa: {  	[smem:$0x3FAC] =	sst s2  }
0xb: {  	[smem:$0x3FAD] =	sst s3  }
0xc: {  	[smem:$0x3FAE] =	sst s4  }
0xd: {  	[smem:$0x3FAF] =	sst s5  }
0xe: {  	[smem:$0x3FB0] =	sst s6  }
0xf: {  	[smem:$0x3FB1] =	sst s7  }
0x10: {  	[smem:$0x3FB2] =	sst s8  }
0x11: {  	[smem:$0x3FB3] =	sst s9;
	s0 =	simm.s32 @!p0 $0x0  }
0x12: {  	s1 =	sld [smem:$0x3F99];
	s0 =	simm.s32 @p0 $0x1  }
0x13: {  	[smem:$0x3FB4] =	sst s0;
	s0 =	simm.s32 @!p1 $0x0  }
0x14: {  	s2 =	sld [smem:$0x3F98];
	s0 =	simm.s32 @p1 $0x1  }
0x15: {  	[smem:$0x3FB5] =	sst s0;
	s0 =	simm.s32 @!p2 $0x0  }
0x16: {  	s3 =	sld [smem:$0x3FDB];
	s0 =	simm.s32 @p2 $0x1  }
0x17: {  	s4 =	simm.s32 $0x1BF5;
	[smem:$0x3FB7] =	sst s0  }
0x18: {  	s0 =	sld [smem:$0x3F9A];
	_ =	swait.ge [sflag:s4], $0x0  }
0x19: {  	s7 =	sld [smem:$0x3F9B]  }
0x1a: {  	s8 =	sadd.s32 $0xFFFFE003, lr  }
0x1b: {  	s9 =	sadd.s32 $0xFFFFFEF7, lr;
	s5 =	simm.s32 $0xFFFFFFFF;
	p2 =	slt.u32 s8, $0xFFFFF086  }
0x1c: {  	p1 =	slt.u32 s9, $0xF7A;
	s5 =	simm.s32 @!p2 $0x0  }
0x1d: {  	s5 =	simm.s32 @p1 $0x1;
	p0 =	seq.s32 s7, s2  }
0x1e: {  	s7 =	smul.u32 @!p0 $0xF7A, s2;
	p2 =	seq.s32 @!p0 s5, $0x0  }
0x1f: {  	s9 =	smul.u32 $0xF7A, s1;
	s8 =	simm.s32 @!p0 $0x1BF5;
	p2 =	por !p2, p0  }
0x20: {  	[sflag:s8] =	ssyncset.s32 @!p0 $0xFFFFF086;
	s6 =	sadd.s32 @!p0 s3, s7;
	s7 =	simm.s32 @!p0 $0x108  }
0x21: {  	s3 =	sadd.s32 s3, s9;
	s6 =	sadd.s32 @!p0 $0x88, s6;
	s7 =	simm.s32 @p2 $0x1082  }
0x22: {  	[simem:s7], [sflag:s8] =	dma.local @!p0 [hbm:s6], $0xF7A  }
0x23: {  	s9 =	sor.u32 $0xD0000000, s2;
	s6 =	simm.s32 $0x108;
	_ =	swait.ge @!p0 [sflag:s8], $0x0  }
0x24: {  	s3 =	sadd.s32 $0x88, s3;
	s6 =	simm.s32 @!p1 $0x1082;
	[sflag:s4] =	ssyncset.s32 $0xFFFFF086  }
0x25: {  	[simem:s6], [sflag:s4] =	dma.local [hbm:s3], $0xF7A  }
0x26: {  	[smem:$0x3F9B] =	sst s1;
	(tag) =	ssettag s2;
	_ =	strace s9  }
0x27: {  	s1 =	sld [smem:$0x3FAB]  }
0x28: {  	s2 =	sld [smem:$0x3FAC]  }
0x29: {  	s4 =	sld [smem:$0x3FAE]  }
0x2a: {  	p0 =	seq.s32 s5, $0x0;
	s5 =	sld [smem:$0x3FAF]  }
0x2b: {  	s6 =	sld [smem:$0x3FB0]  }
0x2c: {  	s7 =	sld [smem:$0x3FB1]  }
0x2d: {  	s3 =	simm.s32 $0x108;
	s8 =	sld [smem:$0x3FB2]  }
0x2e: {  	s3 =	simm.s32 @!p0 $0x1082;
	s9 =	sld [smem:$0x3FB3]  }
0x2f: {  	lr =	sadd.s32 s0, s3;
	s0 =	sld [smem:$0x3FAA]  }
0x30: {  	s3 =	sld [smem:$0x3FAD]  }
0x31: {  	[smem:$0x3FB6] =	sst s10  }
0x32: {  	s10 =	sld [smem:$0x3FB4];
	_ =	sdelay $0x3  }
0x33: {  	p0 =	seq.s32 s10, $0x1;
	s10 =	sld [smem:$0x3FB6];
	_ =	sdelay $0x3  }
0x34: {  	[smem:$0x3FB6] =	sst s10  }
0x35: {  	s10 =	sld [smem:$0x3FB5];
	_ =	sdelay $0x3  }
0x36: {  	p1 =	seq.s32 s10, $0x1;
	s10 =	sld [smem:$0x3FB6];
	_ =	sdelay $0x3  }
0x37: {  	[smem:$0x3FB6] =	sst s10  }
0x38: {  	s10 =	sld [smem:$0x3FB7]  }
0x39: {  	_ = 	snop;
	(pc) =	sbr.ind lr, $3  }
0x3a: {  	_ = 	snop  }
0x3b: {  	_ = 	snop  }
0x3c: {  	p2 =	seq.s32 s10, $0x1;
	s10 =	sld [smem:$0x3FB6]  }
0x3d: {  	_ =	shalt  }
0x3e: {  	_ =	shalt  }
0x3f: {  	_ =	shalt  }
0x40: {  	_ =	shalt  }
0x41: {  	_ =	shalt  }
0x42: {  	_ =	shalt  }
0x43: {  	_ =	shalt  }
0x44: {  	_ =	shalt  }
0x45: {  	_ =	shalt  }
0x46: {  	_ =	shalt  }
0x47: {  	_ =	shalt  }
0x48: {  	_ =	shalt  }
0x49: {  	_ =	shalt  }
0x4a: {  	_ =	shalt  }
0x4b: {  	_ =	shalt  }
0x4c: {  	_ =	shalt  }
0x4d: {  	_ =	shalt  }
0x4e: {  	_ =	shalt  }
0x4f: {  	_ =	shalt  }
0x50: {  	_ =	shalt  }
0x51: {  	_ =	shalt  }
0x52: {  	_ =	shalt  }
0x53: {  	_ =	shalt  }
0x54: {  	_ =	shalt  }
0x55: {  	_ =	shalt  }
0x56: {  	_ =	shalt  }
0x57: {  	_ =	shalt  }
0x58: {  	_ =	shalt  }
0x59: {  	_ =	shalt  }
0x5a: {  	_ =	shalt  }
0x5b: {  	_ =	shalt  }
0x5c: {  	_ =	shalt  }
0x5d: {  	_ =	shalt  }
0x5e: {  	_ =	shalt  }
0x5f: {  	_ =	shalt  }
0x60: {  	_ =	shalt  }
0x61: {  	_ =	shalt  }
0x62: {  	_ =	shalt  }
0x63: {  	_ =	shalt  }
0x64: {  	_ =	shalt  }
0x65: {  	_ =	shalt  }
0x66: {  	_ =	shalt  }
0x67: {  	_ =	shalt  }
0x68: {  	_ =	shalt  }
0x69: {  	_ =	shalt  }
0x6a: {  	_ =	shalt  }
0x6b: {  	_ =	shalt  }
0x6c: {  	_ =	shalt  }
0x6d: {  	_ =	shalt  }
0x6e: {  	_ =	shalt  }
0x6f: {  	_ =	shalt  }
0x70: {  	_ =	shalt  }
0x71: {  	_ =	shalt  }
0x72: {  	_ =	shalt  }
0x73: {  	_ =	shalt  }
0x74: {  	_ =	shalt  }
0x75: {  	_ =	shalt  }
0x76: {  	_ =	shalt  }
0x77: {  	_ =	shalt  }
0x78: {  	_ =	shalt  }
0x79: {  	_ =	shalt  }
0x7a: {  	_ =	shalt  }
0x7b: {  	_ =	shalt  }
0x7c: {  	_ =	shalt  }
0x7d: {  	_ =	shalt  }
0x7e: {  	_ =	shalt  }
0x7f: {  	_ =	shalt  }
0x80: {  	_ =	shalt  }
0x81: {  	_ =	shalt  }
0x82: {  	_ =	shalt  }
0x83: {  	_ =	shalt  }
0x84: {  	_ =	shalt  }
0x85: {  	_ =	shalt  }
0x86: {  	_ =	shalt  }
0x87: {  	_ =	shalt  }
.Lfunc_end0:
.L_simem_size_0:
called_computation_lowered:
.L_overlay_start_0:
0x88: {  	s2 =	sld [smem:$0x3FD9]  }
0x89: {  	s3 =	sld [smem:$0x3FFE];
	_ =	sdelay $0x1  }
0x8a: {  	s1 =	srdreg.scid  }
0x8b: {  	s0 =	sand.u32 $0x1, s1  }
0x8c: {  	s17 =	sshll.u32 s0, $0xA;
	s2 =	sadd.s32 s3, s2  }
0x8d: {  	s2 =	sadd.s32 s2, s17  }
0x8e: {  	[smem:$0x3FC2] =	sst s2  }
0x8f: {  	_ = 	snop  }
0x90: {  	s2 =	sld [smem:$0x3FD0];
	(tm) =	ssettm $0x1  }
0x91: {  	s18 =	sld [smem:$0x3FFB];
	_ =	sdelay $0x3  }
0x92: {  	_ =	strace s18  }
0x93: {  	s3 =	sld [smem:$0x3FFC];
	_ =	sdelay $0x3  }
0x94: {  	_ =	strace s3  }
0x95: {  	s3 =	sld [smem:$0x3FFD];
	_ =	sdelay $0x3  }
0x96: {  	_ =	strace s3  }
0x97: {  	_ =	strace $0x8FFFFFFF  }
0x98: {  	s19 =	sld [smem:$0x3FDB];
	_ =	sdelay $0x1  }
0x99: {  	s4 =	simm.s32 $_scs_section_size  }
0x9a: {  	s5 =	simm.s32 $_size__tile_overlayer_lowered;
	s6 =	simm.s32 $_tile_overlayer_lowered  }
0x9b: {  	s22 =	simm.s32 $0x1BFF;
	s21 =	sshll.u32 s6, $0x1;
	s3 =	sadd.s32 s4, s19  }
0x9c: {  	s7 =	simm.s32 $0x0;
	s20 =	sshll.u32 s5, $0x1;
	s5 =	sadd.s32 s21, s3  }
0x9d: {  	[timem:s7], [sflag:s22] =	dma.local [hbm:s5], s20  }
0x9e: {  	_ =	swait.ge [sflag:s22], s20  }
0x9f: {  	s4 =	ssub.s32 $0x0, s20;
	[sflag:s22] =	ssyncset.done $0x0  }
0xa0: {  	[sflag:s22] =	ssyncadd.s32 s4;
	_ =	sdelay $0x1  }
0xa1: {  	s23 =	simm.s32 $0x1B8B  }
0xa2: {  	_ =	swait.ge [sflag:s23], $0x1  }
0xa3: {  	[sflag:s23] =	ssyncset.done $0x0  }
0xa4: {  	s25 =	simm.s32 $0x1B8E;
	s24 =	sld [smem:$0x3FFE];
	[sflag:s23] =	ssyncadd.s32 $0xFFFFFFFF  }
0xa5: {  	s26 =	simm.s32 $execute0_lowered;
	[smem:$0x3FD2] =	sst s25  }
0xa6: {  	s5 =	sshll.u32 s26, $0x1;
	_ =	strace $0x80000046;
	[dreg:$0x1] =	wrdreg $0xFFFFFFFF  }
0xa7: {  	s28 =	simm.s32 $_size_execute0_lowered;
	s3 =	sadd.s32 s3, s5;
	[dreg:$0x0] =	wrdreg $0x0  }
0xa8: {  	s5 =	sshll.u32 s28, $0x1;
	[dreg:$0x2] =	wrdreg s3  }
0xa9: {  	[dreg:$0x3] =	wrdreg s5  }
0xaa: {  	[dreg:$0x4] =	wrdreg $0xC0  }
0xab: {  	_ =	task [dreg:s7], $0x5FFFF  }
0xac: {  	[dreg:$0x1] =	wrdreg $0xFFFFFFFF  }
0xad: {  	[dreg:$0x0] =	wrdreg $0x60  }
0xae: {  	[dreg:$0x2] =	wrdreg s24  }
0xaf: {  	[dreg:$0x3] =	wrdreg s2  }
0xb0: {  	[dreg:$0x4] =	wrdreg $0x2B800  }
0xb1: {  	[dreg:$0x5] =	wrdreg $0x9  }
0xb2: {  	_ =	task.clear_ibuf [dreg:s7], $0x6FFFF;
	_ =	strace $0x90000046  }
0xb3: {  	s29 =	simm.s32 $0x9;
	_ =	strace $0x80000048  }
0xb4: {  	_ =	swait.ge [sflag:s29], $0x1  }
0xb5: {  	[sflag:s29] =	ssyncadd.s32 $0xFFFFFFFF  }
0xb6: {  	_ =	strace $0x90000048  }
0xb7: {  	_ =	sfence  }
0xb8: {  	s30 =	sld [smem:$0x0];
	_ =	sdelay $0x2  }
0xb9: {  	s31 =	sshll.u32 s1, $0xD;
	s1 =	sshrl.u32 s1, $0x2  }
0xba: {  	s3 =	sand.u32 $0x4000, s31;
	s1 =	sadd.s32 s1, s30  }
0xbb: {  	s0 =	sor.u32 s3, s0;
	s1 =	sshll.u32 s1, $0x11  }
0xbc: {  	s0 =	sor.u32 s1, s0  }
0xbd: {  	s0 =	sadd.s32 $0x8F2B, s0  }
0xbe: {  	[sflag:s0] =	ssyncadd.remote.s32 $0x1  }
0xbf: {  	_ =	sfence.sel $0xFFFF  }
0xc0: {  	[dreg:$0x0] =	wrdreg $0xFFFFFFFF;
	(pc) =	sbr.abs _section_cstart, $3  }
0xc1: {  	[dreg:$0x1] =	wrdreg $0xFFFFFFFF  }
0xc2: {  	_ =	task.clear_ibuf [dreg:s7], $0x2FFFF;
	_ =	strace $0x9FFFFFFF  }
0xc3: {  	(tm) =	ssettm $0x7FFFFFFF  }
tec
execute0_lowered:
.L_overlay_start_1:
0x0: {  	(tag) =	ssettag $0x1  }
0x1: {  	s0 =	rddreg [dreg:$0x0]  }
0x2: {  	s1 =	rddreg [dreg:$0x1]  }
0x3: {  	s2 =	rddreg [dreg:$0x2];
	s3 =	simm.s32 $0x0  }
0x4: {  	s9 =	srdreg.scid;
	s6 =	stileid.u32;
	s28 =	simm.s32 $0x2700  }
0x5: {  	s29 =	simm.s32 $0x1A00;
	s30 =	simm.s32 $0x0;
	s31 =	simm.s32 $0x0  }
0x6: {  	[smem:$0x7FF] =	sst s3;
	s4 =	sadd.s32 $0x3800, s0;
	s5 =	sadd.s32 $0xE200, s0  }
0x7: {  	s7 =	sadd.s32 $0xD600, s0;
	s8 =	sadd.s32 $0xDC00, s0;
	s19 =	sand.u32 $0x1, s9  }
0x8: {  	s11 =	sshll.u32 s6, $0x4;
	p0 =	seq.s32 s6, $0x0;
	s20 =	sadd.s32 $0x2580, s2  }
0x9: {  	s22 =	smul.u32 $0xA00, s6;
	s17 =	sadd.s32 $0x2600, s2;
	s23 =	sadd.s32 $0x2680, s2  }
0xa: {  	s24 =	sadd.s32 $0x2700, s2;
	_ =	strace $0x80000047;
	[dreg:$0x4] =	wrdreg s20  }
0xb: {  	s9 =	ssub.s32 $0x2, s19;
	s10 =	sshll.u32 s19, $0x4;
	[dreg:$0x5] =	wrdreg s17  }
0xc: {  	s13 =	sor.u32 $0x9C00, s11;
	p1 =	seq.s32 s19, $0x1;
	[dreg:$0x6] =	wrdreg s23  }
0xd: {  	s0 =	sor.u32 s6, s19;
	[dreg:$0x7] =	wrdreg s24;
	s23 =	simm.s32 $0x2780  }
0xe: {  	s24 =	simm.s32 $0x1;
	s12 =	sshrl.u32 s9, $0x1;
	s14 =	sor.u32 s6, s10  }
0xf: {  	s10 =	sadd.s32 s4, s13;
	s11 =	sadd.s32 s1, s13;
	p0 =	por !p0, !p1  }
0x10: {  	s26 =	sshrl.u32 s22, $0x2;
	s15 =	ssub.s32 s9, s12;
	s9 =	smul.u32 $0x4E, s14  }
0x11: {  	p2 =	sne.s32 s0, $0x0;
	s12 =	sadd.s32 s5, s13;
	s16 =	smul.u32 $0xA00, s14  }
0x12: {  	p0 =	por !p0, !p0;
	p1 =	sgt.u32 s14, $0xE;
	p3 =	sgt.u32 s14, $0x3  }
0x13: {  	p4 =	sne.s32 s14, $0xF;
	s13 =	smax.u32 s15, $0x1;
	s21 =	sshrl.u32 s16, $0x2  }
0x14: {  	s15 =	sadd.s32 s26, s2;
	s26 =	simm.s32 $0x80;
	s17 =	sadd.s32 s21, s2  }
0x15: {  	s22 =	sadd.s32 $0x200, s15;
	s25 =	sadd.s32 $0x80, s17;
	s20 =	sadd.s32 $0x100, s17  }
0x16: {  	v0 =	vimm.f32 $1.000000000e+00;
	v1 =	vimm.f32 $0.0e+00;
	s21 =	sadd.s32 $0x180, s17;
	[dreg:$0x8] =	wrdreg s25;
	s25 =	simm.s32 $0xD00  }
.LBB2_1:
0x17: {  	[tilespmem:$0x2700] =	vst v0  }
0x18: {  	[tilespmem:$0x2710] =	vst v0  }
0x19: {  	[tilespmem:$0x2720] =	vst v0  }
0x1a: {  	[tilespmem:$0x2730] =	vst v0  }
0x1b: {  	[tilespmem:$0x2740] =	vst v0  }
0x1c: {  	[tilespmem:$0x2750] =	vst v0  }
0x1d: {  	[tilespmem:$0x2760] =	vst v0  }
0x1e: {  	[tilespmem:$0x2770] =	vst v0;
	s0 =	simm.s32 $0x40;
	s14 =	simm.s32 $0x0  }
.LBB2_2:
0x1f: {  	p5 =	sne.s32 s0, $0xFC0;
	[tilespmem:s14+$0x2780] =	vst v1;
	s14 =	smov.u32 s0;
	s0 =	sadd.s32 $0x40, s0  }
.Ltmp0:
0x20: {  	(pc) =	sbr.rel @p5 .LBB2_2-.Ltmp0, $2  }
0x21: {  	_ =	sdelay $0x2  }
0x22: {  	s14 =	sshra.s32 s14, $0x2  }
.Ltmp1:
0x23: {  	(pc) =	sbr.rel @p1 .LBB2_5-.Ltmp1, $2  }
0x24: {  	_ =	sdelay $0x2  }
0x25: {  	[tilespmem:s14+$0x2780] =	vst v1  }
0x26: {  	[spmem:s17] =	stream.linear.scatter [tilespmem:s23], [sflag:$0x1], $0x80, $0x38;
	[tilespmem:$0x2DF8] =	vst v63  }
0x27: {  	_ =	swait.ge [sflag:s24], $0x80  }
0x28: {  	[sflag:s24] =	ssyncset.done $0x0  }
0x29: {  	s0 =	rddreg [dreg:$0x8];
	[sflag:s24] =	ssyncadd.s32 $0xFFFFFF80  }
0x2a: {  	[spmem:s0] =	stream.linear.scatter [tilespmem:s23], [sflag:$0x1], $0x80, $0x38;
	[tilespmem:$0x2DF8] =	vst v63  }
0x2b: {  	_ =	swait.ge [sflag:s24], $0x80  }
0x2c: {  	[sflag:s24] =	ssyncset.done $0x0  }
0x2d: {  	[sflag:s24] =	ssyncadd.s32 $0xFFFFFF80  }
0x2e: {  	[spmem:s20] =	stream.linear.scatter [tilespmem:s23], [sflag:$0x1], $0x80, $0x38;
	[tilespmem:$0x2DF8] =	vst v63  }
0x2f: {  	_ =	swait.ge [sflag:s24], $0x80  }
0x30: {  	[sflag:s24] =	ssyncset.done $0x0  }
0x31: {  	[sflag:s24] =	ssyncadd.s32 $0xFFFFFF80  }
0x32: {  	[spmem:s21] =	stream.linear.scatter [tilespmem:s23], [sflag:$0x1], $0x80, $0x38;
	[tilespmem:$0x2DF8] =	vst v63  }
.Ltmp2:
0x33: {  	_ = 	snop;
	(pc) =	sbr.rel .LBB2_7-.Ltmp2, $4  }
0x34: {  	_ =	swait.ge [sflag:s24], $0x80  }
0x35: {  	[sflag:s24] =	ssyncset.done $0x0  }
0x36: {  	[sflag:s24] =	ssyncadd.s32 $0xFFFFFF80  }
0x37: {  	[spmem:s22] =	stream.linear.scatter [tilespmem:s23], [sflag:$0x1], $0x80, $0x38;
	[tilespmem:$0x2DF8] =	vst v63  }
.LBB2_5:
.Ltmp3:
0x38: {  	(pc) =	sbr.rel @p4 .LBB2_8-.Ltmp3, $1  }
0x39: {  	_ =	sdelay $0x3  }
0x3a: {  	s0 =	rddreg [dreg:$0x4]  }
0x3b: {  	[spmem:s0] =	stream.linear.scatter [tilespmem:s23], [sflag:$0x1], $0x80, $0x38;
	[tilespmem:$0x2DF8] =	vst v63  }
0x3c: {  	_ =	swait.ge [sflag:s24], $0x80  }
0x3d: {  	[sflag:s24] =	ssyncset.done $0x0  }
0x3e: {  	s16 =	rddreg [dreg:$0x5];
	[sflag:s24] =	ssyncadd.s32 $0xFFFFFF80  }
0x3f: {  	[spmem:s16] =	stream.linear.scatter [tilespmem:s23], [sflag:$0x1], $0x80, $0x38;
	[tilespmem:$0x2DF8] =	vst v63  }
0x40: {  	_ =	swait.ge [sflag:s24], $0x80  }
0x41: {  	[sflag:s24] =	ssyncset.done $0x0  }
0x42: {  	s18 =	rddreg [dreg:$0x6];
	[sflag:s24] =	ssyncadd.s32 $0xFFFFFF80  }
0x43: {  	[spmem:s18] =	stream.linear.scatter [tilespmem:s23], [sflag:$0x1], $0x80, $0x38;
	[tilespmem:$0x2DF8] =	vst v63  }
0x44: {  	_ =	swait.ge [sflag:s24], $0x80  }
0x45: {  	[sflag:s24] =	ssyncset.done $0x0  }
0x46: {  	s19 =	rddreg [dreg:$0x7];
	[sflag:s24] =	ssyncadd.s32 $0xFFFFFF80  }
0x47: {  	[spmem:s19] =	stream.linear.scatter [tilespmem:s23], [sflag:$0x1], $0x80, $0x38;
	[tilespmem:$0x2DF8] =	vst v63  }
.LBB2_7:
0x48: {  	_ =	swait.ge [sflag:s24], $0x80  }
0x49: {  	[sflag:s24] =	ssyncset.done $0x0  }
0x4a: {  	[sflag:s24] =	ssyncadd.s32 $0xFFFFFF80  }
.LBB2_8:
0x4b: {  	[bflag:$0x0] =	sbarrier.arrive $0xFFFF;
	s0 =	simm.s32 $0x0  }
.LBB2_9:
0x4c: {  	s14 =	smul.u32 $0x1A, s0;
	_ =	sdelay $0x1  }
0x4d: {  	s14 =	sadd.s32 s9, s14  }
0x4e: {  	s14 =	sshll.u32 s14, $0x4  }
0x4f: {  	s15 =	sadd.s32 s4, s14  }
0x50: {  	[tilespmem:s31], [sflag:$0x1] =	stream.linear.gather [hbm4b:s15+s31], $0xD00, $0x38;
	[tilespmem:$0x2DF8] =	vst v63  }
0x51: {  	_ =	swait.ge [sflag:s24], $0xD00  }
0x52: {  	[sflag:s24] =	ssyncset.done $0x0  }
0x53: {  	s19 =	sadd.s32 s1, s14;
	[sflag:s24] =	ssyncadd.s32 $0xFFFFF300  }
0x54: {  	[tilespmem:s25], [sflag:$0x1] =	stream.linear.gather [hbm4b:s19+s31], $0xD00, $0x38;
	[tilespmem:$0x2DF8] =	vst v63  }
0x55: {  	_ =	swait.ge [sflag:s24], $0xD00  }
0x56: {  	[sflag:s24] =	ssyncset.done $0x0  }
0x57: {  	s18 =	simm.s32 $0x0;
	[sflag:s24] =	ssyncadd.s32 $0xFFFFF300  }
0x58: {  	v2 =	vld [tilespmem:s18+$0xD10]  }
0x59: {  	v3 =	vld [tilespmem:s18+$0xD70]  }
0x5a: {  	v4 =	vld [tilespmem:s18+$0xD30]  }
0x5b: {  	v5 =	vld [tilespmem:s18+$0xD50]  }
0x5c: {  	v6 =	vld [tilespmem:s18+$0x50]  }
0x5d: {  	v7 =	vld [tilespmem:s18+$0x20]  }
0x5e: {  	v8 =	vld [tilespmem:s18+$0xD40]  }
0x5f: {  	v9 =	vld [tilespmem:s18+$0xD20]  }
0x60: {  	v10 =	vld [tilespmem:s18+$0x0]  }
0x61: {  	v11 =	vld [tilespmem:s18+$0x30]  }
0x62: {  	v12 =	vld [tilespmem:s18+$0x70]  }
0x63: {  	v13 =	vld [tilespmem:s18+$0xD00]  }
0x64: {  	v60 =	vld [tilespmem:s18+$0x10]  }
0x65: {  	v61 =	vld [tilespmem:s18+$0xD60];
	vm0 =	veq.s32 v7, v9  }
0x66: {  	v62 =	vld [tilespmem:s18+$0x60];
	vm10 =	veq.s32 v11, v4;
	v9 =	vsel vm0, $0x2710, v9  }
0x67: {  	v14 =	vld [tilespmem:s18+$0x40];
	vm11 =	veq.s32 v12, v3;
	v4 =	vsel vm10, $0x2710, v4;
	[tilespmem:s18+$0x1A20] =	vst v9  }
0x68: {  	vm1 =	veq.s32 v10, v13;
	v3 =	vsel vm11, $0x2710, v3;
	[tilespmem:s18+$0x1A30] =	vst v4  }
0x69: {  	vm13 =	veq.s32 v60, v2;
	v63 =	vsel vm1, $0x2710, v13;
	[tilespmem:s18+$0x1A70] =	vst v3  }
0x6a: {  	vm12 =	veq.s32 v6, v5;
	v2 =	vsel vm13, $0x2710, v2;
	[tilespmem:s18+$0x1A00] =	vst v63  }
0x6b: {  	vm15 =	veq.s32 v62, v61;
	v3 =	vsel vm12, $0x2710, v5;
	[tilespmem:s18+$0x1A10] =	vst v2  }
0x6c: {  	vm14 =	veq.s32 v14, v8;
	v2 =	vsel vm15, $0x2710, v61;
	[tilespmem:s18+$0x1A50] =	vst v3  }
0x6d: {  	v3 =	vsel vm14, $0x2710, v8;
	[tilespmem:s18+$0x1A60] =	vst v2  }
0x6e: {  	s16 =	simm.s32 $0x400;
	s15 =	simm.s32 $0x200;
	s19 =	simm.s32 $0x1A00;
	[tilespmem:s18+$0x1A40] =	vst v3  }
.LBB2_10:
0x6f: {  	[spmem:s2] =	stream.indirect.scatter.add.f32 [tilespmem:s28], [sflag:$0x1], $0x1, s19, s26, $0xb8;
	[tilespmem:$0x2DF8] =	vst v63  }
0x70: {  	s19 =	smov.u32 s16  }
0x71: {  	p5 =	sne.s32 s16, $0x3200;
	s16 =	sadd.s32 $0x200, s16;
	_ =	swait.ge [sflag:s24], $0x80  }
0x72: {  	[sflag:s24] =	ssyncset.done $0x0  }
0x73: {  	s18 =	sshra.s32 s15, $0x2;
	s15 =	smov.u32 s19;
	[sflag:s24] =	ssyncadd.s32 $0xFFFFFF80  }
0x74: {  	v2 =	vld [tilespmem:s18+$0xD10]  }
0x75: {  	v3 =	vld [tilespmem:s18+$0xD70]  }
0x76: {  	v4 =	vld [tilespmem:s18+$0xD30]  }
0x77: {  	v5 =	vld [tilespmem:s18+$0xD50]  }
0x78: {  	v6 =	vld [tilespmem:s18+$0x50]  }
0x79: {  	v7 =	vld [tilespmem:s18+$0x20]  }
0x7a: {  	v8 =	vld [tilespmem:s18+$0xD40]  }
0x7b: {  	v9 =	vld [tilespmem:s18+$0xD20]  }
0x7c: {  	v10 =	vld [tilespmem:s18+$0x0]  }
0x7d: {  	v11 =	vld [tilespmem:s18+$0x30];
	vm0 =	veq.s32 v6, v5  }
0x7e: {  	v5 =	vsel vm0, $0x2710, v5;
	v6 =	vld [tilespmem:s18+$0x70]  }
0x7f: {  	v12 =	vld [tilespmem:s18+$0xD00]  }
0x80: {  	vm0 =	veq.s32 v7, v9;
	v7 =	vld [tilespmem:s18+$0x40]  }
0x81: {  	v13 =	vld [tilespmem:s18+$0x10];
	v9 =	vsel vm0, $0x2710, v9  }
0x82: {  	vm0 =	veq.s32 v11, v4;
	v11 =	vld [tilespmem:s18+$0xD60]  }
0x83: {  	[tilespmem:s18+$0x1A20] =	vst v9;
	v4 =	vsel vm0, $0x2710, v4;
	v9 =	vld [tilespmem:s18+$0x60];
	vm0 =	veq.s32 v6, v3  }
0x84: {  	vm1 =	veq.s32 v10, v12;
	[tilespmem:s18+$0x1A30] =	vst v4;
	v3 =	vsel vm0, $0x2710, v3  }
0x85: {  	v4 =	vsel vm1, $0x2710, v12;
	vm0 =	veq.s32 v7, v8;
	[tilespmem:s18+$0x1A70] =	vst v3  }
.Ltmp4:
0x86: {  	[tilespmem:s18+$0x1A00] =	vst v4;
	vm1 =	veq.s32 v13, v2;
	v3 =	vsel vm0, $0x2710, v8;
	(pc) =	sbr.rel @p5 .LBB2_10-.Ltmp4, $4  }
0x87: {  	v2 =	vsel vm1, $0x2710, v2;
	[tilespmem:s18+$0x1A50] =	vst v5  }
0x88: {  	[tilespmem:s18+$0x1A10] =	vst v2;
	vm0 =	veq.s32 v9, v11  }
0x89: {  	[tilespmem:s18+$0x1A40] =	vst v3;
	v2 =	vsel vm0, $0x2710, v11  }
0x8a: {  	s19 =	sadd.s32 $0x1A00, s18;
	[tilespmem:s18+$0x1A60] =	vst v2  }
0x8b: {  	[spmem:s2] =	stream.indirect.scatter.add.f32 [tilespmem:s28], [sflag:$0x1], $0x1, s19, s26, $0xb8;
	[tilespmem:$0x2DF8] =	vst v63  }
0x8c: {  	_ =	swait.ge [sflag:s24], $0x80  }
0x8d: {  	[sflag:s24] =	ssyncset.done $0x0  }
0x8e: {  	s15 =	sshra.s32 s15, $0x2;
	[sflag:s24] =	ssyncadd.s32 $0xFFFFFF80  }
0x8f: {  	v2 =	vld [tilespmem:s15+$0xD10]  }
0x90: {  	v3 =	vld [tilespmem:s15+$0xD70]  }
0x91: {  	v4 =	vld [tilespmem:s15+$0xD30]  }
0x92: {  	v5 =	vld [tilespmem:s15+$0xD50]  }
0x93: {  	v6 =	vld [tilespmem:s15+$0x50]  }
0x94: {  	v7 =	vld [tilespmem:s15+$0x20]  }
0x95: {  	v8 =	vld [tilespmem:s15+$0xD40]  }
0x96: {  	v9 =	vld [tilespmem:s15+$0xD20]  }
0x97: {  	v10 =	vld [tilespmem:s15+$0x0]  }
0x98: {  	v11 =	vld [tilespmem:s15+$0x30]  }
0x99: {  	v12 =	vld [tilespmem:s15+$0x70]  }
0x9a: {  	v13 =	vld [tilespmem:s15+$0xD00]  }
0x9b: {  	v60 =	vld [tilespmem:s15+$0x10]  }
0x9c: {  	v61 =	vld [tilespmem:s15+$0xD60];
	vm0 =	veq.s32 v7, v9  }
0x9d: {  	v62 =	vld [tilespmem:s15+$0x60];
	vm10 =	veq.s32 v11, v4;
	v9 =	vsel vm0, $0x2710, v9  }
0x9e: {  	v14 =	vld [tilespmem:s15+$0x40];
	vm11 =	veq.s32 v12, v3;
	v4 =	vsel vm10, $0x2710, v4;
	[tilespmem:s15+$0x1A20] =	vst v9  }
0x9f: {  	vm1 =	veq.s32 v10, v13;
	v3 =	vsel vm11, $0x2710, v3;
	[tilespmem:s15+$0x1A30] =	vst v4  }
0xa0: {  	vm13 =	veq.s32 v60, v2;
	v63 =	vsel vm1, $0x2710, v13;
	[tilespmem:s15+$0x1A70] =	vst v3  }
0xa1: {  	vm12 =	veq.s32 v6, v5;
	v2 =	vsel vm13, $0x2710, v2;
	[tilespmem:s15+$0x1A00] =	vst v63  }
0xa2: {  	vm15 =	veq.s32 v62, v61;
	v3 =	vsel vm12, $0x2710, v5;
	[tilespmem:s15+$0x1A10] =	vst v2  }
0xa3: {  	vm14 =	veq.s32 v14, v8;
	v2 =	vsel vm15, $0x2710, v61;
	[tilespmem:s15+$0x1A50] =	vst v3  }
0xa4: {  	v3 =	vsel vm14, $0x2710, v8;
	[tilespmem:s15+$0x1A60] =	vst v2  }
0xa5: {  	s16 =	sadd.s32 $0x1A00, s15;
	[tilespmem:s15+$0x1A40] =	vst v3  }
0xa6: {  	[spmem:s2] =	stream.indirect.scatter.add.f32 [tilespmem:s28], [sflag:$0x1], $0x1, s16, s26, $0xb8;
	[tilespmem:$0x2DF8] =	vst v63  }
0xa7: {  	s0 =	sadd.s32 $0x1, s0;
	_ =	swait.ge [sflag:s24], $0x80  }
0xa8: {  	p5 =	sne.s32 s0, $0x3;
	[sflag:s24] =	ssyncset.done $0x0  }
.Ltmp5:
0xa9: {  	s14 =	sadd.s32 s5, s14;
	[sflag:s24] =	ssyncadd.s32 $0xFFFFFF80;
	(pc) =	sbr.rel @p5 .LBB2_9-.Ltmp5, $4  }
0xaa: {  	[hbm4b:s14+s3] =	stream.linear.scatter [tilespmem:s29], [sflag:$0x1], $0xD00, $0x38;
	[tilespmem:$0x2DF8] =	vst v63  }
0xab: {  	_ =	swait.ge [sflag:s24], $0xD00  }
0xac: {  	[sflag:s24] =	ssyncset.done $0x0  }
0xad: {  	[sflag:s24] =	ssyncadd.s32 $0xFFFFF300  }
0xae: {  	s0 =	simm.s32 @!p3 $0x0;
	s14 =	simm.s32 @!p3 $0x1  }
0xaf: {  	[tilespmem:s0], [sflag:$0x1] =	stream.linear.gather @!p3 [hbm4b:s10+s0], $0x80, $0x38;
	[tilespmem:$0x2DF8] =	vst v63  }
0xb0: {  	_ =	swait.ge @!p3 [sflag:s14], $0x80  }
0xb1: {  	[sflag:s14] =	ssyncset.done @!p3 $0x0  }
0xb2: {  	s15 =	simm.s32 @!p3 $0xD00;
	[sflag:s14] =	ssyncadd.s32 @!p3 $0xFFFFFF80  }
0xb3: {  	[tilespmem:s15], [sflag:$0x1] =	stream.linear.gather @!p3 [hbm4b:s11+s0], $0x80, $0x38;
	[tilespmem:$0x2DF8] =	vst v63  }
0xb4: {  	_ =	swait.ge @!p3 [sflag:s14], $0x80  }
0xb5: {  	[sflag:s14] =	ssyncset.done @!p3 $0x0  }
0xb6: {  	[sflag:s14] =	ssyncadd.s32 @!p3 $0xFFFFFF80  }
0xb7: {  	v2 =	vld @!p3 [tilespmem:$0x0]  }
0xb8: {  	v3 =	vld @!p3 [tilespmem:$0xD00]  }
0xb9: {  	v4 =	vld @!p3 [tilespmem:$0x10]  }
0xba: {  	v5 =	vld @!p3 [tilespmem:$0xD10]  }
0xbb: {  	v6 =	vld @!p3 [tilespmem:$0x20]  }
0xbc: {  	v7 =	vld @!p3 [tilespmem:$0xD20]  }
0xbd: {  	v8 =	vld @!p3 [tilespmem:$0x30]  }
0xbe: {  	v9 =	vld @!p3 [tilespmem:$0xD30]  }
0xbf: {  	v10 =	vld @!p3 [tilespmem:$0x40]  }
0xc0: {  	v11 =	vld @!p3 [tilespmem:$0xD40]  }
0xc1: {  	v12 =	vld @!p3 [tilespmem:$0x50]  }
0xc2: {  	v13 =	vld @!p3 [tilespmem:$0xD50]  }
0xc3: {  	v14 =	vld @!p3 [tilespmem:$0x60]  }
0xc4: {  	vm0 =	veq.s32 @!p3 v2, v3;
	v2 =	vld @!p3 [tilespmem:$0xD60]  }
0xc5: {  	v3 =	vsel @!p3 vm0, $0x2710, v3;
	vm0 =	veq.s32 @!p3 v4, v5;
	v4 =	vld @!p3 [tilespmem:$0x70]  }
0xc6: {  	[tilespmem:$0x1A00] =	vst @!p3 v3;
	v3 =	vsel @!p3 vm0, $0x2710, v5;
	vm0 =	veq.s32 @!p3 v6, v7;
	v5 =	vld @!p3 [tilespmem:$0xD70]  }
0xc7: {  	[tilespmem:$0x1A10] =	vst @!p3 v3;
	v3 =	vsel @!p3 vm0, $0x2710, v7;
	vm0 =	veq.s32 @!p3 v8, v9  }
0xc8: {  	[tilespmem:$0x1A20] =	vst @!p3 v3;
	v3 =	vsel @!p3 vm0, $0x2710, v9;
	vm0 =	veq.s32 @!p3 v10, v11  }
0xc9: {  	[tilespmem:$0x1A30] =	vst @!p3 v3;
	v3 =	vsel @!p3 vm0, $0x2710, v11;
	vm0 =	veq.s32 @!p3 v12, v13  }
0xca: {  	[tilespmem:$0x1A40] =	vst @!p3 v3;
	v3 =	vsel @!p3 vm0, $0x2710, v13;
	vm0 =	veq.s32 @!p3 v14, v2  }
0xcb: {  	[tilespmem:$0x1A50] =	vst @!p3 v3;
	v2 =	vsel @!p3 vm0, $0x2710, v2;
	vm0 =	veq.s32 @!p3 v4, v5  }
0xcc: {  	[tilespmem:$0x1A60] =	vst @!p3 v2;
	v2 =	vsel @!p3 vm0, $0x2710, v5  }
0xcd: {  	s16 =	simm.s32 @!p3 $0x1A00;
	s18 =	simm.s32 @!p3 $0x2700;
	s15 =	simm.s32 @!p3 $0x80;
	[tilespmem:$0x1A70] =	vst @!p3 v2  }
0xce: {  	[spmem:s2] =	stream.indirect.scatter.add.f32 @!p3 [tilespmem:s18], [sflag:$0x1], $0x1, s16, s15, $0xb8;
	[tilespmem:$0x2DF8] =	vst v63  }
0xcf: {  	_ =	swait.ge @!p3 [sflag:s14], $0x80  }
0xd0: {  	[sflag:s14] =	ssyncset.done @!p3 $0x0  }
0xd1: {  	[sflag:s14] =	ssyncadd.s32 @!p3 $0xFFFFFF80  }
0xd2: {  	[hbm4b:s12+s0] =	stream.linear.scatter @!p3 [tilespmem:s16], [sflag:$0x1], $0x80, $0x38;
	[tilespmem:$0x2DF8] =	vst v63  }
0xd3: {  	_ =	swait.ge @!p3 [sflag:s14], $0x80  }
0xd4: {  	[sflag:s14] =	ssyncset.done @!p3 $0x0  }
0xd5: {  	s0 =	sshll.u32 @!p2 s6, $0x6;
	[sflag:s14] =	ssyncadd.s32 @!p3 $0xFFFFFF80  }
0xd6: {  	s0 =	sor.u32 @!p2 $0x1C01, s0;
	s14 =	sshrl.u32 @!p2 s2, $0x3;
	[bflag:$0x0] =	sbarrier.arrive $0xFFFF  }
0xd7: {  	[hbm:s7], [sflag:s0] =	dma.local @!p2 [spmem:s14], $0x4F0  }
0xd8: {  	s0 =	simm.s32 @!p2 $0x1  }
0xd9: {  	s30 =	sadd.s32 $0x1, s30;
	_ =	swait.ge @!p2 [sflag:s0], $0x4F0  }
0xda: {  	p5 =	sne.s32 s30, s13;
	[sflag:s0] =	ssyncset.done @!p2 $0x0  }
0xdb: {  	s14 =	simm.s32 @p0 $0x1C01;
	[sflag:s0] =	ssyncadd.s32 @!p2 $0xFFFFFB10;
	s0 =	sshrl.u32 @p0 s2, $0x3  }
0xdc: {  	[hbm:s8], [sflag:s14] =	dma.local @p0 [spmem:s0], $0x4F0  }
.Ltmp6:
0xdd: {  	_ = 	snop;
	(pc) =	sbr.rel @p5 .LBB2_1-.Ltmp6, $4  }
0xde: {  	s0 =	simm.s32 @p0 $0x1  }
0xdf: {  	_ =	swait.ge @p0 [sflag:s0], $0x4F0  }
0xe0: {  	[sflag:s0] =	ssyncset.done @p0 $0x0  }
0xe1: {  	[sflag:s0] =	ssyncadd.s32 @p0 $0xFFFFFB10  }
0xe2: {  	_ =	sfence.sel $0x180000  }
0xe3: {  	[bflag:$0x0] =	sbarrier.arrive $0xFFFF  }
0xe4: {  	_ =	strace $0x90000047  }
0xe5: {  	[bflag:$0x2] =	sbarrier.arrive $0xFFFF  }
0xe6: {  	p0 =	sne.s32 s6, $0x0;
	s0 =	rddreg [dreg:$0x3]  }
0xe7: {  	s0 =	sadd.s32 @!p0 $0x100000, s0  }
0xe8: {  	[sflag:s0] =	ssyncadd.tile.s32 @!p0 $0x1;
	_ =	shalt  }
.Lfunc_end2:
_tile_overlayer_lowered:
.L_overlay_start_2:
0xe9: {  	(tag) =	ssettag $0x2  }
0xea: {  	s0 =	rddreg [dreg:$0x0];
	s2 =	stileid.u32  }
0xeb: {  	s1 =	rddreg [dreg:$0x1];
	p0 =	sne.s32 s2, $0x0  }
0xec: {  	s3 =	rddreg [dreg:$0x2];
	[bflag:$0x3] =	sbarrier.arrive $0xFFFF;
	s2 =	simm.s32 @!p0 $0x1C01  }
0xed: {  	[timem:s3], [sflag:s2] =	dma.local @!p0 [hbm:s0], s1  }
0xee: {  	s0 =	simm.s32 @!p0 $0x1  }
0xef: {  	_ =	swait.ge @!p0 [sflag:s0], s1  }
0xf0: {  	s1 =	ssub.s32 @!p0 $0x0, s1;
	[sflag:s0] =	ssyncset.done @!p0 $0x0  }
0xf1: {  	[sflag:s0] =	ssyncadd.s32 @!p0 s1  }
0xf2: {  	[bflag:$0x3] =	sbarrier.arrive $0xFFFF  }
0xf3: {  	_ =	shalt  }

</sc_bundles>
